<compile_context>
chip_gen: v7x
topology: tpu7x:2x2x1
jax: 0.10.2.dev20260603
libtpu: 0.0.44.dev20260713+nightly
codegen_flags: <defaults>
</compile_context>

<pallas_src>
import functools

import jax
import jax.numpy as jnp
from jax import lax
from jax.experimental import pallas as pl
from jax.experimental.pallas import tpu as pltpu
from jax.experimental.pallas import tpu_sc as plsc

F32 = jnp.float32

N = 10000
DF = 128
DH = 16
DC = 32
E = 320000

NC = 2
NS = 16
NW = NC * NS
CHUNK = 125
CHUNKS = 80
NBUF = 8
RPT = 632
N_PAD = NS * RPT
DROWS = 640
CHUNK128 = 128


@functools.cache
def _make_sc_agg(compute_deg):
    mesh = plsc.VectorSubcoreMesh(core_axis_name="c", subcore_axis_name="s")
    out_type = [jax.ShapeDtypeStruct((NC, N_PAD, DH), F32)]
    scratch = [
        pltpu.VMEM((CHUNKS, CHUNK), jnp.int32),
        pltpu.VMEM((CHUNKS, CHUNK), jnp.int32),
        pltpu.VMEM((NBUF, CHUNK, DH), F32),
        pltpu.VMEM((RPT, DH), F32),
        pltpu.VMEM_SHARED((N_PAD, DH), F32),
        pltpu.VMEM_SHARED((N_PAD, DH), F32),
    ] + [pltpu.SemaphoreType.DMA] * (2 * NBUF)
    if compute_deg:
        out_type.append(jax.ShapeDtypeStruct((NC, DROWS, DH), F32))
        scratch += [
            pltpu.VMEM((DROWS, DH), F32),
            pltpu.VMEM((DROWS // CHUNK128, CHUNK128), jnp.int32),
            pltpu.VMEM_SHARED((DROWS, DH), F32),
        ]

    def body(table, edges, *refs):
        if compute_deg:
            agg_out, deg_out = refs[0], refs[1]
            rest = refs[2:]
            deg_v, idn_v, deg_sh = rest[6 + 2 * NBUF:9 + 2 * NBUF]
        else:
            agg_out = refs[0]
            rest = refs[1:]
        src_v, dst_v, rows_v, zeros_v, agg_sh, tab_sh = rest[:6]
        gsem = rest[6:6 + NBUF]
        ssem = rest[6 + NBUF:6 + 2 * NBUF]

        c = lax.axis_index("c")
        s = lax.axis_index("s")
        wid = s * NC + c

        z16 = jnp.zeros((DH,), F32)
        o16 = jnp.ones((DH,), F32)
        iota16 = lax.iota(jnp.int32, DH)

        icp = [pltpu.async_copy(edges.at[0, wid], src_v, gsem[0]),
               pltpu.async_copy(edges.at[1, wid], dst_v, gsem[1])]

        def zbody(i, carry):
            for k in range(8):
                zeros_v[i * 8 + k, :] = z16
            return carry

        lax.fori_loop(0, RPT // 8, zbody, 0)
        pltpu.sync_copy(zeros_v, agg_sh.at[pl.ds(s * RPT, RPT)])
        if compute_deg:

            def dzbody(i, carry):
                for k in range(8):
                    deg_v[i * 8 + k, :] = z16
                return carry

            lax.fori_loop(0, DROWS // 8, dzbody, 0)
            for i in range(DROWS // CHUNK128):
                for o in range(CHUNK128 // DH):
                    idn_v[i, pl.ds(o * DH, DH)] = (
                        i * CHUNK128 + o * DH + iota16)
            drs = DROWS // NS
            pltpu.sync_copy(zeros_v.at[pl.ds(0, drs)],
                            deg_sh.at[pl.ds(s * drs, drs)])
        trows = pl.ds(s * (N // NS), N // NS)
        pltpu.sync_copy(table.at[trows], tab_sh.at[trows])
        for cp in icp:
            cp.wait()
        plsc.subcore_barrier()

        def hist_row(j):
            for o in range(CHUNK // DH):
                idx = dst_v[j, pl.ds(o * DH, DH)]
                plsc.addupdate_scatter(
                    deg_v,
                    [lax.shift_right_logical(idx, 4),
                     jnp.bitwise_and(idx, 15)], o16)
            tail = CHUNK - CHUNK % DH - (DH - CHUNK % DH)
            idx = dst_v[j, pl.ds(tail, DH)]
            plsc.addupdate_scatter(
                deg_v,
                [lax.shift_right_logical(idx, 4), jnp.bitwise_and(idx, 15)],
                o16, mask=iota16 >= (CHUNK // DH * DH - tail))

        for b in range(NBUF):
            pltpu.async_copy(tab_sh.at[src_v.at[b]], rows_v.at[b], gsem[b])

        def outer(t, carry):
            base = t * NBUF
            for b in range(NBUF):
                j = base + b
                pltpu.make_async_copy(
                    tab_sh.at[src_v.at[j]], rows_v.at[b], gsem[b]).wait()
                pltpu.async_copy(
                    rows_v.at[b], agg_sh.at[dst_v.at[j]], ssem[b], add=True)
            if compute_deg:
                for b in range(NBUF):
                    hist_row(base + b)
            for b in range(NBUF):
                j = base + b
                pltpu.make_async_copy(
                    rows_v.at[b], agg_sh.at[dst_v.at[j]], ssem[b]).wait()

                @pl.when(t < CHUNKS // NBUF - 1)
                def _():
                    pltpu.async_copy(
                        tab_sh.at[src_v.at[j + NBUF]], rows_v.at[b], gsem[b])
            return carry

        lax.fori_loop(0, CHUNKS // NBUF, outer, 0)

        if compute_deg:
            for i in range(DROWS // CHUNK128):
                pltpu.sync_copy(deg_v.at[pl.ds(i * CHUNK128, CHUNK128)],
                                deg_sh.at[idn_v.at[i]], add=True)

        plsc.subcore_barrier()
        rows = pl.ds(s * RPT, RPT)
        pltpu.sync_copy(agg_sh.at[rows], agg_out.at[c, rows])
        if compute_deg:
            drs = DROWS // NS
            drows = pl.ds(s * drs, drs)
            pltpu.sync_copy(deg_sh.at[drows], deg_out.at[c, drows])

    return pl.kernel(
        body, mesh=mesh, out_type=out_type, scratch_types=scratch,
        compiler_params=pltpu.CompilerParams(
            use_tc_tiling_on_sc=False, needs_layout_passes=False))


WN = N * DH // DF
WP = N_PAD * DH // DF


def _projn_body(x3_ref, wn_ref, on_ref):
    wn = wn_ref[...]
    for k in range(DF // DH):
        on_ref[:, pl.ds(k * DH, DH)] = jnp.dot(
            x3_ref[:, k, :], wn, preferred_element_type=F32)


def _projs_body(x3_ref, ws_ref, b_ref, os_ref):
    ws = ws_ref[...]
    bb = jnp.concatenate([b_ref[...]] * (DF // DH), axis=1)
    for k in range(DF // DH):
        os_ref[:, pl.ds(k * DH, DH)] = jnp.dot(
            x3_ref[:, k, :], ws, preferred_element_type=F32)
    os_ref[...] += bb


def _h_body(xs_ref, a_ref, d_ref, k_ref, o_ref):
    deg = jnp.maximum(
        jnp.dot(d_ref[0, :WN] + d_ref[1, :WN], k_ref[...],
                preferred_element_type=F32), 1.0)
    o_ref[...] = jnp.maximum(
        xs_ref[...] + (a_ref[0, :WN] + a_ref[1, :WN]) / deg, 0.0)


def _hself_body(h_ref, ws_ref, b_ref, o_ref):
    bb = jnp.concatenate([b_ref[...]] * (DF // DH), axis=1)
    o_ref[...] = jnp.dot(
        h_ref[...], ws_ref[...], preferred_element_type=F32) + bb


def _out_body(hs_ref, a_ref, d_ref, k_ref, wn_ref, ks_ref, kb_ref, o_ref):
    deg = jnp.maximum(
        jnp.dot(d_ref[0, :WN] + d_ref[1, :WN], k_ref[...],
                preferred_element_type=F32), 1.0)
    mean2_w = (a_ref[0, :WN] + a_ref[1, :WN]) / deg
    logits_w = hs_ref[...] + jnp.dot(
        mean2_w, wn_ref[...], preferred_element_type=F32)
    sum8 = jnp.dot(jnp.exp(logits_w), ks_ref[...],
                   preferred_element_type=F32)
    logs_w = jnp.dot(jnp.log(sum8), kb_ref[...],
                     preferred_element_type=F32)
    o_ref[...] = logits_w - logs_w


def kernel(x, edge_index, W1_self, W1_neigh, b1, W2_self, W2_neigh, b2):
    edges = edge_index.astype(jnp.int32).reshape(2, NW, CHUNKS, CHUNK)

    def rspec(i):
        return (0, 0)

    def pspec(i):
        return (0, 0, 0)

    x3 = x.reshape(WN, DF // DH, DF)
    xn_w = pl.pallas_call(
        _projn_body,
        grid=(1,),
        in_specs=[
            pl.BlockSpec((WN, DF // DH, DF), pspec),
            pl.BlockSpec((DF, DH), rspec),
        ],
        out_specs=pl.BlockSpec((WN, DF), rspec),
        out_shape=jax.ShapeDtypeStruct((WN, DF), F32),
    )(x3, W1_neigh)

    agg1, degf = _make_sc_agg(True)(xn_w.reshape(N, DH), edges)
    agg1_w = agg1.reshape(NC, WP, DF)
    deg8 = degf.reshape(NC, DROWS * 2, 8)
    kd = jnp.kron(jnp.eye(DF // DH, dtype=F32), jnp.ones((1, DH), F32))

    xs_w = pl.pallas_call(
        _projs_body,
        grid=(1,),
        in_specs=[
            pl.BlockSpec((WN, DF // DH, DF), pspec),
            pl.BlockSpec((DF, DH), rspec),
            pl.BlockSpec((1, DH), rspec),
        ],
        out_specs=pl.BlockSpec((WN, DF), rspec),
        out_shape=jax.ShapeDtypeStruct((WN, DF), F32),
    )(x3, W1_self, b1.reshape(1, DH))

    h_w = pl.pallas_call(
        _h_body,
        grid=(1,),
        in_specs=[
            pl.BlockSpec((WN, DF), rspec),
            pl.BlockSpec((NC, WP, DF), pspec),
            pl.BlockSpec((NC, DROWS * 2, 8), pspec),
            pl.BlockSpec((8, DF), rspec),
        ],
        out_specs=pl.BlockSpec((WN, DF), rspec),
        out_shape=jax.ShapeDtypeStruct((WN, DF), F32),
    )(xs_w, agg1_w, deg8, kd)

    (agg2,) = _make_sc_agg(False)(h_w.reshape(N, DH), edges)
    agg2_w = agg2.reshape(NC, WP, DF)

    GD = DF // DH
    eye8 = jnp.eye(GD, dtype=F32)
    ws_big = jnp.kron(eye8, W2_self)
    wn_big = jnp.kron(eye8, W2_neigh)
    hs_w = pl.pallas_call(
        _hself_body,
        grid=(1,),
        in_specs=[
            pl.BlockSpec((WN, DF), rspec),
            pl.BlockSpec((DF, GD * DC), rspec),
            pl.BlockSpec((1, DC), rspec),
        ],
        out_specs=pl.BlockSpec((WN, GD * DC), rspec),
        out_shape=jax.ShapeDtypeStruct((WN, GD * DC), F32),
    )(h_w, ws_big, b2.reshape(1, DC))

    ksum = jnp.kron(eye8, jnp.ones((DC, 1), F32))
    kbak = jnp.kron(eye8, jnp.ones((1, DC), F32))
    out_w = pl.pallas_call(
        _out_body,
        grid=(1,),
        in_specs=[
            pl.BlockSpec((WN, GD * DC), rspec),
            pl.BlockSpec((NC, WP, DF), pspec),
            pl.BlockSpec((NC, DROWS * 2, 8), pspec),
            pl.BlockSpec((8, DF), rspec),
            pl.BlockSpec((DF, GD * DC), rspec),
            pl.BlockSpec((GD * DC, GD), rspec),
            pl.BlockSpec((GD, GD * DC), rspec),
        ],
        out_specs=pl.BlockSpec((WN, GD * DC), rspec),
        out_shape=jax.ShapeDtypeStruct((WN, GD * DC), F32),
    )(hs_w, agg2_w, deg8, kd, wn_big, ksum, kbak)
    return out_w.reshape(N, DC)

# --- scband reference (transcript-rebuilt; emitter-appended) ---
"""Pipeline reference for scband-net-10591389352440 (READ-ONLY COPY).

The authoritative reference and input builder live on the scoring server;
editing this copy changes nothing except your own understanding.
"""

import jax, jax.numpy as jnp
import numpy as np

N_NODES = 10000
N_EDGES = 320000
D_FEAT = 128
HIDDEN = 16
N_CLASSES = 32


def _glorot(key, shape):
    fan_in, fan_out = shape[0], shape[1]
    limit = float(np.sqrt(6.0 / (fan_in + fan_out)))
    return jax.random.uniform(key, shape, minval=-limit, maxval=limit, dtype=jnp.float32)


def setup_inputs(seed: int = 0) -> dict:
    key = jax.random.key(seed)
    ks = jax.random.split(key, 8)
    x = jax.random.normal(ks[0], (N_NODES, D_FEAT), dtype=jnp.float32)
    edge_index = jax.random.randint(ks[1], (2, N_EDGES), 0, N_NODES, dtype=jnp.int64)
    W1_self = _glorot(ks[2], (D_FEAT, HIDDEN))
    W1_neigh = _glorot(ks[3], (D_FEAT, HIDDEN))
    b1 = jnp.zeros((HIDDEN,), dtype=jnp.float32)
    W2_self = _glorot(ks[4], (HIDDEN, N_CLASSES))
    W2_neigh = _glorot(ks[5], (HIDDEN, N_CLASSES))
    b2 = jnp.zeros((N_CLASSES,), dtype=jnp.float32)
    return {
        'x': x,
        'edge_index': edge_index,
        'W1_self': W1_self,
        'W1_neigh': W1_neigh,
        'b1': b1,
        'W2_self': W2_self,
        'W2_neigh': W2_neigh,
        'b2': b2,
    }


def _sage_conv(x, src, dst, W_self, W_neigh, b):
    # mean aggregation over incoming neighbors (GraphSAGE-mean)
    msgs = jnp.take(x, src, axis=0)                     # gather [E, d]
    agg = jax.ops.segment_sum(msgs, dst, num_segments=N_NODES)  # scatter-add
    deg = jax.ops.segment_sum(jnp.ones((src.shape[0],), dtype=x.dtype), dst,
                              num_segments=N_NODES)
    mean = agg / jnp.clip(deg, 1.0, None)[:, None]
    return x @ W_self + mean @ W_neigh + b


def reference(x, edge_index, W1_self, W1_neigh, b1, W2_self, W2_neigh, b2):
    src = edge_index[0]
    dst = edge_index[1]
    h = _sage_conv(x, src, dst, W1_self, W1_neigh, b1)
    h = jax.nn.relu(h)
    # dropout is identity in eval mode (training=False)
    h = _sage_conv(h, src, dst, W2_self, W2_neigh, b2)
    return jax.nn.log_softmax(h, axis=1)

if __name__ == "__main__":
    import jax
    _d = setup_inputs()
    print(jax.jit(kernel)(*tuple(_d.values())))

</pallas_src>

<mosaic_0001>
#map = affine_map<(d0, d1) -> (0, 0)>
#map1 = affine_map<(d0, d1) -> (0, 0, 0, 0)>
#map2 = affine_map<(d0, d1) -> (0, 0, 0)>
module attributes {stable_mosaic.version = 14 : i64} {
  func.func @body(%arg0: i32, %arg1: i32, %arg2: memref<10000x16xf32, #tpu.memory_space<hbm>>, %arg3: memref<2x32x80x125xi32, #tpu.memory_space<hbm>>, %arg4: memref<2x10112x16xf32, #tpu.memory_space<hbm>>, %arg5: memref<2x640x16xf32, #tpu.memory_space<hbm>>, %arg6: memref<80x125xi32, #tpu.memory_space<vmem>>, %arg7: memref<80x125xi32, #tpu.memory_space<vmem>>, %arg8: memref<8x125x16xf32, #tpu.memory_space<vmem>>, %arg9: memref<632x16xf32, #tpu.memory_space<vmem>>, %arg10: memref<10112x16xf32, #tpu.memory_space<vmem_shared>>, %arg11: memref<10112x16xf32, #tpu.memory_space<vmem_shared>>, %arg12: memref<!tpu.dma_semaphore, #tpu.memory_space<semaphore_mem>>, %arg13: memref<!tpu.dma_semaphore, #tpu.memory_space<semaphore_mem>>, %arg14: memref<!tpu.dma_semaphore, #tpu.memory_space<semaphore_mem>>, %arg15: memref<!tpu.dma_semaphore, #tpu.memory_space<semaphore_mem>>, %arg16: memref<!tpu.dma_semaphore, #tpu.memory_space<semaphore_mem>>, %arg17: memref<!tpu.dma_semaphore, #tpu.memory_space<semaphore_mem>>, %arg18: memref<!tpu.dma_semaphore, #tpu.memory_space<semaphore_mem>>, %arg19: memref<!tpu.dma_semaphore, #tpu.memory_space<semaphore_mem>>, %arg20: memref<!tpu.dma_semaphore, #tpu.memory_space<semaphore_mem>>, %arg21: memref<!tpu.dma_semaphore, #tpu.memory_space<semaphore_mem>>, %arg22: memref<!tpu.dma_semaphore, #tpu.memory_space<semaphore_mem>>, %arg23: memref<!tpu.dma_semaphore, #tpu.memory_space<semaphore_mem>>, %arg24: memref<!tpu.dma_semaphore, #tpu.memory_space<semaphore_mem>>, %arg25: memref<!tpu.dma_semaphore, #tpu.memory_space<semaphore_mem>>, %arg26: memref<!tpu.dma_semaphore, #tpu.memory_space<semaphore_mem>>, %arg27: memref<!tpu.dma_semaphore, #tpu.memory_space<semaphore_mem>>, %arg28: memref<640x16xf32, #tpu.memory_space<vmem>>, %arg29: memref<5x128xi32, #tpu.memory_space<vmem>>, %arg30: memref<640x16xf32, #tpu.memory_space<vmem_shared>>) attributes {dimension_semantics = [#tpu.dimension_semantics<core_parallel>, #tpu.dimension_semantics<subcore_parallel>], iteration_bounds = array<i64: 2, 16>, scalar_prefetch = 0 : i64, scratch_operands = 25 : i64, tpu.core_type = #tpu.core_type<sc_vector_subcore>, window_params = [{transform_indices = #map}, {transform_indices = #map1}, {transform_indices = #map2}, {transform_indices = #map2}]} {
    %mul3A = arith.constant 2 : i32
    %mul3A_0 = arith.muli %arg1, %mul3A : i32
    %add3A = arith.addi %mul3A_0, %arg0 : i32
    %broadcast_in_dim3A = arith.constant 0.000000e+00 : f32
    %broadcast_in_dim3A_1 = vector.broadcast %broadcast_in_dim3A : f32 to vector<16xf32>
    %broadcast_in_dim3A_2 = arith.constant 1.000000e+00 : f32
    %broadcast_in_dim3A_3 = vector.broadcast %broadcast_in_dim3A_2 : f32 to vector<16xf32>
    %iota3A = tpu.iota {dimensions = array<i32: 0>} : vector<16xi32>
    %dma_start3A = arith.constant 0 : i32
    %dma_start3A_4 = arith.constant 0 : i32
    %dma_start3A_5 = arith.constant 0 : i32
    %dma_start3A_6 = tpu.memref_slice %arg3[%dma_start3A, %add3A, %dma_start3A_4, %dma_start3A_5] : memref<2x32x80x125xi32, #tpu.memory_space<hbm>> -> memref<1x1x80x125xi32, #tpu.memory_space<hbm>>
    %dma_start3A_7 = tpu.memref_squeeze %dma_start3A_6 : memref<1x1x80x125xi32, #tpu.memory_space<hbm>> -> memref<80x125xi32, #tpu.memory_space<hbm>>
    %dma_start3A_8 = arith.constant 0 : i32
    %dma_start3A_9 = arith.constant 0 : i32
    %dma_start3A_10 = tpu.memref_slice %arg3[%dma_start3A, %add3A, %dma_start3A_8, %dma_start3A_9] : memref<2x32x80x125xi32, #tpu.memory_space<hbm>> -> memref<1x1x80x125xi32, #tpu.memory_space<hbm>>
    %dma_start3A_11 = tpu.memref_squeeze %dma_start3A_10 : memref<1x1x80x125xi32, #tpu.memory_space<hbm>> -> memref<80x125xi32, #tpu.memory_space<hbm>>
    tpu.enqueue_dma source(%dma_start3A_11 : memref<80x125xi32, #tpu.memory_space<hbm>>) target(%arg6 : memref<80x125xi32, #tpu.memory_space<vmem>>) target_semaphore(%arg12 : memref<!tpu.dma_semaphore, #tpu.memory_space<semaphore_mem>>)
    %dma_start3A_12 = arith.constant 1 : i32
    %dma_start3A_13 = arith.constant 0 : i32
    %dma_start3A_14 = arith.constant 0 : i32
    %dma_start3A_15 = tpu.memref_slice %arg3[%dma_start3A_12, %add3A, %dma_start3A_13, %dma_start3A_14] : memref<2x32x80x125xi32, #tpu.memory_space<hbm>> -> memref<1x1x80x125xi32, #tpu.memory_space<hbm>>
    %dma_start3A_16 = tpu.memref_squeeze %dma_start3A_15 : memref<1x1x80x125xi32, #tpu.memory_space<hbm>> -> memref<80x125xi32, #tpu.memory_space<hbm>>
    %dma_start3A_17 = arith.constant 0 : i32
    %dma_start3A_18 = arith.constant 0 : i32
    %dma_start3A_19 = tpu.memref_slice %arg3[%dma_start3A_12, %add3A, %dma_start3A_17, %dma_start3A_18] : memref<2x32x80x125xi32, #tpu.memory_space<hbm>> -> memref<1x1x80x125xi32, #tpu.memory_space<hbm>>
    %dma_start3A_20 = tpu.memref_squeeze %dma_start3A_19 : memref<1x1x80x125xi32, #tpu.memory_space<hbm>> -> memref<80x125xi32, #tpu.memory_space<hbm>>
    tpu.enqueue_dma source(%dma_start3A_20 : memref<80x125xi32, #tpu.memory_space<hbm>>) target(%arg7 : memref<80x125xi32, #tpu.memory_space<vmem>>) target_semaphore(%arg13 : memref<!tpu.dma_semaphore, #tpu.memory_space<semaphore_mem>>)
    %scan3A = arith.constant 0 : i32
    %scan3A_21 = arith.constant 0 : i32
    %scan3A_22 = arith.constant 79 : i32
    %scan3A_23 = arith.addi %scan3A_21, %scan3A_22 : i32
    %scan3A_24 = arith.constant 1 : i32
    scf.for %scan3A_445 = %scan3A_21 to %scan3A_23 step %scan3A_24  : i32 {
      %mul3A_446 = arith.constant 8 : i32
      %mul3A_447 = arith.muli %scan3A_445, %mul3A_446 : i32
      %add3A_448 = arith.constant 0 : i32
      %add3A_449 = arith.addi %mul3A_447, %add3A_448 : i32
      %swap3A_450 = arith.index_cast %add3A_449 : i32 to index
      %swap3A_451 = arith.constant 0 : index
      %swap3A_452 = tpu.vector_load %arg9[%swap3A_450, %swap3A_451] {strides = array<i32>} : memref<632x16xf32, #tpu.memory_space<vmem>>, vector<16xf32>,
      tpu.vector_store %arg9[%swap3A_450, %swap3A_451], %broadcast_in_dim3A_1 {strides = array<i32>} : memref<632x16xf32, #tpu.memory_space<vmem>>, vector<16xf32>,
      %mul3A_453 = arith.constant 8 : i32
      %mul3A_454 = arith.muli %scan3A_445, %mul3A_453 : i32
      %add3A_455 = arith.constant 1 : i32
      %add3A_456 = arith.addi %mul3A_454, %add3A_455 : i32
      %swap3A_457 = arith.index_cast %add3A_456 : i32 to index
      %swap3A_458 = arith.constant 0 : index
      %swap3A_459 = tpu.vector_load %arg9[%swap3A_457, %swap3A_458] {strides = array<i32>} : memref<632x16xf32, #tpu.memory_space<vmem>>, vector<16xf32>,
      tpu.vector_store %arg9[%swap3A_457, %swap3A_458], %broadcast_in_dim3A_1 {strides = array<i32>} : memref<632x16xf32, #tpu.memory_space<vmem>>, vector<16xf32>,
      %mul3A_460 = arith.constant 8 : i32
      %mul3A_461 = arith.muli %scan3A_445, %mul3A_460 : i32
      %add3A_462 = arith.constant 2 : i32
      %add3A_463 = arith.addi %mul3A_461, %add3A_462 : i32
      %swap3A_464 = arith.index_cast %add3A_463 : i32 to index
      %swap3A_465 = arith.constant 0 : index
      %swap3A_466 = tpu.vector_load %arg9[%swap3A_464, %swap3A_465] {strides = array<i32>} : memref<632x16xf32, #tpu.memory_space<vmem>>, vector<16xf32>,
      tpu.vector_store %arg9[%swap3A_464, %swap3A_465], %broadcast_in_dim3A_1 {strides = array<i32>} : memref<632x16xf32, #tpu.memory_space<vmem>>, vector<16xf32>,
      %mul3A_467 = arith.constant 8 : i32
      %mul3A_468 = arith.muli %scan3A_445, %mul3A_467 : i32
      %add3A_469 = arith.constant 3 : i32
      %add3A_470 = arith.addi %mul3A_468, %add3A_469 : i32
      %swap3A_471 = arith.index_cast %add3A_470 : i32 to index
      %swap3A_472 = arith.constant 0 : index
      %swap3A_473 = tpu.vector_load %arg9[%swap3A_471, %swap3A_472] {strides = array<i32>} : memref<632x16xf32, #tpu.memory_space<vmem>>, vector<16xf32>,
      tpu.vector_store %arg9[%swap3A_471, %swap3A_472], %broadcast_in_dim3A_1 {strides = array<i32>} : memref<632x16xf32, #tpu.memory_space<vmem>>, vector<16xf32>,
      %mul3A_474 = arith.constant 8 : i32
      %mul3A_475 = arith.muli %scan3A_445, %mul3A_474 : i32
      %add3A_476 = arith.constant 4 : i32
      %add3A_477 = arith.addi %mul3A_475, %add3A_476 : i32
      %swap3A_478 = arith.index_cast %add3A_477 : i32 to index
      %swap3A_479 = arith.constant 0 : index
      %swap3A_480 = tpu.vector_load %arg9[%swap3A_478, %swap3A_479] {strides = array<i32>} : memref<632x16xf32, #tpu.memory_space<vmem>>, vector<16xf32>,
      tpu.vector_store %arg9[%swap3A_478, %swap3A_479], %broadcast_in_dim3A_1 {strides = array<i32>} : memref<632x16xf32, #tpu.memory_space<vmem>>, vector<16xf32>,
      %mul3A_481 = arith.constant 8 : i32
      %mul3A_482 = arith.muli %scan3A_445, %mul3A_481 : i32
      %add3A_483 = arith.constant 5 : i32
      %add3A_484 = arith.addi %mul3A_482, %add3A_483 : i32
      %swap3A_485 = arith.index_cast %add3A_484 : i32 to index
      %swap3A_486 = arith.constant 0 : index
      %swap3A_487 = tpu.vector_load %arg9[%swap3A_485, %swap3A_486] {strides = array<i32>} : memref<632x16xf32, #tpu.memory_space<vmem>>, vector<16xf32>,
      tpu.vector_store %arg9[%swap3A_485, %swap3A_486], %broadcast_in_dim3A_1 {strides = array<i32>} : memref<632x16xf32, #tpu.memory_space<vmem>>, vector<16xf32>,
      %mul3A_488 = arith.constant 8 : i32
      %mul3A_489 = arith.muli %scan3A_445, %mul3A_488 : i32
      %add3A_490 = arith.constant 6 : i32
      %add3A_491 = arith.addi %mul3A_489, %add3A_490 : i32
      %swap3A_492 = arith.index_cast %add3A_491 : i32 to index
      %swap3A_493 = arith.constant 0 : index
      %swap3A_494 = tpu.vector_load %arg9[%swap3A_492, %swap3A_493] {strides = array<i32>} : memref<632x16xf32, #tpu.memory_space<vmem>>, vector<16xf32>,
      tpu.vector_store %arg9[%swap3A_492, %swap3A_493], %broadcast_in_dim3A_1 {strides = array<i32>} : memref<632x16xf32, #tpu.memory_space<vmem>>, vector<16xf32>,
      %mul3A_495 = arith.constant 8 : i32
      %mul3A_496 = arith.muli %scan3A_445, %mul3A_495 : i32
      %add3A_497 = arith.constant 7 : i32
      %add3A_498 = arith.addi %mul3A_496, %add3A_497 : i32
      %swap3A_499 = arith.index_cast %add3A_498 : i32 to index
      %swap3A_500 = arith.constant 0 : index
      %swap3A_501 = tpu.vector_load %arg9[%swap3A_499, %swap3A_500] {strides = array<i32>} : memref<632x16xf32, #tpu.memory_space<vmem>>, vector<16xf32>,
      tpu.vector_store %arg9[%swap3A_499, %swap3A_500], %broadcast_in_dim3A_1 {strides = array<i32>} : memref<632x16xf32, #tpu.memory_space<vmem>>, vector<16xf32>,
    }
    %scan3A_25 = arith.constant 79 : i32
    %mul3A_26 = arith.constant 632 : i32
    %mul3A_27 = arith.muli %arg1, %mul3A_26 : i32
    "tpu.region"() ({
      %run_scoped3A_445 = tpu.sem_alloc : memref<!tpu.dma_semaphore, #tpu.memory_space<semaphore_mem>>
      %dma_start3A_446 = arith.constant 0 : i32
      %dma_start3A_447 = tpu.memref_slice %arg10[%mul3A_27, %dma_start3A_446] : memref<10112x16xf32, #tpu.memory_space<vmem_shared>> -> memref<632x16xf32, #tpu.memory_space<vmem_shared>>
      %dma_start3A_448 = arith.constant 0 : i32
      %dma_start3A_449 = tpu.memref_slice %arg10[%mul3A_27, %dma_start3A_448] : memref<10112x16xf32, #tpu.memory_space<vmem_shared>> -> memref<632x16xf32, #tpu.memory_space<vmem_shared>>
      tpu.enqueue_dma source(%arg9 : memref<632x16xf32, #tpu.memory_space<vmem>>) target(%dma_start3A_449 : memref<632x16xf32, #tpu.memory_space<vmem_shared>>) target_semaphore(%run_scoped3A_445 : memref<!tpu.dma_semaphore, #tpu.memory_space<semaphore_mem>>)
      %dma_wait3A_450 = arith.constant 0 : i32
      %dma_wait3A_451 = tpu.memref_slice %arg10[%mul3A_27, %dma_wait3A_450] : memref<10112x16xf32, #tpu.memory_space<vmem_shared>> -> memref<632x16xf32, #tpu.memory_space<vmem_shared>>
      %dma_wait3A_452 = arith.constant 0 : i32
      %dma_wait3A_453 = tpu.memref_slice %arg10[%mul3A_27, %dma_wait3A_452] : memref<10112x16xf32, #tpu.memory_space<vmem_shared>> -> memref<632x16xf32, #tpu.memory_space<vmem_shared>>
      tpu.wait_dma2 semaphore(%run_scoped3A_445 : memref<!tpu.dma_semaphore, #tpu.memory_space<semaphore_mem>>) src(%arg9 : memref<632x16xf32, #tpu.memory_space<vmem>>) dst(%dma_wait3A_453 : memref<632x16xf32, #tpu.memory_space<vmem_shared>>)
      tpu.yield
    }) : () -> ()
    %scan3A_28 = arith.constant 0 : i32
    %scan3A_29 = arith.constant 0 : i32
    %scan3A_30 = arith.constant 80 : i32
    %scan3A_31 = arith.addi %scan3A_29, %scan3A_30 : i32
    %scan3A_32 = arith.constant 1 : i32
    scf.for %scan3A_445 = %scan3A_29 to %scan3A_31 step %scan3A_32  : i32 {
      %mul3A_446 = arith.constant 8 : i32
      %mul3A_447 = arith.muli %scan3A_445, %mul3A_446 : i32
      %add3A_448 = arith.constant 0 : i32
      %add3A_449 = arith.addi %mul3A_447, %add3A_448 : i32
      %swap3A_450 = arith.index_cast %add3A_449 : i32 to index
      %swap3A_451 = arith.constant 0 : index
      %swap3A_452 = tpu.vector_load %arg28[%swap3A_450, %swap3A_451] {strides = array<i32>} : memref<640x16xf32, #tpu.memory_space<vmem>>, vector<16xf32>,
      tpu.vector_store %arg28[%swap3A_450, %swap3A_451], %broadcast_in_dim3A_1 {strides = array<i32>} : memref<640x16xf32, #tpu.memory_space<vmem>>, vector<16xf32>,
      %mul3A_453 = arith.constant 8 : i32
      %mul3A_454 = arith.muli %scan3A_445, %mul3A_453 : i32
      %add3A_455 = arith.constant 1 : i32
      %add3A_456 = arith.addi %mul3A_454, %add3A_455 : i32
      %swap3A_457 = arith.index_cast %add3A_456 : i32 to index
      %swap3A_458 = arith.constant 0 : index
      %swap3A_459 = tpu.vector_load %arg28[%swap3A_457, %swap3A_458] {strides = array<i32>} : memref<640x16xf32, #tpu.memory_space<vmem>>, vector<16xf32>,
      tpu.vector_store %arg28[%swap3A_457, %swap3A_458], %broadcast_in_dim3A_1 {strides = array<i32>} : memref<640x16xf32, #tpu.memory_space<vmem>>, vector<16xf32>,
      %mul3A_460 = arith.constant 8 : i32
      %mul3A_461 = arith.muli %scan3A_445, %mul3A_460 : i32
      %add3A_462 = arith.constant 2 : i32
      %add3A_463 = arith.addi %mul3A_461, %add3A_462 : i32
      %swap3A_464 = arith.index_cast %add3A_463 : i32 to index
      %swap3A_465 = arith.constant 0 : index
      %swap3A_466 = tpu.vector_load %arg28[%swap3A_464, %swap3A_465] {strides = array<i32>} : memref<640x16xf32, #tpu.memory_space<vmem>>, vector<16xf32>,
      tpu.vector_store %arg28[%swap3A_464, %swap3A_465], %broadcast_in_dim3A_1 {strides = array<i32>} : memref<640x16xf32, #tpu.memory_space<vmem>>, vector<16xf32>,
      %mul3A_467 = arith.constant 8 : i32
      %mul3A_468 = arith.muli %scan3A_445, %mul3A_467 : i32
      %add3A_469 = arith.constant 3 : i32
      %add3A_470 = arith.addi %mul3A_468, %add3A_469 : i32
      %swap3A_471 = arith.index_cast %add3A_470 : i32 to index
      %swap3A_472 = arith.constant 0 : index
      %swap3A_473 = tpu.vector_load %arg28[%swap3A_471, %swap3A_472] {strides = array<i32>} : memref<640x16xf32, #tpu.memory_space<vmem>>, vector<16xf32>,
      tpu.vector_store %arg28[%swap3A_471, %swap3A_472], %broadcast_in_dim3A_1 {strides = array<i32>} : memref<640x16xf32, #tpu.memory_space<vmem>>, vector<16xf32>,
      %mul3A_474 = arith.constant 8 : i32
      %mul3A_475 = arith.muli %scan3A_445, %mul3A_474 : i32
      %add3A_476 = arith.constant 4 : i32
      %add3A_477 = arith.addi %mul3A_475, %add3A_476 : i32
      %swap3A_478 = arith.index_cast %add3A_477 : i32 to index
      %swap3A_479 = arith.constant 0 : index
      %swap3A_480 = tpu.vector_load %arg28[%swap3A_478, %swap3A_479] {strides = array<i32>} : memref<640x16xf32, #tpu.memory_space<vmem>>, vector<16xf32>,
      tpu.vector_store %arg28[%swap3A_478, %swap3A_479], %broadcast_in_dim3A_1 {strides = array<i32>} : memref<640x16xf32, #tpu.memory_space<vmem>>, vector<16xf32>,
      %mul3A_481 = arith.constant 8 : i32
      %mul3A_482 = arith.muli %scan3A_445, %mul3A_481 : i32
      %add3A_483 = arith.constant 5 : i32
      %add3A_484 = arith.addi %mul3A_482, %add3A_483 : i32
      %swap3A_485 = arith.index_cast %add3A_484 : i32 to index
      %swap3A_486 = arith.constant 0 : index
      %swap3A_487 = tpu.vector_load %arg28[%swap3A_485, %swap3A_486] {strides = array<i32>} : memref<640x16xf32, #tpu.memory_space<vmem>>, vector<16xf32>,
      tpu.vector_store %arg28[%swap3A_485, %swap3A_486], %broadcast_in_dim3A_1 {strides = array<i32>} : memref<640x16xf32, #tpu.memory_space<vmem>>, vector<16xf32>,
      %mul3A_488 = arith.constant 8 : i32
      %mul3A_489 = arith.muli %scan3A_445, %mul3A_488 : i32
      %add3A_490 = arith.constant 6 : i32
      %add3A_491 = arith.addi %mul3A_489, %add3A_490 : i32
      %swap3A_492 = arith.index_cast %add3A_491 : i32 to index
      %swap3A_493 = arith.constant 0 : index
      %swap3A_494 = tpu.vector_load %arg28[%swap3A_492, %swap3A_493] {strides = array<i32>} : memref<640x16xf32, #tpu.memory_space<vmem>>, vector<16xf32>,
      tpu.vector_store %arg28[%swap3A_492, %swap3A_493], %broadcast_in_dim3A_1 {strides = array<i32>} : memref<640x16xf32, #tpu.memory_space<vmem>>, vector<16xf32>,
      %mul3A_495 = arith.constant 8 : i32
      %mul3A_496 = arith.muli %scan3A_445, %mul3A_495 : i32
      %add3A_497 = arith.constant 7 : i32
      %add3A_498 = arith.addi %mul3A_496, %add3A_497 : i32
      %swap3A_499 = arith.index_cast %add3A_498 : i32 to index
      %swap3A_500 = arith.constant 0 : index
      %swap3A_501 = tpu.vector_load %arg28[%swap3A_499, %swap3A_500] {strides = array<i32>} : memref<640x16xf32, #tpu.memory_space<vmem>>, vector<16xf32>,
      tpu.vector_store %arg28[%swap3A_499, %swap3A_500], %broadcast_in_dim3A_1 {strides = array<i32>} : memref<640x16xf32, #tpu.memory_space<vmem>>, vector<16xf32>,
    }
    %scan3A_33 = arith.constant 80 : i32
    %add3A_34 = arith.constant 0 : i32
    %add3A_35 = vector.broadcast %add3A_34 : i32 to vector<16xi32>
    %add3A_36 = arith.addi %add3A_35, %iota3A : vector<16xi32>
    %swap3A = arith.constant 0 : i32
    %swap3A_37 = arith.index_cast %swap3A : i32 to index
    %swap3A_38 = arith.constant 0 : index
    %swap3A_39 = tpu.vector_load %arg29[%swap3A_37, %swap3A_38] {strides = array<i32>} : memref<5x128xi32, #tpu.memory_space<vmem>>, vector<16xi32>,
    tpu.vector_store %arg29[%swap3A_37, %swap3A_38], %add3A_36 {strides = array<i32>} : memref<5x128xi32, #tpu.memory_space<vmem>>, vector<16xi32>,
    %add3A_40 = arith.constant 16 : i32
    %add3A_41 = vector.broadcast %add3A_40 : i32 to vector<16xi32>
    %add3A_42 = arith.addi %add3A_41, %iota3A : vector<16xi32>
    %swap3A_43 = arith.constant 0 : i32
    %swap3A_44 = arith.index_cast %swap3A_43 : i32 to index
    %swap3A_45 = arith.constant 16 : index
    %swap3A_46 = tpu.vector_load %arg29[%swap3A_44, %swap3A_45] {strides = array<i32>} : memref<5x128xi32, #tpu.memory_space<vmem>>, vector<16xi32>,
    tpu.vector_store %arg29[%swap3A_44, %swap3A_45], %add3A_42 {strides = array<i32>} : memref<5x128xi32, #tpu.memory_space<vmem>>, vector<16xi32>,
    %add3A_47 = arith.constant 32 : i32
    %add3A_48 = vector.broadcast %add3A_47 : i32 to vector<16xi32>
    %add3A_49 = arith.addi %add3A_48, %iota3A : vector<16xi32>
    %swap3A_50 = arith.constant 0 : i32
    %swap3A_51 = arith.index_cast %swap3A_50 : i32 to index
    %swap3A_52 = arith.constant 32 : index
    %swap3A_53 = tpu.vector_load %arg29[%swap3A_51, %swap3A_52] {strides = array<i32>} : memref<5x128xi32, #tpu.memory_space<vmem>>, vector<16xi32>,
    tpu.vector_store %arg29[%swap3A_51, %swap3A_52], %add3A_49 {strides = array<i32>} : memref<5x128xi32, #tpu.memory_space<vmem>>, vector<16xi32>,
    %add3A_54 = arith.constant 48 : i32
    %add3A_55 = vector.broadcast %add3A_54 : i32 to vector<16xi32>
    %add3A_56 = arith.addi %add3A_55, %iota3A : vector<16xi32>
    %swap3A_57 = arith.constant 0 : i32
    %swap3A_58 = arith.index_cast %swap3A_57 : i32 to index
    %swap3A_59 = arith.constant 48 : index
    %swap3A_60 = tpu.vector_load %arg29[%swap3A_58, %swap3A_59] {strides = array<i32>} : memref<5x128xi32, #tpu.memory_space<vmem>>, vector<16xi32>,
    tpu.vector_store %arg29[%swap3A_58, %swap3A_59], %add3A_56 {strides = array<i32>} : memref<5x128xi32, #tpu.memory_space<vmem>>, vector<16xi32>,
    %add3A_61 = arith.constant 64 : i32
    %add3A_62 = vector.broadcast %add3A_61 : i32 to vector<16xi32>
    %add3A_63 = arith.addi %add3A_62, %iota3A : vector<16xi32>
    %swap3A_64 = arith.constant 0 : i32
    %swap3A_65 = arith.index_cast %swap3A_64 : i32 to index
    %swap3A_66 = arith.constant 64 : index
    %swap3A_67 = tpu.vector_load %arg29[%swap3A_65, %swap3A_66] {strides = array<i32>} : memref<5x128xi32, #tpu.memory_space<vmem>>, vector<16xi32>,
    tpu.vector_store %arg29[%swap3A_65, %swap3A_66], %add3A_63 {strides = array<i32>} : memref<5x128xi32, #tpu.memory_space<vmem>>, vector<16xi32>,
    %add3A_68 = arith.constant 80 : i32
    %add3A_69 = vector.broadcast %add3A_68 : i32 to vector<16xi32>
    %add3A_70 = arith.addi %add3A_69, %iota3A : vector<16xi32>
    %swap3A_71 = arith.constant 0 : i32
    %swap3A_72 = arith.index_cast %swap3A_71 : i32 to index
    %swap3A_73 = arith.constant 80 : index
    %swap3A_74 = tpu.vector_load %arg29[%swap3A_72, %swap3A_73] {strides = array<i32>} : memref<5x128xi32, #tpu.memory_space<vmem>>, vector<16xi32>,
    tpu.vector_store %arg29[%swap3A_72, %swap3A_73], %add3A_70 {strides = array<i32>} : memref<5x128xi32, #tpu.memory_space<vmem>>, vector<16xi32>,
    %add3A_75 = arith.constant 96 : i32
    %add3A_76 = vector.broadcast %add3A_75 : i32 to vector<16xi32>
    %add3A_77 = arith.addi %add3A_76, %iota3A : vector<16xi32>
    %swap3A_78 = arith.constant 0 : i32
    %swap3A_79 = arith.index_cast %swap3A_78 : i32 to index
    %swap3A_80 = arith.constant 96 : index
    %swap3A_81 = tpu.vector_load %arg29[%swap3A_79, %swap3A_80] {strides = array<i32>} : memref<5x128xi32, #tpu.memory_space<vmem>>, vector<16xi32>,
    tpu.vector_store %arg29[%swap3A_79, %swap3A_80], %add3A_77 {strides = array<i32>} : memref<5x128xi32, #tpu.memory_space<vmem>>, vector<16xi32>,
    %add3A_82 = arith.constant 112 : i32
    %add3A_83 = vector.broadcast %add3A_82 : i32 to vector<16xi32>
    %add3A_84 = arith.addi %add3A_83, %iota3A : vector<16xi32>
    %swap3A_85 = arith.constant 0 : i32
    %swap3A_86 = arith.index_cast %swap3A_85 : i32 to index
    %swap3A_87 = arith.constant 112 : index
    %swap3A_88 = tpu.vector_load %arg29[%swap3A_86, %swap3A_87] {strides = array<i32>} : memref<5x128xi32, #tpu.memory_space<vmem>>, vector<16xi32>,
    tpu.vector_store %arg29[%swap3A_86, %swap3A_87], %add3A_84 {strides = array<i32>} : memref<5x128xi32, #tpu.memory_space<vmem>>, vector<16xi32>,
    %add3A_89 = arith.constant 128 : i32
    %add3A_90 = vector.broadcast %add3A_89 : i32 to vector<16xi32>
    %add3A_91 = arith.addi %add3A_90, %iota3A : vector<16xi32>
    %swap3A_92 = arith.constant 1 : i32
    %swap3A_93 = arith.index_cast %swap3A_92 : i32 to index
    %swap3A_94 = arith.constant 0 : index
    %swap3A_95 = tpu.vector_load %arg29[%swap3A_93, %swap3A_94] {strides = array<i32>} : memref<5x128xi32, #tpu.memory_space<vmem>>, vector<16xi32>,
    tpu.vector_store %arg29[%swap3A_93, %swap3A_94], %add3A_91 {strides = array<i32>} : memref<5x128xi32, #tpu.memory_space<vmem>>, vector<16xi32>,
    %add3A_96 = arith.constant 144 : i32
    %add3A_97 = vector.broadcast %add3A_96 : i32 to vector<16xi32>
    %add3A_98 = arith.addi %add3A_97, %iota3A : vector<16xi32>
    %swap3A_99 = arith.constant 1 : i32
    %swap3A_100 = arith.index_cast %swap3A_99 : i32 to index
    %swap3A_101 = arith.constant 16 : index
    %swap3A_102 = tpu.vector_load %arg29[%swap3A_100, %swap3A_101] {strides = array<i32>} : memref<5x128xi32, #tpu.memory_space<vmem>>, vector<16xi32>,
    tpu.vector_store %arg29[%swap3A_100, %swap3A_101], %add3A_98 {strides = array<i32>} : memref<5x128xi32, #tpu.memory_space<vmem>>, vector<16xi32>,
    %add3A_103 = arith.constant 160 : i32
    %add3A_104 = vector.broadcast %add3A_103 : i32 to vector<16xi32>
    %add3A_105 = arith.addi %add3A_104, %iota3A : vector<16xi32>
    %swap3A_106 = arith.constant 1 : i32
    %swap3A_107 = arith.index_cast %swap3A_106 : i32 to index
    %swap3A_108 = arith.constant 32 : index
    %swap3A_109 = tpu.vector_load %arg29[%swap3A_107, %swap3A_108] {strides = array<i32>} : memref<5x128xi32, #tpu.memory_space<vmem>>, vector<16xi32>,
    tpu.vector_store %arg29[%swap3A_107, %swap3A_108], %add3A_105 {strides = array<i32>} : memref<5x128xi32, #tpu.memory_space<vmem>>, vector<16xi32>,
    %add3A_110 = arith.constant 176 : i32
    %add3A_111 = vector.broadcast %add3A_110 : i32 to vector<16xi32>
    %add3A_112 = arith.addi %add3A_111, %iota3A : vector<16xi32>
    %swap3A_113 = arith.constant 1 : i32
    %swap3A_114 = arith.index_cast %swap3A_113 : i32 to index
    %swap3A_115 = arith.constant 48 : index
    %swap3A_116 = tpu.vector_load %arg29[%swap3A_114, %swap3A_115] {strides = array<i32>} : memref<5x128xi32, #tpu.memory_space<vmem>>, vector<16xi32>,
    tpu.vector_store %arg29[%swap3A_114, %swap3A_115], %add3A_112 {strides = array<i32>} : memref<5x128xi32, #tpu.memory_space<vmem>>, vector<16xi32>,
    %add3A_117 = arith.constant 192 : i32
    %add3A_118 = vector.broadcast %add3A_117 : i32 to vector<16xi32>
    %add3A_119 = arith.addi %add3A_118, %iota3A : vector<16xi32>
    %swap3A_120 = arith.constant 1 : i32
    %swap3A_121 = arith.index_cast %swap3A_120 : i32 to index
    %swap3A_122 = arith.constant 64 : index
    %swap3A_123 = tpu.vector_load %arg29[%swap3A_121, %swap3A_122] {strides = array<i32>} : memref<5x128xi32, #tpu.memory_space<vmem>>, vector<16xi32>,
    tpu.vector_store %arg29[%swap3A_121, %swap3A_122], %add3A_119 {strides = array<i32>} : memref<5x128xi32, #tpu.memory_space<vmem>>, vector<16xi32>,
    %add3A_124 = arith.constant 208 : i32
    %add3A_125 = vector.broadcast %add3A_124 : i32 to vector<16xi32>
    %add3A_126 = arith.addi %add3A_125, %iota3A : vector<16xi32>
    %swap3A_127 = arith.constant 1 : i32
    %swap3A_128 = arith.index_cast %swap3A_127 : i32 to index
    %swap3A_129 = arith.constant 80 : index
    %swap3A_130 = tpu.vector_load %arg29[%swap3A_128, %swap3A_129] {strides = array<i32>} : memref<5x128xi32, #tpu.memory_space<vmem>>, vector<16xi32>,
    tpu.vector_store %arg29[%swap3A_128, %swap3A_129], %add3A_126 {strides = array<i32>} : memref<5x128xi32, #tpu.memory_space<vmem>>, vector<16xi32>,
    %add3A_131 = arith.constant 224 : i32
    %add3A_132 = vector.broadcast %add3A_131 : i32 to vector<16xi32>
    %add3A_133 = arith.addi %add3A_132, %iota3A : vector<16xi32>
    %swap3A_134 = arith.constant 1 : i32
    %swap3A_135 = arith.index_cast %swap3A_134 : i32 to index
    %swap3A_136 = arith.constant 96 : index
    %swap3A_137 = tpu.vector_load %arg29[%swap3A_135, %swap3A_136] {strides = array<i32>} : memref<5x128xi32, #tpu.memory_space<vmem>>, vector<16xi32>,
    tpu.vector_store %arg29[%swap3A_135, %swap3A_136], %add3A_133 {strides = array<i32>} : memref<5x128xi32, #tpu.memory_space<vmem>>, vector<16xi32>,
    %add3A_138 = arith.constant 240 : i32
    %add3A_139 = vector.broadcast %add3A_138 : i32 to vector<16xi32>
    %add3A_140 = arith.addi %add3A_139, %iota3A : vector<16xi32>
    %swap3A_141 = arith.constant 1 : i32
    %swap3A_142 = arith.index_cast %swap3A_141 : i32 to index
    %swap3A_143 = arith.constant 112 : index
    %swap3A_144 = tpu.vector_load %arg29[%swap3A_142, %swap3A_143] {strides = array<i32>} : memref<5x128xi32, #tpu.memory_space<vmem>>, vector<16xi32>,
    tpu.vector_store %arg29[%swap3A_142, %swap3A_143], %add3A_140 {strides = array<i32>} : memref<5x128xi32, #tpu.memory_space<vmem>>, vector<16xi32>,
    %add3A_145 = arith.constant 256 : i32
    %add3A_146 = vector.broadcast %add3A_145 : i32 to vector<16xi32>
    %add3A_147 = arith.addi %add3A_146, %iota3A : vector<16xi32>
    %swap3A_148 = arith.constant 2 : i32
    %swap3A_149 = arith.index_cast %swap3A_148 : i32 to index
    %swap3A_150 = arith.constant 0 : index
    %swap3A_151 = tpu.vector_load %arg29[%swap3A_149, %swap3A_150] {strides = array<i32>} : memref<5x128xi32, #tpu.memory_space<vmem>>, vector<16xi32>,
    tpu.vector_store %arg29[%swap3A_149, %swap3A_150], %add3A_147 {strides = array<i32>} : memref<5x128xi32, #tpu.memory_space<vmem>>, vector<16xi32>,
    %add3A_152 = arith.constant 272 : i32
    %add3A_153 = vector.broadcast %add3A_152 : i32 to vector<16xi32>
    %add3A_154 = arith.addi %add3A_153, %iota3A : vector<16xi32>
    %swap3A_155 = arith.constant 2 : i32
    %swap3A_156 = arith.index_cast %swap3A_155 : i32 to index
    %swap3A_157 = arith.constant 16 : index
    %swap3A_158 = tpu.vector_load %arg29[%swap3A_156, %swap3A_157] {strides = array<i32>} : memref<5x128xi32, #tpu.memory_space<vmem>>, vector<16xi32>,
    tpu.vector_store %arg29[%swap3A_156, %swap3A_157], %add3A_154 {strides = array<i32>} : memref<5x128xi32, #tpu.memory_space<vmem>>, vector<16xi32>,
    %add3A_159 = arith.constant 288 : i32
    %add3A_160 = vector.broadcast %add3A_159 : i32 to vector<16xi32>
    %add3A_161 = arith.addi %add3A_160, %iota3A : vector<16xi32>
    %swap3A_162 = arith.constant 2 : i32
    %swap3A_163 = arith.index_cast %swap3A_162 : i32 to index
    %swap3A_164 = arith.constant 32 : index
    %swap3A_165 = tpu.vector_load %arg29[%swap3A_163, %swap3A_164] {strides = array<i32>} : memref<5x128xi32, #tpu.memory_space<vmem>>, vector<16xi32>,
    tpu.vector_store %arg29[%swap3A_163, %swap3A_164], %add3A_161 {strides = array<i32>} : memref<5x128xi32, #tpu.memory_space<vmem>>, vector<16xi32>,
    %add3A_166 = arith.constant 304 : i32
    %add3A_167 = vector.broadcast %add3A_166 : i32 to vector<16xi32>
    %add3A_168 = arith.addi %add3A_167, %iota3A : vector<16xi32>
    %swap3A_169 = arith.constant 2 : i32
    %swap3A_170 = arith.index_cast %swap3A_169 : i32 to index
    %swap3A_171 = arith.constant 48 : index
    %swap3A_172 = tpu.vector_load %arg29[%swap3A_170, %swap3A_171] {strides = array<i32>} : memref<5x128xi32, #tpu.memory_space<vmem>>, vector<16xi32>,
    tpu.vector_store %arg29[%swap3A_170, %swap3A_171], %add3A_168 {strides = array<i32>} : memref<5x128xi32, #tpu.memory_space<vmem>>, vector<16xi32>,
    %add3A_173 = arith.constant 320 : i32
    %add3A_174 = vector.broadcast %add3A_173 : i32 to vector<16xi32>
    %add3A_175 = arith.addi %add3A_174, %iota3A : vector<16xi32>
    %swap3A_176 = arith.constant 2 : i32
    %swap3A_177 = arith.index_cast %swap3A_176 : i32 to index
    %swap3A_178 = arith.constant 64 : index
    %swap3A_179 = tpu.vector_load %arg29[%swap3A_177, %swap3A_178] {strides = array<i32>} : memref<5x128xi32, #tpu.memory_space<vmem>>, vector<16xi32>,
    tpu.vector_store %arg29[%swap3A_177, %swap3A_178], %add3A_175 {strides = array<i32>} : memref<5x128xi32, #tpu.memory_space<vmem>>, vector<16xi32>,
    %add3A_180 = arith.constant 336 : i32
    %add3A_181 = vector.broadcast %add3A_180 : i32 to vector<16xi32>
    %add3A_182 = arith.addi %add3A_181, %iota3A : vector<16xi32>
    %swap3A_183 = arith.constant 2 : i32
    %swap3A_184 = arith.index_cast %swap3A_183 : i32 to index
    %swap3A_185 = arith.constant 80 : index
    %swap3A_186 = tpu.vector_load %arg29[%swap3A_184, %swap3A_185] {strides = array<i32>} : memref<5x128xi32, #tpu.memory_space<vmem>>, vector<16xi32>,
    tpu.vector_store %arg29[%swap3A_184, %swap3A_185], %add3A_182 {strides = array<i32>} : memref<5x128xi32, #tpu.memory_space<vmem>>, vector<16xi32>,
    %add3A_187 = arith.constant 352 : i32
    %add3A_188 = vector.broadcast %add3A_187 : i32 to vector<16xi32>
    %add3A_189 = arith.addi %add3A_188, %iota3A : vector<16xi32>
    %swap3A_190 = arith.constant 2 : i32
    %swap3A_191 = arith.index_cast %swap3A_190 : i32 to index
    %swap3A_192 = arith.constant 96 : index
    %swap3A_193 = tpu.vector_load %arg29[%swap3A_191, %swap3A_192] {strides = array<i32>} : memref<5x128xi32, #tpu.memory_space<vmem>>, vector<16xi32>,
    tpu.vector_store %arg29[%swap3A_191, %swap3A_192], %add3A_189 {strides = array<i32>} : memref<5x128xi32, #tpu.memory_space<vmem>>, vector<16xi32>,
    %add3A_194 = arith.constant 368 : i32
    %add3A_195 = vector.broadcast %add3A_194 : i32 to vector<16xi32>
    %add3A_196 = arith.addi %add3A_195, %iota3A : vector<16xi32>
    %swap3A_197 = arith.constant 2 : i32
    %swap3A_198 = arith.index_cast %swap3A_197 : i32 to index
    %swap3A_199 = arith.constant 112 : index
    %swap3A_200 = tpu.vector_load %arg29[%swap3A_198, %swap3A_199] {strides = array<i32>} : memref<5x128xi32, #tpu.memory_space<vmem>>, vector<16xi32>,
    tpu.vector_store %arg29[%swap3A_198, %swap3A_199], %add3A_196 {strides = array<i32>} : memref<5x128xi32, #tpu.memory_space<vmem>>, vector<16xi32>,
    %add3A_201 = arith.constant 384 : i32
    %add3A_202 = vector.broadcast %add3A_201 : i32 to vector<16xi32>
    %add3A_203 = arith.addi %add3A_202, %iota3A : vector<16xi32>
    %swap3A_204 = arith.constant 3 : i32
    %swap3A_205 = arith.index_cast %swap3A_204 : i32 to index
    %swap3A_206 = arith.constant 0 : index
    %swap3A_207 = tpu.vector_load %arg29[%swap3A_205, %swap3A_206] {strides = array<i32>} : memref<5x128xi32, #tpu.memory_space<vmem>>, vector<16xi32>,
    tpu.vector_store %arg29[%swap3A_205, %swap3A_206], %add3A_203 {strides = array<i32>} : memref<5x128xi32, #tpu.memory_space<vmem>>, vector<16xi32>,
    %add3A_208 = arith.constant 400 : i32
    %add3A_209 = vector.broadcast %add3A_208 : i32 to vector<16xi32>
    %add3A_210 = arith.addi %add3A_209, %iota3A : vector<16xi32>
    %swap3A_211 = arith.constant 3 : i32
    %swap3A_212 = arith.index_cast %swap3A_211 : i32 to index
    %swap3A_213 = arith.constant 16 : index
    %swap3A_214 = tpu.vector_load %arg29[%swap3A_212, %swap3A_213] {strides = array<i32>} : memref<5x128xi32, #tpu.memory_space<vmem>>, vector<16xi32>,
    tpu.vector_store %arg29[%swap3A_212, %swap3A_213], %add3A_210 {strides = array<i32>} : memref<5x128xi32, #tpu.memory_space<vmem>>, vector<16xi32>,
    %add3A_215 = arith.constant 416 : i32
    %add3A_216 = vector.broadcast %add3A_215 : i32 to vector<16xi32>
    %add3A_217 = arith.addi %add3A_216, %iota3A : vector<16xi32>
    %swap3A_218 = arith.constant 3 : i32
    %swap3A_219 = arith.index_cast %swap3A_218 : i32 to index
    %swap3A_220 = arith.constant 32 : index
    %swap3A_221 = tpu.vector_load %arg29[%swap3A_219, %swap3A_220] {strides = array<i32>} : memref<5x128xi32, #tpu.memory_space<vmem>>, vector<16xi32>,
    tpu.vector_store %arg29[%swap3A_219, %swap3A_220], %add3A_217 {strides = array<i32>} : memref<5x128xi32, #tpu.memory_space<vmem>>, vector<16xi32>,
    %add3A_222 = arith.constant 432 : i32
    %add3A_223 = vector.broadcast %add3A_222 : i32 to vector<16xi32>
    %add3A_224 = arith.addi %add3A_223, %iota3A : vector<16xi32>
    %swap3A_225 = arith.constant 3 : i32
    %swap3A_226 = arith.index_cast %swap3A_225 : i32 to index
    %swap3A_227 = arith.constant 48 : index
    %swap3A_228 = tpu.vector_load %arg29[%swap3A_226, %swap3A_227] {strides = array<i32>} : memref<5x128xi32, #tpu.memory_space<vmem>>, vector<16xi32>,
    tpu.vector_store %arg29[%swap3A_226, %swap3A_227], %add3A_224 {strides = array<i32>} : memref<5x128xi32, #tpu.memory_space<vmem>>, vector<16xi32>,
    %add3A_229 = arith.constant 448 : i32
    %add3A_230 = vector.broadcast %add3A_229 : i32 to vector<16xi32>
    %add3A_231 = arith.addi %add3A_230, %iota3A : vector<16xi32>
    %swap3A_232 = arith.constant 3 : i32
    %swap3A_233 = arith.index_cast %swap3A_232 : i32 to index
    %swap3A_234 = arith.constant 64 : index
    %swap3A_235 = tpu.vector_load %arg29[%swap3A_233, %swap3A_234] {strides = array<i32>} : memref<5x128xi32, #tpu.memory_space<vmem>>, vector<16xi32>,
    tpu.vector_store %arg29[%swap3A_233, %swap3A_234], %add3A_231 {strides = array<i32>} : memref<5x128xi32, #tpu.memory_space<vmem>>, vector<16xi32>,
    %add3A_236 = arith.constant 464 : i32
    %add3A_237 = vector.broadcast %add3A_236 : i32 to vector<16xi32>
    %add3A_238 = arith.addi %add3A_237, %iota3A : vector<16xi32>
    %swap3A_239 = arith.constant 3 : i32
    %swap3A_240 = arith.index_cast %swap3A_239 : i32 to index
    %swap3A_241 = arith.constant 80 : index
    %swap3A_242 = tpu.vector_load %arg29[%swap3A_240, %swap3A_241] {strides = array<i32>} : memref<5x128xi32, #tpu.memory_space<vmem>>, vector<16xi32>,
    tpu.vector_store %arg29[%swap3A_240, %swap3A_241], %add3A_238 {strides = array<i32>} : memref<5x128xi32, #tpu.memory_space<vmem>>, vector<16xi32>,
    %add3A_243 = arith.constant 480 : i32
    %add3A_244 = vector.broadcast %add3A_243 : i32 to vector<16xi32>
    %add3A_245 = arith.addi %add3A_244, %iota3A : vector<16xi32>
    %swap3A_246 = arith.constant 3 : i32
    %swap3A_247 = arith.index_cast %swap3A_246 : i32 to index
    %swap3A_248 = arith.constant 96 : index
    %swap3A_249 = tpu.vector_load %arg29[%swap3A_247, %swap3A_248] {strides = array<i32>} : memref<5x128xi32, #tpu.memory_space<vmem>>, vector<16xi32>,
    tpu.vector_store %arg29[%swap3A_247, %swap3A_248], %add3A_245 {strides = array<i32>} : memref<5x128xi32, #tpu.memory_space<vmem>>, vector<16xi32>,
    %add3A_250 = arith.constant 496 : i32
    %add3A_251 = vector.broadcast %add3A_250 : i32 to vector<16xi32>
    %add3A_252 = arith.addi %add3A_251, %iota3A : vector<16xi32>
    %swap3A_253 = arith.constant 3 : i32
    %swap3A_254 = arith.index_cast %swap3A_253 : i32 to index
    %swap3A_255 = arith.constant 112 : index
    %swap3A_256 = tpu.vector_load %arg29[%swap3A_254, %swap3A_255] {strides = array<i32>} : memref<5x128xi32, #tpu.memory_space<vmem>>, vector<16xi32>,
    tpu.vector_store %arg29[%swap3A_254, %swap3A_255], %add3A_252 {strides = array<i32>} : memref<5x128xi32, #tpu.memory_space<vmem>>, vector<16xi32>,
    %add3A_257 = arith.constant 512 : i32
    %add3A_258 = vector.broadcast %add3A_257 : i32 to vector<16xi32>
    %add3A_259 = arith.addi %add3A_258, %iota3A : vector<16xi32>
    %swap3A_260 = arith.constant 4 : i32
    %swap3A_261 = arith.index_cast %swap3A_260 : i32 to index
    %swap3A_262 = arith.constant 0 : index
    %swap3A_263 = tpu.vector_load %arg29[%swap3A_261, %swap3A_262] {strides = array<i32>} : memref<5x128xi32, #tpu.memory_space<vmem>>, vector<16xi32>,
    tpu.vector_store %arg29[%swap3A_261, %swap3A_262], %add3A_259 {strides = array<i32>} : memref<5x128xi32, #tpu.memory_space<vmem>>, vector<16xi32>,
    %add3A_264 = arith.constant 528 : i32
    %add3A_265 = vector.broadcast %add3A_264 : i32 to vector<16xi32>
    %add3A_266 = arith.addi %add3A_265, %iota3A : vector<16xi32>
    %swap3A_267 = arith.constant 4 : i32
    %swap3A_268 = arith.index_cast %swap3A_267 : i32 to index
    %swap3A_269 = arith.constant 16 : index
    %swap3A_270 = tpu.vector_load %arg29[%swap3A_268, %swap3A_269] {strides = array<i32>} : memref<5x128xi32, #tpu.memory_space<vmem>>, vector<16xi32>,
    tpu.vector_store %arg29[%swap3A_268, %swap3A_269], %add3A_266 {strides = array<i32>} : memref<5x128xi32, #tpu.memory_space<vmem>>, vector<16xi32>,
    %add3A_271 = arith.constant 544 : i32
    %add3A_272 = vector.broadcast %add3A_271 : i32 to vector<16xi32>
    %add3A_273 = arith.addi %add3A_272, %iota3A : vector<16xi32>
    %swap3A_274 = arith.constant 4 : i32
    %swap3A_275 = arith.index_cast %swap3A_274 : i32 to index
    %swap3A_276 = arith.constant 32 : index
    %swap3A_277 = tpu.vector_load %arg29[%swap3A_275, %swap3A_276] {strides = array<i32>} : memref<5x128xi32, #tpu.memory_space<vmem>>, vector<16xi32>,
    tpu.vector_store %arg29[%swap3A_275, %swap3A_276], %add3A_273 {strides = array<i32>} : memref<5x128xi32, #tpu.memory_space<vmem>>, vector<16xi32>,
    %add3A_278 = arith.constant 560 : i32
    %add3A_279 = vector.broadcast %add3A_278 : i32 to vector<16xi32>
    %add3A_280 = arith.addi %add3A_279, %iota3A : vector<16xi32>
    %swap3A_281 = arith.constant 4 : i32
    %swap3A_282 = arith.index_cast %swap3A_281 : i32 to index
    %swap3A_283 = arith.constant 48 : index
    %swap3A_284 = tpu.vector_load %arg29[%swap3A_282, %swap3A_283] {strides = array<i32>} : memref<5x128xi32, #tpu.memory_space<vmem>>, vector<16xi32>,
    tpu.vector_store %arg29[%swap3A_282, %swap3A_283], %add3A_280 {strides = array<i32>} : memref<5x128xi32, #tpu.memory_space<vmem>>, vector<16xi32>,
    %add3A_285 = arith.constant 576 : i32
    %add3A_286 = vector.broadcast %add3A_285 : i32 to vector<16xi32>
    %add3A_287 = arith.addi %add3A_286, %iota3A : vector<16xi32>
    %swap3A_288 = arith.constant 4 : i32
    %swap3A_289 = arith.index_cast %swap3A_288 : i32 to index
    %swap3A_290 = arith.constant 64 : index
    %swap3A_291 = tpu.vector_load %arg29[%swap3A_289, %swap3A_290] {strides = array<i32>} : memref<5x128xi32, #tpu.memory_space<vmem>>, vector<16xi32>,
    tpu.vector_store %arg29[%swap3A_289, %swap3A_290], %add3A_287 {strides = array<i32>} : memref<5x128xi32, #tpu.memory_space<vmem>>, vector<16xi32>,
    %add3A_292 = arith.constant 592 : i32
    %add3A_293 = vector.broadcast %add3A_292 : i32 to vector<16xi32>
    %add3A_294 = arith.addi %add3A_293, %iota3A : vector<16xi32>
    %swap3A_295 = arith.constant 4 : i32
    %swap3A_296 = arith.index_cast %swap3A_295 : i32 to index
    %swap3A_297 = arith.constant 80 : index
    %swap3A_298 = tpu.vector_load %arg29[%swap3A_296, %swap3A_297] {strides = array<i32>} : memref<5x128xi32, #tpu.memory_space<vmem>>, vector<16xi32>,
    tpu.vector_store %arg29[%swap3A_296, %swap3A_297], %add3A_294 {strides = array<i32>} : memref<5x128xi32, #tpu.memory_space<vmem>>, vector<16xi32>,
    %add3A_299 = arith.constant 608 : i32
    %add3A_300 = vector.broadcast %add3A_299 : i32 to vector<16xi32>
    %add3A_301 = arith.addi %add3A_300, %iota3A : vector<16xi32>
    %swap3A_302 = arith.constant 4 : i32
    %swap3A_303 = arith.index_cast %swap3A_302 : i32 to index
    %swap3A_304 = arith.constant 96 : index
    %swap3A_305 = tpu.vector_load %arg29[%swap3A_303, %swap3A_304] {strides = array<i32>} : memref<5x128xi32, #tpu.memory_space<vmem>>, vector<16xi32>,
    tpu.vector_store %arg29[%swap3A_303, %swap3A_304], %add3A_301 {strides = array<i32>} : memref<5x128xi32, #tpu.memory_space<vmem>>, vector<16xi32>,
    %add3A_306 = arith.constant 624 : i32
    %add3A_307 = vector.broadcast %add3A_306 : i32 to vector<16xi32>
    %add3A_308 = arith.addi %add3A_307, %iota3A : vector<16xi32>
    %swap3A_309 = arith.constant 4 : i32
    %swap3A_310 = arith.index_cast %swap3A_309 : i32 to index
    %swap3A_311 = arith.constant 112 : index
    %swap3A_312 = tpu.vector_load %arg29[%swap3A_310, %swap3A_311] {strides = array<i32>} : memref<5x128xi32, #tpu.memory_space<vmem>>, vector<16xi32>,
    tpu.vector_store %arg29[%swap3A_310, %swap3A_311], %add3A_308 {strides = array<i32>} : memref<5x128xi32, #tpu.memory_space<vmem>>, vector<16xi32>,
    %mul3A_313 = arith.constant 40 : i32
    %mul3A_314 = arith.muli %arg1, %mul3A_313 : i32
    "tpu.region"() ({
      %run_scoped3A_445 = tpu.sem_alloc : memref<!tpu.dma_semaphore, #tpu.memory_space<semaphore_mem>>
      %dma_start3A_446 = arith.constant 0 : i32
      %dma_start3A_447 = arith.constant 0 : i32
      %dma_start3A_448 = tpu.memref_slice %arg9[%dma_start3A_446, %dma_start3A_447] : memref<632x16xf32, #tpu.memory_space<vmem>> -> memref<40x16xf32, #tpu.memory_space<vmem>>
      %dma_start3A_449 = arith.constant 0 : i32
      %dma_start3A_450 = tpu.memref_slice %arg30[%mul3A_314, %dma_start3A_449] : memref<640x16xf32, #tpu.memory_space<vmem_shared>> -> memref<40x16xf32, #tpu.memory_space<vmem_shared>>
      %dma_start3A_451 = arith.constant 0 : i32
      %dma_start3A_452 = tpu.memref_slice %arg30[%mul3A_314, %dma_start3A_451] : memref<640x16xf32, #tpu.memory_space<vmem_shared>> -> memref<40x16xf32, #tpu.memory_space<vmem_shared>>
      %dma_start3A_453 = arith.constant 0 : i32
      %dma_start3A_454 = arith.constant 0 : i32
      %dma_start3A_455 = tpu.memref_slice %arg9[%dma_start3A_453, %dma_start3A_454] : memref<632x16xf32, #tpu.memory_space<vmem>> -> memref<40x16xf32, #tpu.memory_space<vmem>>
      tpu.enqueue_dma source(%dma_start3A_455 : memref<40x16xf32, #tpu.memory_space<vmem>>) target(%dma_start3A_452 : memref<40x16xf32, #tpu.memory_space<vmem_shared>>) target_semaphore(%run_scoped3A_445 : memref<!tpu.dma_semaphore, #tpu.memory_space<semaphore_mem>>)
      %dma_wait3A_456 = arith.constant 0 : i32
      %dma_wait3A_457 = arith.constant 0 : i32
      %dma_wait3A_458 = tpu.memref_slice %arg9[%dma_wait3A_456, %dma_wait3A_457] : memref<632x16xf32, #tpu.memory_space<vmem>> -> memref<40x16xf32, #tpu.memory_space<vmem>>
      %dma_wait3A_459 = arith.constant 0 : i32
      %dma_wait3A_460 = tpu.memref_slice %arg30[%mul3A_314, %dma_wait3A_459] : memref<640x16xf32, #tpu.memory_space<vmem_shared>> -> memref<40x16xf32, #tpu.memory_space<vmem_shared>>
      %dma_wait3A_461 = arith.constant 0 : i32
      %dma_wait3A_462 = tpu.memref_slice %arg30[%mul3A_314, %dma_wait3A_461] : memref<640x16xf32, #tpu.memory_space<vmem_shared>> -> memref<40x16xf32, #tpu.memory_space<vmem_shared>>
      %dma_wait3A_463 = arith.constant 0 : i32
      %dma_wait3A_464 = arith.constant 0 : i32
      %dma_wait3A_465 = tpu.memref_slice %arg9[%dma_wait3A_463, %dma_wait3A_464] : memref<632x16xf32, #tpu.memory_space<vmem>> -> memref<40x16xf32, #tpu.memory_space<vmem>>
      tpu.wait_dma2 semaphore(%run_scoped3A_445 : memref<!tpu.dma_semaphore, #tpu.memory_space<semaphore_mem>>) src(%dma_wait3A_465 : memref<40x16xf32, #tpu.memory_space<vmem>>) dst(%dma_wait3A_462 : memref<40x16xf32, #tpu.memory_space<vmem_shared>>)
      tpu.yield
    }) : () -> ()
    %mul3A_315 = arith.constant 625 : i32
    %mul3A_316 = arith.muli %arg1, %mul3A_315 : i32
    "tpu.region"() ({
      %run_scoped3A_445 = tpu.sem_alloc : memref<!tpu.dma_semaphore, #tpu.memory_space<semaphore_mem>>
      %dma_start3A_446 = arith.constant 0 : i32
      %dma_start3A_447 = tpu.memref_slice %arg11[%mul3A_316, %dma_start3A_446] : memref<10112x16xf32, #tpu.memory_space<vmem_shared>> -> memref<625x16xf32, #tpu.memory_space<vmem_shared>>
      %dma_start3A_448 = arith.constant 0 : i32
      %dma_start3A_449 = tpu.memref_slice %arg2[%mul3A_316, %dma_start3A_448] : memref<10000x16xf32, #tpu.memory_space<hbm>> -> memref<625x16xf32, #tpu.memory_space<hbm>>
      tpu.enqueue_dma source(%dma_start3A_449 : memref<625x16xf32, #tpu.memory_space<hbm>>) target(%dma_start3A_447 : memref<625x16xf32, #tpu.memory_space<vmem_shared>>) target_semaphore(%run_scoped3A_445 : memref<!tpu.dma_semaphore, #tpu.memory_space<semaphore_mem>>)
      %dma_wait3A_450 = arith.constant 0 : i32
      %dma_wait3A_451 = tpu.memref_slice %arg11[%mul3A_316, %dma_wait3A_450] : memref<10112x16xf32, #tpu.memory_space<vmem_shared>> -> memref<625x16xf32, #tpu.memory_space<vmem_shared>>
      %dma_wait3A_452 = arith.constant 0 : i32
      %dma_wait3A_453 = tpu.memref_slice %arg2[%mul3A_316, %dma_wait3A_452] : memref<10000x16xf32, #tpu.memory_space<hbm>> -> memref<625x16xf32, #tpu.memory_space<hbm>>
      tpu.wait_dma2 semaphore(%run_scoped3A_445 : memref<!tpu.dma_semaphore, #tpu.memory_space<semaphore_mem>>) src(%dma_wait3A_453 : memref<625x16xf32, #tpu.memory_space<hbm>>) dst(%dma_wait3A_451 : memref<625x16xf32, #tpu.memory_space<vmem_shared>>)
      tpu.yield
    }) : () -> ()
    %dma_wait3A = arith.constant 0 : i32
    %dma_wait3A_317 = arith.constant 0 : i32
    %dma_wait3A_318 = arith.constant 0 : i32
    %dma_wait3A_319 = tpu.memref_slice %arg3[%dma_wait3A, %add3A, %dma_wait3A_317, %dma_wait3A_318] : memref<2x32x80x125xi32, #tpu.memory_space<hbm>> -> memref<1x1x80x125xi32, #tpu.memory_space<hbm>>
    %dma_wait3A_320 = tpu.memref_squeeze %dma_wait3A_319 : memref<1x1x80x125xi32, #tpu.memory_space<hbm>> -> memref<80x125xi32, #tpu.memory_space<hbm>>
    %dma_wait3A_321 = arith.constant 0 : i32
    %dma_wait3A_322 = arith.constant 0 : i32
    %dma_wait3A_323 = tpu.memref_slice %arg3[%dma_wait3A, %add3A, %dma_wait3A_321, %dma_wait3A_322] : memref<2x32x80x125xi32, #tpu.memory_space<hbm>> -> memref<1x1x80x125xi32, #tpu.memory_space<hbm>>
    %dma_wait3A_324 = tpu.memref_squeeze %dma_wait3A_323 : memref<1x1x80x125xi32, #tpu.memory_space<hbm>> -> memref<80x125xi32, #tpu.memory_space<hbm>>
    tpu.wait_dma2 semaphore(%arg12 : memref<!tpu.dma_semaphore, #tpu.memory_space<semaphore_mem>>) src(%dma_wait3A_324 : memref<80x125xi32, #tpu.memory_space<hbm>>) dst(%arg6 : memref<80x125xi32, #tpu.memory_space<vmem>>)
    %dma_wait3A_325 = arith.constant 1 : i32
    %dma_wait3A_326 = arith.constant 0 : i32
    %dma_wait3A_327 = arith.constant 0 : i32
    %dma_wait3A_328 = tpu.memref_slice %arg3[%dma_wait3A_325, %add3A, %dma_wait3A_326, %dma_wait3A_327] : memref<2x32x80x125xi32, #tpu.memory_space<hbm>> -> memref<1x1x80x125xi32, #tpu.memory_space<hbm>>
    %dma_wait3A_329 = tpu.memref_squeeze %dma_wait3A_328 : memref<1x1x80x125xi32, #tpu.memory_space<hbm>> -> memref<80x125xi32, #tpu.memory_space<hbm>>
    %dma_wait3A_330 = arith.constant 0 : i32
    %dma_wait3A_331 = arith.constant 0 : i32
    %dma_wait3A_332 = tpu.memref_slice %arg3[%dma_wait3A_325, %add3A, %dma_wait3A_330, %dma_wait3A_331] : memref<2x32x80x125xi32, #tpu.memory_space<hbm>> -> memref<1x1x80x125xi32, #tpu.memory_space<hbm>>
    %dma_wait3A_333 = tpu.memref_squeeze %dma_wait3A_332 : memref<1x1x80x125xi32, #tpu.memory_space<hbm>> -> memref<80x125xi32, #tpu.memory_space<hbm>>
    tpu.wait_dma2 semaphore(%arg13 : memref<!tpu.dma_semaphore, #tpu.memory_space<semaphore_mem>>) src(%dma_wait3A_333 : memref<80x125xi32, #tpu.memory_space<hbm>>) dst(%arg7 : memref<80x125xi32, #tpu.memory_space<vmem>>)
    %barrier3A = arith.constant 0 : index
    tpu.barrier barrier_id(%barrier3A)
    %dma_start3A_334 = arith.constant 0 : i32
    %dma_start3A_335 = arith.constant 0 : i32
    %dma_start3A_336 = arith.constant 0 : i32
    %dma_start3A_337 = arith.constant 0 : i32
    %dma_start3A_338 = tpu.memref_slice %arg8[%dma_start3A_335, %dma_start3A_336, %dma_start3A_337] : memref<8x125x16xf32, #tpu.memory_space<vmem>> -> memref<1x125x16xf32, #tpu.memory_space<vmem>>
    %dma_start3A_339 = tpu.memref_squeeze %dma_start3A_338 : memref<1x125x16xf32, #tpu.memory_space<vmem>> -> memref<125x16xf32, #tpu.memory_space<vmem>>
    %dma_start3A_340 = arith.constant 0 : i32
    %dma_start3A_341 = tpu.memref_slice %arg6[%dma_start3A_334, %dma_start3A_340] : memref<80x125xi32, #tpu.memory_space<vmem>> -> memref<1x125xi32, #tpu.memory_space<vmem>>
    %dma_start3A_342 = tpu.memref_squeeze %dma_start3A_341 : memref<1x125xi32, #tpu.memory_space<vmem>> -> memref<125xi32, #tpu.memory_space<vmem>>
    %dma_start3A_343 = arith.constant 0 : i32
    %dma_start3A_344 = arith.constant 0 : i32
    %dma_start3A_345 = tpu.memref_slice %arg11[%dma_start3A_343, %dma_start3A_344] : memref<10112x16xf32, #tpu.memory_space<vmem_shared>> -> memref<10112x16xf32, #tpu.memory_space<vmem_shared>>
    tpu.enqueue_indirect_dma source(%dma_start3A_345 : memref<10112x16xf32, #tpu.memory_space<vmem_shared>>) target(%dma_start3A_339 : memref<125x16xf32, #tpu.memory_space<vmem>>) offsets(%dma_start3A_342 : memref<125xi32, #tpu.memory_space<vmem>>) semaphore(%arg12 : memref<!tpu.dma_semaphore, #tpu.memory_space<semaphore_mem>>)
    %dma_start3A_346 = arith.constant 1 : i32
    %dma_start3A_347 = arith.constant 1 : i32
    %dma_start3A_348 = arith.constant 0 : i32
    %dma_start3A_349 = arith.constant 0 : i32
    %dma_start3A_350 = tpu.memref_slice %arg8[%dma_start3A_347, %dma_start3A_348, %dma_start3A_349] : memref<8x125x16xf32, #tpu.memory_space<vmem>> -> memref<1x125x16xf32, #tpu.memory_space<vmem>>
    %dma_start3A_351 = tpu.memref_squeeze %dma_start3A_350 : memref<1x125x16xf32, #tpu.memory_space<vmem>> -> memref<125x16xf32, #tpu.memory_space<vmem>>
    %dma_start3A_352 = arith.constant 0 : i32
    %dma_start3A_353 = tpu.memref_slice %arg6[%dma_start3A_346, %dma_start3A_352] : memref<80x125xi32, #tpu.memory_space<vmem>> -> memref<1x125xi32, #tpu.memory_space<vmem>>
    %dma_start3A_354 = tpu.memref_squeeze %dma_start3A_353 : memref<1x125xi32, #tpu.memory_space<vmem>> -> memref<125xi32, #tpu.memory_space<vmem>>
    %dma_start3A_355 = arith.constant 0 : i32
    %dma_start3A_356 = arith.constant 0 : i32
    %dma_start3A_357 = tpu.memref_slice %arg11[%dma_start3A_355, %dma_start3A_356] : memref<10112x16xf32, #tpu.memory_space<vmem_shared>> -> memref<10112x16xf32, #tpu.memory_space<vmem_shared>>
    tpu.enqueue_indirect_dma source(%dma_start3A_357 : memref<10112x16xf32, #tpu.memory_space<vmem_shared>>) target(%dma_start3A_351 : memref<125x16xf32, #tpu.memory_space<vmem>>) offsets(%dma_start3A_354 : memref<125xi32, #tpu.memory_space<vmem>>) semaphore(%arg13 : memref<!tpu.dma_semaphore, #tpu.memory_space<semaphore_mem>>)
    %dma_start3A_358 = arith.constant 2 : i32
    %dma_start3A_359 = arith.constant 2 : i32
    %dma_start3A_360 = arith.constant 0 : i32
    %dma_start3A_361 = arith.constant 0 : i32
    %dma_start3A_362 = tpu.memref_slice %arg8[%dma_start3A_359, %dma_start3A_360, %dma_start3A_361] : memref<8x125x16xf32, #tpu.memory_space<vmem>> -> memref<1x125x16xf32, #tpu.memory_space<vmem>>
    %dma_start3A_363 = tpu.memref_squeeze %dma_start3A_362 : memref<1x125x16xf32, #tpu.memory_space<vmem>> -> memref<125x16xf32, #tpu.memory_space<vmem>>
    %dma_start3A_364 = arith.constant 0 : i32
    %dma_start3A_365 = tpu.memref_slice %arg6[%dma_start3A_358, %dma_start3A_364] : memref<80x125xi32, #tpu.memory_space<vmem>> -> memref<1x125xi32, #tpu.memory_space<vmem>>
    %dma_start3A_366 = tpu.memref_squeeze %dma_start3A_365 : memref<1x125xi32, #tpu.memory_space<vmem>> -> memref<125xi32, #tpu.memory_space<vmem>>
    %dma_start3A_367 = arith.constant 0 : i32
    %dma_start3A_368 = arith.constant 0 : i32
    %dma_start3A_369 = tpu.memref_slice %arg11[%dma_start3A_367, %dma_start3A_368] : memref<10112x16xf32, #tpu.memory_space<vmem_shared>> -> memref<10112x16xf32, #tpu.memory_space<vmem_shared>>
    tpu.enqueue_indirect_dma source(%dma_start3A_369 : memref<10112x16xf32, #tpu.memory_space<vmem_shared>>) target(%dma_start3A_363 : memref<125x16xf32, #tpu.memory_space<vmem>>) offsets(%dma_start3A_366 : memref<125xi32, #tpu.memory_space<vmem>>) semaphore(%arg14 : memref<!tpu.dma_semaphore, #tpu.memory_space<semaphore_mem>>)
    %dma_start3A_370 = arith.constant 3 : i32
    %dma_start3A_371 = arith.constant 3 : i32
    %dma_start3A_372 = arith.constant 0 : i32
    %dma_start3A_373 = arith.constant 0 : i32
    %dma_start3A_374 = tpu.memref_slice %arg8[%dma_start3A_371, %dma_start3A_372, %dma_start3A_373] : memref<8x125x16xf32, #tpu.memory_space<vmem>> -> memref<1x125x16xf32, #tpu.memory_space<vmem>>
    %dma_start3A_375 = tpu.memref_squeeze %dma_start3A_374 : memref<1x125x16xf32, #tpu.memory_space<vmem>> -> memref<125x16xf32, #tpu.memory_space<vmem>>
    %dma_start3A_376 = arith.constant 0 : i32
    %dma_start3A_377 = tpu.memref_slice %arg6[%dma_start3A_370, %dma_start3A_376] : memref<80x125xi32, #tpu.memory_space<vmem>> -> memref<1x125xi32, #tpu.memory_space<vmem>>
    %dma_start3A_378 = tpu.memref_squeeze %dma_start3A_377 : memref<1x125xi32, #tpu.memory_space<vmem>> -> memref<125xi32, #tpu.memory_space<vmem>>
    %dma_start3A_379 = arith.constant 0 : i32
    %dma_start3A_380 = arith.constant 0 : i32
    %dma_start3A_381 = tpu.memref_slice %arg11[%dma_start3A_379, %dma_start3A_380] : memref<10112x16xf32, #tpu.memory_space<vmem_shared>> -> memref<10112x16xf32, #tpu.memory_space<vmem_shared>>
    tpu.enqueue_indirect_dma source(%dma_start3A_381 : memref<10112x16xf32, #tpu.memory_space<vmem_shared>>) target(%dma_start3A_375 : memref<125x16xf32, #tpu.memory_space<vmem>>) offsets(%dma_start3A_378 : memref<125xi32, #tpu.memory_space<vmem>>) semaphore(%arg15 : memref<!tpu.dma_semaphore, #tpu.memory_space<semaphore_mem>>)
    %dma_start3A_382 = arith.constant 4 : i32
    %dma_start3A_383 = arith.constant 4 : i32
    %dma_start3A_384 = arith.constant 0 : i32
    %dma_start3A_385 = arith.constant 0 : i32
    %dma_start3A_386 = tpu.memref_slice %arg8[%dma_start3A_383, %dma_start3A_384, %dma_start3A_385] : memref<8x125x16xf32, #tpu.memory_space<vmem>> -> memref<1x125x16xf32, #tpu.memory_space<vmem>>
    %dma_start3A_387 = tpu.memref_squeeze %dma_start3A_386 : memref<1x125x16xf32, #tpu.memory_space<vmem>> -> memref<125x16xf32, #tpu.memory_space<vmem>>
    %dma_start3A_388 = arith.constant 0 : i32
    %dma_start3A_389 = tpu.memref_slice %arg6[%dma_start3A_382, %dma_start3A_388] : memref<80x125xi32, #tpu.memory_space<vmem>> -> memref<1x125xi32, #tpu.memory_space<vmem>>
    %dma_start3A_390 = tpu.memref_squeeze %dma_start3A_389 : memref<1x125xi32, #tpu.memory_space<vmem>> -> memref<125xi32, #tpu.memory_space<vmem>>
    %dma_start3A_391 = arith.constant 0 : i32
    %dma_start3A_392 = arith.constant 0 : i32
    %dma_start3A_393 = tpu.memref_slice %arg11[%dma_start3A_391, %dma_start3A_392] : memref<10112x16xf32, #tpu.memory_space<vmem_shared>> -> memref<10112x16xf32, #tpu.memory_space<vmem_shared>>
    tpu.enqueue_indirect_dma source(%dma_start3A_393 : memref<10112x16xf32, #tpu.memory_space<vmem_shared>>) target(%dma_start3A_387 : memref<125x16xf32, #tpu.memory_space<vmem>>) offsets(%dma_start3A_390 : memref<125xi32, #tpu.memory_space<vmem>>) semaphore(%arg16 : memref<!tpu.dma_semaphore, #tpu.memory_space<semaphore_mem>>)
    %dma_start3A_394 = arith.constant 5 : i32
    %dma_start3A_395 = arith.constant 5 : i32
    %dma_start3A_396 = arith.constant 0 : i32
    %dma_start3A_397 = arith.constant 0 : i32
    %dma_start3A_398 = tpu.memref_slice %arg8[%dma_start3A_395, %dma_start3A_396, %dma_start3A_397] : memref<8x125x16xf32, #tpu.memory_space<vmem>> -> memref<1x125x16xf32, #tpu.memory_space<vmem>>
    %dma_start3A_399 = tpu.memref_squeeze %dma_start3A_398 : memref<1x125x16xf32, #tpu.memory_space<vmem>> -> memref<125x16xf32, #tpu.memory_space<vmem>>
    %dma_start3A_400 = arith.constant 0 : i32
    %dma_start3A_401 = tpu.memref_slice %arg6[%dma_start3A_394, %dma_start3A_400] : memref<80x125xi32, #tpu.memory_space<vmem>> -> memref<1x125xi32, #tpu.memory_space<vmem>>
    %dma_start3A_402 = tpu.memref_squeeze %dma_start3A_401 : memref<1x125xi32, #tpu.memory_space<vmem>> -> memref<125xi32, #tpu.memory_space<vmem>>
    %dma_start3A_403 = arith.constant 0 : i32
    %dma_start3A_404 = arith.constant 0 : i32
    %dma_start3A_405 = tpu.memref_slice %arg11[%dma_start3A_403, %dma_start3A_404] : memref<10112x16xf32, #tpu.memory_space<vmem_shared>> -> memref<10112x16xf32, #tpu.memory_space<vmem_shared>>
    tpu.enqueue_indirect_dma source(%dma_start3A_405 : memref<10112x16xf32, #tpu.memory_space<vmem_shared>>) target(%dma_start3A_399 : memref<125x16xf32, #tpu.memory_space<vmem>>) offsets(%dma_start3A_402 : memref<125xi32, #tpu.memory_space<vmem>>) semaphore(%arg17 : memref<!tpu.dma_semaphore, #tpu.memory_space<semaphore_mem>>)
    %dma_start3A_406 = arith.constant 6 : i32
    %dma_start3A_407 = arith.constant 6 : i32
    %dma_start3A_408 = arith.constant 0 : i32
    %dma_start3A_409 = arith.constant 0 : i32
    %dma_start3A_410 = tpu.memref_slice %arg8[%dma_start3A_407, %dma_start3A_408, %dma_start3A_409] : memref<8x125x16xf32, #tpu.memory_space<vmem>> -> memref<1x125x16xf32, #tpu.memory_space<vmem>>
    %dma_start3A_411 = tpu.memref_squeeze %dma_start3A_410 : memref<1x125x16xf32, #tpu.memory_space<vmem>> -> memref<125x16xf32, #tpu.memory_space<vmem>>
    %dma_start3A_412 = arith.constant 0 : i32
    %dma_start3A_413 = tpu.memref_slice %arg6[%dma_start3A_406, %dma_start3A_412] : memref<80x125xi32, #tpu.memory_space<vmem>> -> memref<1x125xi32, #tpu.memory_space<vmem>>
    %dma_start3A_414 = tpu.memref_squeeze %dma_start3A_413 : memref<1x125xi32, #tpu.memory_space<vmem>> -> memref<125xi32, #tpu.memory_space<vmem>>
    %dma_start3A_415 = arith.constant 0 : i32
    %dma_start3A_416 = arith.constant 0 : i32
    %dma_start3A_417 = tpu.memref_slice %arg11[%dma_start3A_415, %dma_start3A_416] : memref<10112x16xf32, #tpu.memory_space<vmem_shared>> -> memref<10112x16xf32, #tpu.memory_space<vmem_shared>>
    tpu.enqueue_indirect_dma source(%dma_start3A_417 : memref<10112x16xf32, #tpu.memory_space<vmem_shared>>) target(%dma_start3A_411 : memref<125x16xf32, #tpu.memory_space<vmem>>) offsets(%dma_start3A_414 : memref<125xi32, #tpu.memory_space<vmem>>) semaphore(%arg18 : memref<!tpu.dma_semaphore, #tpu.memory_space<semaphore_mem>>)
    %dma_start3A_418 = arith.constant 7 : i32
    %dma_start3A_419 = arith.constant 7 : i32
    %dma_start3A_420 = arith.constant 0 : i32
    %dma_start3A_421 = arith.constant 0 : i32
    %dma_start3A_422 = tpu.memref_slice %arg8[%dma_start3A_419, %dma_start3A_420, %dma_start3A_421] : memref<8x125x16xf32, #tpu.memory_space<vmem>> -> memref<1x125x16xf32, #tpu.memory_space<vmem>>
    %dma_start3A_423 = tpu.memref_squeeze %dma_start3A_422 : memref<1x125x16xf32, #tpu.memory_space<vmem>> -> memref<125x16xf32, #tpu.memory_space<vmem>>
    %dma_start3A_424 = arith.constant 0 : i32
    %dma_start3A_425 = tpu.memref_slice %arg6[%dma_start3A_418, %dma_start3A_424] : memref<80x125xi32, #tpu.memory_space<vmem>> -> memref<1x125xi32, #tpu.memory_space<vmem>>
    %dma_start3A_426 = tpu.memref_squeeze %dma_start3A_425 : memref<1x125xi32, #tpu.memory_space<vmem>> -> memref<125xi32, #tpu.memory_space<vmem>>
    %dma_start3A_427 = arith.constant 0 : i32
    %dma_start3A_428 = arith.constant 0 : i32
    %dma_start3A_429 = tpu.memref_slice %arg11[%dma_start3A_427, %dma_start3A_428] : memref<10112x16xf32, #tpu.memory_space<vmem_shared>> -> memref<10112x16xf32, #tpu.memory_space<vmem_shared>>
    tpu.enqueue_indirect_dma source(%dma_start3A_429 : memref<10112x16xf32, #tpu.memory_space<vmem_shared>>) target(%dma_start3A_423 : memref<125x16xf32, #tpu.memory_space<vmem>>) offsets(%dma_start3A_426 : memref<125xi32, #tpu.memory_space<vmem>>) semaphore(%arg19 : memref<!tpu.dma_semaphore, #tpu.memory_space<semaphore_mem>>)
    %scan3A_430 = arith.constant 0 : i32
    %scan3A_431 = arith.constant 0 : i32
    %scan3A_432 = arith.constant 10 : i32
    %scan3A_433 = arith.addi %scan3A_431, %scan3A_432 : i32
    %scan3A_434 = arith.constant 1 : i32
    scf.for %scan3A_445 = %scan3A_431 to %scan3A_433 step %scan3A_434  : i32 {
      %mul3A_446 = arith.constant 8 : i32
      %mul3A_447 = arith.muli %scan3A_445, %mul3A_446 : i32
      %add3A_448 = arith.constant 0 : i32
      %add3A_449 = arith.addi %mul3A_447, %add3A_448 : i32
      %dma_wait3A_450 = arith.constant 0 : i32
      %dma_wait3A_451 = arith.constant 0 : i32
      %dma_wait3A_452 = arith.constant 0 : i32
      %dma_wait3A_453 = tpu.memref_slice %arg8[%dma_wait3A_450, %dma_wait3A_451, %dma_wait3A_452] : memref<8x125x16xf32, #tpu.memory_space<vmem>> -> memref<1x125x16xf32, #tpu.memory_space<vmem>>
      %dma_wait3A_454 = tpu.memref_squeeze %dma_wait3A_453 : memref<1x125x16xf32, #tpu.memory_space<vmem>> -> memref<125x16xf32, #tpu.memory_space<vmem>>
      %dma_wait3A_455 = arith.constant 0 : i32
      %dma_wait3A_456 = tpu.memref_slice %arg6[%add3A_449, %dma_wait3A_455] : memref<80x125xi32, #tpu.memory_space<vmem>> -> memref<1x125xi32, #tpu.memory_space<vmem>>
      %dma_wait3A_457 = tpu.memref_squeeze %dma_wait3A_456 : memref<1x125xi32, #tpu.memory_space<vmem>> -> memref<125xi32, #tpu.memory_space<vmem>>
      %dma_wait3A_458 = arith.constant 0 : i32
      %dma_wait3A_459 = arith.constant 0 : i32
      %dma_wait3A_460 = tpu.memref_slice %arg11[%dma_wait3A_458, %dma_wait3A_459] : memref<10112x16xf32, #tpu.memory_space<vmem_shared>> -> memref<10112x16xf32, #tpu.memory_space<vmem_shared>>
      tpu.wait_indirect_dma semaphore(%arg12 : memref<!tpu.dma_semaphore, #tpu.memory_space<semaphore_mem>>) src(%dma_wait3A_460 : memref<10112x16xf32, #tpu.memory_space<vmem_shared>>) dst(%dma_wait3A_454 : memref<125x16xf32, #tpu.memory_space<vmem>>)
      %dma_start3A_461 = arith.constant 0 : i32
      %dma_start3A_462 = arith.constant 0 : i32
      %dma_start3A_463 = arith.constant 0 : i32
      %dma_start3A_464 = tpu.memref_slice %arg8[%dma_start3A_461, %dma_start3A_462, %dma_start3A_463] : memref<8x125x16xf32, #tpu.memory_space<vmem>> -> memref<1x125x16xf32, #tpu.memory_space<vmem>>
      %dma_start3A_465 = tpu.memref_squeeze %dma_start3A_464 : memref<1x125x16xf32, #tpu.memory_space<vmem>> -> memref<125x16xf32, #tpu.memory_space<vmem>>
      %dma_start3A_466 = arith.constant 0 : i32
      %dma_start3A_467 = tpu.memref_slice %arg7[%add3A_449, %dma_start3A_466] : memref<80x125xi32, #tpu.memory_space<vmem>> -> memref<1x125xi32, #tpu.memory_space<vmem>>
      %dma_start3A_468 = tpu.memref_squeeze %dma_start3A_467 : memref<1x125xi32, #tpu.memory_space<vmem>> -> memref<125xi32, #tpu.memory_space<vmem>>
      %dma_start3A_469 = arith.constant 0 : i32
      %dma_start3A_470 = arith.constant 0 : i32
      %dma_start3A_471 = tpu.memref_slice %arg10[%dma_start3A_469, %dma_start3A_470] : memref<10112x16xf32, #tpu.memory_space<vmem_shared>> -> memref<10112x16xf32, #tpu.memory_space<vmem_shared>>
      tpu.enqueue_indirect_dma source(%dma_start3A_465 : memref<125x16xf32, #tpu.memory_space<vmem>>) target(%dma_start3A_471 : memref<10112x16xf32, #tpu.memory_space<vmem_shared>>) offsets(%dma_start3A_468 : memref<125xi32, #tpu.memory_space<vmem>>) semaphore(%arg20 : memref<!tpu.dma_semaphore, #tpu.memory_space<semaphore_mem>>) {add = true}
      %add3A_472 = arith.constant 1 : i32
      %add3A_473 = arith.addi %mul3A_447, %add3A_472 : i32
      %dma_wait3A_474 = arith.constant 1 : i32
      %dma_wait3A_475 = arith.constant 0 : i32
      %dma_wait3A_476 = arith.constant 0 : i32
      %dma_wait3A_477 = tpu.memref_slice %arg8[%dma_wait3A_474, %dma_wait3A_475, %dma_wait3A_476] : memref<8x125x16xf32, #tpu.memory_space<vmem>> -> memref<1x125x16xf32, #tpu.memory_space<vmem>>
      %dma_wait3A_478 = tpu.memref_squeeze %dma_wait3A_477 : memref<1x125x16xf32, #tpu.memory_space<vmem>> -> memref<125x16xf32, #tpu.memory_space<vmem>>
      %dma_wait3A_479 = arith.constant 0 : i32
      %dma_wait3A_480 = tpu.memref_slice %arg6[%add3A_473, %dma_wait3A_479] : memref<80x125xi32, #tpu.memory_space<vmem>> -> memref<1x125xi32, #tpu.memory_space<vmem>>
      %dma_wait3A_481 = tpu.memref_squeeze %dma_wait3A_480 : memref<1x125xi32, #tpu.memory_space<vmem>> -> memref<125xi32, #tpu.memory_space<vmem>>
      %dma_wait3A_482 = arith.constant 0 : i32
      %dma_wait3A_483 = arith.constant 0 : i32
      %dma_wait3A_484 = tpu.memref_slice %arg11[%dma_wait3A_482, %dma_wait3A_483] : memref<10112x16xf32, #tpu.memory_space<vmem_shared>> -> memref<10112x16xf32, #tpu.memory_space<vmem_shared>>
      tpu.wait_indirect_dma semaphore(%arg13 : memref<!tpu.dma_semaphore, #tpu.memory_space<semaphore_mem>>) src(%dma_wait3A_484 : memref<10112x16xf32, #tpu.memory_space<vmem_shared>>) dst(%dma_wait3A_478 : memref<125x16xf32, #tpu.memory_space<vmem>>)
      %dma_start3A_485 = arith.constant 1 : i32
      %dma_start3A_486 = arith.constant 0 : i32
      %dma_start3A_487 = arith.constant 0 : i32
      %dma_start3A_488 = tpu.memref_slice %arg8[%dma_start3A_485, %dma_start3A_486, %dma_start3A_487] : memref<8x125x16xf32, #tpu.memory_space<vmem>> -> memref<1x125x16xf32, #tpu.memory_space<vmem>>
      %dma_start3A_489 = tpu.memref_squeeze %dma_start3A_488 : memref<1x125x16xf32, #tpu.memory_space<vmem>> -> memref<125x16xf32, #tpu.memory_space<vmem>>
      %dma_start3A_490 = arith.constant 0 : i32
      %dma_start3A_491 = tpu.memref_slice %arg7[%add3A_473, %dma_start3A_490] : memref<80x125xi32, #tpu.memory_space<vmem>> -> memref<1x125xi32, #tpu.memory_space<vmem>>
      %dma_start3A_492 = tpu.memref_squeeze %dma_start3A_491 : memref<1x125xi32, #tpu.memory_space<vmem>> -> memref<125xi32, #tpu.memory_space<vmem>>
      %dma_start3A_493 = arith.constant 0 : i32
      %dma_start3A_494 = arith.constant 0 : i32
      %dma_start3A_495 = tpu.memref_slice %arg10[%dma_start3A_493, %dma_start3A_494] : memref<10112x16xf32, #tpu.memory_space<vmem_shared>> -> memref<10112x16xf32, #tpu.memory_space<vmem_shared>>
      tpu.enqueue_indirect_dma source(%dma_start3A_489 : memref<125x16xf32, #tpu.memory_space<vmem>>) target(%dma_start3A_495 : memref<10112x16xf32, #tpu.memory_space<vmem_shared>>) offsets(%dma_start3A_492 : memref<125xi32, #tpu.memory_space<vmem>>) semaphore(%arg21 : memref<!tpu.dma_semaphore, #tpu.memory_space<semaphore_mem>>) {add = true}
      %add3A_496 = arith.constant 2 : i32
      %add3A_497 = arith.addi %mul3A_447, %add3A_496 : i32
      %dma_wait3A_498 = arith.constant 2 : i32
      %dma_wait3A_499 = arith.constant 0 : i32
      %dma_wait3A_500 = arith.constant 0 : i32
      %dma_wait3A_501 = tpu.memref_slice %arg8[%dma_wait3A_498, %dma_wait3A_499, %dma_wait3A_500] : memref<8x125x16xf32, #tpu.memory_space<vmem>> -> memref<1x125x16xf32, #tpu.memory_space<vmem>>
      %dma_wait3A_502 = tpu.memref_squeeze %dma_wait3A_501 : memref<1x125x16xf32, #tpu.memory_space<vmem>> -> memref<125x16xf32, #tpu.memory_space<vmem>>
      %dma_wait3A_503 = arith.constant 0 : i32
      %dma_wait3A_504 = tpu.memref_slice %arg6[%add3A_497, %dma_wait3A_503] : memref<80x125xi32, #tpu.memory_space<vmem>> -> memref<1x125xi32, #tpu.memory_space<vmem>>
      %dma_wait3A_505 = tpu.memref_squeeze %dma_wait3A_504 : memref<1x125xi32, #tpu.memory_space<vmem>> -> memref<125xi32, #tpu.memory_space<vmem>>
      %dma_wait3A_506 = arith.constant 0 : i32
      %dma_wait3A_507 = arith.constant 0 : i32
      %dma_wait3A_508 = tpu.memref_slice %arg11[%dma_wait3A_506, %dma_wait3A_507] : memref<10112x16xf32, #tpu.memory_space<vmem_shared>> -> memref<10112x16xf32, #tpu.memory_space<vmem_shared>>
      tpu.wait_indirect_dma semaphore(%arg14 : memref<!tpu.dma_semaphore, #tpu.memory_space<semaphore_mem>>) src(%dma_wait3A_508 : memref<10112x16xf32, #tpu.memory_space<vmem_shared>>) dst(%dma_wait3A_502 : memref<125x16xf32, #tpu.memory_space<vmem>>)
      %dma_start3A_509 = arith.constant 2 : i32
      %dma_start3A_510 = arith.constant 0 : i32
      %dma_start3A_511 = arith.constant 0 : i32
      %dma_start3A_512 = tpu.memref_slice %arg8[%dma_start3A_509, %dma_start3A_510, %dma_start3A_511] : memref<8x125x16xf32, #tpu.memory_space<vmem>> -> memref<1x125x16xf32, #tpu.memory_space<vmem>>
      %dma_start3A_513 = tpu.memref_squeeze %dma_start3A_512 : memref<1x125x16xf32, #tpu.memory_space<vmem>> -> memref<125x16xf32, #tpu.memory_space<vmem>>
      %dma_start3A_514 = arith.constant 0 : i32
      %dma_start3A_515 = tpu.memref_slice %arg7[%add3A_497, %dma_start3A_514] : memref<80x125xi32, #tpu.memory_space<vmem>> -> memref<1x125xi32, #tpu.memory_space<vmem>>
      %dma_start3A_516 = tpu.memref_squeeze %dma_start3A_515 : memref<1x125xi32, #tpu.memory_space<vmem>> -> memref<125xi32, #tpu.memory_space<vmem>>
      %dma_start3A_517 = arith.constant 0 : i32
      %dma_start3A_518 = arith.constant 0 : i32
      %dma_start3A_519 = tpu.memref_slice %arg10[%dma_start3A_517, %dma_start3A_518] : memref<10112x16xf32, #tpu.memory_space<vmem_shared>> -> memref<10112x16xf32, #tpu.memory_space<vmem_shared>>
      tpu.enqueue_indirect_dma source(%dma_start3A_513 : memref<125x16xf32, #tpu.memory_space<vmem>>) target(%dma_start3A_519 : memref<10112x16xf32, #tpu.memory_space<vmem_shared>>) offsets(%dma_start3A_516 : memref<125xi32, #tpu.memory_space<vmem>>) semaphore(%arg22 : memref<!tpu.dma_semaphore, #tpu.memory_space<semaphore_mem>>) {add = true}
      %add3A_520 = arith.constant 3 : i32
      %add3A_521 = arith.addi %mul3A_447, %add3A_520 : i32
      %dma_wait3A_522 = arith.constant 3 : i32
      %dma_wait3A_523 = arith.constant 0 : i32
      %dma_wait3A_524 = arith.constant 0 : i32
      %dma_wait3A_525 = tpu.memref_slice %arg8[%dma_wait3A_522, %dma_wait3A_523, %dma_wait3A_524] : memref<8x125x16xf32, #tpu.memory_space<vmem>> -> memref<1x125x16xf32, #tpu.memory_space<vmem>>
      %dma_wait3A_526 = tpu.memref_squeeze %dma_wait3A_525 : memref<1x125x16xf32, #tpu.memory_space<vmem>> -> memref<125x16xf32, #tpu.memory_space<vmem>>
      %dma_wait3A_527 = arith.constant 0 : i32
      %dma_wait3A_528 = tpu.memref_slice %arg6[%add3A_521, %dma_wait3A_527] : memref<80x125xi32, #tpu.memory_space<vmem>> -> memref<1x125xi32, #tpu.memory_space<vmem>>
      %dma_wait3A_529 = tpu.memref_squeeze %dma_wait3A_528 : memref<1x125xi32, #tpu.memory_space<vmem>> -> memref<125xi32, #tpu.memory_space<vmem>>
      %dma_wait3A_530 = arith.constant 0 : i32
      %dma_wait3A_531 = arith.constant 0 : i32
      %dma_wait3A_532 = tpu.memref_slice %arg11[%dma_wait3A_530, %dma_wait3A_531] : memref<10112x16xf32, #tpu.memory_space<vmem_shared>> -> memref<10112x16xf32, #tpu.memory_space<vmem_shared>>
      tpu.wait_indirect_dma semaphore(%arg15 : memref<!tpu.dma_semaphore, #tpu.memory_space<semaphore_mem>>) src(%dma_wait3A_532 : memref<10112x16xf32, #tpu.memory_space<vmem_shared>>) dst(%dma_wait3A_526 : memref<125x16xf32, #tpu.memory_space<vmem>>)
      %dma_start3A_533 = arith.constant 3 : i32
      %dma_start3A_534 = arith.constant 0 : i32
      %dma_start3A_535 = arith.constant 0 : i32
      %dma_start3A_536 = tpu.memref_slice %arg8[%dma_start3A_533, %dma_start3A_534, %dma_start3A_535] : memref<8x125x16xf32, #tpu.memory_space<vmem>> -> memref<1x125x16xf32, #tpu.memory_space<vmem>>
      %dma_start3A_537 = tpu.memref_squeeze %dma_start3A_536 : memref<1x125x16xf32, #tpu.memory_space<vmem>> -> memref<125x16xf32, #tpu.memory_space<vmem>>
      %dma_start3A_538 = arith.constant 0 : i32
      %dma_start3A_539 = tpu.memref_slice %arg7[%add3A_521, %dma_start3A_538] : memref<80x125xi32, #tpu.memory_space<vmem>> -> memref<1x125xi32, #tpu.memory_space<vmem>>
      %dma_start3A_540 = tpu.memref_squeeze %dma_start3A_539 : memref<1x125xi32, #tpu.memory_space<vmem>> -> memref<125xi32, #tpu.memory_space<vmem>>
      %dma_start3A_541 = arith.constant 0 : i32
      %dma_start3A_542 = arith.constant 0 : i32
      %dma_start3A_543 = tpu.memref_slice %arg10[%dma_start3A_541, %dma_start3A_542] : memref<10112x16xf32, #tpu.memory_space<vmem_shared>> -> memref<10112x16xf32, #tpu.memory_space<vmem_shared>>
      tpu.enqueue_indirect_dma source(%dma_start3A_537 : memref<125x16xf32, #tpu.memory_space<vmem>>) target(%dma_start3A_543 : memref<10112x16xf32, #tpu.memory_space<vmem_shared>>) offsets(%dma_start3A_540 : memref<125xi32, #tpu.memory_space<vmem>>) semaphore(%arg23 : memref<!tpu.dma_semaphore, #tpu.memory_space<semaphore_mem>>) {add = true}
      %add3A_544 = arith.constant 4 : i32
      %add3A_545 = arith.addi %mul3A_447, %add3A_544 : i32
      %dma_wait3A_546 = arith.constant 4 : i32
      %dma_wait3A_547 = arith.constant 0 : i32
      %dma_wait3A_548 = arith.constant 0 : i32
      %dma_wait3A_549 = tpu.memref_slice %arg8[%dma_wait3A_546, %dma_wait3A_547, %dma_wait3A_548] : memref<8x125x16xf32, #tpu.memory_space<vmem>> -> memref<1x125x16xf32, #tpu.memory_space<vmem>>
      %dma_wait3A_550 = tpu.memref_squeeze %dma_wait3A_549 : memref<1x125x16xf32, #tpu.memory_space<vmem>> -> memref<125x16xf32, #tpu.memory_space<vmem>>
      %dma_wait3A_551 = arith.constant 0 : i32
      %dma_wait3A_552 = tpu.memref_slice %arg6[%add3A_545, %dma_wait3A_551] : memref<80x125xi32, #tpu.memory_space<vmem>> -> memref<1x125xi32, #tpu.memory_space<vmem>>
      %dma_wait3A_553 = tpu.memref_squeeze %dma_wait3A_552 : memref<1x125xi32, #tpu.memory_space<vmem>> -> memref<125xi32, #tpu.memory_space<vmem>>
      %dma_wait3A_554 = arith.constant 0 : i32
      %dma_wait3A_555 = arith.constant 0 : i32
      %dma_wait3A_556 = tpu.memref_slice %arg11[%dma_wait3A_554, %dma_wait3A_555] : memref<10112x16xf32, #tpu.memory_space<vmem_shared>> -> memref<10112x16xf32, #tpu.memory_space<vmem_shared>>
      tpu.wait_indirect_dma semaphore(%arg16 : memref<!tpu.dma_semaphore, #tpu.memory_space<semaphore_mem>>) src(%dma_wait3A_556 : memref<10112x16xf32, #tpu.memory_space<vmem_shared>>) dst(%dma_wait3A_550 : memref<125x16xf32, #tpu.memory_space<vmem>>)
      %dma_start3A_557 = arith.constant 4 : i32
      %dma_start3A_558 = arith.constant 0 : i32
      %dma_start3A_559 = arith.constant 0 : i32
      %dma_start3A_560 = tpu.memref_slice %arg8[%dma_start3A_557, %dma_start3A_558, %dma_start3A_559] : memref<8x125x16xf32, #tpu.memory_space<vmem>> -> memref<1x125x16xf32, #tpu.memory_space<vmem>>
      %dma_start3A_561 = tpu.memref_squeeze %dma_start3A_560 : memref<1x125x16xf32, #tpu.memory_space<vmem>> -> memref<125x16xf32, #tpu.memory_space<vmem>>
      %dma_start3A_562 = arith.constant 0 : i32
      %dma_start3A_563 = tpu.memref_slice %arg7[%add3A_545, %dma_start3A_562] : memref<80x125xi32, #tpu.memory_space<vmem>> -> memref<1x125xi32, #tpu.memory_space<vmem>>
      %dma_start3A_564 = tpu.memref_squeeze %dma_start3A_563 : memref<1x125xi32, #tpu.memory_space<vmem>> -> memref<125xi32, #tpu.memory_space<vmem>>
      %dma_start3A_565 = arith.constant 0 : i32
      %dma_start3A_566 = arith.constant 0 : i32
      %dma_start3A_567 = tpu.memref_slice %arg10[%dma_start3A_565, %dma_start3A_566] : memref<10112x16xf32, #tpu.memory_space<vmem_shared>> -> memref<10112x16xf32, #tpu.memory_space<vmem_shared>>
      tpu.enqueue_indirect_dma source(%dma_start3A_561 : memref<125x16xf32, #tpu.memory_space<vmem>>) target(%dma_start3A_567 : memref<10112x16xf32, #tpu.memory_space<vmem_shared>>) offsets(%dma_start3A_564 : memref<125xi32, #tpu.memory_space<vmem>>) semaphore(%arg24 : memref<!tpu.dma_semaphore, #tpu.memory_space<semaphore_mem>>) {add = true}
      %add3A_568 = arith.constant 5 : i32
      %add3A_569 = arith.addi %mul3A_447, %add3A_568 : i32
      %dma_wait3A_570 = arith.constant 5 : i32
      %dma_wait3A_571 = arith.constant 0 : i32
      %dma_wait3A_572 = arith.constant 0 : i32
      %dma_wait3A_573 = tpu.memref_slice %arg8[%dma_wait3A_570, %dma_wait3A_571, %dma_wait3A_572] : memref<8x125x16xf32, #tpu.memory_space<vmem>> -> memref<1x125x16xf32, #tpu.memory_space<vmem>>
      %dma_wait3A_574 = tpu.memref_squeeze %dma_wait3A_573 : memref<1x125x16xf32, #tpu.memory_space<vmem>> -> memref<125x16xf32, #tpu.memory_space<vmem>>
      %dma_wait3A_575 = arith.constant 0 : i32
      %dma_wait3A_576 = tpu.memref_slice %arg6[%add3A_569, %dma_wait3A_575] : memref<80x125xi32, #tpu.memory_space<vmem>> -> memref<1x125xi32, #tpu.memory_space<vmem>>
      %dma_wait3A_577 = tpu.memref_squeeze %dma_wait3A_576 : memref<1x125xi32, #tpu.memory_space<vmem>> -> memref<125xi32, #tpu.memory_space<vmem>>
      %dma_wait3A_578 = arith.constant 0 : i32
      %dma_wait3A_579 = arith.constant 0 : i32
      %dma_wait3A_580 = tpu.memref_slice %arg11[%dma_wait3A_578, %dma_wait3A_579] : memref<10112x16xf32, #tpu.memory_space<vmem_shared>> -> memref<10112x16xf32, #tpu.memory_space<vmem_shared>>
      tpu.wait_indirect_dma semaphore(%arg17 : memref<!tpu.dma_semaphore, #tpu.memory_space<semaphore_mem>>) src(%dma_wait3A_580 : memref<10112x16xf32, #tpu.memory_space<vmem_shared>>) dst(%dma_wait3A_574 : memref<125x16xf32, #tpu.memory_space<vmem>>)
      %dma_start3A_581 = arith.constant 5 : i32
      %dma_start3A_582 = arith.constant 0 : i32
      %dma_start3A_583 = arith.constant 0 : i32
      %dma_start3A_584 = tpu.memref_slice %arg8[%dma_start3A_581, %dma_start3A_582, %dma_start3A_583] : memref<8x125x16xf32, #tpu.memory_space<vmem>> -> memref<1x125x16xf32, #tpu.memory_space<vmem>>
      %dma_start3A_585 = tpu.memref_squeeze %dma_start3A_584 : memref<1x125x16xf32, #tpu.memory_space<vmem>> -> memref<125x16xf32, #tpu.memory_space<vmem>>
      %dma_start3A_586 = arith.constant 0 : i32
      %dma_start3A_587 = tpu.memref_slice %arg7[%add3A_569, %dma_start3A_586] : memref<80x125xi32, #tpu.memory_space<vmem>> -> memref<1x125xi32, #tpu.memory_space<vmem>>
      %dma_start3A_588 = tpu.memref_squeeze %dma_start3A_587 : memref<1x125xi32, #tpu.memory_space<vmem>> -> memref<125xi32, #tpu.memory_space<vmem>>
      %dma_start3A_589 = arith.constant 0 : i32
      %dma_start3A_590 = arith.constant 0 : i32
      %dma_start3A_591 = tpu.memref_slice %arg10[%dma_start3A_589, %dma_start3A_590] : memref<10112x16xf32, #tpu.memory_space<vmem_shared>> -> memref<10112x16xf32, #tpu.memory_space<vmem_shared>>
      tpu.enqueue_indirect_dma source(%dma_start3A_585 : memref<125x16xf32, #tpu.memory_space<vmem>>) target(%dma_start3A_591 : memref<10112x16xf32, #tpu.memory_space<vmem_shared>>) offsets(%dma_start3A_588 : memref<125xi32, #tpu.memory_space<vmem>>) semaphore(%arg25 : memref<!tpu.dma_semaphore, #tpu.memory_space<semaphore_mem>>) {add = true}
      %add3A_592 = arith.constant 6 : i32
      %add3A_593 = arith.addi %mul3A_447, %add3A_592 : i32
      %dma_wait3A_594 = arith.constant 6 : i32
      %dma_wait3A_595 = arith.constant 0 : i32
      %dma_wait3A_596 = arith.constant 0 : i32
      %dma_wait3A_597 = tpu.memref_slice %arg8[%dma_wait3A_594, %dma_wait3A_595, %dma_wait3A_596] : memref<8x125x16xf32, #tpu.memory_space<vmem>> -> memref<1x125x16xf32, #tpu.memory_space<vmem>>
      %dma_wait3A_598 = tpu.memref_squeeze %dma_wait3A_597 : memref<1x125x16xf32, #tpu.memory_space<vmem>> -> memref<125x16xf32, #tpu.memory_space<vmem>>
      %dma_wait3A_599 = arith.constant 0 : i32
      %dma_wait3A_600 = tpu.memref_slice %arg6[%add3A_593, %dma_wait3A_599] : memref<80x125xi32, #tpu.memory_space<vmem>> -> memref<1x125xi32, #tpu.memory_space<vmem>>
      %dma_wait3A_601 = tpu.memref_squeeze %dma_wait3A_600 : memref<1x125xi32, #tpu.memory_space<vmem>> -> memref<125xi32, #tpu.memory_space<vmem>>
      %dma_wait3A_602 = arith.constant 0 : i32
      %dma_wait3A_603 = arith.constant 0 : i32
      %dma_wait3A_604 = tpu.memref_slice %arg11[%dma_wait3A_602, %dma_wait3A_603] : memref<10112x16xf32, #tpu.memory_space<vmem_shared>> -> memref<10112x16xf32, #tpu.memory_space<vmem_shared>>
      tpu.wait_indirect_dma semaphore(%arg18 : memref<!tpu.dma_semaphore, #tpu.memory_space<semaphore_mem>>) src(%dma_wait3A_604 : memref<10112x16xf32, #tpu.memory_space<vmem_shared>>) dst(%dma_wait3A_598 : memref<125x16xf32, #tpu.memory_space<vmem>>)
      %dma_start3A_605 = arith.constant 6 : i32
      %dma_start3A_606 = arith.constant 0 : i32
      %dma_start3A_607 = arith.constant 0 : i32
      %dma_start3A_608 = tpu.memref_slice %arg8[%dma_start3A_605, %dma_start3A_606, %dma_start3A_607] : memref<8x125x16xf32, #tpu.memory_space<vmem>> -> memref<1x125x16xf32, #tpu.memory_space<vmem>>
      %dma_start3A_609 = tpu.memref_squeeze %dma_start3A_608 : memref<1x125x16xf32, #tpu.memory_space<vmem>> -> memref<125x16xf32, #tpu.memory_space<vmem>>
      %dma_start3A_610 = arith.constant 0 : i32
      %dma_start3A_611 = tpu.memref_slice %arg7[%add3A_593, %dma_start3A_610] : memref<80x125xi32, #tpu.memory_space<vmem>> -> memref<1x125xi32, #tpu.memory_space<vmem>>
      %dma_start3A_612 = tpu.memref_squeeze %dma_start3A_611 : memref<1x125xi32, #tpu.memory_space<vmem>> -> memref<125xi32, #tpu.memory_space<vmem>>
      %dma_start3A_613 = arith.constant 0 : i32
      %dma_start3A_614 = arith.constant 0 : i32
      %dma_start3A_615 = tpu.memref_slice %arg10[%dma_start3A_613, %dma_start3A_614] : memref<10112x16xf32, #tpu.memory_space<vmem_shared>> -> memref<10112x16xf32, #tpu.memory_space<vmem_shared>>
      tpu.enqueue_indirect_dma source(%dma_start3A_609 : memref<125x16xf32, #tpu.memory_space<vmem>>) target(%dma_start3A_615 : memref<10112x16xf32, #tpu.memory_space<vmem_shared>>) offsets(%dma_start3A_612 : memref<125xi32, #tpu.memory_space<vmem>>) semaphore(%arg26 : memref<!tpu.dma_semaphore, #tpu.memory_space<semaphore_mem>>) {add = true}
      %add3A_616 = arith.constant 7 : i32
      %add3A_617 = arith.addi %mul3A_447, %add3A_616 : i32
      %dma_wait3A_618 = arith.constant 7 : i32
      %dma_wait3A_619 = arith.constant 0 : i32
      %dma_wait3A_620 = arith.constant 0 : i32
      %dma_wait3A_621 = tpu.memref_slice %arg8[%dma_wait3A_618, %dma_wait3A_619, %dma_wait3A_620] : memref<8x125x16xf32, #tpu.memory_space<vmem>> -> memref<1x125x16xf32, #tpu.memory_space<vmem>>
      %dma_wait3A_622 = tpu.memref_squeeze %dma_wait3A_621 : memref<1x125x16xf32, #tpu.memory_space<vmem>> -> memref<125x16xf32, #tpu.memory_space<vmem>>
      %dma_wait3A_623 = arith.constant 0 : i32
      %dma_wait3A_624 = tpu.memref_slice %arg6[%add3A_617, %dma_wait3A_623] : memref<80x125xi32, #tpu.memory_space<vmem>> -> memref<1x125xi32, #tpu.memory_space<vmem>>
      %dma_wait3A_625 = tpu.memref_squeeze %dma_wait3A_624 : memref<1x125xi32, #tpu.memory_space<vmem>> -> memref<125xi32, #tpu.memory_space<vmem>>
      %dma_wait3A_626 = arith.constant 0 : i32
      %dma_wait3A_627 = arith.constant 0 : i32
      %dma_wait3A_628 = tpu.memref_slice %arg11[%dma_wait3A_626, %dma_wait3A_627] : memref<10112x16xf32, #tpu.memory_space<vmem_shared>> -> memref<10112x16xf32, #tpu.memory_space<vmem_shared>>
      tpu.wait_indirect_dma semaphore(%arg19 : memref<!tpu.dma_semaphore, #tpu.memory_space<semaphore_mem>>) src(%dma_wait3A_628 : memref<10112x16xf32, #tpu.memory_space<vmem_shared>>) dst(%dma_wait3A_622 : memref<125x16xf32, #tpu.memory_space<vmem>>)
      %dma_start3A_629 = arith.constant 7 : i32
      %dma_start3A_630 = arith.constant 0 : i32
      %dma_start3A_631 = arith.constant 0 : i32
      %dma_start3A_632 = tpu.memref_slice %arg8[%dma_start3A_629, %dma_start3A_630, %dma_start3A_631] : memref<8x125x16xf32, #tpu.memory_space<vmem>> -> memref<1x125x16xf32, #tpu.memory_space<vmem>>
      %dma_start3A_633 = tpu.memref_squeeze %dma_start3A_632 : memref<1x125x16xf32, #tpu.memory_space<vmem>> -> memref<125x16xf32, #tpu.memory_space<vmem>>
      %dma_start3A_634 = arith.constant 0 : i32
      %dma_start3A_635 = tpu.memref_slice %arg7[%add3A_617, %dma_start3A_634] : memref<80x125xi32, #tpu.memory_space<vmem>> -> memref<1x125xi32, #tpu.memory_space<vmem>>
      %dma_start3A_636 = tpu.memref_squeeze %dma_start3A_635 : memref<1x125xi32, #tpu.memory_space<vmem>> -> memref<125xi32, #tpu.memory_space<vmem>>
      %dma_start3A_637 = arith.constant 0 : i32
      %dma_start3A_638 = arith.constant 0 : i32
      %dma_start3A_639 = tpu.memref_slice %arg10[%dma_start3A_637, %dma_start3A_638] : memref<10112x16xf32, #tpu.memory_space<vmem_shared>> -> memref<10112x16xf32, #tpu.memory_space<vmem_shared>>
      tpu.enqueue_indirect_dma source(%dma_start3A_633 : memref<125x16xf32, #tpu.memory_space<vmem>>) target(%dma_start3A_639 : memref<10112x16xf32, #tpu.memory_space<vmem_shared>>) offsets(%dma_start3A_636 : memref<125xi32, #tpu.memory_space<vmem>>) semaphore(%arg27 : memref<!tpu.dma_semaphore, #tpu.memory_space<semaphore_mem>>) {add = true}
      %add3A_640 = arith.constant 0 : i32
      %add3A_641 = arith.addi %mul3A_447, %add3A_640 : i32
      %get3A = arith.index_cast %add3A_641 : i32 to index
      %get3A_642 = arith.constant 0 : index
      %get3A_643 = tpu.vector_load %arg7[%get3A, %get3A_642] {strides = array<i32>} : memref<80x125xi32, #tpu.memory_space<vmem>>, vector<16xi32>,
      %shift_right_logical3A = arith.constant 4 : i32
      %shift_right_logical3A_644 = vector.broadcast %shift_right_logical3A : i32 to vector<16xi32>
      %shift_right_logical3A_645 = arith.shrui %get3A_643, %shift_right_logical3A_644 : vector<16xi32>
      %and3A = arith.constant 15 : i32
      %and3A_646 = vector.broadcast %and3A : i32 to vector<16xi32>
      %and3A_647 = arith.andi %get3A_643, %and3A_646 : vector<16xi32>
      tpu.vector_store_idx %arg28[%shift_right_logical3A_645, %and3A_647], %broadcast_in_dim3A_3 {add = true} : memref<640x16xf32, #tpu.memory_space<vmem>>[vector<16xi32>, vector<16xi32>], vector<16xf32>,
      %get3A_648 = arith.index_cast %add3A_641 : i32 to index
      %get3A_649 = arith.constant 16 : index
      %get3A_650 = tpu.vector_load %arg7[%get3A_648, %get3A_649] {strides = array<i32>} : memref<80x125xi32, #tpu.memory_space<vmem>>, vector<16xi32>,
      %shift_right_logical3A_651 = arith.constant 4 : i32
      %shift_right_logical3A_652 = vector.broadcast %shift_right_logical3A_651 : i32 to vector<16xi32>
      %shift_right_logical3A_653 = arith.shrui %get3A_650, %shift_right_logical3A_652 : vector<16xi32>
      %and3A_654 = arith.constant 15 : i32
      %and3A_655 = vector.broadcast %and3A_654 : i32 to vector<16xi32>
      %and3A_656 = arith.andi %get3A_650, %and3A_655 : vector<16xi32>
      tpu.vector_store_idx %arg28[%shift_right_logical3A_653, %and3A_656], %broadcast_in_dim3A_3 {add = true} : memref<640x16xf32, #tpu.memory_space<vmem>>[vector<16xi32>, vector<16xi32>], vector<16xf32>,
      %get3A_657 = arith.index_cast %add3A_641 : i32 to index
      %get3A_658 = arith.constant 32 : index
      %get3A_659 = tpu.vector_load %arg7[%get3A_657, %get3A_658] {strides = array<i32>} : memref<80x125xi32, #tpu.memory_space<vmem>>, vector<16xi32>,
      %shift_right_logical3A_660 = arith.constant 4 : i32
      %shift_right_logical3A_661 = vector.broadcast %shift_right_logical3A_660 : i32 to vector<16xi32>
      %shift_right_logical3A_662 = arith.shrui %get3A_659, %shift_right_logical3A_661 : vector<16xi32>
      %and3A_663 = arith.constant 15 : i32
      %and3A_664 = vector.broadcast %and3A_663 : i32 to vector<16xi32>
      %and3A_665 = arith.andi %get3A_659, %and3A_664 : vector<16xi32>
      tpu.vector_store_idx %arg28[%shift_right_logical3A_662, %and3A_665], %broadcast_in_dim3A_3 {add = true} : memref<640x16xf32, #tpu.memory_space<vmem>>[vector<16xi32>, vector<16xi32>], vector<16xf32>,
      %get3A_666 = arith.index_cast %add3A_641 : i32 to index
      %get3A_667 = arith.constant 48 : index
      %get3A_668 = tpu.vector_load %arg7[%get3A_666, %get3A_667] {strides = array<i32>} : memref<80x125xi32, #tpu.memory_space<vmem>>, vector<16xi32>,
      %shift_right_logical3A_669 = arith.constant 4 : i32
      %shift_right_logical3A_670 = vector.broadcast %shift_right_logical3A_669 : i32 to vector<16xi32>
      %shift_right_logical3A_671 = arith.shrui %get3A_668, %shift_right_logical3A_670 : vector<16xi32>
      %and3A_672 = arith.constant 15 : i32
      %and3A_673 = vector.broadcast %and3A_672 : i32 to vector<16xi32>
      %and3A_674 = arith.andi %get3A_668, %and3A_673 : vector<16xi32>
      tpu.vector_store_idx %arg28[%shift_right_logical3A_671, %and3A_674], %broadcast_in_dim3A_3 {add = true} : memref<640x16xf32, #tpu.memory_space<vmem>>[vector<16xi32>, vector<16xi32>], vector<16xf32>,
      %get3A_675 = arith.index_cast %add3A_641 : i32 to index
      %get3A_676 = arith.constant 64 : index
      %get3A_677 = tpu.vector_load %arg7[%get3A_675, %get3A_676] {strides = array<i32>} : memref<80x125xi32, #tpu.memory_space<vmem>>, vector<16xi32>,
      %shift_right_logical3A_678 = arith.constant 4 : i32
      %shift_right_logical3A_679 = vector.broadcast %shift_right_logical3A_678 : i32 to vector<16xi32>
      %shift_right_logical3A_680 = arith.shrui %get3A_677, %shift_right_logical3A_679 : vector<16xi32>
      %and3A_681 = arith.constant 15 : i32
      %and3A_682 = vector.broadcast %and3A_681 : i32 to vector<16xi32>
      %and3A_683 = arith.andi %get3A_677, %and3A_682 : vector<16xi32>
      tpu.vector_store_idx %arg28[%shift_right_logical3A_680, %and3A_683], %broadcast_in_dim3A_3 {add = true} : memref<640x16xf32, #tpu.memory_space<vmem>>[vector<16xi32>, vector<16xi32>], vector<16xf32>,
      %get3A_684 = arith.index_cast %add3A_641 : i32 to index
      %get3A_685 = arith.constant 80 : index
      %get3A_686 = tpu.vector_load %arg7[%get3A_684, %get3A_685] {strides = array<i32>} : memref<80x125xi32, #tpu.memory_space<vmem>>, vector<16xi32>,
      %shift_right_logical3A_687 = arith.constant 4 : i32
      %shift_right_logical3A_688 = vector.broadcast %shift_right_logical3A_687 : i32 to vector<16xi32>
      %shift_right_logical3A_689 = arith.shrui %get3A_686, %shift_right_logical3A_688 : vector<16xi32>
      %and3A_690 = arith.constant 15 : i32
      %and3A_691 = vector.broadcast %and3A_690 : i32 to vector<16xi32>
      %and3A_692 = arith.andi %get3A_686, %and3A_691 : vector<16xi32>
      tpu.vector_store_idx %arg28[%shift_right_logical3A_689, %and3A_692], %broadcast_in_dim3A_3 {add = true} : memref<640x16xf32, #tpu.memory_space<vmem>>[vector<16xi32>, vector<16xi32>], vector<16xf32>,
      %get3A_693 = arith.index_cast %add3A_641 : i32 to index
      %get3A_694 = arith.constant 96 : index
      %get3A_695 = tpu.vector_load %arg7[%get3A_693, %get3A_694] {strides = array<i32>} : memref<80x125xi32, #tpu.memory_space<vmem>>, vector<16xi32>,
      %shift_right_logical3A_696 = arith.constant 4 : i32
      %shift_right_logical3A_697 = vector.broadcast %shift_right_logical3A_696 : i32 to vector<16xi32>
      %shift_right_logical3A_698 = arith.shrui %get3A_695, %shift_right_logical3A_697 : vector<16xi32>
      %and3A_699 = arith.constant 15 : i32
      %and3A_700 = vector.broadcast %and3A_699 : i32 to vector<16xi32>
      %and3A_701 = arith.andi %get3A_695, %and3A_700 : vector<16xi32>
      tpu.vector_store_idx %arg28[%shift_right_logical3A_698, %and3A_701], %broadcast_in_dim3A_3 {add = true} : memref<640x16xf32, #tpu.memory_space<vmem>>[vector<16xi32>, vector<16xi32>], vector<16xf32>,
      %get3A_702 = arith.index_cast %add3A_641 : i32 to index
      %get3A_703 = arith.constant 109 : index
      %get3A_704 = tpu.vector_load %arg7[%get3A_702, %get3A_703] {strides = array<i32>} : memref<80x125xi32, #tpu.memory_space<vmem>>, vector<16xi32>,
      %shift_right_logical3A_705 = arith.constant 4 : i32
      %shift_right_logical3A_706 = vector.broadcast %shift_right_logical3A_705 : i32 to vector<16xi32>
      %shift_right_logical3A_707 = arith.shrui %get3A_704, %shift_right_logical3A_706 : vector<16xi32>
      %and3A_708 = arith.constant 15 : i32
      %and3A_709 = vector.broadcast %and3A_708 : i32 to vector<16xi32>
      %and3A_710 = arith.andi %get3A_704, %and3A_709 : vector<16xi32>
      %ge3A = arith.constant 3 : i32
      %ge3A_711 = vector.broadcast %ge3A : i32 to vector<16xi32>
      %ge3A_712 = arith.cmpi sge, %iota3A, %ge3A_711 : vector<16xi32>
      tpu.vector_store_idx %arg28[%shift_right_logical3A_707, %and3A_710], %broadcast_in_dim3A_3 masked %ge3A_712 {add = true} : memref<640x16xf32, #tpu.memory_space<vmem>>[vector<16xi32>, vector<16xi32>], vector<16xf32>, vector<16xi1>
      %add3A_713 = arith.constant 1 : i32
      %add3A_714 = arith.addi %mul3A_447, %add3A_713 : i32
      %get3A_715 = arith.index_cast %add3A_714 : i32 to index
      %get3A_716 = arith.constant 0 : index
      %get3A_717 = tpu.vector_load %arg7[%get3A_715, %get3A_716] {strides = array<i32>} : memref<80x125xi32, #tpu.memory_space<vmem>>, vector<16xi32>,
      %shift_right_logical3A_718 = arith.constant 4 : i32
      %shift_right_logical3A_719 = vector.broadcast %shift_right_logical3A_718 : i32 to vector<16xi32>
      %shift_right_logical3A_720 = arith.shrui %get3A_717, %shift_right_logical3A_719 : vector<16xi32>
      %and3A_721 = arith.constant 15 : i32
      %and3A_722 = vector.broadcast %and3A_721 : i32 to vector<16xi32>
      %and3A_723 = arith.andi %get3A_717, %and3A_722 : vector<16xi32>
      tpu.vector_store_idx %arg28[%shift_right_logical3A_720, %and3A_723], %broadcast_in_dim3A_3 {add = true} : memref<640x16xf32, #tpu.memory_space<vmem>>[vector<16xi32>, vector<16xi32>], vector<16xf32>,
      %get3A_724 = arith.index_cast %add3A_714 : i32 to index
      %get3A_725 = arith.constant 16 : index
      %get3A_726 = tpu.vector_load %arg7[%get3A_724, %get3A_725] {strides = array<i32>} : memref<80x125xi32, #tpu.memory_space<vmem>>, vector<16xi32>,
      %shift_right_logical3A_727 = arith.constant 4 : i32
      %shift_right_logical3A_728 = vector.broadcast %shift_right_logical3A_727 : i32 to vector<16xi32>
      %shift_right_logical3A_729 = arith.shrui %get3A_726, %shift_right_logical3A_728 : vector<16xi32>
      %and3A_730 = arith.constant 15 : i32
      %and3A_731 = vector.broadcast %and3A_730 : i32 to vector<16xi32>
      %and3A_732 = arith.andi %get3A_726, %and3A_731 : vector<16xi32>
      tpu.vector_store_idx %arg28[%shift_right_logical3A_729, %and3A_732], %broadcast_in_dim3A_3 {add = true} : memref<640x16xf32, #tpu.memory_space<vmem>>[vector<16xi32>, vector<16xi32>], vector<16xf32>,
      %get3A_733 = arith.index_cast %add3A_714 : i32 to index
      %get3A_734 = arith.constant 32 : index
      %get3A_735 = tpu.vector_load %arg7[%get3A_733, %get3A_734] {strides = array<i32>} : memref<80x125xi32, #tpu.memory_space<vmem>>, vector<16xi32>,
      %shift_right_logical3A_736 = arith.constant 4 : i32
      %shift_right_logical3A_737 = vector.broadcast %shift_right_logical3A_736 : i32 to vector<16xi32>
      %shift_right_logical3A_738 = arith.shrui %get3A_735, %shift_right_logical3A_737 : vector<16xi32>
      %and3A_739 = arith.constant 15 : i32
      %and3A_740 = vector.broadcast %and3A_739 : i32 to vector<16xi32>
      %and3A_741 = arith.andi %get3A_735, %and3A_740 : vector<16xi32>
      tpu.vector_store_idx %arg28[%shift_right_logical3A_738, %and3A_741], %broadcast_in_dim3A_3 {add = true} : memref<640x16xf32, #tpu.memory_space<vmem>>[vector<16xi32>, vector<16xi32>], vector<16xf32>,
      %get3A_742 = arith.index_cast %add3A_714 : i32 to index
      %get3A_743 = arith.constant 48 : index
      %get3A_744 = tpu.vector_load %arg7[%get3A_742, %get3A_743] {strides = array<i32>} : memref<80x125xi32, #tpu.memory_space<vmem>>, vector<16xi32>,
      %shift_right_logical3A_745 = arith.constant 4 : i32
      %shift_right_logical3A_746 = vector.broadcast %shift_right_logical3A_745 : i32 to vector<16xi32>
      %shift_right_logical3A_747 = arith.shrui %get3A_744, %shift_right_logical3A_746 : vector<16xi32>
      %and3A_748 = arith.constant 15 : i32
      %and3A_749 = vector.broadcast %and3A_748 : i32 to vector<16xi32>
      %and3A_750 = arith.andi %get3A_744, %and3A_749 : vector<16xi32>
      tpu.vector_store_idx %arg28[%shift_right_logical3A_747, %and3A_750], %broadcast_in_dim3A_3 {add = true} : memref<640x16xf32, #tpu.memory_space<vmem>>[vector<16xi32>, vector<16xi32>], vector<16xf32>,
      %get3A_751 = arith.index_cast %add3A_714 : i32 to index
      %get3A_752 = arith.constant 64 : index
      %get3A_753 = tpu.vector_load %arg7[%get3A_751, %get3A_752] {strides = array<i32>} : memref<80x125xi32, #tpu.memory_space<vmem>>, vector<16xi32>,
      %shift_right_logical3A_754 = arith.constant 4 : i32
      %shift_right_logical3A_755 = vector.broadcast %shift_right_logical3A_754 : i32 to vector<16xi32>
      %shift_right_logical3A_756 = arith.shrui %get3A_753, %shift_right_logical3A_755 : vector<16xi32>
      %and3A_757 = arith.constant 15 : i32
      %and3A_758 = vector.broadcast %and3A_757 : i32 to vector<16xi32>
      %and3A_759 = arith.andi %get3A_753, %and3A_758 : vector<16xi32>
      tpu.vector_store_idx %arg28[%shift_right_logical3A_756, %and3A_759], %broadcast_in_dim3A_3 {add = true} : memref<640x16xf32, #tpu.memory_space<vmem>>[vector<16xi32>, vector<16xi32>], vector<16xf32>,
      %get3A_760 = arith.index_cast %add3A_714 : i32 to index
      %get3A_761 = arith.constant 80 : index
      %get3A_762 = tpu.vector_load %arg7[%get3A_760, %get3A_761] {strides = array<i32>} : memref<80x125xi32, #tpu.memory_space<vmem>>, vector<16xi32>,
      %shift_right_logical3A_763 = arith.constant 4 : i32
      %shift_right_logical3A_764 = vector.broadcast %shift_right_logical3A_763 : i32 to vector<16xi32>
      %shift_right_logical3A_765 = arith.shrui %get3A_762, %shift_right_logical3A_764 : vector<16xi32>
      %and3A_766 = arith.constant 15 : i32
      %and3A_767 = vector.broadcast %and3A_766 : i32 to vector<16xi32>
      %and3A_768 = arith.andi %get3A_762, %and3A_767 : vector<16xi32>
      tpu.vector_store_idx %arg28[%shift_right_logical3A_765, %and3A_768], %broadcast_in_dim3A_3 {add = true} : memref<640x16xf32, #tpu.memory_space<vmem>>[vector<16xi32>, vector<16xi32>], vector<16xf32>,
      %get3A_769 = arith.index_cast %add3A_714 : i32 to index
      %get3A_770 = arith.constant 96 : index
      %get3A_771 = tpu.vector_load %arg7[%get3A_769, %get3A_770] {strides = array<i32>} : memref<80x125xi32, #tpu.memory_space<vmem>>, vector<16xi32>,
      %shift_right_logical3A_772 = arith.constant 4 : i32
      %shift_right_logical3A_773 = vector.broadcast %shift_right_logical3A_772 : i32 to vector<16xi32>
      %shift_right_logical3A_774 = arith.shrui %get3A_771, %shift_right_logical3A_773 : vector<16xi32>
      %and3A_775 = arith.constant 15 : i32
      %and3A_776 = vector.broadcast %and3A_775 : i32 to vector<16xi32>
      %and3A_777 = arith.andi %get3A_771, %and3A_776 : vector<16xi32>
      tpu.vector_store_idx %arg28[%shift_right_logical3A_774, %and3A_777], %broadcast_in_dim3A_3 {add = true} : memref<640x16xf32, #tpu.memory_space<vmem>>[vector<16xi32>, vector<16xi32>], vector<16xf32>,
      %get3A_778 = arith.index_cast %add3A_714 : i32 to index
      %get3A_779 = arith.constant 109 : index
      %get3A_780 = tpu.vector_load %arg7[%get3A_778, %get3A_779] {strides = array<i32>} : memref<80x125xi32, #tpu.memory_space<vmem>>, vector<16xi32>,
      %shift_right_logical3A_781 = arith.constant 4 : i32
      %shift_right_logical3A_782 = vector.broadcast %shift_right_logical3A_781 : i32 to vector<16xi32>
      %shift_right_logical3A_783 = arith.shrui %get3A_780, %shift_right_logical3A_782 : vector<16xi32>
      %and3A_784 = arith.constant 15 : i32
      %and3A_785 = vector.broadcast %and3A_784 : i32 to vector<16xi32>
      %and3A_786 = arith.andi %get3A_780, %and3A_785 : vector<16xi32>
      %ge3A_787 = arith.constant 3 : i32
      %ge3A_788 = vector.broadcast %ge3A_787 : i32 to vector<16xi32>
      %ge3A_789 = arith.cmpi sge, %iota3A, %ge3A_788 : vector<16xi32>
      tpu.vector_store_idx %arg28[%shift_right_logical3A_783, %and3A_786], %broadcast_in_dim3A_3 masked %ge3A_789 {add = true} : memref<640x16xf32, #tpu.memory_space<vmem>>[vector<16xi32>, vector<16xi32>], vector<16xf32>, vector<16xi1>
      %add3A_790 = arith.constant 2 : i32
      %add3A_791 = arith.addi %mul3A_447, %add3A_790 : i32
      %get3A_792 = arith.index_cast %add3A_791 : i32 to index
      %get3A_793 = arith.constant 0 : index
      %get3A_794 = tpu.vector_load %arg7[%get3A_792, %get3A_793] {strides = array<i32>} : memref<80x125xi32, #tpu.memory_space<vmem>>, vector<16xi32>,
      %shift_right_logical3A_795 = arith.constant 4 : i32
      %shift_right_logical3A_796 = vector.broadcast %shift_right_logical3A_795 : i32 to vector<16xi32>
      %shift_right_logical3A_797 = arith.shrui %get3A_794, %shift_right_logical3A_796 : vector<16xi32>
      %and3A_798 = arith.constant 15 : i32
      %and3A_799 = vector.broadcast %and3A_798 : i32 to vector<16xi32>
      %and3A_800 = arith.andi %get3A_794, %and3A_799 : vector<16xi32>
      tpu.vector_store_idx %arg28[%shift_right_logical3A_797, %and3A_800], %broadcast_in_dim3A_3 {add = true} : memref<640x16xf32, #tpu.memory_space<vmem>>[vector<16xi32>, vector<16xi32>], vector<16xf32>,
      %get3A_801 = arith.index_cast %add3A_791 : i32 to index
      %get3A_802 = arith.constant 16 : index
      %get3A_803 = tpu.vector_load %arg7[%get3A_801, %get3A_802] {strides = array<i32>} : memref<80x125xi32, #tpu.memory_space<vmem>>, vector<16xi32>,
      %shift_right_logical3A_804 = arith.constant 4 : i32
      %shift_right_logical3A_805 = vector.broadcast %shift_right_logical3A_804 : i32 to vector<16xi32>
      %shift_right_logical3A_806 = arith.shrui %get3A_803, %shift_right_logical3A_805 : vector<16xi32>
      %and3A_807 = arith.constant 15 : i32
      %and3A_808 = vector.broadcast %and3A_807 : i32 to vector<16xi32>
      %and3A_809 = arith.andi %get3A_803, %and3A_808 : vector<16xi32>
      tpu.vector_store_idx %arg28[%shift_right_logical3A_806, %and3A_809], %broadcast_in_dim3A_3 {add = true} : memref<640x16xf32, #tpu.memory_space<vmem>>[vector<16xi32>, vector<16xi32>], vector<16xf32>,
      %get3A_810 = arith.index_cast %add3A_791 : i32 to index
      %get3A_811 = arith.constant 32 : index
      %get3A_812 = tpu.vector_load %arg7[%get3A_810, %get3A_811] {strides = array<i32>} : memref<80x125xi32, #tpu.memory_space<vmem>>, vector<16xi32>,
      %shift_right_logical3A_813 = arith.constant 4 : i32
      %shift_right_logical3A_814 = vector.broadcast %shift_right_logical3A_813 : i32 to vector<16xi32>
      %shift_right_logical3A_815 = arith.shrui %get3A_812, %shift_right_logical3A_814 : vector<16xi32>
      %and3A_816 = arith.constant 15 : i32
      %and3A_817 = vector.broadcast %and3A_816 : i32 to vector<16xi32>
      %and3A_818 = arith.andi %get3A_812, %and3A_817 : vector<16xi32>
      tpu.vector_store_idx %arg28[%shift_right_logical3A_815, %and3A_818], %broadcast_in_dim3A_3 {add = true} : memref<640x16xf32, #tpu.memory_space<vmem>>[vector<16xi32>, vector<16xi32>], vector<16xf32>,
      %get3A_819 = arith.index_cast %add3A_791 : i32 to index
      %get3A_820 = arith.constant 48 : index
      %get3A_821 = tpu.vector_load %arg7[%get3A_819, %get3A_820] {strides = array<i32>} : memref<80x125xi32, #tpu.memory_space<vmem>>, vector<16xi32>,
      %shift_right_logical3A_822 = arith.constant 4 : i32
      %shift_right_logical3A_823 = vector.broadcast %shift_right_logical3A_822 : i32 to vector<16xi32>
      %shift_right_logical3A_824 = arith.shrui %get3A_821, %shift_right_logical3A_823 : vector<16xi32>
      %and3A_825 = arith.constant 15 : i32
      %and3A_826 = vector.broadcast %and3A_825 : i32 to vector<16xi32>
      %and3A_827 = arith.andi %get3A_821, %and3A_826 : vector<16xi32>
      tpu.vector_store_idx %arg28[%shift_right_logical3A_824, %and3A_827], %broadcast_in_dim3A_3 {add = true} : memref<640x16xf32, #tpu.memory_space<vmem>>[vector<16xi32>, vector<16xi32>], vector<16xf32>,
      %get3A_828 = arith.index_cast %add3A_791 : i32 to index
      %get3A_829 = arith.constant 64 : index
      %get3A_830 = tpu.vector_load %arg7[%get3A_828, %get3A_829] {strides = array<i32>} : memref<80x125xi32, #tpu.memory_space<vmem>>, vector<16xi32>,
      %shift_right_logical3A_831 = arith.constant 4 : i32
      %shift_right_logical3A_832 = vector.broadcast %shift_right_logical3A_831 : i32 to vector<16xi32>
      %shift_right_logical3A_833 = arith.shrui %get3A_830, %shift_right_logical3A_832 : vector<16xi32>
      %and3A_834 = arith.constant 15 : i32
      %and3A_835 = vector.broadcast %and3A_834 : i32 to vector<16xi32>
      %and3A_836 = arith.andi %get3A_830, %and3A_835 : vector<16xi32>
      tpu.vector_store_idx %arg28[%shift_right_logical3A_833, %and3A_836], %broadcast_in_dim3A_3 {add = true} : memref<640x16xf32, #tpu.memory_space<vmem>>[vector<16xi32>, vector<16xi32>], vector<16xf32>,
      %get3A_837 = arith.index_cast %add3A_791 : i32 to index
      %get3A_838 = arith.constant 80 : index
      %get3A_839 = tpu.vector_load %arg7[%get3A_837, %get3A_838] {strides = array<i32>} : memref<80x125xi32, #tpu.memory_space<vmem>>, vector<16xi32>,
      %shift_right_logical3A_840 = arith.constant 4 : i32
      %shift_right_logical3A_841 = vector.broadcast %shift_right_logical3A_840 : i32 to vector<16xi32>
      %shift_right_logical3A_842 = arith.shrui %get3A_839, %shift_right_logical3A_841 : vector<16xi32>
      %and3A_843 = arith.constant 15 : i32
      %and3A_844 = vector.broadcast %and3A_843 : i32 to vector<16xi32>
      %and3A_845 = arith.andi %get3A_839, %and3A_844 : vector<16xi32>
      tpu.vector_store_idx %arg28[%shift_right_logical3A_842, %and3A_845], %broadcast_in_dim3A_3 {add = true} : memref<640x16xf32, #tpu.memory_space<vmem>>[vector<16xi32>, vector<16xi32>], vector<16xf32>,
      %get3A_846 = arith.index_cast %add3A_791 : i32 to index
      %get3A_847 = arith.constant 96 : index
      %get3A_848 = tpu.vector_load %arg7[%get3A_846, %get3A_847] {strides = array<i32>} : memref<80x125xi32, #tpu.memory_space<vmem>>, vector<16xi32>,
      %shift_right_logical3A_849 = arith.constant 4 : i32
      %shift_right_logical3A_850 = vector.broadcast %shift_right_logical3A_849 : i32 to vector<16xi32>
      %shift_right_logical3A_851 = arith.shrui %get3A_848, %shift_right_logical3A_850 : vector<16xi32>
      %and3A_852 = arith.constant 15 : i32
      %and3A_853 = vector.broadcast %and3A_852 : i32 to vector<16xi32>
      %and3A_854 = arith.andi %get3A_848, %and3A_853 : vector<16xi32>
      tpu.vector_store_idx %arg28[%shift_right_logical3A_851, %and3A_854], %broadcast_in_dim3A_3 {add = true} : memref<640x16xf32, #tpu.memory_space<vmem>>[vector<16xi32>, vector<16xi32>], vector<16xf32>,
      %get3A_855 = arith.index_cast %add3A_791 : i32 to index
      %get3A_856 = arith.constant 109 : index
      %get3A_857 = tpu.vector_load %arg7[%get3A_855, %get3A_856] {strides = array<i32>} : memref<80x125xi32, #tpu.memory_space<vmem>>, vector<16xi32>,
      %shift_right_logical3A_858 = arith.constant 4 : i32
      %shift_right_logical3A_859 = vector.broadcast %shift_right_logical3A_858 : i32 to vector<16xi32>
      %shift_right_logical3A_860 = arith.shrui %get3A_857, %shift_right_logical3A_859 : vector<16xi32>
      %and3A_861 = arith.constant 15 : i32
      %and3A_862 = vector.broadcast %and3A_861 : i32 to vector<16xi32>
      %and3A_863 = arith.andi %get3A_857, %and3A_862 : vector<16xi32>
      %ge3A_864 = arith.constant 3 : i32
      %ge3A_865 = vector.broadcast %ge3A_864 : i32 to vector<16xi32>
      %ge3A_866 = arith.cmpi sge, %iota3A, %ge3A_865 : vector<16xi32>
      tpu.vector_store_idx %arg28[%shift_right_logical3A_860, %and3A_863], %broadcast_in_dim3A_3 masked %ge3A_866 {add = true} : memref<640x16xf32, #tpu.memory_space<vmem>>[vector<16xi32>, vector<16xi32>], vector<16xf32>, vector<16xi1>
      %add3A_867 = arith.constant 3 : i32
      %add3A_868 = arith.addi %mul3A_447, %add3A_867 : i32
      %get3A_869 = arith.index_cast %add3A_868 : i32 to index
      %get3A_870 = arith.constant 0 : index
      %get3A_871 = tpu.vector_load %arg7[%get3A_869, %get3A_870] {strides = array<i32>} : memref<80x125xi32, #tpu.memory_space<vmem>>, vector<16xi32>,
      %shift_right_logical3A_872 = arith.constant 4 : i32
      %shift_right_logical3A_873 = vector.broadcast %shift_right_logical3A_872 : i32 to vector<16xi32>
      %shift_right_logical3A_874 = arith.shrui %get3A_871, %shift_right_logical3A_873 : vector<16xi32>
      %and3A_875 = arith.constant 15 : i32
      %and3A_876 = vector.broadcast %and3A_875 : i32 to vector<16xi32>
      %and3A_877 = arith.andi %get3A_871, %and3A_876 : vector<16xi32>
      tpu.vector_store_idx %arg28[%shift_right_logical3A_874, %and3A_877], %broadcast_in_dim3A_3 {add = true} : memref<640x16xf32, #tpu.memory_space<vmem>>[vector<16xi32>, vector<16xi32>], vector<16xf32>,
      %get3A_878 = arith.index_cast %add3A_868 : i32 to index
      %get3A_879 = arith.constant 16 : index
      %get3A_880 = tpu.vector_load %arg7[%get3A_878, %get3A_879] {strides = array<i32>} : memref<80x125xi32, #tpu.memory_space<vmem>>, vector<16xi32>,
      %shift_right_logical3A_881 = arith.constant 4 : i32
      %shift_right_logical3A_882 = vector.broadcast %shift_right_logical3A_881 : i32 to vector<16xi32>
      %shift_right_logical3A_883 = arith.shrui %get3A_880, %shift_right_logical3A_882 : vector<16xi32>
      %and3A_884 = arith.constant 15 : i32
      %and3A_885 = vector.broadcast %and3A_884 : i32 to vector<16xi32>
      %and3A_886 = arith.andi %get3A_880, %and3A_885 : vector<16xi32>
      tpu.vector_store_idx %arg28[%shift_right_logical3A_883, %and3A_886], %broadcast_in_dim3A_3 {add = true} : memref<640x16xf32, #tpu.memory_space<vmem>>[vector<16xi32>, vector<16xi32>], vector<16xf32>,
      %get3A_887 = arith.index_cast %add3A_868 : i32 to index
      %get3A_888 = arith.constant 32 : index
      %get3A_889 = tpu.vector_load %arg7[%get3A_887, %get3A_888] {strides = array<i32>} : memref<80x125xi32, #tpu.memory_space<vmem>>, vector<16xi32>,
      %shift_right_logical3A_890 = arith.constant 4 : i32
      %shift_right_logical3A_891 = vector.broadcast %shift_right_logical3A_890 : i32 to vector<16xi32>
      %shift_right_logical3A_892 = arith.shrui %get3A_889, %shift_right_logical3A_891 : vector<16xi32>
      %and3A_893 = arith.constant 15 : i32
      %and3A_894 = vector.broadcast %and3A_893 : i32 to vector<16xi32>
      %and3A_895 = arith.andi %get3A_889, %and3A_894 : vector<16xi32>
      tpu.vector_store_idx %arg28[%shift_right_logical3A_892, %and3A_895], %broadcast_in_dim3A_3 {add = true} : memref<640x16xf32, #tpu.memory_space<vmem>>[vector<16xi32>, vector<16xi32>], vector<16xf32>,
      %get3A_896 = arith.index_cast %add3A_868 : i32 to index
      %get3A_897 = arith.constant 48 : index
      %get3A_898 = tpu.vector_load %arg7[%get3A_896, %get3A_897] {strides = array<i32>} : memref<80x125xi32, #tpu.memory_space<vmem>>, vector<16xi32>,
      %shift_right_logical3A_899 = arith.constant 4 : i32
      %shift_right_logical3A_900 = vector.broadcast %shift_right_logical3A_899 : i32 to vector<16xi32>
      %shift_right_logical3A_901 = arith.shrui %get3A_898, %shift_right_logical3A_900 : vector<16xi32>
      %and3A_902 = arith.constant 15 : i32
      %and3A_903 = vector.broadcast %and3A_902 : i32 to vector<16xi32>
      %and3A_904 = arith.andi %get3A_898, %and3A_903 : vector<16xi32>
      tpu.vector_store_idx %arg28[%shift_right_logical3A_901, %and3A_904], %broadcast_in_dim3A_3 {add = true} : memref<640x16xf32, #tpu.memory_space<vmem>>[vector<16xi32>, vector<16xi32>], vector<16xf32>,
      %get3A_905 = arith.index_cast %add3A_868 : i32 to index
      %get3A_906 = arith.constant 64 : index
      %get3A_907 = tpu.vector_load %arg7[%get3A_905, %get3A_906] {strides = array<i32>} : memref<80x125xi32, #tpu.memory_space<vmem>>, vector<16xi32>,
      %shift_right_logical3A_908 = arith.constant 4 : i32
      %shift_right_logical3A_909 = vector.broadcast %shift_right_logical3A_908 : i32 to vector<16xi32>
      %shift_right_logical3A_910 = arith.shrui %get3A_907, %shift_right_logical3A_909 : vector<16xi32>
      %and3A_911 = arith.constant 15 : i32
      %and3A_912 = vector.broadcast %and3A_911 : i32 to vector<16xi32>
      %and3A_913 = arith.andi %get3A_907, %and3A_912 : vector<16xi32>
      tpu.vector_store_idx %arg28[%shift_right_logical3A_910, %and3A_913], %broadcast_in_dim3A_3 {add = true} : memref<640x16xf32, #tpu.memory_space<vmem>>[vector<16xi32>, vector<16xi32>], vector<16xf32>,
      %get3A_914 = arith.index_cast %add3A_868 : i32 to index
      %get3A_915 = arith.constant 80 : index
      %get3A_916 = tpu.vector_load %arg7[%get3A_914, %get3A_915] {strides = array<i32>} : memref<80x125xi32, #tpu.memory_space<vmem>>, vector<16xi32>,
      %shift_right_logical3A_917 = arith.constant 4 : i32
      %shift_right_logical3A_918 = vector.broadcast %shift_right_logical3A_917 : i32 to vector<16xi32>
      %shift_right_logical3A_919 = arith.shrui %get3A_916, %shift_right_logical3A_918 : vector<16xi32>
      %and3A_920 = arith.constant 15 : i32
      %and3A_921 = vector.broadcast %and3A_920 : i32 to vector<16xi32>
      %and3A_922 = arith.andi %get3A_916, %and3A_921 : vector<16xi32>
      tpu.vector_store_idx %arg28[%shift_right_logical3A_919, %and3A_922], %broadcast_in_dim3A_3 {add = true} : memref<640x16xf32, #tpu.memory_space<vmem>>[vector<16xi32>, vector<16xi32>], vector<16xf32>,
      %get3A_923 = arith.index_cast %add3A_868 : i32 to index
      %get3A_924 = arith.constant 96 : index
      %get3A_925 = tpu.vector_load %arg7[%get3A_923, %get3A_924] {strides = array<i32>} : memref<80x125xi32, #tpu.memory_space<vmem>>, vector<16xi32>,
      %shift_right_logical3A_926 = arith.constant 4 : i32
      %shift_right_logical3A_927 = vector.broadcast %shift_right_logical3A_926 : i32 to vector<16xi32>
      %shift_right_logical3A_928 = arith.shrui %get3A_925, %shift_right_logical3A_927 : vector<16xi32>
      %and3A_929 = arith.constant 15 : i32
      %and3A_930 = vector.broadcast %and3A_929 : i32 to vector<16xi32>
      %and3A_931 = arith.andi %get3A_925, %and3A_930 : vector<16xi32>
      tpu.vector_store_idx %arg28[%shift_right_logical3A_928, %and3A_931], %broadcast_in_dim3A_3 {add = true} : memref<640x16xf32, #tpu.memory_space<vmem>>[vector<16xi32>, vector<16xi32>], vector<16xf32>,
      %get3A_932 = arith.index_cast %add3A_868 : i32 to index
      %get3A_933 = arith.constant 109 : index
      %get3A_934 = tpu.vector_load %arg7[%get3A_932, %get3A_933] {strides = array<i32>} : memref<80x125xi32, #tpu.memory_space<vmem>>, vector<16xi32>,
      %shift_right_logical3A_935 = arith.constant 4 : i32
      %shift_right_logical3A_936 = vector.broadcast %shift_right_logical3A_935 : i32 to vector<16xi32>
      %shift_right_logical3A_937 = arith.shrui %get3A_934, %shift_right_logical3A_936 : vector<16xi32>
      %and3A_938 = arith.constant 15 : i32
      %and3A_939 = vector.broadcast %and3A_938 : i32 to vector<16xi32>
      %and3A_940 = arith.andi %get3A_934, %and3A_939 : vector<16xi32>
      %ge3A_941 = arith.constant 3 : i32
      %ge3A_942 = vector.broadcast %ge3A_941 : i32 to vector<16xi32>
      %ge3A_943 = arith.cmpi sge, %iota3A, %ge3A_942 : vector<16xi32>
      tpu.vector_store_idx %arg28[%shift_right_logical3A_937, %and3A_940], %broadcast_in_dim3A_3 masked %ge3A_943 {add = true} : memref<640x16xf32, #tpu.memory_space<vmem>>[vector<16xi32>, vector<16xi32>], vector<16xf32>, vector<16xi1>
      %add3A_944 = arith.constant 4 : i32
      %add3A_945 = arith.addi %mul3A_447, %add3A_944 : i32
      %get3A_946 = arith.index_cast %add3A_945 : i32 to index
      %get3A_947 = arith.constant 0 : index
      %get3A_948 = tpu.vector_load %arg7[%get3A_946, %get3A_947] {strides = array<i32>} : memref<80x125xi32, #tpu.memory_space<vmem>>, vector<16xi32>,
      %shift_right_logical3A_949 = arith.constant 4 : i32
      %shift_right_logical3A_950 = vector.broadcast %shift_right_logical3A_949 : i32 to vector<16xi32>
      %shift_right_logical3A_951 = arith.shrui %get3A_948, %shift_right_logical3A_950 : vector<16xi32>
      %and3A_952 = arith.constant 15 : i32
      %and3A_953 = vector.broadcast %and3A_952 : i32 to vector<16xi32>
      %and3A_954 = arith.andi %get3A_948, %and3A_953 : vector<16xi32>
      tpu.vector_store_idx %arg28[%shift_right_logical3A_951, %and3A_954], %broadcast_in_dim3A_3 {add = true} : memref<640x16xf32, #tpu.memory_space<vmem>>[vector<16xi32>, vector<16xi32>], vector<16xf32>,
      %get3A_955 = arith.index_cast %add3A_945 : i32 to index
      %get3A_956 = arith.constant 16 : index
      %get3A_957 = tpu.vector_load %arg7[%get3A_955, %get3A_956] {strides = array<i32>} : memref<80x125xi32, #tpu.memory_space<vmem>>, vector<16xi32>,
      %shift_right_logical3A_958 = arith.constant 4 : i32
      %shift_right_logical3A_959 = vector.broadcast %shift_right_logical3A_958 : i32 to vector<16xi32>
      %shift_right_logical3A_960 = arith.shrui %get3A_957, %shift_right_logical3A_959 : vector<16xi32>
      %and3A_961 = arith.constant 15 : i32
      %and3A_962 = vector.broadcast %and3A_961 : i32 to vector<16xi32>
      %and3A_963 = arith.andi %get3A_957, %and3A_962 : vector<16xi32>
      tpu.vector_store_idx %arg28[%shift_right_logical3A_960, %and3A_963], %broadcast_in_dim3A_3 {add = true} : memref<640x16xf32, #tpu.memory_space<vmem>>[vector<16xi32>, vector<16xi32>], vector<16xf32>,
      %get3A_964 = arith.index_cast %add3A_945 : i32 to index
      %get3A_965 = arith.constant 32 : index
      %get3A_966 = tpu.vector_load %arg7[%get3A_964, %get3A_965] {strides = array<i32>} : memref<80x125xi32, #tpu.memory_space<vmem>>, vector<16xi32>,
      %shift_right_logical3A_967 = arith.constant 4 : i32
      %shift_right_logical3A_968 = vector.broadcast %shift_right_logical3A_967 : i32 to vector<16xi32>
      %shift_right_logical3A_969 = arith.shrui %get3A_966, %shift_right_logical3A_968 : vector<16xi32>
      %and3A_970 = arith.constant 15 : i32
      %and3A_971 = vector.broadcast %and3A_970 : i32 to vector<16xi32>
      %and3A_972 = arith.andi %get3A_966, %and3A_971 : vector<16xi32>
      tpu.vector_store_idx %arg28[%shift_right_logical3A_969, %and3A_972], %broadcast_in_dim3A_3 {add = true} : memref<640x16xf32, #tpu.memory_space<vmem>>[vector<16xi32>, vector<16xi32>], vector<16xf32>,
      %get3A_973 = arith.index_cast %add3A_945 : i32 to index
      %get3A_974 = arith.constant 48 : index
      %get3A_975 = tpu.vector_load %arg7[%get3A_973, %get3A_974] {strides = array<i32>} : memref<80x125xi32, #tpu.memory_space<vmem>>, vector<16xi32>,
      %shift_right_logical3A_976 = arith.constant 4 : i32
      %shift_right_logical3A_977 = vector.broadcast %shift_right_logical3A_976 : i32 to vector<16xi32>
      %shift_right_logical3A_978 = arith.shrui %get3A_975, %shift_right_logical3A_977 : vector<16xi32>
      %and3A_979 = arith.constant 15 : i32
      %and3A_980 = vector.broadcast %and3A_979 : i32 to vector<16xi32>
      %and3A_981 = arith.andi %get3A_975, %and3A_980 : vector<16xi32>
      tpu.vector_store_idx %arg28[%shift_right_logical3A_978, %and3A_981], %broadcast_in_dim3A_3 {add = true} : memref<640x16xf32, #tpu.memory_space<vmem>>[vector<16xi32>, vector<16xi32>], vector<16xf32>,
      %get3A_982 = arith.index_cast %add3A_945 : i32 to index
      %get3A_983 = arith.constant 64 : index
      %get3A_984 = tpu.vector_load %arg7[%get3A_982, %get3A_983] {strides = array<i32>} : memref<80x125xi32, #tpu.memory_space<vmem>>, vector<16xi32>,
      %shift_right_logical3A_985 = arith.constant 4 : i32
      %shift_right_logical3A_986 = vector.broadcast %shift_right_logical3A_985 : i32 to vector<16xi32>
      %shift_right_logical3A_987 = arith.shrui %get3A_984, %shift_right_logical3A_986 : vector<16xi32>
      %and3A_988 = arith.constant 15 : i32
      %and3A_989 = vector.broadcast %and3A_988 : i32 to vector<16xi32>
      %and3A_990 = arith.andi %get3A_984, %and3A_989 : vector<16xi32>
      tpu.vector_store_idx %arg28[%shift_right_logical3A_987, %and3A_990], %broadcast_in_dim3A_3 {add = true} : memref<640x16xf32, #tpu.memory_space<vmem>>[vector<16xi32>, vector<16xi32>], vector<16xf32>,
      %get3A_991 = arith.index_cast %add3A_945 : i32 to index
      %get3A_992 = arith.constant 80 : index
      %get3A_993 = tpu.vector_load %arg7[%get3A_991, %get3A_992] {strides = array<i32>} : memref<80x125xi32, #tpu.memory_space<vmem>>, vector<16xi32>,
      %shift_right_logical3A_994 = arith.constant 4 : i32
      %shift_right_logical3A_995 = vector.broadcast %shift_right_logical3A_994 : i32 to vector<16xi32>
      %shift_right_logical3A_996 = arith.shrui %get3A_993, %shift_right_logical3A_995 : vector<16xi32>
      %and3A_997 = arith.constant 15 : i32
      %and3A_998 = vector.broadcast %and3A_997 : i32 to vector<16xi32>
      %and3A_999 = arith.andi %get3A_993, %and3A_998 : vector<16xi32>
      tpu.vector_store_idx %arg28[%shift_right_logical3A_996, %and3A_999], %broadcast_in_dim3A_3 {add = true} : memref<640x16xf32, #tpu.memory_space<vmem>>[vector<16xi32>, vector<16xi32>], vector<16xf32>,
      %get3A_1000 = arith.index_cast %add3A_945 : i32 to index
      %get3A_1001 = arith.constant 96 : index
      %get3A_1002 = tpu.vector_load %arg7[%get3A_1000, %get3A_1001] {strides = array<i32>} : memref<80x125xi32, #tpu.memory_space<vmem>>, vector<16xi32>,
      %shift_right_logical3A_1003 = arith.constant 4 : i32
      %shift_right_logical3A_1004 = vector.broadcast %shift_right_logical3A_1003 : i32 to vector<16xi32>
      %shift_right_logical3A_1005 = arith.shrui %get3A_1002, %shift_right_logical3A_1004 : vector<16xi32>
      %and3A_1006 = arith.constant 15 : i32
      %and3A_1007 = vector.broadcast %and3A_1006 : i32 to vector<16xi32>
      %and3A_1008 = arith.andi %get3A_1002, %and3A_1007 : vector<16xi32>
      tpu.vector_store_idx %arg28[%shift_right_logical3A_1005, %and3A_1008], %broadcast_in_dim3A_3 {add = true} : memref<640x16xf32, #tpu.memory_space<vmem>>[vector<16xi32>, vector<16xi32>], vector<16xf32>,
      %get3A_1009 = arith.index_cast %add3A_945 : i32 to index
      %get3A_1010 = arith.constant 109 : index
      %get3A_1011 = tpu.vector_load %arg7[%get3A_1009, %get3A_1010] {strides = array<i32>} : memref<80x125xi32, #tpu.memory_space<vmem>>, vector<16xi32>,
      %shift_right_logical3A_1012 = arith.constant 4 : i32
      %shift_right_logical3A_1013 = vector.broadcast %shift_right_logical3A_1012 : i32 to vector<16xi32>
      %shift_right_logical3A_1014 = arith.shrui %get3A_1011, %shift_right_logical3A_1013 : vector<16xi32>
      %and3A_1015 = arith.constant 15 : i32
      %and3A_1016 = vector.broadcast %and3A_1015 : i32 to vector<16xi32>
      %and3A_1017 = arith.andi %get3A_1011, %and3A_1016 : vector<16xi32>
      %ge3A_1018 = arith.constant 3 : i32
      %ge3A_1019 = vector.broadcast %ge3A_1018 : i32 to vector<16xi32>
      %ge3A_1020 = arith.cmpi sge, %iota3A, %ge3A_1019 : vector<16xi32>
      tpu.vector_store_idx %arg28[%shift_right_logical3A_1014, %and3A_1017], %broadcast_in_dim3A_3 masked %ge3A_1020 {add = true} : memref<640x16xf32, #tpu.memory_space<vmem>>[vector<16xi32>, vector<16xi32>], vector<16xf32>, vector<16xi1>
      %add3A_1021 = arith.constant 5 : i32
      %add3A_1022 = arith.addi %mul3A_447, %add3A_1021 : i32
      %get3A_1023 = arith.index_cast %add3A_1022 : i32 to index
      %get3A_1024 = arith.constant 0 : index
      %get3A_1025 = tpu.vector_load %arg7[%get3A_1023, %get3A_1024] {strides = array<i32>} : memref<80x125xi32, #tpu.memory_space<vmem>>, vector<16xi32>,
      %shift_right_logical3A_1026 = arith.constant 4 : i32
      %shift_right_logical3A_1027 = vector.broadcast %shift_right_logical3A_1026 : i32 to vector<16xi32>
      %shift_right_logical3A_1028 = arith.shrui %get3A_1025, %shift_right_logical3A_1027 : vector<16xi32>
      %and3A_1029 = arith.constant 15 : i32
      %and3A_1030 = vector.broadcast %and3A_1029 : i32 to vector<16xi32>
      %and3A_1031 = arith.andi %get3A_1025, %and3A_1030 : vector<16xi32>
      tpu.vector_store_idx %arg28[%shift_right_logical3A_1028, %and3A_1031], %broadcast_in_dim3A_3 {add = true} : memref<640x16xf32, #tpu.memory_space<vmem>>[vector<16xi32>, vector<16xi32>], vector<16xf32>,
      %get3A_1032 = arith.index_cast %add3A_1022 : i32 to index
      %get3A_1033 = arith.constant 16 : index
      %get3A_1034 = tpu.vector_load %arg7[%get3A_1032, %get3A_1033] {strides = array<i32>} : memref<80x125xi32, #tpu.memory_space<vmem>>, vector<16xi32>,
      %shift_right_logical3A_1035 = arith.constant 4 : i32
      %shift_right_logical3A_1036 = vector.broadcast %shift_right_logical3A_1035 : i32 to vector<16xi32>
      %shift_right_logical3A_1037 = arith.shrui %get3A_1034, %shift_right_logical3A_1036 : vector<16xi32>
      %and3A_1038 = arith.constant 15 : i32
      %and3A_1039 = vector.broadcast %and3A_1038 : i32 to vector<16xi32>
      %and3A_1040 = arith.andi %get3A_1034, %and3A_1039 : vector<16xi32>
      tpu.vector_store_idx %arg28[%shift_right_logical3A_1037, %and3A_1040], %broadcast_in_dim3A_3 {add = true} : memref<640x16xf32, #tpu.memory_space<vmem>>[vector<16xi32>, vector<16xi32>], vector<16xf32>,
      %get3A_1041 = arith.index_cast %add3A_1022 : i32 to index
      %get3A_1042 = arith.constant 32 : index
      %get3A_1043 = tpu.vector_load %arg7[%get3A_1041, %get3A_1042] {strides = array<i32>} : memref<80x125xi32, #tpu.memory_space<vmem>>, vector<16xi32>,
      %shift_right_logical3A_1044 = arith.constant 4 : i32
      %shift_right_logical3A_1045 = vector.broadcast %shift_right_logical3A_1044 : i32 to vector<16xi32>
      %shift_right_logical3A_1046 = arith.shrui %get3A_1043, %shift_right_logical3A_1045 : vector<16xi32>
      %and3A_1047 = arith.constant 15 : i32
      %and3A_1048 = vector.broadcast %and3A_1047 : i32 to vector<16xi32>
      %and3A_1049 = arith.andi %get3A_1043, %and3A_1048 : vector<16xi32>
      tpu.vector_store_idx %arg28[%shift_right_logical3A_1046, %and3A_1049], %broadcast_in_dim3A_3 {add = true} : memref<640x16xf32, #tpu.memory_space<vmem>>[vector<16xi32>, vector<16xi32>], vector<16xf32>,
      %get3A_1050 = arith.index_cast %add3A_1022 : i32 to index
      %get3A_1051 = arith.constant 48 : index
      %get3A_1052 = tpu.vector_load %arg7[%get3A_1050, %get3A_1051] {strides = array<i32>} : memref<80x125xi32, #tpu.memory_space<vmem>>, vector<16xi32>,
      %shift_right_logical3A_1053 = arith.constant 4 : i32
      %shift_right_logical3A_1054 = vector.broadcast %shift_right_logical3A_1053 : i32 to vector<16xi32>
      %shift_right_logical3A_1055 = arith.shrui %get3A_1052, %shift_right_logical3A_1054 : vector<16xi32>
      %and3A_1056 = arith.constant 15 : i32
      %and3A_1057 = vector.broadcast %and3A_1056 : i32 to vector<16xi32>
      %and3A_1058 = arith.andi %get3A_1052, %and3A_1057 : vector<16xi32>
      tpu.vector_store_idx %arg28[%shift_right_logical3A_1055, %and3A_1058], %broadcast_in_dim3A_3 {add = true} : memref<640x16xf32, #tpu.memory_space<vmem>>[vector<16xi32>, vector<16xi32>], vector<16xf32>,
      %get3A_1059 = arith.index_cast %add3A_1022 : i32 to index
      %get3A_1060 = arith.constant 64 : index
      %get3A_1061 = tpu.vector_load %arg7[%get3A_1059, %get3A_1060] {strides = array<i32>} : memref<80x125xi32, #tpu.memory_space<vmem>>, vector<16xi32>,
      %shift_right_logical3A_1062 = arith.constant 4 : i32
      %shift_right_logical3A_1063 = vector.broadcast %shift_right_logical3A_1062 : i32 to vector<16xi32>
      %shift_right_logical3A_1064 = arith.shrui %get3A_1061, %shift_right_logical3A_1063 : vector<16xi32>
      %and3A_1065 = arith.constant 15 : i32
      %and3A_1066 = vector.broadcast %and3A_1065 : i32 to vector<16xi32>
      %and3A_1067 = arith.andi %get3A_1061, %and3A_1066 : vector<16xi32>
      tpu.vector_store_idx %arg28[%shift_right_logical3A_1064, %and3A_1067], %broadcast_in_dim3A_3 {add = true} : memref<640x16xf32, #tpu.memory_space<vmem>>[vector<16xi32>, vector<16xi32>], vector<16xf32>,
      %get3A_1068 = arith.index_cast %add3A_1022 : i32 to index
      %get3A_1069 = arith.constant 80 : index
      %get3A_1070 = tpu.vector_load %arg7[%get3A_1068, %get3A_1069] {strides = array<i32>} : memref<80x125xi32, #tpu.memory_space<vmem>>, vector<16xi32>,
      %shift_right_logical3A_1071 = arith.constant 4 : i32
      %shift_right_logical3A_1072 = vector.broadcast %shift_right_logical3A_1071 : i32 to vector<16xi32>
      %shift_right_logical3A_1073 = arith.shrui %get3A_1070, %shift_right_logical3A_1072 : vector<16xi32>
      %and3A_1074 = arith.constant 15 : i32
      %and3A_1075 = vector.broadcast %and3A_1074 : i32 to vector<16xi32>
      %and3A_1076 = arith.andi %get3A_1070, %and3A_1075 : vector<16xi32>
      tpu.vector_store_idx %arg28[%shift_right_logical3A_1073, %and3A_1076], %broadcast_in_dim3A_3 {add = true} : memref<640x16xf32, #tpu.memory_space<vmem>>[vector<16xi32>, vector<16xi32>], vector<16xf32>,
      %get3A_1077 = arith.index_cast %add3A_1022 : i32 to index
      %get3A_1078 = arith.constant 96 : index
      %get3A_1079 = tpu.vector_load %arg7[%get3A_1077, %get3A_1078] {strides = array<i32>} : memref<80x125xi32, #tpu.memory_space<vmem>>, vector<16xi32>,
      %shift_right_logical3A_1080 = arith.constant 4 : i32
      %shift_right_logical3A_1081 = vector.broadcast %shift_right_logical3A_1080 : i32 to vector<16xi32>
      %shift_right_logical3A_1082 = arith.shrui %get3A_1079, %shift_right_logical3A_1081 : vector<16xi32>
      %and3A_1083 = arith.constant 15 : i32
      %and3A_1084 = vector.broadcast %and3A_1083 : i32 to vector<16xi32>
      %and3A_1085 = arith.andi %get3A_1079, %and3A_1084 : vector<16xi32>
      tpu.vector_store_idx %arg28[%shift_right_logical3A_1082, %and3A_1085], %broadcast_in_dim3A_3 {add = true} : memref<640x16xf32, #tpu.memory_space<vmem>>[vector<16xi32>, vector<16xi32>], vector<16xf32>,
      %get3A_1086 = arith.index_cast %add3A_1022 : i32 to index
      %get3A_1087 = arith.constant 109 : index
      %get3A_1088 = tpu.vector_load %arg7[%get3A_1086, %get3A_1087] {strides = array<i32>} : memref<80x125xi32, #tpu.memory_space<vmem>>, vector<16xi32>,
      %shift_right_logical3A_1089 = arith.constant 4 : i32
      %shift_right_logical3A_1090 = vector.broadcast %shift_right_logical3A_1089 : i32 to vector<16xi32>
      %shift_right_logical3A_1091 = arith.shrui %get3A_1088, %shift_right_logical3A_1090 : vector<16xi32>
      %and3A_1092 = arith.constant 15 : i32
      %and3A_1093 = vector.broadcast %and3A_1092 : i32 to vector<16xi32>
      %and3A_1094 = arith.andi %get3A_1088, %and3A_1093 : vector<16xi32>
      %ge3A_1095 = arith.constant 3 : i32
      %ge3A_1096 = vector.broadcast %ge3A_1095 : i32 to vector<16xi32>
      %ge3A_1097 = arith.cmpi sge, %iota3A, %ge3A_1096 : vector<16xi32>
      tpu.vector_store_idx %arg28[%shift_right_logical3A_1091, %and3A_1094], %broadcast_in_dim3A_3 masked %ge3A_1097 {add = true} : memref<640x16xf32, #tpu.memory_space<vmem>>[vector<16xi32>, vector<16xi32>], vector<16xf32>, vector<16xi1>
      %add3A_1098 = arith.constant 6 : i32
      %add3A_1099 = arith.addi %mul3A_447, %add3A_1098 : i32
      %get3A_1100 = arith.index_cast %add3A_1099 : i32 to index
      %get3A_1101 = arith.constant 0 : index
      %get3A_1102 = tpu.vector_load %arg7[%get3A_1100, %get3A_1101] {strides = array<i32>} : memref<80x125xi32, #tpu.memory_space<vmem>>, vector<16xi32>,
      %shift_right_logical3A_1103 = arith.constant 4 : i32
      %shift_right_logical3A_1104 = vector.broadcast %shift_right_logical3A_1103 : i32 to vector<16xi32>
      %shift_right_logical3A_1105 = arith.shrui %get3A_1102, %shift_right_logical3A_1104 : vector<16xi32>
      %and3A_1106 = arith.constant 15 : i32
      %and3A_1107 = vector.broadcast %and3A_1106 : i32 to vector<16xi32>
      %and3A_1108 = arith.andi %get3A_1102, %and3A_1107 : vector<16xi32>
      tpu.vector_store_idx %arg28[%shift_right_logical3A_1105, %and3A_1108], %broadcast_in_dim3A_3 {add = true} : memref<640x16xf32, #tpu.memory_space<vmem>>[vector<16xi32>, vector<16xi32>], vector<16xf32>,
      %get3A_1109 = arith.index_cast %add3A_1099 : i32 to index
      %get3A_1110 = arith.constant 16 : index
      %get3A_1111 = tpu.vector_load %arg7[%get3A_1109, %get3A_1110] {strides = array<i32>} : memref<80x125xi32, #tpu.memory_space<vmem>>, vector<16xi32>,
      %shift_right_logical3A_1112 = arith.constant 4 : i32
      %shift_right_logical3A_1113 = vector.broadcast %shift_right_logical3A_1112 : i32 to vector<16xi32>
      %shift_right_logical3A_1114 = arith.shrui %get3A_1111, %shift_right_logical3A_1113 : vector<16xi32>
      %and3A_1115 = arith.constant 15 : i32
      %and3A_1116 = vector.broadcast %and3A_1115 : i32 to vector<16xi32>
      %and3A_1117 = arith.andi %get3A_1111, %and3A_1116 : vector<16xi32>
      tpu.vector_store_idx %arg28[%shift_right_logical3A_1114, %and3A_1117], %broadcast_in_dim3A_3 {add = true} : memref<640x16xf32, #tpu.memory_space<vmem>>[vector<16xi32>, vector<16xi32>], vector<16xf32>,
      %get3A_1118 = arith.index_cast %add3A_1099 : i32 to index
      %get3A_1119 = arith.constant 32 : index
      %get3A_1120 = tpu.vector_load %arg7[%get3A_1118, %get3A_1119] {strides = array<i32>} : memref<80x125xi32, #tpu.memory_space<vmem>>, vector<16xi32>,
      %shift_right_logical3A_1121 = arith.constant 4 : i32
      %shift_right_logical3A_1122 = vector.broadcast %shift_right_logical3A_1121 : i32 to vector<16xi32>
      %shift_right_logical3A_1123 = arith.shrui %get3A_1120, %shift_right_logical3A_1122 : vector<16xi32>
      %and3A_1124 = arith.constant 15 : i32
      %and3A_1125 = vector.broadcast %and3A_1124 : i32 to vector<16xi32>
      %and3A_1126 = arith.andi %get3A_1120, %and3A_1125 : vector<16xi32>
      tpu.vector_store_idx %arg28[%shift_right_logical3A_1123, %and3A_1126], %broadcast_in_dim3A_3 {add = true} : memref<640x16xf32, #tpu.memory_space<vmem>>[vector<16xi32>, vector<16xi32>], vector<16xf32>,
      %get3A_1127 = arith.index_cast %add3A_1099 : i32 to index
      %get3A_1128 = arith.constant 48 : index
      %get3A_1129 = tpu.vector_load %arg7[%get3A_1127, %get3A_1128] {strides = array<i32>} : memref<80x125xi32, #tpu.memory_space<vmem>>, vector<16xi32>,
      %shift_right_logical3A_1130 = arith.constant 4 : i32
      %shift_right_logical3A_1131 = vector.broadcast %shift_right_logical3A_1130 : i32 to vector<16xi32>
      %shift_right_logical3A_1132 = arith.shrui %get3A_1129, %shift_right_logical3A_1131 : vector<16xi32>
      %and3A_1133 = arith.constant 15 : i32
      %and3A_1134 = vector.broadcast %and3A_1133 : i32 to vector<16xi32>
      %and3A_1135 = arith.andi %get3A_1129, %and3A_1134 : vector<16xi32>
      tpu.vector_store_idx %arg28[%shift_right_logical3A_1132, %and3A_1135], %broadcast_in_dim3A_3 {add = true} : memref<640x16xf32, #tpu.memory_space<vmem>>[vector<16xi32>, vector<16xi32>], vector<16xf32>,
      %get3A_1136 = arith.index_cast %add3A_1099 : i32 to index
      %get3A_1137 = arith.constant 64 : index
      %get3A_1138 = tpu.vector_load %arg7[%get3A_1136, %get3A_1137] {strides = array<i32>} : memref<80x125xi32, #tpu.memory_space<vmem>>, vector<16xi32>,
      %shift_right_logical3A_1139 = arith.constant 4 : i32
      %shift_right_logical3A_1140 = vector.broadcast %shift_right_logical3A_1139 : i32 to vector<16xi32>
      %shift_right_logical3A_1141 = arith.shrui %get3A_1138, %shift_right_logical3A_1140 : vector<16xi32>
      %and3A_1142 = arith.constant 15 : i32
      %and3A_1143 = vector.broadcast %and3A_1142 : i32 to vector<16xi32>
      %and3A_1144 = arith.andi %get3A_1138, %and3A_1143 : vector<16xi32>
      tpu.vector_store_idx %arg28[%shift_right_logical3A_1141, %and3A_1144], %broadcast_in_dim3A_3 {add = true} : memref<640x16xf32, #tpu.memory_space<vmem>>[vector<16xi32>, vector<16xi32>], vector<16xf32>,
      %get3A_1145 = arith.index_cast %add3A_1099 : i32 to index
      %get3A_1146 = arith.constant 80 : index
      %get3A_1147 = tpu.vector_load %arg7[%get3A_1145, %get3A_1146] {strides = array<i32>} : memref<80x125xi32, #tpu.memory_space<vmem>>, vector<16xi32>,
      %shift_right_logical3A_1148 = arith.constant 4 : i32
      %shift_right_logical3A_1149 = vector.broadcast %shift_right_logical3A_1148 : i32 to vector<16xi32>
      %shift_right_logical3A_1150 = arith.shrui %get3A_1147, %shift_right_logical3A_1149 : vector<16xi32>
      %and3A_1151 = arith.constant 15 : i32
      %and3A_1152 = vector.broadcast %and3A_1151 : i32 to vector<16xi32>
      %and3A_1153 = arith.andi %get3A_1147, %and3A_1152 : vector<16xi32>
      tpu.vector_store_idx %arg28[%shift_right_logical3A_1150, %and3A_1153], %broadcast_in_dim3A_3 {add = true} : memref<640x16xf32, #tpu.memory_space<vmem>>[vector<16xi32>, vector<16xi32>], vector<16xf32>,
      %get3A_1154 = arith.index_cast %add3A_1099 : i32 to index
      %get3A_1155 = arith.constant 96 : index
      %get3A_1156 = tpu.vector_load %arg7[%get3A_1154, %get3A_1155] {strides = array<i32>} : memref<80x125xi32, #tpu.memory_space<vmem>>, vector<16xi32>,
      %shift_right_logical3A_1157 = arith.constant 4 : i32
      %shift_right_logical3A_1158 = vector.broadcast %shift_right_logical3A_1157 : i32 to vector<16xi32>
      %shift_right_logical3A_1159 = arith.shrui %get3A_1156, %shift_right_logical3A_1158 : vector<16xi32>
      %and3A_1160 = arith.constant 15 : i32
      %and3A_1161 = vector.broadcast %and3A_1160 : i32 to vector<16xi32>
      %and3A_1162 = arith.andi %get3A_1156, %and3A_1161 : vector<16xi32>
      tpu.vector_store_idx %arg28[%shift_right_logical3A_1159, %and3A_1162], %broadcast_in_dim3A_3 {add = true} : memref<640x16xf32, #tpu.memory_space<vmem>>[vector<16xi32>, vector<16xi32>], vector<16xf32>,
      %get3A_1163 = arith.index_cast %add3A_1099 : i32 to index
      %get3A_1164 = arith.constant 109 : index
      %get3A_1165 = tpu.vector_load %arg7[%get3A_1163, %get3A_1164] {strides = array<i32>} : memref<80x125xi32, #tpu.memory_space<vmem>>, vector<16xi32>,
      %shift_right_logical3A_1166 = arith.constant 4 : i32
      %shift_right_logical3A_1167 = vector.broadcast %shift_right_logical3A_1166 : i32 to vector<16xi32>
      %shift_right_logical3A_1168 = arith.shrui %get3A_1165, %shift_right_logical3A_1167 : vector<16xi32>
      %and3A_1169 = arith.constant 15 : i32
      %and3A_1170 = vector.broadcast %and3A_1169 : i32 to vector<16xi32>
      %and3A_1171 = arith.andi %get3A_1165, %and3A_1170 : vector<16xi32>
      %ge3A_1172 = arith.constant 3 : i32
      %ge3A_1173 = vector.broadcast %ge3A_1172 : i32 to vector<16xi32>
      %ge3A_1174 = arith.cmpi sge, %iota3A, %ge3A_1173 : vector<16xi32>
      tpu.vector_store_idx %arg28[%shift_right_logical3A_1168, %and3A_1171], %broadcast_in_dim3A_3 masked %ge3A_1174 {add = true} : memref<640x16xf32, #tpu.memory_space<vmem>>[vector<16xi32>, vector<16xi32>], vector<16xf32>, vector<16xi1>
      %add3A_1175 = arith.constant 7 : i32
      %add3A_1176 = arith.addi %mul3A_447, %add3A_1175 : i32
      %get3A_1177 = arith.index_cast %add3A_1176 : i32 to index
      %get3A_1178 = arith.constant 0 : index
      %get3A_1179 = tpu.vector_load %arg7[%get3A_1177, %get3A_1178] {strides = array<i32>} : memref<80x125xi32, #tpu.memory_space<vmem>>, vector<16xi32>,
      %shift_right_logical3A_1180 = arith.constant 4 : i32
      %shift_right_logical3A_1181 = vector.broadcast %shift_right_logical3A_1180 : i32 to vector<16xi32>
      %shift_right_logical3A_1182 = arith.shrui %get3A_1179, %shift_right_logical3A_1181 : vector<16xi32>
      %and3A_1183 = arith.constant 15 : i32
      %and3A_1184 = vector.broadcast %and3A_1183 : i32 to vector<16xi32>
      %and3A_1185 = arith.andi %get3A_1179, %and3A_1184 : vector<16xi32>
      tpu.vector_store_idx %arg28[%shift_right_logical3A_1182, %and3A_1185], %broadcast_in_dim3A_3 {add = true} : memref<640x16xf32, #tpu.memory_space<vmem>>[vector<16xi32>, vector<16xi32>], vector<16xf32>,
      %get3A_1186 = arith.index_cast %add3A_1176 : i32 to index
      %get3A_1187 = arith.constant 16 : index
      %get3A_1188 = tpu.vector_load %arg7[%get3A_1186, %get3A_1187] {strides = array<i32>} : memref<80x125xi32, #tpu.memory_space<vmem>>, vector<16xi32>,
      %shift_right_logical3A_1189 = arith.constant 4 : i32
      %shift_right_logical3A_1190 = vector.broadcast %shift_right_logical3A_1189 : i32 to vector<16xi32>
      %shift_right_logical3A_1191 = arith.shrui %get3A_1188, %shift_right_logical3A_1190 : vector<16xi32>
      %and3A_1192 = arith.constant 15 : i32
      %and3A_1193 = vector.broadcast %and3A_1192 : i32 to vector<16xi32>
      %and3A_1194 = arith.andi %get3A_1188, %and3A_1193 : vector<16xi32>
      tpu.vector_store_idx %arg28[%shift_right_logical3A_1191, %and3A_1194], %broadcast_in_dim3A_3 {add = true} : memref<640x16xf32, #tpu.memory_space<vmem>>[vector<16xi32>, vector<16xi32>], vector<16xf32>,
      %get3A_1195 = arith.index_cast %add3A_1176 : i32 to index
      %get3A_1196 = arith.constant 32 : index
      %get3A_1197 = tpu.vector_load %arg7[%get3A_1195, %get3A_1196] {strides = array<i32>} : memref<80x125xi32, #tpu.memory_space<vmem>>, vector<16xi32>,
      %shift_right_logical3A_1198 = arith.constant 4 : i32
      %shift_right_logical3A_1199 = vector.broadcast %shift_right_logical3A_1198 : i32 to vector<16xi32>
      %shift_right_logical3A_1200 = arith.shrui %get3A_1197, %shift_right_logical3A_1199 : vector<16xi32>
      %and3A_1201 = arith.constant 15 : i32
      %and3A_1202 = vector.broadcast %and3A_1201 : i32 to vector<16xi32>
      %and3A_1203 = arith.andi %get3A_1197, %and3A_1202 : vector<16xi32>
      tpu.vector_store_idx %arg28[%shift_right_logical3A_1200, %and3A_1203], %broadcast_in_dim3A_3 {add = true} : memref<640x16xf32, #tpu.memory_space<vmem>>[vector<16xi32>, vector<16xi32>], vector<16xf32>,
      %get3A_1204 = arith.index_cast %add3A_1176 : i32 to index
      %get3A_1205 = arith.constant 48 : index
      %get3A_1206 = tpu.vector_load %arg7[%get3A_1204, %get3A_1205] {strides = array<i32>} : memref<80x125xi32, #tpu.memory_space<vmem>>, vector<16xi32>,
      %shift_right_logical3A_1207 = arith.constant 4 : i32
      %shift_right_logical3A_1208 = vector.broadcast %shift_right_logical3A_1207 : i32 to vector<16xi32>
      %shift_right_logical3A_1209 = arith.shrui %get3A_1206, %shift_right_logical3A_1208 : vector<16xi32>
      %and3A_1210 = arith.constant 15 : i32
      %and3A_1211 = vector.broadcast %and3A_1210 : i32 to vector<16xi32>
      %and3A_1212 = arith.andi %get3A_1206, %and3A_1211 : vector<16xi32>
      tpu.vector_store_idx %arg28[%shift_right_logical3A_1209, %and3A_1212], %broadcast_in_dim3A_3 {add = true} : memref<640x16xf32, #tpu.memory_space<vmem>>[vector<16xi32>, vector<16xi32>], vector<16xf32>,
      %get3A_1213 = arith.index_cast %add3A_1176 : i32 to index
      %get3A_1214 = arith.constant 64 : index
      %get3A_1215 = tpu.vector_load %arg7[%get3A_1213, %get3A_1214] {strides = array<i32>} : memref<80x125xi32, #tpu.memory_space<vmem>>, vector<16xi32>,
      %shift_right_logical3A_1216 = arith.constant 4 : i32
      %shift_right_logical3A_1217 = vector.broadcast %shift_right_logical3A_1216 : i32 to vector<16xi32>
      %shift_right_logical3A_1218 = arith.shrui %get3A_1215, %shift_right_logical3A_1217 : vector<16xi32>
      %and3A_1219 = arith.constant 15 : i32
      %and3A_1220 = vector.broadcast %and3A_1219 : i32 to vector<16xi32>
      %and3A_1221 = arith.andi %get3A_1215, %and3A_1220 : vector<16xi32>
      tpu.vector_store_idx %arg28[%shift_right_logical3A_1218, %and3A_1221], %broadcast_in_dim3A_3 {add = true} : memref<640x16xf32, #tpu.memory_space<vmem>>[vector<16xi32>, vector<16xi32>], vector<16xf32>,
      %get3A_1222 = arith.index_cast %add3A_1176 : i32 to index
      %get3A_1223 = arith.constant 80 : index
      %get3A_1224 = tpu.vector_load %arg7[%get3A_1222, %get3A_1223] {strides = array<i32>} : memref<80x125xi32, #tpu.memory_space<vmem>>, vector<16xi32>,
      %shift_right_logical3A_1225 = arith.constant 4 : i32
      %shift_right_logical3A_1226 = vector.broadcast %shift_right_logical3A_1225 : i32 to vector<16xi32>
      %shift_right_logical3A_1227 = arith.shrui %get3A_1224, %shift_right_logical3A_1226 : vector<16xi32>
      %and3A_1228 = arith.constant 15 : i32
      %and3A_1229 = vector.broadcast %and3A_1228 : i32 to vector<16xi32>
      %and3A_1230 = arith.andi %get3A_1224, %and3A_1229 : vector<16xi32>
      tpu.vector_store_idx %arg28[%shift_right_logical3A_1227, %and3A_1230], %broadcast_in_dim3A_3 {add = true} : memref<640x16xf32, #tpu.memory_space<vmem>>[vector<16xi32>, vector<16xi32>], vector<16xf32>,
      %get3A_1231 = arith.index_cast %add3A_1176 : i32 to index
      %get3A_1232 = arith.constant 96 : index
      %get3A_1233 = tpu.vector_load %arg7[%get3A_1231, %get3A_1232] {strides = array<i32>} : memref<80x125xi32, #tpu.memory_space<vmem>>, vector<16xi32>,
      %shift_right_logical3A_1234 = arith.constant 4 : i32
      %shift_right_logical3A_1235 = vector.broadcast %shift_right_logical3A_1234 : i32 to vector<16xi32>
      %shift_right_logical3A_1236 = arith.shrui %get3A_1233, %shift_right_logical3A_1235 : vector<16xi32>
      %and3A_1237 = arith.constant 15 : i32
      %and3A_1238 = vector.broadcast %and3A_1237 : i32 to vector<16xi32>
      %and3A_1239 = arith.andi %get3A_1233, %and3A_1238 : vector<16xi32>
      tpu.vector_store_idx %arg28[%shift_right_logical3A_1236, %and3A_1239], %broadcast_in_dim3A_3 {add = true} : memref<640x16xf32, #tpu.memory_space<vmem>>[vector<16xi32>, vector<16xi32>], vector<16xf32>,
      %get3A_1240 = arith.index_cast %add3A_1176 : i32 to index
      %get3A_1241 = arith.constant 109 : index
      %get3A_1242 = tpu.vector_load %arg7[%get3A_1240, %get3A_1241] {strides = array<i32>} : memref<80x125xi32, #tpu.memory_space<vmem>>, vector<16xi32>,
      %shift_right_logical3A_1243 = arith.constant 4 : i32
      %shift_right_logical3A_1244 = vector.broadcast %shift_right_logical3A_1243 : i32 to vector<16xi32>
      %shift_right_logical3A_1245 = arith.shrui %get3A_1242, %shift_right_logical3A_1244 : vector<16xi32>
      %and3A_1246 = arith.constant 15 : i32
      %and3A_1247 = vector.broadcast %and3A_1246 : i32 to vector<16xi32>
      %and3A_1248 = arith.andi %get3A_1242, %and3A_1247 : vector<16xi32>
      %ge3A_1249 = arith.constant 3 : i32
      %ge3A_1250 = vector.broadcast %ge3A_1249 : i32 to vector<16xi32>
      %ge3A_1251 = arith.cmpi sge, %iota3A, %ge3A_1250 : vector<16xi32>
      tpu.vector_store_idx %arg28[%shift_right_logical3A_1245, %and3A_1248], %broadcast_in_dim3A_3 masked %ge3A_1251 {add = true} : memref<640x16xf32, #tpu.memory_space<vmem>>[vector<16xi32>, vector<16xi32>], vector<16xf32>, vector<16xi1>
      %add3A_1252 = arith.constant 0 : i32
      %add3A_1253 = arith.addi %mul3A_447, %add3A_1252 : i32
      %dma_wait3A_1254 = arith.constant 0 : i32
      %dma_wait3A_1255 = arith.constant 0 : i32
      %dma_wait3A_1256 = arith.constant 0 : i32
      %dma_wait3A_1257 = tpu.memref_slice %arg8[%dma_wait3A_1254, %dma_wait3A_1255, %dma_wait3A_1256] : memref<8x125x16xf32, #tpu.memory_space<vmem>> -> memref<1x125x16xf32, #tpu.memory_space<vmem>>
      %dma_wait3A_1258 = tpu.memref_squeeze %dma_wait3A_1257 : memref<1x125x16xf32, #tpu.memory_space<vmem>> -> memref<125x16xf32, #tpu.memory_space<vmem>>
      %dma_wait3A_1259 = arith.constant 0 : i32
      %dma_wait3A_1260 = tpu.memref_slice %arg7[%add3A_1253, %dma_wait3A_1259] : memref<80x125xi32, #tpu.memory_space<vmem>> -> memref<1x125xi32, #tpu.memory_space<vmem>>
      %dma_wait3A_1261 = tpu.memref_squeeze %dma_wait3A_1260 : memref<1x125xi32, #tpu.memory_space<vmem>> -> memref<125xi32, #tpu.memory_space<vmem>>
      %dma_wait3A_1262 = arith.constant 0 : i32
      %dma_wait3A_1263 = arith.constant 0 : i32
      %dma_wait3A_1264 = tpu.memref_slice %arg10[%dma_wait3A_1262, %dma_wait3A_1263] : memref<10112x16xf32, #tpu.memory_space<vmem_shared>> -> memref<10112x16xf32, #tpu.memory_space<vmem_shared>>
      tpu.wait_indirect_dma semaphore(%arg20 : memref<!tpu.dma_semaphore, #tpu.memory_space<semaphore_mem>>) src(%dma_wait3A_1258 : memref<125x16xf32, #tpu.memory_space<vmem>>) dst(%dma_wait3A_1264 : memref<10112x16xf32, #tpu.memory_space<vmem_shared>>)
      %lt3A = arith.constant 9 : i32
      %lt3A_1265 = arith.cmpi slt, %scan3A_445, %lt3A : i32
      %convert_element_type3A = arith.extui %lt3A_1265 : i1 to i32
      %cond3A = arith.constant 0 : i32
      %cond3A_1266 = arith.cmpi ne, %convert_element_type3A, %cond3A : i32
      scf.if %cond3A_1266 {
        %add3A_1393 = arith.constant 8 : i32
        %add3A_1394 = arith.addi %add3A_1253, %add3A_1393 : i32
        %dma_start3A_1395 = arith.constant 0 : i32
        %dma_start3A_1396 = arith.constant 0 : i32
        %dma_start3A_1397 = arith.constant 0 : i32
        %dma_start3A_1398 = tpu.memref_slice %arg8[%dma_start3A_1395, %dma_start3A_1396, %dma_start3A_1397] : memref<8x125x16xf32, #tpu.memory_space<vmem>> -> memref<1x125x16xf32, #tpu.memory_space<vmem>>
        %dma_start3A_1399 = tpu.memref_squeeze %dma_start3A_1398 : memref<1x125x16xf32, #tpu.memory_space<vmem>> -> memref<125x16xf32, #tpu.memory_space<vmem>>
        %dma_start3A_1400 = arith.constant 0 : i32
        %dma_start3A_1401 = tpu.memref_slice %arg6[%add3A_1394, %dma_start3A_1400] : memref<80x125xi32, #tpu.memory_space<vmem>> -> memref<1x125xi32, #tpu.memory_space<vmem>>
        %dma_start3A_1402 = tpu.memref_squeeze %dma_start3A_1401 : memref<1x125xi32, #tpu.memory_space<vmem>> -> memref<125xi32, #tpu.memory_space<vmem>>
        %dma_start3A_1403 = arith.constant 0 : i32
        %dma_start3A_1404 = arith.constant 0 : i32
        %dma_start3A_1405 = tpu.memref_slice %arg11[%dma_start3A_1403, %dma_start3A_1404] : memref<10112x16xf32, #tpu.memory_space<vmem_shared>> -> memref<10112x16xf32, #tpu.memory_space<vmem_shared>>
        tpu.enqueue_indirect_dma source(%dma_start3A_1405 : memref<10112x16xf32, #tpu.memory_space<vmem_shared>>) target(%dma_start3A_1399 : memref<125x16xf32, #tpu.memory_space<vmem>>) offsets(%dma_start3A_1402 : memref<125xi32, #tpu.memory_space<vmem>>) semaphore(%arg12 : memref<!tpu.dma_semaphore, #tpu.memory_space<semaphore_mem>>)
      } else {
      }
      %add3A_1267 = arith.constant 1 : i32
      %add3A_1268 = arith.addi %mul3A_447, %add3A_1267 : i32
      %dma_wait3A_1269 = arith.constant 1 : i32
      %dma_wait3A_1270 = arith.constant 0 : i32
      %dma_wait3A_1271 = arith.constant 0 : i32
      %dma_wait3A_1272 = tpu.memref_slice %arg8[%dma_wait3A_1269, %dma_wait3A_1270, %dma_wait3A_1271] : memref<8x125x16xf32, #tpu.memory_space<vmem>> -> memref<1x125x16xf32, #tpu.memory_space<vmem>>
      %dma_wait3A_1273 = tpu.memref_squeeze %dma_wait3A_1272 : memref<1x125x16xf32, #tpu.memory_space<vmem>> -> memref<125x16xf32, #tpu.memory_space<vmem>>
      %dma_wait3A_1274 = arith.constant 0 : i32
      %dma_wait3A_1275 = tpu.memref_slice %arg7[%add3A_1268, %dma_wait3A_1274] : memref<80x125xi32, #tpu.memory_space<vmem>> -> memref<1x125xi32, #tpu.memory_space<vmem>>
      %dma_wait3A_1276 = tpu.memref_squeeze %dma_wait3A_1275 : memref<1x125xi32, #tpu.memory_space<vmem>> -> memref<125xi32, #tpu.memory_space<vmem>>
      %dma_wait3A_1277 = arith.constant 0 : i32
      %dma_wait3A_1278 = arith.constant 0 : i32
      %dma_wait3A_1279 = tpu.memref_slice %arg10[%dma_wait3A_1277, %dma_wait3A_1278] : memref<10112x16xf32, #tpu.memory_space<vmem_shared>> -> memref<10112x16xf32, #tpu.memory_space<vmem_shared>>
      tpu.wait_indirect_dma semaphore(%arg21 : memref<!tpu.dma_semaphore, #tpu.memory_space<semaphore_mem>>) src(%dma_wait3A_1273 : memref<125x16xf32, #tpu.memory_space<vmem>>) dst(%dma_wait3A_1279 : memref<10112x16xf32, #tpu.memory_space<vmem_shared>>)
      %lt3A_1280 = arith.constant 9 : i32
      %lt3A_1281 = arith.cmpi slt, %scan3A_445, %lt3A_1280 : i32
      %convert_element_type3A_1282 = arith.extui %lt3A_1281 : i1 to i32
      %cond3A_1283 = arith.constant 0 : i32
      %cond3A_1284 = arith.cmpi ne, %convert_element_type3A_1282, %cond3A_1283 : i32
      scf.if %cond3A_1284 {
        %add3A_1393 = arith.constant 8 : i32
        %add3A_1394 = arith.addi %add3A_1268, %add3A_1393 : i32
        %dma_start3A_1395 = arith.constant 1 : i32
        %dma_start3A_1396 = arith.constant 0 : i32
        %dma_start3A_1397 = arith.constant 0 : i32
        %dma_start3A_1398 = tpu.memref_slice %arg8[%dma_start3A_1395, %dma_start3A_1396, %dma_start3A_1397] : memref<8x125x16xf32, #tpu.memory_space<vmem>> -> memref<1x125x16xf32, #tpu.memory_space<vmem>>
        %dma_start3A_1399 = tpu.memref_squeeze %dma_start3A_1398 : memref<1x125x16xf32, #tpu.memory_space<vmem>> -> memref<125x16xf32, #tpu.memory_space<vmem>>
        %dma_start3A_1400 = arith.constant 0 : i32
        %dma_start3A_1401 = tpu.memref_slice %arg6[%add3A_1394, %dma_start3A_1400] : memref<80x125xi32, #tpu.memory_space<vmem>> -> memref<1x125xi32, #tpu.memory_space<vmem>>
        %dma_start3A_1402 = tpu.memref_squeeze %dma_start3A_1401 : memref<1x125xi32, #tpu.memory_space<vmem>> -> memref<125xi32, #tpu.memory_space<vmem>>
        %dma_start3A_1403 = arith.constant 0 : i32
        %dma_start3A_1404 = arith.constant 0 : i32
        %dma_start3A_1405 = tpu.memref_slice %arg11[%dma_start3A_1403, %dma_start3A_1404] : memref<10112x16xf32, #tpu.memory_space<vmem_shared>> -> memref<10112x16xf32, #tpu.memory_space<vmem_shared>>
        tpu.enqueue_indirect_dma source(%dma_start3A_1405 : memref<10112x16xf32, #tpu.memory_space<vmem_shared>>) target(%dma_start3A_1399 : memref<125x16xf32, #tpu.memory_space<vmem>>) offsets(%dma_start3A_1402 : memref<125xi32, #tpu.memory_space<vmem>>) semaphore(%arg13 : memref<!tpu.dma_semaphore, #tpu.memory_space<semaphore_mem>>)
      } else {
      }
      %add3A_1285 = arith.constant 2 : i32
      %add3A_1286 = arith.addi %mul3A_447, %add3A_1285 : i32
      %dma_wait3A_1287 = arith.constant 2 : i32
      %dma_wait3A_1288 = arith.constant 0 : i32
      %dma_wait3A_1289 = arith.constant 0 : i32
      %dma_wait3A_1290 = tpu.memref_slice %arg8[%dma_wait3A_1287, %dma_wait3A_1288, %dma_wait3A_1289] : memref<8x125x16xf32, #tpu.memory_space<vmem>> -> memref<1x125x16xf32, #tpu.memory_space<vmem>>
      %dma_wait3A_1291 = tpu.memref_squeeze %dma_wait3A_1290 : memref<1x125x16xf32, #tpu.memory_space<vmem>> -> memref<125x16xf32, #tpu.memory_space<vmem>>
      %dma_wait3A_1292 = arith.constant 0 : i32
      %dma_wait3A_1293 = tpu.memref_slice %arg7[%add3A_1286, %dma_wait3A_1292] : memref<80x125xi32, #tpu.memory_space<vmem>> -> memref<1x125xi32, #tpu.memory_space<vmem>>
      %dma_wait3A_1294 = tpu.memref_squeeze %dma_wait3A_1293 : memref<1x125xi32, #tpu.memory_space<vmem>> -> memref<125xi32, #tpu.memory_space<vmem>>
      %dma_wait3A_1295 = arith.constant 0 : i32
      %dma_wait3A_1296 = arith.constant 0 : i32
      %dma_wait3A_1297 = tpu.memref_slice %arg10[%dma_wait3A_1295, %dma_wait3A_1296] : memref<10112x16xf32, #tpu.memory_space<vmem_shared>> -> memref<10112x16xf32, #tpu.memory_space<vmem_shared>>
      tpu.wait_indirect_dma semaphore(%arg22 : memref<!tpu.dma_semaphore, #tpu.memory_space<semaphore_mem>>) src(%dma_wait3A_1291 : memref<125x16xf32, #tpu.memory_space<vmem>>) dst(%dma_wait3A_1297 : memref<10112x16xf32, #tpu.memory_space<vmem_shared>>)
      %lt3A_1298 = arith.constant 9 : i32
      %lt3A_1299 = arith.cmpi slt, %scan3A_445, %lt3A_1298 : i32
      %convert_element_type3A_1300 = arith.extui %lt3A_1299 : i1 to i32
      %cond3A_1301 = arith.constant 0 : i32
      %cond3A_1302 = arith.cmpi ne, %convert_element_type3A_1300, %cond3A_1301 : i32
      scf.if %cond3A_1302 {
        %add3A_1393 = arith.constant 8 : i32
        %add3A_1394 = arith.addi %add3A_1286, %add3A_1393 : i32
        %dma_start3A_1395 = arith.constant 2 : i32
        %dma_start3A_1396 = arith.constant 0 : i32
        %dma_start3A_1397 = arith.constant 0 : i32
        %dma_start3A_1398 = tpu.memref_slice %arg8[%dma_start3A_1395, %dma_start3A_1396, %dma_start3A_1397] : memref<8x125x16xf32, #tpu.memory_space<vmem>> -> memref<1x125x16xf32, #tpu.memory_space<vmem>>
        %dma_start3A_1399 = tpu.memref_squeeze %dma_start3A_1398 : memref<1x125x16xf32, #tpu.memory_space<vmem>> -> memref<125x16xf32, #tpu.memory_space<vmem>>
        %dma_start3A_1400 = arith.constant 0 : i32
        %dma_start3A_1401 = tpu.memref_slice %arg6[%add3A_1394, %dma_start3A_1400] : memref<80x125xi32, #tpu.memory_space<vmem>> -> memref<1x125xi32, #tpu.memory_space<vmem>>
        %dma_start3A_1402 = tpu.memref_squeeze %dma_start3A_1401 : memref<1x125xi32, #tpu.memory_space<vmem>> -> memref<125xi32, #tpu.memory_space<vmem>>
        %dma_start3A_1403 = arith.constant 0 : i32
        %dma_start3A_1404 = arith.constant 0 : i32
        %dma_start3A_1405 = tpu.memref_slice %arg11[%dma_start3A_1403, %dma_start3A_1404] : memref<10112x16xf32, #tpu.memory_space<vmem_shared>> -> memref<10112x16xf32, #tpu.memory_space<vmem_shared>>
        tpu.enqueue_indirect_dma source(%dma_start3A_1405 : memref<10112x16xf32, #tpu.memory_space<vmem_shared>>) target(%dma_start3A_1399 : memref<125x16xf32, #tpu.memory_space<vmem>>) offsets(%dma_start3A_1402 : memref<125xi32, #tpu.memory_space<vmem>>) semaphore(%arg14 : memref<!tpu.dma_semaphore, #tpu.memory_space<semaphore_mem>>)
      } else {
      }
      %add3A_1303 = arith.constant 3 : i32
      %add3A_1304 = arith.addi %mul3A_447, %add3A_1303 : i32
      %dma_wait3A_1305 = arith.constant 3 : i32
      %dma_wait3A_1306 = arith.constant 0 : i32
      %dma_wait3A_1307 = arith.constant 0 : i32
      %dma_wait3A_1308 = tpu.memref_slice %arg8[%dma_wait3A_1305, %dma_wait3A_1306, %dma_wait3A_1307] : memref<8x125x16xf32, #tpu.memory_space<vmem>> -> memref<1x125x16xf32, #tpu.memory_space<vmem>>
      %dma_wait3A_1309 = tpu.memref_squeeze %dma_wait3A_1308 : memref<1x125x16xf32, #tpu.memory_space<vmem>> -> memref<125x16xf32, #tpu.memory_space<vmem>>
      %dma_wait3A_1310 = arith.constant 0 : i32
      %dma_wait3A_1311 = tpu.memref_slice %arg7[%add3A_1304, %dma_wait3A_1310] : memref<80x125xi32, #tpu.memory_space<vmem>> -> memref<1x125xi32, #tpu.memory_space<vmem>>
      %dma_wait3A_1312 = tpu.memref_squeeze %dma_wait3A_1311 : memref<1x125xi32, #tpu.memory_space<vmem>> -> memref<125xi32, #tpu.memory_space<vmem>>
      %dma_wait3A_1313 = arith.constant 0 : i32
      %dma_wait3A_1314 = arith.constant 0 : i32
      %dma_wait3A_1315 = tpu.memref_slice %arg10[%dma_wait3A_1313, %dma_wait3A_1314] : memref<10112x16xf32, #tpu.memory_space<vmem_shared>> -> memref<10112x16xf32, #tpu.memory_space<vmem_shared>>
      tpu.wait_indirect_dma semaphore(%arg23 : memref<!tpu.dma_semaphore, #tpu.memory_space<semaphore_mem>>) src(%dma_wait3A_1309 : memref<125x16xf32, #tpu.memory_space<vmem>>) dst(%dma_wait3A_1315 : memref<10112x16xf32, #tpu.memory_space<vmem_shared>>)
      %lt3A_1316 = arith.constant 9 : i32
      %lt3A_1317 = arith.cmpi slt, %scan3A_445, %lt3A_1316 : i32
      %convert_element_type3A_1318 = arith.extui %lt3A_1317 : i1 to i32
      %cond3A_1319 = arith.constant 0 : i32
      %cond3A_1320 = arith.cmpi ne, %convert_element_type3A_1318, %cond3A_1319 : i32
      scf.if %cond3A_1320 {
        %add3A_1393 = arith.constant 8 : i32
        %add3A_1394 = arith.addi %add3A_1304, %add3A_1393 : i32
        %dma_start3A_1395 = arith.constant 3 : i32
        %dma_start3A_1396 = arith.constant 0 : i32
        %dma_start3A_1397 = arith.constant 0 : i32
        %dma_start3A_1398 = tpu.memref_slice %arg8[%dma_start3A_1395, %dma_start3A_1396, %dma_start3A_1397] : memref<8x125x16xf32, #tpu.memory_space<vmem>> -> memref<1x125x16xf32, #tpu.memory_space<vmem>>
        %dma_start3A_1399 = tpu.memref_squeeze %dma_start3A_1398 : memref<1x125x16xf32, #tpu.memory_space<vmem>> -> memref<125x16xf32, #tpu.memory_space<vmem>>
        %dma_start3A_1400 = arith.constant 0 : i32
        %dma_start3A_1401 = tpu.memref_slice %arg6[%add3A_1394, %dma_start3A_1400] : memref<80x125xi32, #tpu.memory_space<vmem>> -> memref<1x125xi32, #tpu.memory_space<vmem>>
        %dma_start3A_1402 = tpu.memref_squeeze %dma_start3A_1401 : memref<1x125xi32, #tpu.memory_space<vmem>> -> memref<125xi32, #tpu.memory_space<vmem>>
        %dma_start3A_1403 = arith.constant 0 : i32
        %dma_start3A_1404 = arith.constant 0 : i32
        %dma_start3A_1405 = tpu.memref_slice %arg11[%dma_start3A_1403, %dma_start3A_1404] : memref<10112x16xf32, #tpu.memory_space<vmem_shared>> -> memref<10112x16xf32, #tpu.memory_space<vmem_shared>>
        tpu.enqueue_indirect_dma source(%dma_start3A_1405 : memref<10112x16xf32, #tpu.memory_space<vmem_shared>>) target(%dma_start3A_1399 : memref<125x16xf32, #tpu.memory_space<vmem>>) offsets(%dma_start3A_1402 : memref<125xi32, #tpu.memory_space<vmem>>) semaphore(%arg15 : memref<!tpu.dma_semaphore, #tpu.memory_space<semaphore_mem>>)
      } else {
      }
      %add3A_1321 = arith.constant 4 : i32
      %add3A_1322 = arith.addi %mul3A_447, %add3A_1321 : i32
      %dma_wait3A_1323 = arith.constant 4 : i32
      %dma_wait3A_1324 = arith.constant 0 : i32
      %dma_wait3A_1325 = arith.constant 0 : i32
      %dma_wait3A_1326 = tpu.memref_slice %arg8[%dma_wait3A_1323, %dma_wait3A_1324, %dma_wait3A_1325] : memref<8x125x16xf32, #tpu.memory_space<vmem>> -> memref<1x125x16xf32, #tpu.memory_space<vmem>>
      %dma_wait3A_1327 = tpu.memref_squeeze %dma_wait3A_1326 : memref<1x125x16xf32, #tpu.memory_space<vmem>> -> memref<125x16xf32, #tpu.memory_space<vmem>>
      %dma_wait3A_1328 = arith.constant 0 : i32
      %dma_wait3A_1329 = tpu.memref_slice %arg7[%add3A_1322, %dma_wait3A_1328] : memref<80x125xi32, #tpu.memory_space<vmem>> -> memref<1x125xi32, #tpu.memory_space<vmem>>
      %dma_wait3A_1330 = tpu.memref_squeeze %dma_wait3A_1329 : memref<1x125xi32, #tpu.memory_space<vmem>> -> memref<125xi32, #tpu.memory_space<vmem>>
      %dma_wait3A_1331 = arith.constant 0 : i32
      %dma_wait3A_1332 = arith.constant 0 : i32
      %dma_wait3A_1333 = tpu.memref_slice %arg10[%dma_wait3A_1331, %dma_wait3A_1332] : memref<10112x16xf32, #tpu.memory_space<vmem_shared>> -> memref<10112x16xf32, #tpu.memory_space<vmem_shared>>
      tpu.wait_indirect_dma semaphore(%arg24 : memref<!tpu.dma_semaphore, #tpu.memory_space<semaphore_mem>>) src(%dma_wait3A_1327 : memref<125x16xf32, #tpu.memory_space<vmem>>) dst(%dma_wait3A_1333 : memref<10112x16xf32, #tpu.memory_space<vmem_shared>>)
      %lt3A_1334 = arith.constant 9 : i32
      %lt3A_1335 = arith.cmpi slt, %scan3A_445, %lt3A_1334 : i32
      %convert_element_type3A_1336 = arith.extui %lt3A_1335 : i1 to i32
      %cond3A_1337 = arith.constant 0 : i32
      %cond3A_1338 = arith.cmpi ne, %convert_element_type3A_1336, %cond3A_1337 : i32
      scf.if %cond3A_1338 {
        %add3A_1393 = arith.constant 8 : i32
        %add3A_1394 = arith.addi %add3A_1322, %add3A_1393 : i32
        %dma_start3A_1395 = arith.constant 4 : i32
        %dma_start3A_1396 = arith.constant 0 : i32
        %dma_start3A_1397 = arith.constant 0 : i32
        %dma_start3A_1398 = tpu.memref_slice %arg8[%dma_start3A_1395, %dma_start3A_1396, %dma_start3A_1397] : memref<8x125x16xf32, #tpu.memory_space<vmem>> -> memref<1x125x16xf32, #tpu.memory_space<vmem>>
        %dma_start3A_1399 = tpu.memref_squeeze %dma_start3A_1398 : memref<1x125x16xf32, #tpu.memory_space<vmem>> -> memref<125x16xf32, #tpu.memory_space<vmem>>
        %dma_start3A_1400 = arith.constant 0 : i32
        %dma_start3A_1401 = tpu.memref_slice %arg6[%add3A_1394, %dma_start3A_1400] : memref<80x125xi32, #tpu.memory_space<vmem>> -> memref<1x125xi32, #tpu.memory_space<vmem>>
        %dma_start3A_1402 = tpu.memref_squeeze %dma_start3A_1401 : memref<1x125xi32, #tpu.memory_space<vmem>> -> memref<125xi32, #tpu.memory_space<vmem>>
        %dma_start3A_1403 = arith.constant 0 : i32
        %dma_start3A_1404 = arith.constant 0 : i32
        %dma_start3A_1405 = tpu.memref_slice %arg11[%dma_start3A_1403, %dma_start3A_1404] : memref<10112x16xf32, #tpu.memory_space<vmem_shared>> -> memref<10112x16xf32, #tpu.memory_space<vmem_shared>>
        tpu.enqueue_indirect_dma source(%dma_start3A_1405 : memref<10112x16xf32, #tpu.memory_space<vmem_shared>>) target(%dma_start3A_1399 : memref<125x16xf32, #tpu.memory_space<vmem>>) offsets(%dma_start3A_1402 : memref<125xi32, #tpu.memory_space<vmem>>) semaphore(%arg16 : memref<!tpu.dma_semaphore, #tpu.memory_space<semaphore_mem>>)
      } else {
      }
      %add3A_1339 = arith.constant 5 : i32
      %add3A_1340 = arith.addi %mul3A_447, %add3A_1339 : i32
      %dma_wait3A_1341 = arith.constant 5 : i32
      %dma_wait3A_1342 = arith.constant 0 : i32
      %dma_wait3A_1343 = arith.constant 0 : i32
      %dma_wait3A_1344 = tpu.memref_slice %arg8[%dma_wait3A_1341, %dma_wait3A_1342, %dma_wait3A_1343] : memref<8x125x16xf32, #tpu.memory_space<vmem>> -> memref<1x125x16xf32, #tpu.memory_space<vmem>>
      %dma_wait3A_1345 = tpu.memref_squeeze %dma_wait3A_1344 : memref<1x125x16xf32, #tpu.memory_space<vmem>> -> memref<125x16xf32, #tpu.memory_space<vmem>>
      %dma_wait3A_1346 = arith.constant 0 : i32
      %dma_wait3A_1347 = tpu.memref_slice %arg7[%add3A_1340, %dma_wait3A_1346] : memref<80x125xi32, #tpu.memory_space<vmem>> -> memref<1x125xi32, #tpu.memory_space<vmem>>
      %dma_wait3A_1348 = tpu.memref_squeeze %dma_wait3A_1347 : memref<1x125xi32, #tpu.memory_space<vmem>> -> memref<125xi32, #tpu.memory_space<vmem>>
      %dma_wait3A_1349 = arith.constant 0 : i32
      %dma_wait3A_1350 = arith.constant 0 : i32
      %dma_wait3A_1351 = tpu.memref_slice %arg10[%dma_wait3A_1349, %dma_wait3A_1350] : memref<10112x16xf32, #tpu.memory_space<vmem_shared>> -> memref<10112x16xf32, #tpu.memory_space<vmem_shared>>
      tpu.wait_indirect_dma semaphore(%arg25 : memref<!tpu.dma_semaphore, #tpu.memory_space<semaphore_mem>>) src(%dma_wait3A_1345 : memref<125x16xf32, #tpu.memory_space<vmem>>) dst(%dma_wait3A_1351 : memref<10112x16xf32, #tpu.memory_space<vmem_shared>>)
      %lt3A_1352 = arith.constant 9 : i32
      %lt3A_1353 = arith.cmpi slt, %scan3A_445, %lt3A_1352 : i32
      %convert_element_type3A_1354 = arith.extui %lt3A_1353 : i1 to i32
      %cond3A_1355 = arith.constant 0 : i32
      %cond3A_1356 = arith.cmpi ne, %convert_element_type3A_1354, %cond3A_1355 : i32
      scf.if %cond3A_1356 {
        %add3A_1393 = arith.constant 8 : i32
        %add3A_1394 = arith.addi %add3A_1340, %add3A_1393 : i32
        %dma_start3A_1395 = arith.constant 5 : i32
        %dma_start3A_1396 = arith.constant 0 : i32
        %dma_start3A_1397 = arith.constant 0 : i32
        %dma_start3A_1398 = tpu.memref_slice %arg8[%dma_start3A_1395, %dma_start3A_1396, %dma_start3A_1397] : memref<8x125x16xf32, #tpu.memory_space<vmem>> -> memref<1x125x16xf32, #tpu.memory_space<vmem>>
        %dma_start3A_1399 = tpu.memref_squeeze %dma_start3A_1398 : memref<1x125x16xf32, #tpu.memory_space<vmem>> -> memref<125x16xf32, #tpu.memory_space<vmem>>
        %dma_start3A_1400 = arith.constant 0 : i32
        %dma_start3A_1401 = tpu.memref_slice %arg6[%add3A_1394, %dma_start3A_1400] : memref<80x125xi32, #tpu.memory_space<vmem>> -> memref<1x125xi32, #tpu.memory_space<vmem>>
        %dma_start3A_1402 = tpu.memref_squeeze %dma_start3A_1401 : memref<1x125xi32, #tpu.memory_space<vmem>> -> memref<125xi32, #tpu.memory_space<vmem>>
        %dma_start3A_1403 = arith.constant 0 : i32
        %dma_start3A_1404 = arith.constant 0 : i32
        %dma_start3A_1405 = tpu.memref_slice %arg11[%dma_start3A_1403, %dma_start3A_1404] : memref<10112x16xf32, #tpu.memory_space<vmem_shared>> -> memref<10112x16xf32, #tpu.memory_space<vmem_shared>>
        tpu.enqueue_indirect_dma source(%dma_start3A_1405 : memref<10112x16xf32, #tpu.memory_space<vmem_shared>>) target(%dma_start3A_1399 : memref<125x16xf32, #tpu.memory_space<vmem>>) offsets(%dma_start3A_1402 : memref<125xi32, #tpu.memory_space<vmem>>) semaphore(%arg17 : memref<!tpu.dma_semaphore, #tpu.memory_space<semaphore_mem>>)
      } else {
      }
      %add3A_1357 = arith.constant 6 : i32
      %add3A_1358 = arith.addi %mul3A_447, %add3A_1357 : i32
      %dma_wait3A_1359 = arith.constant 6 : i32
      %dma_wait3A_1360 = arith.constant 0 : i32
      %dma_wait3A_1361 = arith.constant 0 : i32
      %dma_wait3A_1362 = tpu.memref_slice %arg8[%dma_wait3A_1359, %dma_wait3A_1360, %dma_wait3A_1361] : memref<8x125x16xf32, #tpu.memory_space<vmem>> -> memref<1x125x16xf32, #tpu.memory_space<vmem>>
      %dma_wait3A_1363 = tpu.memref_squeeze %dma_wait3A_1362 : memref<1x125x16xf32, #tpu.memory_space<vmem>> -> memref<125x16xf32, #tpu.memory_space<vmem>>
      %dma_wait3A_1364 = arith.constant 0 : i32
      %dma_wait3A_1365 = tpu.memref_slice %arg7[%add3A_1358, %dma_wait3A_1364] : memref<80x125xi32, #tpu.memory_space<vmem>> -> memref<1x125xi32, #tpu.memory_space<vmem>>
      %dma_wait3A_1366 = tpu.memref_squeeze %dma_wait3A_1365 : memref<1x125xi32, #tpu.memory_space<vmem>> -> memref<125xi32, #tpu.memory_space<vmem>>
      %dma_wait3A_1367 = arith.constant 0 : i32
      %dma_wait3A_1368 = arith.constant 0 : i32
      %dma_wait3A_1369 = tpu.memref_slice %arg10[%dma_wait3A_1367, %dma_wait3A_1368] : memref<10112x16xf32, #tpu.memory_space<vmem_shared>> -> memref<10112x16xf32, #tpu.memory_space<vmem_shared>>
      tpu.wait_indirect_dma semaphore(%arg26 : memref<!tpu.dma_semaphore, #tpu.memory_space<semaphore_mem>>) src(%dma_wait3A_1363 : memref<125x16xf32, #tpu.memory_space<vmem>>) dst(%dma_wait3A_1369 : memref<10112x16xf32, #tpu.memory_space<vmem_shared>>)
      %lt3A_1370 = arith.constant 9 : i32
      %lt3A_1371 = arith.cmpi slt, %scan3A_445, %lt3A_1370 : i32
      %convert_element_type3A_1372 = arith.extui %lt3A_1371 : i1 to i32
      %cond3A_1373 = arith.constant 0 : i32
      %cond3A_1374 = arith.cmpi ne, %convert_element_type3A_1372, %cond3A_1373 : i32
      scf.if %cond3A_1374 {
        %add3A_1393 = arith.constant 8 : i32
        %add3A_1394 = arith.addi %add3A_1358, %add3A_1393 : i32
        %dma_start3A_1395 = arith.constant 6 : i32
        %dma_start3A_1396 = arith.constant 0 : i32
        %dma_start3A_1397 = arith.constant 0 : i32
        %dma_start3A_1398 = tpu.memref_slice %arg8[%dma_start3A_1395, %dma_start3A_1396, %dma_start3A_1397] : memref<8x125x16xf32, #tpu.memory_space<vmem>> -> memref<1x125x16xf32, #tpu.memory_space<vmem>>
        %dma_start3A_1399 = tpu.memref_squeeze %dma_start3A_1398 : memref<1x125x16xf32, #tpu.memory_space<vmem>> -> memref<125x16xf32, #tpu.memory_space<vmem>>
        %dma_start3A_1400 = arith.constant 0 : i32
        %dma_start3A_1401 = tpu.memref_slice %arg6[%add3A_1394, %dma_start3A_1400] : memref<80x125xi32, #tpu.memory_space<vmem>> -> memref<1x125xi32, #tpu.memory_space<vmem>>
        %dma_start3A_1402 = tpu.memref_squeeze %dma_start3A_1401 : memref<1x125xi32, #tpu.memory_space<vmem>> -> memref<125xi32, #tpu.memory_space<vmem>>
        %dma_start3A_1403 = arith.constant 0 : i32
        %dma_start3A_1404 = arith.constant 0 : i32
        %dma_start3A_1405 = tpu.memref_slice %arg11[%dma_start3A_1403, %dma_start3A_1404] : memref<10112x16xf32, #tpu.memory_space<vmem_shared>> -> memref<10112x16xf32, #tpu.memory_space<vmem_shared>>
        tpu.enqueue_indirect_dma source(%dma_start3A_1405 : memref<10112x16xf32, #tpu.memory_space<vmem_shared>>) target(%dma_start3A_1399 : memref<125x16xf32, #tpu.memory_space<vmem>>) offsets(%dma_start3A_1402 : memref<125xi32, #tpu.memory_space<vmem>>) semaphore(%arg18 : memref<!tpu.dma_semaphore, #tpu.memory_space<semaphore_mem>>)
      } else {
      }
      %add3A_1375 = arith.constant 7 : i32
      %add3A_1376 = arith.addi %mul3A_447, %add3A_1375 : i32
      %dma_wait3A_1377 = arith.constant 7 : i32
      %dma_wait3A_1378 = arith.constant 0 : i32
      %dma_wait3A_1379 = arith.constant 0 : i32
      %dma_wait3A_1380 = tpu.memref_slice %arg8[%dma_wait3A_1377, %dma_wait3A_1378, %dma_wait3A_1379] : memref<8x125x16xf32, #tpu.memory_space<vmem>> -> memref<1x125x16xf32, #tpu.memory_space<vmem>>
      %dma_wait3A_1381 = tpu.memref_squeeze %dma_wait3A_1380 : memref<1x125x16xf32, #tpu.memory_space<vmem>> -> memref<125x16xf32, #tpu.memory_space<vmem>>
      %dma_wait3A_1382 = arith.constant 0 : i32
      %dma_wait3A_1383 = tpu.memref_slice %arg7[%add3A_1376, %dma_wait3A_1382] : memref<80x125xi32, #tpu.memory_space<vmem>> -> memref<1x125xi32, #tpu.memory_space<vmem>>
      %dma_wait3A_1384 = tpu.memref_squeeze %dma_wait3A_1383 : memref<1x125xi32, #tpu.memory_space<vmem>> -> memref<125xi32, #tpu.memory_space<vmem>>
      %dma_wait3A_1385 = arith.constant 0 : i32
      %dma_wait3A_1386 = arith.constant 0 : i32
      %dma_wait3A_1387 = tpu.memref_slice %arg10[%dma_wait3A_1385, %dma_wait3A_1386] : memref<10112x16xf32, #tpu.memory_space<vmem_shared>> -> memref<10112x16xf32, #tpu.memory_space<vmem_shared>>
      tpu.wait_indirect_dma semaphore(%arg27 : memref<!tpu.dma_semaphore, #tpu.memory_space<semaphore_mem>>) src(%dma_wait3A_1381 : memref<125x16xf32, #tpu.memory_space<vmem>>) dst(%dma_wait3A_1387 : memref<10112x16xf32, #tpu.memory_space<vmem_shared>>)
      %lt3A_1388 = arith.constant 9 : i32
      %lt3A_1389 = arith.cmpi slt, %scan3A_445, %lt3A_1388 : i32
      %convert_element_type3A_1390 = arith.extui %lt3A_1389 : i1 to i32
      %cond3A_1391 = arith.constant 0 : i32
      %cond3A_1392 = arith.cmpi ne, %convert_element_type3A_1390, %cond3A_1391 : i32
      scf.if %cond3A_1392 {
        %add3A_1393 = arith.constant 8 : i32
        %add3A_1394 = arith.addi %add3A_1376, %add3A_1393 : i32
        %dma_start3A_1395 = arith.constant 7 : i32
        %dma_start3A_1396 = arith.constant 0 : i32
        %dma_start3A_1397 = arith.constant 0 : i32
        %dma_start3A_1398 = tpu.memref_slice %arg8[%dma_start3A_1395, %dma_start3A_1396, %dma_start3A_1397] : memref<8x125x16xf32, #tpu.memory_space<vmem>> -> memref<1x125x16xf32, #tpu.memory_space<vmem>>
        %dma_start3A_1399 = tpu.memref_squeeze %dma_start3A_1398 : memref<1x125x16xf32, #tpu.memory_space<vmem>> -> memref<125x16xf32, #tpu.memory_space<vmem>>
        %dma_start3A_1400 = arith.constant 0 : i32
        %dma_start3A_1401 = tpu.memref_slice %arg6[%add3A_1394, %dma_start3A_1400] : memref<80x125xi32, #tpu.memory_space<vmem>> -> memref<1x125xi32, #tpu.memory_space<vmem>>
        %dma_start3A_1402 = tpu.memref_squeeze %dma_start3A_1401 : memref<1x125xi32, #tpu.memory_space<vmem>> -> memref<125xi32, #tpu.memory_space<vmem>>
        %dma_start3A_1403 = arith.constant 0 : i32
        %dma_start3A_1404 = arith.constant 0 : i32
        %dma_start3A_1405 = tpu.memref_slice %arg11[%dma_start3A_1403, %dma_start3A_1404] : memref<10112x16xf32, #tpu.memory_space<vmem_shared>> -> memref<10112x16xf32, #tpu.memory_space<vmem_shared>>
        tpu.enqueue_indirect_dma source(%dma_start3A_1405 : memref<10112x16xf32, #tpu.memory_space<vmem_shared>>) target(%dma_start3A_1399 : memref<125x16xf32, #tpu.memory_space<vmem>>) offsets(%dma_start3A_1402 : memref<125xi32, #tpu.memory_space<vmem>>) semaphore(%arg19 : memref<!tpu.dma_semaphore, #tpu.memory_space<semaphore_mem>>)
      } else {
      }
    }
    %scan3A_435 = arith.constant 10 : i32
    %run_scoped3A = arith.constant 0 : i32
    "tpu.region"() ({
      %run_scoped3A_445 = tpu.sem_alloc : memref<!tpu.dma_semaphore, #tpu.memory_space<semaphore_mem>>
      %dma_start3A_446 = arith.constant 0 : i32
      %dma_start3A_447 = arith.constant 0 : i32
      %dma_start3A_448 = tpu.memref_slice %arg28[%dma_start3A_446, %dma_start3A_447] : memref<640x16xf32, #tpu.memory_space<vmem>> -> memref<128x16xf32, #tpu.memory_space<vmem>>
      %dma_start3A_449 = arith.constant 0 : i32
      %dma_start3A_450 = tpu.memref_slice %arg29[%run_scoped3A, %dma_start3A_449] : memref<5x128xi32, #tpu.memory_space<vmem>> -> memref<1x128xi32, #tpu.memory_space<vmem>>
      %dma_start3A_451 = tpu.memref_squeeze %dma_start3A_450 : memref<1x128xi32, #tpu.memory_space<vmem>> -> memref<128xi32, #tpu.memory_space<vmem>>
      %dma_start3A_452 = arith.constant 0 : i32
      %dma_start3A_453 = arith.constant 0 : i32
      %dma_start3A_454 = tpu.memref_slice %arg30[%dma_start3A_452, %dma_start3A_453] : memref<640x16xf32, #tpu.memory_space<vmem_shared>> -> memref<640x16xf32, #tpu.memory_space<vmem_shared>>
      tpu.enqueue_indirect_dma source(%dma_start3A_448 : memref<128x16xf32, #tpu.memory_space<vmem>>) target(%dma_start3A_454 : memref<640x16xf32, #tpu.memory_space<vmem_shared>>) offsets(%dma_start3A_451 : memref<128xi32, #tpu.memory_space<vmem>>) semaphore(%run_scoped3A_445 : memref<!tpu.dma_semaphore, #tpu.memory_space<semaphore_mem>>) {add = true}
      %dma_wait3A_455 = arith.constant 0 : i32
      %dma_wait3A_456 = arith.constant 0 : i32
      %dma_wait3A_457 = tpu.memref_slice %arg28[%dma_wait3A_455, %dma_wait3A_456] : memref<640x16xf32, #tpu.memory_space<vmem>> -> memref<128x16xf32, #tpu.memory_space<vmem>>
      %dma_wait3A_458 = arith.constant 0 : i32
      %dma_wait3A_459 = tpu.memref_slice %arg29[%run_scoped3A, %dma_wait3A_458] : memref<5x128xi32, #tpu.memory_space<vmem>> -> memref<1x128xi32, #tpu.memory_space<vmem>>
      %dma_wait3A_460 = tpu.memref_squeeze %dma_wait3A_459 : memref<1x128xi32, #tpu.memory_space<vmem>> -> memref<128xi32, #tpu.memory_space<vmem>>
      %dma_wait3A_461 = arith.constant 0 : i32
      %dma_wait3A_462 = arith.constant 0 : i32
      %dma_wait3A_463 = tpu.memref_slice %arg30[%dma_wait3A_461, %dma_wait3A_462] : memref<640x16xf32, #tpu.memory_space<vmem_shared>> -> memref<640x16xf32, #tpu.memory_space<vmem_shared>>
      tpu.wait_indirect_dma semaphore(%run_scoped3A_445 : memref<!tpu.dma_semaphore, #tpu.memory_space<semaphore_mem>>) src(%dma_wait3A_457 : memref<128x16xf32, #tpu.memory_space<vmem>>) dst(%dma_wait3A_463 : memref<640x16xf32, #tpu.memory_space<vmem_shared>>)
      tpu.yield
    }) : () -> ()
    %run_scoped3A_436 = arith.constant 1 : i32
    "tpu.region"() ({
      %run_scoped3A_445 = tpu.sem_alloc : memref<!tpu.dma_semaphore, #tpu.memory_space<semaphore_mem>>
      %dma_start3A_446 = arith.constant 128 : i32
      %dma_start3A_447 = arith.constant 0 : i32
      %dma_start3A_448 = tpu.memref_slice %arg28[%dma_start3A_446, %dma_start3A_447] : memref<640x16xf32, #tpu.memory_space<vmem>> -> memref<128x16xf32, #tpu.memory_space<vmem>>
      %dma_start3A_449 = arith.constant 0 : i32
      %dma_start3A_450 = tpu.memref_slice %arg29[%run_scoped3A_436, %dma_start3A_449] : memref<5x128xi32, #tpu.memory_space<vmem>> -> memref<1x128xi32, #tpu.memory_space<vmem>>
      %dma_start3A_451 = tpu.memref_squeeze %dma_start3A_450 : memref<1x128xi32, #tpu.memory_space<vmem>> -> memref<128xi32, #tpu.memory_space<vmem>>
      %dma_start3A_452 = arith.constant 0 : i32
      %dma_start3A_453 = arith.constant 0 : i32
      %dma_start3A_454 = tpu.memref_slice %arg30[%dma_start3A_452, %dma_start3A_453] : memref<640x16xf32, #tpu.memory_space<vmem_shared>> -> memref<640x16xf32, #tpu.memory_space<vmem_shared>>
      tpu.enqueue_indirect_dma source(%dma_start3A_448 : memref<128x16xf32, #tpu.memory_space<vmem>>) target(%dma_start3A_454 : memref<640x16xf32, #tpu.memory_space<vmem_shared>>) offsets(%dma_start3A_451 : memref<128xi32, #tpu.memory_space<vmem>>) semaphore(%run_scoped3A_445 : memref<!tpu.dma_semaphore, #tpu.memory_space<semaphore_mem>>) {add = true}
      %dma_wait3A_455 = arith.constant 128 : i32
      %dma_wait3A_456 = arith.constant 0 : i32
      %dma_wait3A_457 = tpu.memref_slice %arg28[%dma_wait3A_455, %dma_wait3A_456] : memref<640x16xf32, #tpu.memory_space<vmem>> -> memref<128x16xf32, #tpu.memory_space<vmem>>
      %dma_wait3A_458 = arith.constant 0 : i32
      %dma_wait3A_459 = tpu.memref_slice %arg29[%run_scoped3A_436, %dma_wait3A_458] : memref<5x128xi32, #tpu.memory_space<vmem>> -> memref<1x128xi32, #tpu.memory_space<vmem>>
      %dma_wait3A_460 = tpu.memref_squeeze %dma_wait3A_459 : memref<1x128xi32, #tpu.memory_space<vmem>> -> memref<128xi32, #tpu.memory_space<vmem>>
      %dma_wait3A_461 = arith.constant 0 : i32
      %dma_wait3A_462 = arith.constant 0 : i32
      %dma_wait3A_463 = tpu.memref_slice %arg30[%dma_wait3A_461, %dma_wait3A_462] : memref<640x16xf32, #tpu.memory_space<vmem_shared>> -> memref<640x16xf32, #tpu.memory_space<vmem_shared>>
      tpu.wait_indirect_dma semaphore(%run_scoped3A_445 : memref<!tpu.dma_semaphore, #tpu.memory_space<semaphore_mem>>) src(%dma_wait3A_457 : memref<128x16xf32, #tpu.memory_space<vmem>>) dst(%dma_wait3A_463 : memref<640x16xf32, #tpu.memory_space<vmem_shared>>)
      tpu.yield
    }) : () -> ()
    %run_scoped3A_437 = arith.constant 2 : i32
    "tpu.region"() ({
      %run_scoped3A_445 = tpu.sem_alloc : memref<!tpu.dma_semaphore, #tpu.memory_space<semaphore_mem>>
      %dma_start3A_446 = arith.constant 256 : i32
      %dma_start3A_447 = arith.constant 0 : i32
      %dma_start3A_448 = tpu.memref_slice %arg28[%dma_start3A_446, %dma_start3A_447] : memref<640x16xf32, #tpu.memory_space<vmem>> -> memref<128x16xf32, #tpu.memory_space<vmem>>
      %dma_start3A_449 = arith.constant 0 : i32
      %dma_start3A_450 = tpu.memref_slice %arg29[%run_scoped3A_437, %dma_start3A_449] : memref<5x128xi32, #tpu.memory_space<vmem>> -> memref<1x128xi32, #tpu.memory_space<vmem>>
      %dma_start3A_451 = tpu.memref_squeeze %dma_start3A_450 : memref<1x128xi32, #tpu.memory_space<vmem>> -> memref<128xi32, #tpu.memory_space<vmem>>
      %dma_start3A_452 = arith.constant 0 : i32
      %dma_start3A_453 = arith.constant 0 : i32
      %dma_start3A_454 = tpu.memref_slice %arg30[%dma_start3A_452, %dma_start3A_453] : memref<640x16xf32, #tpu.memory_space<vmem_shared>> -> memref<640x16xf32, #tpu.memory_space<vmem_shared>>
      tpu.enqueue_indirect_dma source(%dma_start3A_448 : memref<128x16xf32, #tpu.memory_space<vmem>>) target(%dma_start3A_454 : memref<640x16xf32, #tpu.memory_space<vmem_shared>>) offsets(%dma_start3A_451 : memref<128xi32, #tpu.memory_space<vmem>>) semaphore(%run_scoped3A_445 : memref<!tpu.dma_semaphore, #tpu.memory_space<semaphore_mem>>) {add = true}
      %dma_wait3A_455 = arith.constant 256 : i32
      %dma_wait3A_456 = arith.constant 0 : i32
      %dma_wait3A_457 = tpu.memref_slice %arg28[%dma_wait3A_455, %dma_wait3A_456] : memref<640x16xf32, #tpu.memory_space<vmem>> -> memref<128x16xf32, #tpu.memory_space<vmem>>
      %dma_wait3A_458 = arith.constant 0 : i32
      %dma_wait3A_459 = tpu.memref_slice %arg29[%run_scoped3A_437, %dma_wait3A_458] : memref<5x128xi32, #tpu.memory_space<vmem>> -> memref<1x128xi32, #tpu.memory_space<vmem>>
      %dma_wait3A_460 = tpu.memref_squeeze %dma_wait3A_459 : memref<1x128xi32, #tpu.memory_space<vmem>> -> memref<128xi32, #tpu.memory_space<vmem>>
      %dma_wait3A_461 = arith.constant 0 : i32
      %dma_wait3A_462 = arith.constant 0 : i32
      %dma_wait3A_463 = tpu.memref_slice %arg30[%dma_wait3A_461, %dma_wait3A_462] : memref<640x16xf32, #tpu.memory_space<vmem_shared>> -> memref<640x16xf32, #tpu.memory_space<vmem_shared>>
      tpu.wait_indirect_dma semaphore(%run_scoped3A_445 : memref<!tpu.dma_semaphore, #tpu.memory_space<semaphore_mem>>) src(%dma_wait3A_457 : memref<128x16xf32, #tpu.memory_space<vmem>>) dst(%dma_wait3A_463 : memref<640x16xf32, #tpu.memory_space<vmem_shared>>)
      tpu.yield
    }) : () -> ()
    %run_scoped3A_438 = arith.constant 3 : i32
    "tpu.region"() ({
      %run_scoped3A_445 = tpu.sem_alloc : memref<!tpu.dma_semaphore, #tpu.memory_space<semaphore_mem>>
      %dma_start3A_446 = arith.constant 384 : i32
      %dma_start3A_447 = arith.constant 0 : i32
      %dma_start3A_448 = tpu.memref_slice %arg28[%dma_start3A_446, %dma_start3A_447] : memref<640x16xf32, #tpu.memory_space<vmem>> -> memref<128x16xf32, #tpu.memory_space<vmem>>
      %dma_start3A_449 = arith.constant 0 : i32
      %dma_start3A_450 = tpu.memref_slice %arg29[%run_scoped3A_438, %dma_start3A_449] : memref<5x128xi32, #tpu.memory_space<vmem>> -> memref<1x128xi32, #tpu.memory_space<vmem>>
      %dma_start3A_451 = tpu.memref_squeeze %dma_start3A_450 : memref<1x128xi32, #tpu.memory_space<vmem>> -> memref<128xi32, #tpu.memory_space<vmem>>
      %dma_start3A_452 = arith.constant 0 : i32
      %dma_start3A_453 = arith.constant 0 : i32
      %dma_start3A_454 = tpu.memref_slice %arg30[%dma_start3A_452, %dma_start3A_453] : memref<640x16xf32, #tpu.memory_space<vmem_shared>> -> memref<640x16xf32, #tpu.memory_space<vmem_shared>>
      tpu.enqueue_indirect_dma source(%dma_start3A_448 : memref<128x16xf32, #tpu.memory_space<vmem>>) target(%dma_start3A_454 : memref<640x16xf32, #tpu.memory_space<vmem_shared>>) offsets(%dma_start3A_451 : memref<128xi32, #tpu.memory_space<vmem>>) semaphore(%run_scoped3A_445 : memref<!tpu.dma_semaphore, #tpu.memory_space<semaphore_mem>>) {add = true}
      %dma_wait3A_455 = arith.constant 384 : i32
      %dma_wait3A_456 = arith.constant 0 : i32
      %dma_wait3A_457 = tpu.memref_slice %arg28[%dma_wait3A_455, %dma_wait3A_456] : memref<640x16xf32, #tpu.memory_space<vmem>> -> memref<128x16xf32, #tpu.memory_space<vmem>>
      %dma_wait3A_458 = arith.constant 0 : i32
      %dma_wait3A_459 = tpu.memref_slice %arg29[%run_scoped3A_438, %dma_wait3A_458] : memref<5x128xi32, #tpu.memory_space<vmem>> -> memref<1x128xi32, #tpu.memory_space<vmem>>
      %dma_wait3A_460 = tpu.memref_squeeze %dma_wait3A_459 : memref<1x128xi32, #tpu.memory_space<vmem>> -> memref<128xi32, #tpu.memory_space<vmem>>
      %dma_wait3A_461 = arith.constant 0 : i32
      %dma_wait3A_462 = arith.constant 0 : i32
      %dma_wait3A_463 = tpu.memref_slice %arg30[%dma_wait3A_461, %dma_wait3A_462] : memref<640x16xf32, #tpu.memory_space<vmem_shared>> -> memref<640x16xf32, #tpu.memory_space<vmem_shared>>
      tpu.wait_indirect_dma semaphore(%run_scoped3A_445 : memref<!tpu.dma_semaphore, #tpu.memory_space<semaphore_mem>>) src(%dma_wait3A_457 : memref<128x16xf32, #tpu.memory_space<vmem>>) dst(%dma_wait3A_463 : memref<640x16xf32, #tpu.memory_space<vmem_shared>>)
      tpu.yield
    }) : () -> ()
    %run_scoped3A_439 = arith.constant 4 : i32
    "tpu.region"() ({
      %run_scoped3A_445 = tpu.sem_alloc : memref<!tpu.dma_semaphore, #tpu.memory_space<semaphore_mem>>
      %dma_start3A_446 = arith.constant 512 : i32
      %dma_start3A_447 = arith.constant 0 : i32
      %dma_start3A_448 = tpu.memref_slice %arg28[%dma_start3A_446, %dma_start3A_447] : memref<640x16xf32, #tpu.memory_space<vmem>> -> memref<128x16xf32, #tpu.memory_space<vmem>>
      %dma_start3A_449 = arith.constant 0 : i32
      %dma_start3A_450 = tpu.memref_slice %arg29[%run_scoped3A_439, %dma_start3A_449] : memref<5x128xi32, #tpu.memory_space<vmem>> -> memref<1x128xi32, #tpu.memory_space<vmem>>
      %dma_start3A_451 = tpu.memref_squeeze %dma_start3A_450 : memref<1x128xi32, #tpu.memory_space<vmem>> -> memref<128xi32, #tpu.memory_space<vmem>>
      %dma_start3A_452 = arith.constant 0 : i32
      %dma_start3A_453 = arith.constant 0 : i32
      %dma_start3A_454 = tpu.memref_slice %arg30[%dma_start3A_452, %dma_start3A_453] : memref<640x16xf32, #tpu.memory_space<vmem_shared>> -> memref<640x16xf32, #tpu.memory_space<vmem_shared>>
      tpu.enqueue_indirect_dma source(%dma_start3A_448 : memref<128x16xf32, #tpu.memory_space<vmem>>) target(%dma_start3A_454 : memref<640x16xf32, #tpu.memory_space<vmem_shared>>) offsets(%dma_start3A_451 : memref<128xi32, #tpu.memory_space<vmem>>) semaphore(%run_scoped3A_445 : memref<!tpu.dma_semaphore, #tpu.memory_space<semaphore_mem>>) {add = true}
      %dma_wait3A_455 = arith.constant 512 : i32
      %dma_wait3A_456 = arith.constant 0 : i32
      %dma_wait3A_457 = tpu.memref_slice %arg28[%dma_wait3A_455, %dma_wait3A_456] : memref<640x16xf32, #tpu.memory_space<vmem>> -> memref<128x16xf32, #tpu.memory_space<vmem>>
      %dma_wait3A_458 = arith.constant 0 : i32
      %dma_wait3A_459 = tpu.memref_slice %arg29[%run_scoped3A_439, %dma_wait3A_458] : memref<5x128xi32, #tpu.memory_space<vmem>> -> memref<1x128xi32, #tpu.memory_space<vmem>>
      %dma_wait3A_460 = tpu.memref_squeeze %dma_wait3A_459 : memref<1x128xi32, #tpu.memory_space<vmem>> -> memref<128xi32, #tpu.memory_space<vmem>>
      %dma_wait3A_461 = arith.constant 0 : i32
      %dma_wait3A_462 = arith.constant 0 : i32
      %dma_wait3A_463 = tpu.memref_slice %arg30[%dma_wait3A_461, %dma_wait3A_462] : memref<640x16xf32, #tpu.memory_space<vmem_shared>> -> memref<640x16xf32, #tpu.memory_space<vmem_shared>>
      tpu.wait_indirect_dma semaphore(%run_scoped3A_445 : memref<!tpu.dma_semaphore, #tpu.memory_space<semaphore_mem>>) src(%dma_wait3A_457 : memref<128x16xf32, #tpu.memory_space<vmem>>) dst(%dma_wait3A_463 : memref<640x16xf32, #tpu.memory_space<vmem_shared>>)
      tpu.yield
    }) : () -> ()
    %barrier3A_440 = arith.constant 0 : index
    tpu.barrier barrier_id(%barrier3A_440)
    %mul3A_441 = arith.constant 632 : i32
    %mul3A_442 = arith.muli %arg1, %mul3A_441 : i32
    "tpu.region"() ({
      %run_scoped3A_445 = tpu.sem_alloc : memref<!tpu.dma_semaphore, #tpu.memory_space<semaphore_mem>>
      %dma_start3A_446 = arith.constant 0 : i32
      %dma_start3A_447 = tpu.memref_slice %arg4[%arg0, %mul3A_442, %dma_start3A_446] : memref<2x10112x16xf32, #tpu.memory_space<hbm>> -> memref<1x632x16xf32, #tpu.memory_space<hbm>>
      %dma_start3A_448 = tpu.memref_squeeze %dma_start3A_447 : memref<1x632x16xf32, #tpu.memory_space<hbm>> -> memref<632x16xf32, #tpu.memory_space<hbm>>
      %dma_start3A_449 = arith.constant 0 : i32
      %dma_start3A_450 = tpu.memref_slice %arg10[%mul3A_442, %dma_start3A_449] : memref<10112x16xf32, #tpu.memory_space<vmem_shared>> -> memref<632x16xf32, #tpu.memory_space<vmem_shared>>
      tpu.enqueue_dma source(%dma_start3A_450 : memref<632x16xf32, #tpu.memory_space<vmem_shared>>) target(%dma_start3A_448 : memref<632x16xf32, #tpu.memory_space<hbm>>) target_semaphore(%run_scoped3A_445 : memref<!tpu.dma_semaphore, #tpu.memory_space<semaphore_mem>>)
      %dma_wait3A_451 = arith.constant 0 : i32
      %dma_wait3A_452 = tpu.memref_slice %arg4[%arg0, %mul3A_442, %dma_wait3A_451] : memref<2x10112x16xf32, #tpu.memory_space<hbm>> -> memref<1x632x16xf32, #tpu.memory_space<hbm>>
      %dma_wait3A_453 = tpu.memref_squeeze %dma_wait3A_452 : memref<1x632x16xf32, #tpu.memory_space<hbm>> -> memref<632x16xf32, #tpu.memory_space<hbm>>
      %dma_wait3A_454 = arith.constant 0 : i32
      %dma_wait3A_455 = tpu.memref_slice %arg10[%mul3A_442, %dma_wait3A_454] : memref<10112x16xf32, #tpu.memory_space<vmem_shared>> -> memref<632x16xf32, #tpu.memory_space<vmem_shared>>
      tpu.wait_dma2 semaphore(%run_scoped3A_445 : memref<!tpu.dma_semaphore, #tpu.memory_space<semaphore_mem>>) src(%dma_wait3A_455 : memref<632x16xf32, #tpu.memory_space<vmem_shared>>) dst(%dma_wait3A_453 : memref<632x16xf32, #tpu.memory_space<hbm>>)
      tpu.yield
    }) : () -> ()
    %mul3A_443 = arith.constant 40 : i32
    %mul3A_444 = arith.muli %arg1, %mul3A_443 : i32
    "tpu.region"() ({
      %run_scoped3A_445 = tpu.sem_alloc : memref<!tpu.dma_semaphore, #tpu.memory_space<semaphore_mem>>
      %dma_start3A_446 = arith.constant 0 : i32
      %dma_start3A_447 = tpu.memref_slice %arg5[%arg0, %mul3A_444, %dma_start3A_446] : memref<2x640x16xf32, #tpu.memory_space<hbm>> -> memref<1x40x16xf32, #tpu.memory_space<hbm>>
      %dma_start3A_448 = tpu.memref_squeeze %dma_start3A_447 : memref<1x40x16xf32, #tpu.memory_space<hbm>> -> memref<40x16xf32, #tpu.memory_space<hbm>>
      %dma_start3A_449 = arith.constant 0 : i32
      %dma_start3A_450 = tpu.memref_slice %arg30[%mul3A_444, %dma_start3A_449] : memref<640x16xf32, #tpu.memory_space<vmem_shared>> -> memref<40x16xf32, #tpu.memory_space<vmem_shared>>
      tpu.enqueue_dma source(%dma_start3A_450 : memref<40x16xf32, #tpu.memory_space<vmem_shared>>) target(%dma_start3A_448 : memref<40x16xf32, #tpu.memory_space<hbm>>) target_semaphore(%run_scoped3A_445 : memref<!tpu.dma_semaphore, #tpu.memory_space<semaphore_mem>>)
      %dma_wait3A_451 = arith.constant 0 : i32
      %dma_wait3A_452 = tpu.memref_slice %arg5[%arg0, %mul3A_444, %dma_wait3A_451] : memref<2x640x16xf32, #tpu.memory_space<hbm>> -> memref<1x40x16xf32, #tpu.memory_space<hbm>>
      %dma_wait3A_453 = tpu.memref_squeeze %dma_wait3A_452 : memref<1x40x16xf32, #tpu.memory_space<hbm>> -> memref<40x16xf32, #tpu.memory_space<hbm>>
      %dma_wait3A_454 = arith.constant 0 : i32
      %dma_wait3A_455 = tpu.memref_slice %arg30[%mul3A_444, %dma_wait3A_454] : memref<640x16xf32, #tpu.memory_space<vmem_shared>> -> memref<40x16xf32, #tpu.memory_space<vmem_shared>>
      tpu.wait_dma2 semaphore(%run_scoped3A_445 : memref<!tpu.dma_semaphore, #tpu.memory_space<semaphore_mem>>) src(%dma_wait3A_455 : memref<40x16xf32, #tpu.memory_space<vmem_shared>>) dst(%dma_wait3A_453 : memref<40x16xf32, #tpu.memory_space<hbm>>)
      tpu.yield
    }) : () -> ()
    return
  }
}

#map = affine_map<(d0, d1) -> (0, 0)>
#map1 = affine_map<(d0, d1) -> (0, 0, 0, 0)>
#map2 = affine_map<(d0, d1) -> (0, 0, 0)>
module attributes {stable_mosaic.version = 14 : i64} {
  func.func @body(%arg0: i32, %arg1: i32, %arg2: memref<10000x16xf32, #tpu.memory_space<hbm>>, %arg3: memref<2x32x80x125xi32, #tpu.memory_space<hbm>>, %arg4: memref<2x10112x16xf32, #tpu.memory_space<hbm>>, %arg5: memref<80x125xi32, #tpu.memory_space<vmem>>, %arg6: memref<80x125xi32, #tpu.memory_space<vmem>>, %arg7: memref<8x125x16xf32, #tpu.memory_space<vmem>>, %arg8: memref<632x16xf32, #tpu.memory_space<vmem>>, %arg9: memref<10112x16xf32, #tpu.memory_space<vmem_shared>>, %arg10: memref<10112x16xf32, #tpu.memory_space<vmem_shared>>, %arg11: memref<!tpu.dma_semaphore, #tpu.memory_space<semaphore_mem>>, %arg12: memref<!tpu.dma_semaphore, #tpu.memory_space<semaphore_mem>>, %arg13: memref<!tpu.dma_semaphore, #tpu.memory_space<semaphore_mem>>, %arg14: memref<!tpu.dma_semaphore, #tpu.memory_space<semaphore_mem>>, %arg15: memref<!tpu.dma_semaphore, #tpu.memory_space<semaphore_mem>>, %arg16: memref<!tpu.dma_semaphore, #tpu.memory_space<semaphore_mem>>, %arg17: memref<!tpu.dma_semaphore, #tpu.memory_space<semaphore_mem>>, %arg18: memref<!tpu.dma_semaphore, #tpu.memory_space<semaphore_mem>>, %arg19: memref<!tpu.dma_semaphore, #tpu.memory_space<semaphore_mem>>, %arg20: memref<!tpu.dma_semaphore, #tpu.memory_space<semaphore_mem>>, %arg21: memref<!tpu.dma_semaphore, #tpu.memory_space<semaphore_mem>>, %arg22: memref<!tpu.dma_semaphore, #tpu.memory_space<semaphore_mem>>, %arg23: memref<!tpu.dma_semaphore, #tpu.memory_space<semaphore_mem>>, %arg24: memref<!tpu.dma_semaphore, #tpu.memory_space<semaphore_mem>>, %arg25: memref<!tpu.dma_semaphore, #tpu.memory_space<semaphore_mem>>, %arg26: memref<!tpu.dma_semaphore, #tpu.memory_space<semaphore_mem>>) attributes {dimension_semantics = [#tpu.dimension_semantics<core_parallel>, #tpu.dimension_semantics<subcore_parallel>], iteration_bounds = array<i64: 2, 16>, scalar_prefetch = 0 : i64, scratch_operands = 22 : i64, tpu.core_type = #tpu.core_type<sc_vector_subcore>, window_params = [{transform_indices = #map}, {transform_indices = #map1}, {transform_indices = #map2}]} {
    %mul3A = arith.constant 2 : i32
    %mul3A_0 = arith.muli %arg1, %mul3A : i32
    %add3A = arith.addi %mul3A_0, %arg0 : i32
    %broadcast_in_dim3A = arith.constant 0.000000e+00 : f32
    %broadcast_in_dim3A_1 = vector.broadcast %broadcast_in_dim3A : f32 to vector<16xf32>
    %broadcast_in_dim3A_2 = arith.constant 1.000000e+00 : f32
    %broadcast_in_dim3A_3 = vector.broadcast %broadcast_in_dim3A_2 : f32 to vector<16xf32>
    %iota3A = tpu.iota {dimensions = array<i32: 0>} : vector<16xi32>
    %dma_start3A = arith.constant 0 : i32
    %dma_start3A_4 = arith.constant 0 : i32
    %dma_start3A_5 = arith.constant 0 : i32
    %dma_start3A_6 = tpu.memref_slice %arg3[%dma_start3A, %add3A, %dma_start3A_4, %dma_start3A_5] : memref<2x32x80x125xi32, #tpu.memory_space<hbm>> -> memref<1x1x80x125xi32, #tpu.memory_space<hbm>>
    %dma_start3A_7 = tpu.memref_squeeze %dma_start3A_6 : memref<1x1x80x125xi32, #tpu.memory_space<hbm>> -> memref<80x125xi32, #tpu.memory_space<hbm>>
    %dma_start3A_8 = arith.constant 0 : i32
    %dma_start3A_9 = arith.constant 0 : i32
    %dma_start3A_10 = tpu.memref_slice %arg3[%dma_start3A, %add3A, %dma_start3A_8, %dma_start3A_9] : memref<2x32x80x125xi32, #tpu.memory_space<hbm>> -> memref<1x1x80x125xi32, #tpu.memory_space<hbm>>
    %dma_start3A_11 = tpu.memref_squeeze %dma_start3A_10 : memref<1x1x80x125xi32, #tpu.memory_space<hbm>> -> memref<80x125xi32, #tpu.memory_space<hbm>>
    tpu.enqueue_dma source(%dma_start3A_11 : memref<80x125xi32, #tpu.memory_space<hbm>>) target(%arg5 : memref<80x125xi32, #tpu.memory_space<vmem>>) target_semaphore(%arg11 : memref<!tpu.dma_semaphore, #tpu.memory_space<semaphore_mem>>)
    %dma_start3A_12 = arith.constant 1 : i32
    %dma_start3A_13 = arith.constant 0 : i32
    %dma_start3A_14 = arith.constant 0 : i32
    %dma_start3A_15 = tpu.memref_slice %arg3[%dma_start3A_12, %add3A, %dma_start3A_13, %dma_start3A_14] : memref<2x32x80x125xi32, #tpu.memory_space<hbm>> -> memref<1x1x80x125xi32, #tpu.memory_space<hbm>>
    %dma_start3A_16 = tpu.memref_squeeze %dma_start3A_15 : memref<1x1x80x125xi32, #tpu.memory_space<hbm>> -> memref<80x125xi32, #tpu.memory_space<hbm>>
    %dma_start3A_17 = arith.constant 0 : i32
    %dma_start3A_18 = arith.constant 0 : i32
    %dma_start3A_19 = tpu.memref_slice %arg3[%dma_start3A_12, %add3A, %dma_start3A_17, %dma_start3A_18] : memref<2x32x80x125xi32, #tpu.memory_space<hbm>> -> memref<1x1x80x125xi32, #tpu.memory_space<hbm>>
    %dma_start3A_20 = tpu.memref_squeeze %dma_start3A_19 : memref<1x1x80x125xi32, #tpu.memory_space<hbm>> -> memref<80x125xi32, #tpu.memory_space<hbm>>
    tpu.enqueue_dma source(%dma_start3A_20 : memref<80x125xi32, #tpu.memory_space<hbm>>) target(%arg6 : memref<80x125xi32, #tpu.memory_space<vmem>>) target_semaphore(%arg12 : memref<!tpu.dma_semaphore, #tpu.memory_space<semaphore_mem>>)
    %scan3A = arith.constant 0 : i32
    %scan3A_21 = arith.constant 0 : i32
    %scan3A_22 = arith.constant 79 : i32
    %scan3A_23 = arith.addi %scan3A_21, %scan3A_22 : i32
    %scan3A_24 = arith.constant 1 : i32
    scf.for %scan3A_152 = %scan3A_21 to %scan3A_23 step %scan3A_24  : i32 {
      %mul3A_153 = arith.constant 8 : i32
      %mul3A_154 = arith.muli %scan3A_152, %mul3A_153 : i32
      %add3A_155 = arith.constant 0 : i32
      %add3A_156 = arith.addi %mul3A_154, %add3A_155 : i32
      %swap3A = arith.index_cast %add3A_156 : i32 to index
      %swap3A_157 = arith.constant 0 : index
      %swap3A_158 = tpu.vector_load %arg8[%swap3A, %swap3A_157] {strides = array<i32>} : memref<632x16xf32, #tpu.memory_space<vmem>>, vector<16xf32>,
      tpu.vector_store %arg8[%swap3A, %swap3A_157], %broadcast_in_dim3A_1 {strides = array<i32>} : memref<632x16xf32, #tpu.memory_space<vmem>>, vector<16xf32>,
      %mul3A_159 = arith.constant 8 : i32
      %mul3A_160 = arith.muli %scan3A_152, %mul3A_159 : i32
      %add3A_161 = arith.constant 1 : i32
      %add3A_162 = arith.addi %mul3A_160, %add3A_161 : i32
      %swap3A_163 = arith.index_cast %add3A_162 : i32 to index
      %swap3A_164 = arith.constant 0 : index
      %swap3A_165 = tpu.vector_load %arg8[%swap3A_163, %swap3A_164] {strides = array<i32>} : memref<632x16xf32, #tpu.memory_space<vmem>>, vector<16xf32>,
      tpu.vector_store %arg8[%swap3A_163, %swap3A_164], %broadcast_in_dim3A_1 {strides = array<i32>} : memref<632x16xf32, #tpu.memory_space<vmem>>, vector<16xf32>,
      %mul3A_166 = arith.constant 8 : i32
      %mul3A_167 = arith.muli %scan3A_152, %mul3A_166 : i32
      %add3A_168 = arith.constant 2 : i32
      %add3A_169 = arith.addi %mul3A_167, %add3A_168 : i32
      %swap3A_170 = arith.index_cast %add3A_169 : i32 to index
      %swap3A_171 = arith.constant 0 : index
      %swap3A_172 = tpu.vector_load %arg8[%swap3A_170, %swap3A_171] {strides = array<i32>} : memref<632x16xf32, #tpu.memory_space<vmem>>, vector<16xf32>,
      tpu.vector_store %arg8[%swap3A_170, %swap3A_171], %broadcast_in_dim3A_1 {strides = array<i32>} : memref<632x16xf32, #tpu.memory_space<vmem>>, vector<16xf32>,
      %mul3A_173 = arith.constant 8 : i32
      %mul3A_174 = arith.muli %scan3A_152, %mul3A_173 : i32
      %add3A_175 = arith.constant 3 : i32
      %add3A_176 = arith.addi %mul3A_174, %add3A_175 : i32
      %swap3A_177 = arith.index_cast %add3A_176 : i32 to index
      %swap3A_178 = arith.constant 0 : index
      %swap3A_179 = tpu.vector_load %arg8[%swap3A_177, %swap3A_178] {strides = array<i32>} : memref<632x16xf32, #tpu.memory_space<vmem>>, vector<16xf32>,
      tpu.vector_store %arg8[%swap3A_177, %swap3A_178], %broadcast_in_dim3A_1 {strides = array<i32>} : memref<632x16xf32, #tpu.memory_space<vmem>>, vector<16xf32>,
      %mul3A_180 = arith.constant 8 : i32
      %mul3A_181 = arith.muli %scan3A_152, %mul3A_180 : i32
      %add3A_182 = arith.constant 4 : i32
      %add3A_183 = arith.addi %mul3A_181, %add3A_182 : i32
      %swap3A_184 = arith.index_cast %add3A_183 : i32 to index
      %swap3A_185 = arith.constant 0 : index
      %swap3A_186 = tpu.vector_load %arg8[%swap3A_184, %swap3A_185] {strides = array<i32>} : memref<632x16xf32, #tpu.memory_space<vmem>>, vector<16xf32>,
      tpu.vector_store %arg8[%swap3A_184, %swap3A_185], %broadcast_in_dim3A_1 {strides = array<i32>} : memref<632x16xf32, #tpu.memory_space<vmem>>, vector<16xf32>,
      %mul3A_187 = arith.constant 8 : i32
      %mul3A_188 = arith.muli %scan3A_152, %mul3A_187 : i32
      %add3A_189 = arith.constant 5 : i32
      %add3A_190 = arith.addi %mul3A_188, %add3A_189 : i32
      %swap3A_191 = arith.index_cast %add3A_190 : i32 to index
      %swap3A_192 = arith.constant 0 : index
      %swap3A_193 = tpu.vector_load %arg8[%swap3A_191, %swap3A_192] {strides = array<i32>} : memref<632x16xf32, #tpu.memory_space<vmem>>, vector<16xf32>,
      tpu.vector_store %arg8[%swap3A_191, %swap3A_192], %broadcast_in_dim3A_1 {strides = array<i32>} : memref<632x16xf32, #tpu.memory_space<vmem>>, vector<16xf32>,
      %mul3A_194 = arith.constant 8 : i32
      %mul3A_195 = arith.muli %scan3A_152, %mul3A_194 : i32
      %add3A_196 = arith.constant 6 : i32
      %add3A_197 = arith.addi %mul3A_195, %add3A_196 : i32
      %swap3A_198 = arith.index_cast %add3A_197 : i32 to index
      %swap3A_199 = arith.constant 0 : index
      %swap3A_200 = tpu.vector_load %arg8[%swap3A_198, %swap3A_199] {strides = array<i32>} : memref<632x16xf32, #tpu.memory_space<vmem>>, vector<16xf32>,
      tpu.vector_store %arg8[%swap3A_198, %swap3A_199], %broadcast_in_dim3A_1 {strides = array<i32>} : memref<632x16xf32, #tpu.memory_space<vmem>>, vector<16xf32>,
      %mul3A_201 = arith.constant 8 : i32
      %mul3A_202 = arith.muli %scan3A_152, %mul3A_201 : i32
      %add3A_203 = arith.constant 7 : i32
      %add3A_204 = arith.addi %mul3A_202, %add3A_203 : i32
      %swap3A_205 = arith.index_cast %add3A_204 : i32 to index
      %swap3A_206 = arith.constant 0 : index
      %swap3A_207 = tpu.vector_load %arg8[%swap3A_205, %swap3A_206] {strides = array<i32>} : memref<632x16xf32, #tpu.memory_space<vmem>>, vector<16xf32>,
      tpu.vector_store %arg8[%swap3A_205, %swap3A_206], %broadcast_in_dim3A_1 {strides = array<i32>} : memref<632x16xf32, #tpu.memory_space<vmem>>, vector<16xf32>,
    }
    %scan3A_25 = arith.constant 79 : i32
    %mul3A_26 = arith.constant 632 : i32
    %mul3A_27 = arith.muli %arg1, %mul3A_26 : i32
    "tpu.region"() ({
      %run_scoped3A = tpu.sem_alloc : memref<!tpu.dma_semaphore, #tpu.memory_space<semaphore_mem>>
      %dma_start3A_152 = arith.constant 0 : i32
      %dma_start3A_153 = tpu.memref_slice %arg9[%mul3A_27, %dma_start3A_152] : memref<10112x16xf32, #tpu.memory_space<vmem_shared>> -> memref<632x16xf32, #tpu.memory_space<vmem_shared>>
      %dma_start3A_154 = arith.constant 0 : i32
      %dma_start3A_155 = tpu.memref_slice %arg9[%mul3A_27, %dma_start3A_154] : memref<10112x16xf32, #tpu.memory_space<vmem_shared>> -> memref<632x16xf32, #tpu.memory_space<vmem_shared>>
      tpu.enqueue_dma source(%arg8 : memref<632x16xf32, #tpu.memory_space<vmem>>) target(%dma_start3A_155 : memref<632x16xf32, #tpu.memory_space<vmem_shared>>) target_semaphore(%run_scoped3A : memref<!tpu.dma_semaphore, #tpu.memory_space<semaphore_mem>>)
      %dma_wait3A_156 = arith.constant 0 : i32
      %dma_wait3A_157 = tpu.memref_slice %arg9[%mul3A_27, %dma_wait3A_156] : memref<10112x16xf32, #tpu.memory_space<vmem_shared>> -> memref<632x16xf32, #tpu.memory_space<vmem_shared>>
      %dma_wait3A_158 = arith.constant 0 : i32
      %dma_wait3A_159 = tpu.memref_slice %arg9[%mul3A_27, %dma_wait3A_158] : memref<10112x16xf32, #tpu.memory_space<vmem_shared>> -> memref<632x16xf32, #tpu.memory_space<vmem_shared>>
      tpu.wait_dma2 semaphore(%run_scoped3A : memref<!tpu.dma_semaphore, #tpu.memory_space<semaphore_mem>>) src(%arg8 : memref<632x16xf32, #tpu.memory_space<vmem>>) dst(%dma_wait3A_159 : memref<632x16xf32, #tpu.memory_space<vmem_shared>>)
      tpu.yield
    }) : () -> ()
    %mul3A_28 = arith.constant 625 : i32
    %mul3A_29 = arith.muli %arg1, %mul3A_28 : i32
    "tpu.region"() ({
      %run_scoped3A = tpu.sem_alloc : memref<!tpu.dma_semaphore, #tpu.memory_space<semaphore_mem>>
      %dma_start3A_152 = arith.constant 0 : i32
      %dma_start3A_153 = tpu.memref_slice %arg10[%mul3A_29, %dma_start3A_152] : memref<10112x16xf32, #tpu.memory_space<vmem_shared>> -> memref<625x16xf32, #tpu.memory_space<vmem_shared>>
      %dma_start3A_154 = arith.constant 0 : i32
      %dma_start3A_155 = tpu.memref_slice %arg2[%mul3A_29, %dma_start3A_154] : memref<10000x16xf32, #tpu.memory_space<hbm>> -> memref<625x16xf32, #tpu.memory_space<hbm>>
      tpu.enqueue_dma source(%dma_start3A_155 : memref<625x16xf32, #tpu.memory_space<hbm>>) target(%dma_start3A_153 : memref<625x16xf32, #tpu.memory_space<vmem_shared>>) target_semaphore(%run_scoped3A : memref<!tpu.dma_semaphore, #tpu.memory_space<semaphore_mem>>)
      %dma_wait3A_156 = arith.constant 0 : i32
      %dma_wait3A_157 = tpu.memref_slice %arg10[%mul3A_29, %dma_wait3A_156] : memref<10112x16xf32, #tpu.memory_space<vmem_shared>> -> memref<625x16xf32, #tpu.memory_space<vmem_shared>>
      %dma_wait3A_158 = arith.constant 0 : i32
      %dma_wait3A_159 = tpu.memref_slice %arg2[%mul3A_29, %dma_wait3A_158] : memref<10000x16xf32, #tpu.memory_space<hbm>> -> memref<625x16xf32, #tpu.memory_space<hbm>>
      tpu.wait_dma2 semaphore(%run_scoped3A : memref<!tpu.dma_semaphore, #tpu.memory_space<semaphore_mem>>) src(%dma_wait3A_159 : memref<625x16xf32, #tpu.memory_space<hbm>>) dst(%dma_wait3A_157 : memref<625x16xf32, #tpu.memory_space<vmem_shared>>)
      tpu.yield
    }) : () -> ()
    %dma_wait3A = arith.constant 0 : i32
    %dma_wait3A_30 = arith.constant 0 : i32
    %dma_wait3A_31 = arith.constant 0 : i32
    %dma_wait3A_32 = tpu.memref_slice %arg3[%dma_wait3A, %add3A, %dma_wait3A_30, %dma_wait3A_31] : memref<2x32x80x125xi32, #tpu.memory_space<hbm>> -> memref<1x1x80x125xi32, #tpu.memory_space<hbm>>
    %dma_wait3A_33 = tpu.memref_squeeze %dma_wait3A_32 : memref<1x1x80x125xi32, #tpu.memory_space<hbm>> -> memref<80x125xi32, #tpu.memory_space<hbm>>
    %dma_wait3A_34 = arith.constant 0 : i32
    %dma_wait3A_35 = arith.constant 0 : i32
    %dma_wait3A_36 = tpu.memref_slice %arg3[%dma_wait3A, %add3A, %dma_wait3A_34, %dma_wait3A_35] : memref<2x32x80x125xi32, #tpu.memory_space<hbm>> -> memref<1x1x80x125xi32, #tpu.memory_space<hbm>>
    %dma_wait3A_37 = tpu.memref_squeeze %dma_wait3A_36 : memref<1x1x80x125xi32, #tpu.memory_space<hbm>> -> memref<80x125xi32, #tpu.memory_space<hbm>>
    tpu.wait_dma2 semaphore(%arg11 : memref<!tpu.dma_semaphore, #tpu.memory_space<semaphore_mem>>) src(%dma_wait3A_37 : memref<80x125xi32, #tpu.memory_space<hbm>>) dst(%arg5 : memref<80x125xi32, #tpu.memory_space<vmem>>)
    %dma_wait3A_38 = arith.constant 1 : i32
    %dma_wait3A_39 = arith.constant 0 : i32
    %dma_wait3A_40 = arith.constant 0 : i32
    %dma_wait3A_41 = tpu.memref_slice %arg3[%dma_wait3A_38, %add3A, %dma_wait3A_39, %dma_wait3A_40] : memref<2x32x80x125xi32, #tpu.memory_space<hbm>> -> memref<1x1x80x125xi32, #tpu.memory_space<hbm>>
    %dma_wait3A_42 = tpu.memref_squeeze %dma_wait3A_41 : memref<1x1x80x125xi32, #tpu.memory_space<hbm>> -> memref<80x125xi32, #tpu.memory_space<hbm>>
    %dma_wait3A_43 = arith.constant 0 : i32
    %dma_wait3A_44 = arith.constant 0 : i32
    %dma_wait3A_45 = tpu.memref_slice %arg3[%dma_wait3A_38, %add3A, %dma_wait3A_43, %dma_wait3A_44] : memref<2x32x80x125xi32, #tpu.memory_space<hbm>> -> memref<1x1x80x125xi32, #tpu.memory_space<hbm>>
    %dma_wait3A_46 = tpu.memref_squeeze %dma_wait3A_45 : memref<1x1x80x125xi32, #tpu.memory_space<hbm>> -> memref<80x125xi32, #tpu.memory_space<hbm>>
    tpu.wait_dma2 semaphore(%arg12 : memref<!tpu.dma_semaphore, #tpu.memory_space<semaphore_mem>>) src(%dma_wait3A_46 : memref<80x125xi32, #tpu.memory_space<hbm>>) dst(%arg6 : memref<80x125xi32, #tpu.memory_space<vmem>>)
    %barrier3A = arith.constant 0 : index
    tpu.barrier barrier_id(%barrier3A)
    %dma_start3A_47 = arith.constant 0 : i32
    %dma_start3A_48 = arith.constant 0 : i32
    %dma_start3A_49 = arith.constant 0 : i32
    %dma_start3A_50 = arith.constant 0 : i32
    %dma_start3A_51 = tpu.memref_slice %arg7[%dma_start3A_48, %dma_start3A_49, %dma_start3A_50] : memref<8x125x16xf32, #tpu.memory_space<vmem>> -> memref<1x125x16xf32, #tpu.memory_space<vmem>>
    %dma_start3A_52 = tpu.memref_squeeze %dma_start3A_51 : memref<1x125x16xf32, #tpu.memory_space<vmem>> -> memref<125x16xf32, #tpu.memory_space<vmem>>
    %dma_start3A_53 = arith.constant 0 : i32
    %dma_start3A_54 = tpu.memref_slice %arg5[%dma_start3A_47, %dma_start3A_53] : memref<80x125xi32, #tpu.memory_space<vmem>> -> memref<1x125xi32, #tpu.memory_space<vmem>>
    %dma_start3A_55 = tpu.memref_squeeze %dma_start3A_54 : memref<1x125xi32, #tpu.memory_space<vmem>> -> memref<125xi32, #tpu.memory_space<vmem>>
    %dma_start3A_56 = arith.constant 0 : i32
    %dma_start3A_57 = arith.constant 0 : i32
    %dma_start3A_58 = tpu.memref_slice %arg10[%dma_start3A_56, %dma_start3A_57] : memref<10112x16xf32, #tpu.memory_space<vmem_shared>> -> memref<10112x16xf32, #tpu.memory_space<vmem_shared>>
    tpu.enqueue_indirect_dma source(%dma_start3A_58 : memref<10112x16xf32, #tpu.memory_space<vmem_shared>>) target(%dma_start3A_52 : memref<125x16xf32, #tpu.memory_space<vmem>>) offsets(%dma_start3A_55 : memref<125xi32, #tpu.memory_space<vmem>>) semaphore(%arg11 : memref<!tpu.dma_semaphore, #tpu.memory_space<semaphore_mem>>)
    %dma_start3A_59 = arith.constant 1 : i32
    %dma_start3A_60 = arith.constant 1 : i32
    %dma_start3A_61 = arith.constant 0 : i32
    %dma_start3A_62 = arith.constant 0 : i32
    %dma_start3A_63 = tpu.memref_slice %arg7[%dma_start3A_60, %dma_start3A_61, %dma_start3A_62] : memref<8x125x16xf32, #tpu.memory_space<vmem>> -> memref<1x125x16xf32, #tpu.memory_space<vmem>>
    %dma_start3A_64 = tpu.memref_squeeze %dma_start3A_63 : memref<1x125x16xf32, #tpu.memory_space<vmem>> -> memref<125x16xf32, #tpu.memory_space<vmem>>
    %dma_start3A_65 = arith.constant 0 : i32
    %dma_start3A_66 = tpu.memref_slice %arg5[%dma_start3A_59, %dma_start3A_65] : memref<80x125xi32, #tpu.memory_space<vmem>> -> memref<1x125xi32, #tpu.memory_space<vmem>>
    %dma_start3A_67 = tpu.memref_squeeze %dma_start3A_66 : memref<1x125xi32, #tpu.memory_space<vmem>> -> memref<125xi32, #tpu.memory_space<vmem>>
    %dma_start3A_68 = arith.constant 0 : i32
    %dma_start3A_69 = arith.constant 0 : i32
    %dma_start3A_70 = tpu.memref_slice %arg10[%dma_start3A_68, %dma_start3A_69] : memref<10112x16xf32, #tpu.memory_space<vmem_shared>> -> memref<10112x16xf32, #tpu.memory_space<vmem_shared>>
    tpu.enqueue_indirect_dma source(%dma_start3A_70 : memref<10112x16xf32, #tpu.memory_space<vmem_shared>>) target(%dma_start3A_64 : memref<125x16xf32, #tpu.memory_space<vmem>>) offsets(%dma_start3A_67 : memref<125xi32, #tpu.memory_space<vmem>>) semaphore(%arg12 : memref<!tpu.dma_semaphore, #tpu.memory_space<semaphore_mem>>)
    %dma_start3A_71 = arith.constant 2 : i32
    %dma_start3A_72 = arith.constant 2 : i32
    %dma_start3A_73 = arith.constant 0 : i32
    %dma_start3A_74 = arith.constant 0 : i32
    %dma_start3A_75 = tpu.memref_slice %arg7[%dma_start3A_72, %dma_start3A_73, %dma_start3A_74] : memref<8x125x16xf32, #tpu.memory_space<vmem>> -> memref<1x125x16xf32, #tpu.memory_space<vmem>>
    %dma_start3A_76 = tpu.memref_squeeze %dma_start3A_75 : memref<1x125x16xf32, #tpu.memory_space<vmem>> -> memref<125x16xf32, #tpu.memory_space<vmem>>
    %dma_start3A_77 = arith.constant 0 : i32
    %dma_start3A_78 = tpu.memref_slice %arg5[%dma_start3A_71, %dma_start3A_77] : memref<80x125xi32, #tpu.memory_space<vmem>> -> memref<1x125xi32, #tpu.memory_space<vmem>>
    %dma_start3A_79 = tpu.memref_squeeze %dma_start3A_78 : memref<1x125xi32, #tpu.memory_space<vmem>> -> memref<125xi32, #tpu.memory_space<vmem>>
    %dma_start3A_80 = arith.constant 0 : i32
    %dma_start3A_81 = arith.constant 0 : i32
    %dma_start3A_82 = tpu.memref_slice %arg10[%dma_start3A_80, %dma_start3A_81] : memref<10112x16xf32, #tpu.memory_space<vmem_shared>> -> memref<10112x16xf32, #tpu.memory_space<vmem_shared>>
    tpu.enqueue_indirect_dma source(%dma_start3A_82 : memref<10112x16xf32, #tpu.memory_space<vmem_shared>>) target(%dma_start3A_76 : memref<125x16xf32, #tpu.memory_space<vmem>>) offsets(%dma_start3A_79 : memref<125xi32, #tpu.memory_space<vmem>>) semaphore(%arg13 : memref<!tpu.dma_semaphore, #tpu.memory_space<semaphore_mem>>)
    %dma_start3A_83 = arith.constant 3 : i32
    %dma_start3A_84 = arith.constant 3 : i32
    %dma_start3A_85 = arith.constant 0 : i32
    %dma_start3A_86 = arith.constant 0 : i32
    %dma_start3A_87 = tpu.memref_slice %arg7[%dma_start3A_84, %dma_start3A_85, %dma_start3A_86] : memref<8x125x16xf32, #tpu.memory_space<vmem>> -> memref<1x125x16xf32, #tpu.memory_space<vmem>>
    %dma_start3A_88 = tpu.memref_squeeze %dma_start3A_87 : memref<1x125x16xf32, #tpu.memory_space<vmem>> -> memref<125x16xf32, #tpu.memory_space<vmem>>
    %dma_start3A_89 = arith.constant 0 : i32
    %dma_start3A_90 = tpu.memref_slice %arg5[%dma_start3A_83, %dma_start3A_89] : memref<80x125xi32, #tpu.memory_space<vmem>> -> memref<1x125xi32, #tpu.memory_space<vmem>>
    %dma_start3A_91 = tpu.memref_squeeze %dma_start3A_90 : memref<1x125xi32, #tpu.memory_space<vmem>> -> memref<125xi32, #tpu.memory_space<vmem>>
    %dma_start3A_92 = arith.constant 0 : i32
    %dma_start3A_93 = arith.constant 0 : i32
    %dma_start3A_94 = tpu.memref_slice %arg10[%dma_start3A_92, %dma_start3A_93] : memref<10112x16xf32, #tpu.memory_space<vmem_shared>> -> memref<10112x16xf32, #tpu.memory_space<vmem_shared>>
    tpu.enqueue_indirect_dma source(%dma_start3A_94 : memref<10112x16xf32, #tpu.memory_space<vmem_shared>>) target(%dma_start3A_88 : memref<125x16xf32, #tpu.memory_space<vmem>>) offsets(%dma_start3A_91 : memref<125xi32, #tpu.memory_space<vmem>>) semaphore(%arg14 : memref<!tpu.dma_semaphore, #tpu.memory_space<semaphore_mem>>)
    %dma_start3A_95 = arith.constant 4 : i32
    %dma_start3A_96 = arith.constant 4 : i32
    %dma_start3A_97 = arith.constant 0 : i32
    %dma_start3A_98 = arith.constant 0 : i32
    %dma_start3A_99 = tpu.memref_slice %arg7[%dma_start3A_96, %dma_start3A_97, %dma_start3A_98] : memref<8x125x16xf32, #tpu.memory_space<vmem>> -> memref<1x125x16xf32, #tpu.memory_space<vmem>>
    %dma_start3A_100 = tpu.memref_squeeze %dma_start3A_99 : memref<1x125x16xf32, #tpu.memory_space<vmem>> -> memref<125x16xf32, #tpu.memory_space<vmem>>
    %dma_start3A_101 = arith.constant 0 : i32
    %dma_start3A_102 = tpu.memref_slice %arg5[%dma_start3A_95, %dma_start3A_101] : memref<80x125xi32, #tpu.memory_space<vmem>> -> memref<1x125xi32, #tpu.memory_space<vmem>>
    %dma_start3A_103 = tpu.memref_squeeze %dma_start3A_102 : memref<1x125xi32, #tpu.memory_space<vmem>> -> memref<125xi32, #tpu.memory_space<vmem>>
    %dma_start3A_104 = arith.constant 0 : i32
    %dma_start3A_105 = arith.constant 0 : i32
    %dma_start3A_106 = tpu.memref_slice %arg10[%dma_start3A_104, %dma_start3A_105] : memref<10112x16xf32, #tpu.memory_space<vmem_shared>> -> memref<10112x16xf32, #tpu.memory_space<vmem_shared>>
    tpu.enqueue_indirect_dma source(%dma_start3A_106 : memref<10112x16xf32, #tpu.memory_space<vmem_shared>>) target(%dma_start3A_100 : memref<125x16xf32, #tpu.memory_space<vmem>>) offsets(%dma_start3A_103 : memref<125xi32, #tpu.memory_space<vmem>>) semaphore(%arg15 : memref<!tpu.dma_semaphore, #tpu.memory_space<semaphore_mem>>)
    %dma_start3A_107 = arith.constant 5 : i32
    %dma_start3A_108 = arith.constant 5 : i32
    %dma_start3A_109 = arith.constant 0 : i32
    %dma_start3A_110 = arith.constant 0 : i32
    %dma_start3A_111 = tpu.memref_slice %arg7[%dma_start3A_108, %dma_start3A_109, %dma_start3A_110] : memref<8x125x16xf32, #tpu.memory_space<vmem>> -> memref<1x125x16xf32, #tpu.memory_space<vmem>>
    %dma_start3A_112 = tpu.memref_squeeze %dma_start3A_111 : memref<1x125x16xf32, #tpu.memory_space<vmem>> -> memref<125x16xf32, #tpu.memory_space<vmem>>
    %dma_start3A_113 = arith.constant 0 : i32
    %dma_start3A_114 = tpu.memref_slice %arg5[%dma_start3A_107, %dma_start3A_113] : memref<80x125xi32, #tpu.memory_space<vmem>> -> memref<1x125xi32, #tpu.memory_space<vmem>>
    %dma_start3A_115 = tpu.memref_squeeze %dma_start3A_114 : memref<1x125xi32, #tpu.memory_space<vmem>> -> memref<125xi32, #tpu.memory_space<vmem>>
    %dma_start3A_116 = arith.constant 0 : i32
    %dma_start3A_117 = arith.constant 0 : i32
    %dma_start3A_118 = tpu.memref_slice %arg10[%dma_start3A_116, %dma_start3A_117] : memref<10112x16xf32, #tpu.memory_space<vmem_shared>> -> memref<10112x16xf32, #tpu.memory_space<vmem_shared>>
    tpu.enqueue_indirect_dma source(%dma_start3A_118 : memref<10112x16xf32, #tpu.memory_space<vmem_shared>>) target(%dma_start3A_112 : memref<125x16xf32, #tpu.memory_space<vmem>>) offsets(%dma_start3A_115 : memref<125xi32, #tpu.memory_space<vmem>>) semaphore(%arg16 : memref<!tpu.dma_semaphore, #tpu.memory_space<semaphore_mem>>)
    %dma_start3A_119 = arith.constant 6 : i32
    %dma_start3A_120 = arith.constant 6 : i32
    %dma_start3A_121 = arith.constant 0 : i32
    %dma_start3A_122 = arith.constant 0 : i32
    %dma_start3A_123 = tpu.memref_slice %arg7[%dma_start3A_120, %dma_start3A_121, %dma_start3A_122] : memref<8x125x16xf32, #tpu.memory_space<vmem>> -> memref<1x125x16xf32, #tpu.memory_space<vmem>>
    %dma_start3A_124 = tpu.memref_squeeze %dma_start3A_123 : memref<1x125x16xf32, #tpu.memory_space<vmem>> -> memref<125x16xf32, #tpu.memory_space<vmem>>
    %dma_start3A_125 = arith.constant 0 : i32
    %dma_start3A_126 = tpu.memref_slice %arg5[%dma_start3A_119, %dma_start3A_125] : memref<80x125xi32, #tpu.memory_space<vmem>> -> memref<1x125xi32, #tpu.memory_space<vmem>>
    %dma_start3A_127 = tpu.memref_squeeze %dma_start3A_126 : memref<1x125xi32, #tpu.memory_space<vmem>> -> memref<125xi32, #tpu.memory_space<vmem>>
    %dma_start3A_128 = arith.constant 0 : i32
    %dma_start3A_129 = arith.constant 0 : i32
    %dma_start3A_130 = tpu.memref_slice %arg10[%dma_start3A_128, %dma_start3A_129] : memref<10112x16xf32, #tpu.memory_space<vmem_shared>> -> memref<10112x16xf32, #tpu.memory_space<vmem_shared>>
    tpu.enqueue_indirect_dma source(%dma_start3A_130 : memref<10112x16xf32, #tpu.memory_space<vmem_shared>>) target(%dma_start3A_124 : memref<125x16xf32, #tpu.memory_space<vmem>>) offsets(%dma_start3A_127 : memref<125xi32, #tpu.memory_space<vmem>>) semaphore(%arg17 : memref<!tpu.dma_semaphore, #tpu.memory_space<semaphore_mem>>)
    %dma_start3A_131 = arith.constant 7 : i32
    %dma_start3A_132 = arith.constant 7 : i32
    %dma_start3A_133 = arith.constant 0 : i32
    %dma_start3A_134 = arith.constant 0 : i32
    %dma_start3A_135 = tpu.memref_slice %arg7[%dma_start3A_132, %dma_start3A_133, %dma_start3A_134] : memref<8x125x16xf32, #tpu.memory_space<vmem>> -> memref<1x125x16xf32, #tpu.memory_space<vmem>>
    %dma_start3A_136 = tpu.memref_squeeze %dma_start3A_135 : memref<1x125x16xf32, #tpu.memory_space<vmem>> -> memref<125x16xf32, #tpu.memory_space<vmem>>
    %dma_start3A_137 = arith.constant 0 : i32
    %dma_start3A_138 = tpu.memref_slice %arg5[%dma_start3A_131, %dma_start3A_137] : memref<80x125xi32, #tpu.memory_space<vmem>> -> memref<1x125xi32, #tpu.memory_space<vmem>>
    %dma_start3A_139 = tpu.memref_squeeze %dma_start3A_138 : memref<1x125xi32, #tpu.memory_space<vmem>> -> memref<125xi32, #tpu.memory_space<vmem>>
    %dma_start3A_140 = arith.constant 0 : i32
    %dma_start3A_141 = arith.constant 0 : i32
    %dma_start3A_142 = tpu.memref_slice %arg10[%dma_start3A_140, %dma_start3A_141] : memref<10112x16xf32, #tpu.memory_space<vmem_shared>> -> memref<10112x16xf32, #tpu.memory_space<vmem_shared>>
    tpu.enqueue_indirect_dma source(%dma_start3A_142 : memref<10112x16xf32, #tpu.memory_space<vmem_shared>>) target(%dma_start3A_136 : memref<125x16xf32, #tpu.memory_space<vmem>>) offsets(%dma_start3A_139 : memref<125xi32, #tpu.memory_space<vmem>>) semaphore(%arg18 : memref<!tpu.dma_semaphore, #tpu.memory_space<semaphore_mem>>)
    %scan3A_143 = arith.constant 0 : i32
    %scan3A_144 = arith.constant 0 : i32
    %scan3A_145 = arith.constant 10 : i32
    %scan3A_146 = arith.addi %scan3A_144, %scan3A_145 : i32
    %scan3A_147 = arith.constant 1 : i32
    scf.for %scan3A_152 = %scan3A_144 to %scan3A_146 step %scan3A_147  : i32 {
      %mul3A_153 = arith.constant 8 : i32
      %mul3A_154 = arith.muli %scan3A_152, %mul3A_153 : i32
      %add3A_155 = arith.constant 0 : i32
      %add3A_156 = arith.addi %mul3A_154, %add3A_155 : i32
      %dma_wait3A_157 = arith.constant 0 : i32
      %dma_wait3A_158 = arith.constant 0 : i32
      %dma_wait3A_159 = arith.constant 0 : i32
      %dma_wait3A_160 = tpu.memref_slice %arg7[%dma_wait3A_157, %dma_wait3A_158, %dma_wait3A_159] : memref<8x125x16xf32, #tpu.memory_space<vmem>> -> memref<1x125x16xf32, #tpu.memory_space<vmem>>
      %dma_wait3A_161 = tpu.memref_squeeze %dma_wait3A_160 : memref<1x125x16xf32, #tpu.memory_space<vmem>> -> memref<125x16xf32, #tpu.memory_space<vmem>>
      %dma_wait3A_162 = arith.constant 0 : i32
      %dma_wait3A_163 = tpu.memref_slice %arg5[%add3A_156, %dma_wait3A_162] : memref<80x125xi32, #tpu.memory_space<vmem>> -> memref<1x125xi32, #tpu.memory_space<vmem>>
      %dma_wait3A_164 = tpu.memref_squeeze %dma_wait3A_163 : memref<1x125xi32, #tpu.memory_space<vmem>> -> memref<125xi32, #tpu.memory_space<vmem>>
      %dma_wait3A_165 = arith.constant 0 : i32
      %dma_wait3A_166 = arith.constant 0 : i32
      %dma_wait3A_167 = tpu.memref_slice %arg10[%dma_wait3A_165, %dma_wait3A_166] : memref<10112x16xf32, #tpu.memory_space<vmem_shared>> -> memref<10112x16xf32, #tpu.memory_space<vmem_shared>>
      tpu.wait_indirect_dma semaphore(%arg11 : memref<!tpu.dma_semaphore, #tpu.memory_space<semaphore_mem>>) src(%dma_wait3A_167 : memref<10112x16xf32, #tpu.memory_space<vmem_shared>>) dst(%dma_wait3A_161 : memref<125x16xf32, #tpu.memory_space<vmem>>)
      %dma_start3A_168 = arith.constant 0 : i32
      %dma_start3A_169 = arith.constant 0 : i32
      %dma_start3A_170 = arith.constant 0 : i32
      %dma_start3A_171 = tpu.memref_slice %arg7[%dma_start3A_168, %dma_start3A_169, %dma_start3A_170] : memref<8x125x16xf32, #tpu.memory_space<vmem>> -> memref<1x125x16xf32, #tpu.memory_space<vmem>>
      %dma_start3A_172 = tpu.memref_squeeze %dma_start3A_171 : memref<1x125x16xf32, #tpu.memory_space<vmem>> -> memref<125x16xf32, #tpu.memory_space<vmem>>
      %dma_start3A_173 = arith.constant 0 : i32
      %dma_start3A_174 = tpu.memref_slice %arg6[%add3A_156, %dma_start3A_173] : memref<80x125xi32, #tpu.memory_space<vmem>> -> memref<1x125xi32, #tpu.memory_space<vmem>>
      %dma_start3A_175 = tpu.memref_squeeze %dma_start3A_174 : memref<1x125xi32, #tpu.memory_space<vmem>> -> memref<125xi32, #tpu.memory_space<vmem>>
      %dma_start3A_176 = arith.constant 0 : i32
      %dma_start3A_177 = arith.constant 0 : i32
      %dma_start3A_178 = tpu.memref_slice %arg9[%dma_start3A_176, %dma_start3A_177] : memref<10112x16xf32, #tpu.memory_space<vmem_shared>> -> memref<10112x16xf32, #tpu.memory_space<vmem_shared>>
      tpu.enqueue_indirect_dma source(%dma_start3A_172 : memref<125x16xf32, #tpu.memory_space<vmem>>) target(%dma_start3A_178 : memref<10112x16xf32, #tpu.memory_space<vmem_shared>>) offsets(%dma_start3A_175 : memref<125xi32, #tpu.memory_space<vmem>>) semaphore(%arg19 : memref<!tpu.dma_semaphore, #tpu.memory_space<semaphore_mem>>) {add = true}
      %add3A_179 = arith.constant 1 : i32
      %add3A_180 = arith.addi %mul3A_154, %add3A_179 : i32
      %dma_wait3A_181 = arith.constant 1 : i32
      %dma_wait3A_182 = arith.constant 0 : i32
      %dma_wait3A_183 = arith.constant 0 : i32
      %dma_wait3A_184 = tpu.memref_slice %arg7[%dma_wait3A_181, %dma_wait3A_182, %dma_wait3A_183] : memref<8x125x16xf32, #tpu.memory_space<vmem>> -> memref<1x125x16xf32, #tpu.memory_space<vmem>>
      %dma_wait3A_185 = tpu.memref_squeeze %dma_wait3A_184 : memref<1x125x16xf32, #tpu.memory_space<vmem>> -> memref<125x16xf32, #tpu.memory_space<vmem>>
      %dma_wait3A_186 = arith.constant 0 : i32
      %dma_wait3A_187 = tpu.memref_slice %arg5[%add3A_180, %dma_wait3A_186] : memref<80x125xi32, #tpu.memory_space<vmem>> -> memref<1x125xi32, #tpu.memory_space<vmem>>
      %dma_wait3A_188 = tpu.memref_squeeze %dma_wait3A_187 : memref<1x125xi32, #tpu.memory_space<vmem>> -> memref<125xi32, #tpu.memory_space<vmem>>
      %dma_wait3A_189 = arith.constant 0 : i32
      %dma_wait3A_190 = arith.constant 0 : i32
      %dma_wait3A_191 = tpu.memref_slice %arg10[%dma_wait3A_189, %dma_wait3A_190] : memref<10112x16xf32, #tpu.memory_space<vmem_shared>> -> memref<10112x16xf32, #tpu.memory_space<vmem_shared>>
      tpu.wait_indirect_dma semaphore(%arg12 : memref<!tpu.dma_semaphore, #tpu.memory_space<semaphore_mem>>) src(%dma_wait3A_191 : memref<10112x16xf32, #tpu.memory_space<vmem_shared>>) dst(%dma_wait3A_185 : memref<125x16xf32, #tpu.memory_space<vmem>>)
      %dma_start3A_192 = arith.constant 1 : i32
      %dma_start3A_193 = arith.constant 0 : i32
      %dma_start3A_194 = arith.constant 0 : i32
      %dma_start3A_195 = tpu.memref_slice %arg7[%dma_start3A_192, %dma_start3A_193, %dma_start3A_194] : memref<8x125x16xf32, #tpu.memory_space<vmem>> -> memref<1x125x16xf32, #tpu.memory_space<vmem>>
      %dma_start3A_196 = tpu.memref_squeeze %dma_start3A_195 : memref<1x125x16xf32, #tpu.memory_space<vmem>> -> memref<125x16xf32, #tpu.memory_space<vmem>>
      %dma_start3A_197 = arith.constant 0 : i32
      %dma_start3A_198 = tpu.memref_slice %arg6[%add3A_180, %dma_start3A_197] : memref<80x125xi32, #tpu.memory_space<vmem>> -> memref<1x125xi32, #tpu.memory_space<vmem>>
      %dma_start3A_199 = tpu.memref_squeeze %dma_start3A_198 : memref<1x125xi32, #tpu.memory_space<vmem>> -> memref<125xi32, #tpu.memory_space<vmem>>
      %dma_start3A_200 = arith.constant 0 : i32
      %dma_start3A_201 = arith.constant 0 : i32
      %dma_start3A_202 = tpu.memref_slice %arg9[%dma_start3A_200, %dma_start3A_201] : memref<10112x16xf32, #tpu.memory_space<vmem_shared>> -> memref<10112x16xf32, #tpu.memory_space<vmem_shared>>
      tpu.enqueue_indirect_dma source(%dma_start3A_196 : memref<125x16xf32, #tpu.memory_space<vmem>>) target(%dma_start3A_202 : memref<10112x16xf32, #tpu.memory_space<vmem_shared>>) offsets(%dma_start3A_199 : memref<125xi32, #tpu.memory_space<vmem>>) semaphore(%arg20 : memref<!tpu.dma_semaphore, #tpu.memory_space<semaphore_mem>>) {add = true}
      %add3A_203 = arith.constant 2 : i32
      %add3A_204 = arith.addi %mul3A_154, %add3A_203 : i32
      %dma_wait3A_205 = arith.constant 2 : i32
      %dma_wait3A_206 = arith.constant 0 : i32
      %dma_wait3A_207 = arith.constant 0 : i32
      %dma_wait3A_208 = tpu.memref_slice %arg7[%dma_wait3A_205, %dma_wait3A_206, %dma_wait3A_207] : memref<8x125x16xf32, #tpu.memory_space<vmem>> -> memref<1x125x16xf32, #tpu.memory_space<vmem>>
      %dma_wait3A_209 = tpu.memref_squeeze %dma_wait3A_208 : memref<1x125x16xf32, #tpu.memory_space<vmem>> -> memref<125x16xf32, #tpu.memory_space<vmem>>
      %dma_wait3A_210 = arith.constant 0 : i32
      %dma_wait3A_211 = tpu.memref_slice %arg5[%add3A_204, %dma_wait3A_210] : memref<80x125xi32, #tpu.memory_space<vmem>> -> memref<1x125xi32, #tpu.memory_space<vmem>>
      %dma_wait3A_212 = tpu.memref_squeeze %dma_wait3A_211 : memref<1x125xi32, #tpu.memory_space<vmem>> -> memref<125xi32, #tpu.memory_space<vmem>>
      %dma_wait3A_213 = arith.constant 0 : i32
      %dma_wait3A_214 = arith.constant 0 : i32
      %dma_wait3A_215 = tpu.memref_slice %arg10[%dma_wait3A_213, %dma_wait3A_214] : memref<10112x16xf32, #tpu.memory_space<vmem_shared>> -> memref<10112x16xf32, #tpu.memory_space<vmem_shared>>
      tpu.wait_indirect_dma semaphore(%arg13 : memref<!tpu.dma_semaphore, #tpu.memory_space<semaphore_mem>>) src(%dma_wait3A_215 : memref<10112x16xf32, #tpu.memory_space<vmem_shared>>) dst(%dma_wait3A_209 : memref<125x16xf32, #tpu.memory_space<vmem>>)
      %dma_start3A_216 = arith.constant 2 : i32
      %dma_start3A_217 = arith.constant 0 : i32
      %dma_start3A_218 = arith.constant 0 : i32
      %dma_start3A_219 = tpu.memref_slice %arg7[%dma_start3A_216, %dma_start3A_217, %dma_start3A_218] : memref<8x125x16xf32, #tpu.memory_space<vmem>> -> memref<1x125x16xf32, #tpu.memory_space<vmem>>
      %dma_start3A_220 = tpu.memref_squeeze %dma_start3A_219 : memref<1x125x16xf32, #tpu.memory_space<vmem>> -> memref<125x16xf32, #tpu.memory_space<vmem>>
      %dma_start3A_221 = arith.constant 0 : i32
      %dma_start3A_222 = tpu.memref_slice %arg6[%add3A_204, %dma_start3A_221] : memref<80x125xi32, #tpu.memory_space<vmem>> -> memref<1x125xi32, #tpu.memory_space<vmem>>
      %dma_start3A_223 = tpu.memref_squeeze %dma_start3A_222 : memref<1x125xi32, #tpu.memory_space<vmem>> -> memref<125xi32, #tpu.memory_space<vmem>>
      %dma_start3A_224 = arith.constant 0 : i32
      %dma_start3A_225 = arith.constant 0 : i32
      %dma_start3A_226 = tpu.memref_slice %arg9[%dma_start3A_224, %dma_start3A_225] : memref<10112x16xf32, #tpu.memory_space<vmem_shared>> -> memref<10112x16xf32, #tpu.memory_space<vmem_shared>>
      tpu.enqueue_indirect_dma source(%dma_start3A_220 : memref<125x16xf32, #tpu.memory_space<vmem>>) target(%dma_start3A_226 : memref<10112x16xf32, #tpu.memory_space<vmem_shared>>) offsets(%dma_start3A_223 : memref<125xi32, #tpu.memory_space<vmem>>) semaphore(%arg21 : memref<!tpu.dma_semaphore, #tpu.memory_space<semaphore_mem>>) {add = true}
      %add3A_227 = arith.constant 3 : i32
      %add3A_228 = arith.addi %mul3A_154, %add3A_227 : i32
      %dma_wait3A_229 = arith.constant 3 : i32
      %dma_wait3A_230 = arith.constant 0 : i32
      %dma_wait3A_231 = arith.constant 0 : i32
      %dma_wait3A_232 = tpu.memref_slice %arg7[%dma_wait3A_229, %dma_wait3A_230, %dma_wait3A_231] : memref<8x125x16xf32, #tpu.memory_space<vmem>> -> memref<1x125x16xf32, #tpu.memory_space<vmem>>
      %dma_wait3A_233 = tpu.memref_squeeze %dma_wait3A_232 : memref<1x125x16xf32, #tpu.memory_space<vmem>> -> memref<125x16xf32, #tpu.memory_space<vmem>>
      %dma_wait3A_234 = arith.constant 0 : i32
      %dma_wait3A_235 = tpu.memref_slice %arg5[%add3A_228, %dma_wait3A_234] : memref<80x125xi32, #tpu.memory_space<vmem>> -> memref<1x125xi32, #tpu.memory_space<vmem>>
      %dma_wait3A_236 = tpu.memref_squeeze %dma_wait3A_235 : memref<1x125xi32, #tpu.memory_space<vmem>> -> memref<125xi32, #tpu.memory_space<vmem>>
      %dma_wait3A_237 = arith.constant 0 : i32
      %dma_wait3A_238 = arith.constant 0 : i32
      %dma_wait3A_239 = tpu.memref_slice %arg10[%dma_wait3A_237, %dma_wait3A_238] : memref<10112x16xf32, #tpu.memory_space<vmem_shared>> -> memref<10112x16xf32, #tpu.memory_space<vmem_shared>>
      tpu.wait_indirect_dma semaphore(%arg14 : memref<!tpu.dma_semaphore, #tpu.memory_space<semaphore_mem>>) src(%dma_wait3A_239 : memref<10112x16xf32, #tpu.memory_space<vmem_shared>>) dst(%dma_wait3A_233 : memref<125x16xf32, #tpu.memory_space<vmem>>)
      %dma_start3A_240 = arith.constant 3 : i32
      %dma_start3A_241 = arith.constant 0 : i32
      %dma_start3A_242 = arith.constant 0 : i32
      %dma_start3A_243 = tpu.memref_slice %arg7[%dma_start3A_240, %dma_start3A_241, %dma_start3A_242] : memref<8x125x16xf32, #tpu.memory_space<vmem>> -> memref<1x125x16xf32, #tpu.memory_space<vmem>>
      %dma_start3A_244 = tpu.memref_squeeze %dma_start3A_243 : memref<1x125x16xf32, #tpu.memory_space<vmem>> -> memref<125x16xf32, #tpu.memory_space<vmem>>
      %dma_start3A_245 = arith.constant 0 : i32
      %dma_start3A_246 = tpu.memref_slice %arg6[%add3A_228, %dma_start3A_245] : memref<80x125xi32, #tpu.memory_space<vmem>> -> memref<1x125xi32, #tpu.memory_space<vmem>>
      %dma_start3A_247 = tpu.memref_squeeze %dma_start3A_246 : memref<1x125xi32, #tpu.memory_space<vmem>> -> memref<125xi32, #tpu.memory_space<vmem>>
      %dma_start3A_248 = arith.constant 0 : i32
      %dma_start3A_249 = arith.constant 0 : i32
      %dma_start3A_250 = tpu.memref_slice %arg9[%dma_start3A_248, %dma_start3A_249] : memref<10112x16xf32, #tpu.memory_space<vmem_shared>> -> memref<10112x16xf32, #tpu.memory_space<vmem_shared>>
      tpu.enqueue_indirect_dma source(%dma_start3A_244 : memref<125x16xf32, #tpu.memory_space<vmem>>) target(%dma_start3A_250 : memref<10112x16xf32, #tpu.memory_space<vmem_shared>>) offsets(%dma_start3A_247 : memref<125xi32, #tpu.memory_space<vmem>>) semaphore(%arg22 : memref<!tpu.dma_semaphore, #tpu.memory_space<semaphore_mem>>) {add = true}
      %add3A_251 = arith.constant 4 : i32
      %add3A_252 = arith.addi %mul3A_154, %add3A_251 : i32
      %dma_wait3A_253 = arith.constant 4 : i32
      %dma_wait3A_254 = arith.constant 0 : i32
      %dma_wait3A_255 = arith.constant 0 : i32
      %dma_wait3A_256 = tpu.memref_slice %arg7[%dma_wait3A_253, %dma_wait3A_254, %dma_wait3A_255] : memref<8x125x16xf32, #tpu.memory_space<vmem>> -> memref<1x125x16xf32, #tpu.memory_space<vmem>>
      %dma_wait3A_257 = tpu.memref_squeeze %dma_wait3A_256 : memref<1x125x16xf32, #tpu.memory_space<vmem>> -> memref<125x16xf32, #tpu.memory_space<vmem>>
      %dma_wait3A_258 = arith.constant 0 : i32
      %dma_wait3A_259 = tpu.memref_slice %arg5[%add3A_252, %dma_wait3A_258] : memref<80x125xi32, #tpu.memory_space<vmem>> -> memref<1x125xi32, #tpu.memory_space<vmem>>
      %dma_wait3A_260 = tpu.memref_squeeze %dma_wait3A_259 : memref<1x125xi32, #tpu.memory_space<vmem>> -> memref<125xi32, #tpu.memory_space<vmem>>
      %dma_wait3A_261 = arith.constant 0 : i32
      %dma_wait3A_262 = arith.constant 0 : i32
      %dma_wait3A_263 = tpu.memref_slice %arg10[%dma_wait3A_261, %dma_wait3A_262] : memref<10112x16xf32, #tpu.memory_space<vmem_shared>> -> memref<10112x16xf32, #tpu.memory_space<vmem_shared>>
      tpu.wait_indirect_dma semaphore(%arg15 : memref<!tpu.dma_semaphore, #tpu.memory_space<semaphore_mem>>) src(%dma_wait3A_263 : memref<10112x16xf32, #tpu.memory_space<vmem_shared>>) dst(%dma_wait3A_257 : memref<125x16xf32, #tpu.memory_space<vmem>>)
      %dma_start3A_264 = arith.constant 4 : i32
      %dma_start3A_265 = arith.constant 0 : i32
      %dma_start3A_266 = arith.constant 0 : i32
      %dma_start3A_267 = tpu.memref_slice %arg7[%dma_start3A_264, %dma_start3A_265, %dma_start3A_266] : memref<8x125x16xf32, #tpu.memory_space<vmem>> -> memref<1x125x16xf32, #tpu.memory_space<vmem>>
      %dma_start3A_268 = tpu.memref_squeeze %dma_start3A_267 : memref<1x125x16xf32, #tpu.memory_space<vmem>> -> memref<125x16xf32, #tpu.memory_space<vmem>>
      %dma_start3A_269 = arith.constant 0 : i32
      %dma_start3A_270 = tpu.memref_slice %arg6[%add3A_252, %dma_start3A_269] : memref<80x125xi32, #tpu.memory_space<vmem>> -> memref<1x125xi32, #tpu.memory_space<vmem>>
      %dma_start3A_271 = tpu.memref_squeeze %dma_start3A_270 : memref<1x125xi32, #tpu.memory_space<vmem>> -> memref<125xi32, #tpu.memory_space<vmem>>
      %dma_start3A_272 = arith.constant 0 : i32
      %dma_start3A_273 = arith.constant 0 : i32
      %dma_start3A_274 = tpu.memref_slice %arg9[%dma_start3A_272, %dma_start3A_273] : memref<10112x16xf32, #tpu.memory_space<vmem_shared>> -> memref<10112x16xf32, #tpu.memory_space<vmem_shared>>
      tpu.enqueue_indirect_dma source(%dma_start3A_268 : memref<125x16xf32, #tpu.memory_space<vmem>>) target(%dma_start3A_274 : memref<10112x16xf32, #tpu.memory_space<vmem_shared>>) offsets(%dma_start3A_271 : memref<125xi32, #tpu.memory_space<vmem>>) semaphore(%arg23 : memref<!tpu.dma_semaphore, #tpu.memory_space<semaphore_mem>>) {add = true}
      %add3A_275 = arith.constant 5 : i32
      %add3A_276 = arith.addi %mul3A_154, %add3A_275 : i32
      %dma_wait3A_277 = arith.constant 5 : i32
      %dma_wait3A_278 = arith.constant 0 : i32
      %dma_wait3A_279 = arith.constant 0 : i32
      %dma_wait3A_280 = tpu.memref_slice %arg7[%dma_wait3A_277, %dma_wait3A_278, %dma_wait3A_279] : memref<8x125x16xf32, #tpu.memory_space<vmem>> -> memref<1x125x16xf32, #tpu.memory_space<vmem>>
      %dma_wait3A_281 = tpu.memref_squeeze %dma_wait3A_280 : memref<1x125x16xf32, #tpu.memory_space<vmem>> -> memref<125x16xf32, #tpu.memory_space<vmem>>
      %dma_wait3A_282 = arith.constant 0 : i32
      %dma_wait3A_283 = tpu.memref_slice %arg5[%add3A_276, %dma_wait3A_282] : memref<80x125xi32, #tpu.memory_space<vmem>> -> memref<1x125xi32, #tpu.memory_space<vmem>>
      %dma_wait3A_284 = tpu.memref_squeeze %dma_wait3A_283 : memref<1x125xi32, #tpu.memory_space<vmem>> -> memref<125xi32, #tpu.memory_space<vmem>>
      %dma_wait3A_285 = arith.constant 0 : i32
      %dma_wait3A_286 = arith.constant 0 : i32
      %dma_wait3A_287 = tpu.memref_slice %arg10[%dma_wait3A_285, %dma_wait3A_286] : memref<10112x16xf32, #tpu.memory_space<vmem_shared>> -> memref<10112x16xf32, #tpu.memory_space<vmem_shared>>
      tpu.wait_indirect_dma semaphore(%arg16 : memref<!tpu.dma_semaphore, #tpu.memory_space<semaphore_mem>>) src(%dma_wait3A_287 : memref<10112x16xf32, #tpu.memory_space<vmem_shared>>) dst(%dma_wait3A_281 : memref<125x16xf32, #tpu.memory_space<vmem>>)
      %dma_start3A_288 = arith.constant 5 : i32
      %dma_start3A_289 = arith.constant 0 : i32
      %dma_start3A_290 = arith.constant 0 : i32
      %dma_start3A_291 = tpu.memref_slice %arg7[%dma_start3A_288, %dma_start3A_289, %dma_start3A_290] : memref<8x125x16xf32, #tpu.memory_space<vmem>> -> memref<1x125x16xf32, #tpu.memory_space<vmem>>
      %dma_start3A_292 = tpu.memref_squeeze %dma_start3A_291 : memref<1x125x16xf32, #tpu.memory_space<vmem>> -> memref<125x16xf32, #tpu.memory_space<vmem>>
      %dma_start3A_293 = arith.constant 0 : i32
      %dma_start3A_294 = tpu.memref_slice %arg6[%add3A_276, %dma_start3A_293] : memref<80x125xi32, #tpu.memory_space<vmem>> -> memref<1x125xi32, #tpu.memory_space<vmem>>
      %dma_start3A_295 = tpu.memref_squeeze %dma_start3A_294 : memref<1x125xi32, #tpu.memory_space<vmem>> -> memref<125xi32, #tpu.memory_space<vmem>>
      %dma_start3A_296 = arith.constant 0 : i32
      %dma_start3A_297 = arith.constant 0 : i32
      %dma_start3A_298 = tpu.memref_slice %arg9[%dma_start3A_296, %dma_start3A_297] : memref<10112x16xf32, #tpu.memory_space<vmem_shared>> -> memref<10112x16xf32, #tpu.memory_space<vmem_shared>>
      tpu.enqueue_indirect_dma source(%dma_start3A_292 : memref<125x16xf32, #tpu.memory_space<vmem>>) target(%dma_start3A_298 : memref<10112x16xf32, #tpu.memory_space<vmem_shared>>) offsets(%dma_start3A_295 : memref<125xi32, #tpu.memory_space<vmem>>) semaphore(%arg24 : memref<!tpu.dma_semaphore, #tpu.memory_space<semaphore_mem>>) {add = true}
      %add3A_299 = arith.constant 6 : i32
      %add3A_300 = arith.addi %mul3A_154, %add3A_299 : i32
      %dma_wait3A_301 = arith.constant 6 : i32
      %dma_wait3A_302 = arith.constant 0 : i32
      %dma_wait3A_303 = arith.constant 0 : i32
      %dma_wait3A_304 = tpu.memref_slice %arg7[%dma_wait3A_301, %dma_wait3A_302, %dma_wait3A_303] : memref<8x125x16xf32, #tpu.memory_space<vmem>> -> memref<1x125x16xf32, #tpu.memory_space<vmem>>
      %dma_wait3A_305 = tpu.memref_squeeze %dma_wait3A_304 : memref<1x125x16xf32, #tpu.memory_space<vmem>> -> memref<125x16xf32, #tpu.memory_space<vmem>>
      %dma_wait3A_306 = arith.constant 0 : i32
      %dma_wait3A_307 = tpu.memref_slice %arg5[%add3A_300, %dma_wait3A_306] : memref<80x125xi32, #tpu.memory_space<vmem>> -> memref<1x125xi32, #tpu.memory_space<vmem>>
      %dma_wait3A_308 = tpu.memref_squeeze %dma_wait3A_307 : memref<1x125xi32, #tpu.memory_space<vmem>> -> memref<125xi32, #tpu.memory_space<vmem>>
      %dma_wait3A_309 = arith.constant 0 : i32
      %dma_wait3A_310 = arith.constant 0 : i32
      %dma_wait3A_311 = tpu.memref_slice %arg10[%dma_wait3A_309, %dma_wait3A_310] : memref<10112x16xf32, #tpu.memory_space<vmem_shared>> -> memref<10112x16xf32, #tpu.memory_space<vmem_shared>>
      tpu.wait_indirect_dma semaphore(%arg17 : memref<!tpu.dma_semaphore, #tpu.memory_space<semaphore_mem>>) src(%dma_wait3A_311 : memref<10112x16xf32, #tpu.memory_space<vmem_shared>>) dst(%dma_wait3A_305 : memref<125x16xf32, #tpu.memory_space<vmem>>)
      %dma_start3A_312 = arith.constant 6 : i32
      %dma_start3A_313 = arith.constant 0 : i32
      %dma_start3A_314 = arith.constant 0 : i32
      %dma_start3A_315 = tpu.memref_slice %arg7[%dma_start3A_312, %dma_start3A_313, %dma_start3A_314] : memref<8x125x16xf32, #tpu.memory_space<vmem>> -> memref<1x125x16xf32, #tpu.memory_space<vmem>>
      %dma_start3A_316 = tpu.memref_squeeze %dma_start3A_315 : memref<1x125x16xf32, #tpu.memory_space<vmem>> -> memref<125x16xf32, #tpu.memory_space<vmem>>
      %dma_start3A_317 = arith.constant 0 : i32
      %dma_start3A_318 = tpu.memref_slice %arg6[%add3A_300, %dma_start3A_317] : memref<80x125xi32, #tpu.memory_space<vmem>> -> memref<1x125xi32, #tpu.memory_space<vmem>>
      %dma_start3A_319 = tpu.memref_squeeze %dma_start3A_318 : memref<1x125xi32, #tpu.memory_space<vmem>> -> memref<125xi32, #tpu.memory_space<vmem>>
      %dma_start3A_320 = arith.constant 0 : i32
      %dma_start3A_321 = arith.constant 0 : i32
      %dma_start3A_322 = tpu.memref_slice %arg9[%dma_start3A_320, %dma_start3A_321] : memref<10112x16xf32, #tpu.memory_space<vmem_shared>> -> memref<10112x16xf32, #tpu.memory_space<vmem_shared>>
      tpu.enqueue_indirect_dma source(%dma_start3A_316 : memref<125x16xf32, #tpu.memory_space<vmem>>) target(%dma_start3A_322 : memref<10112x16xf32, #tpu.memory_space<vmem_shared>>) offsets(%dma_start3A_319 : memref<125xi32, #tpu.memory_space<vmem>>) semaphore(%arg25 : memref<!tpu.dma_semaphore, #tpu.memory_space<semaphore_mem>>) {add = true}
      %add3A_323 = arith.constant 7 : i32
      %add3A_324 = arith.addi %mul3A_154, %add3A_323 : i32
      %dma_wait3A_325 = arith.constant 7 : i32
      %dma_wait3A_326 = arith.constant 0 : i32
      %dma_wait3A_327 = arith.constant 0 : i32
      %dma_wait3A_328 = tpu.memref_slice %arg7[%dma_wait3A_325, %dma_wait3A_326, %dma_wait3A_327] : memref<8x125x16xf32, #tpu.memory_space<vmem>> -> memref<1x125x16xf32, #tpu.memory_space<vmem>>
      %dma_wait3A_329 = tpu.memref_squeeze %dma_wait3A_328 : memref<1x125x16xf32, #tpu.memory_space<vmem>> -> memref<125x16xf32, #tpu.memory_space<vmem>>
      %dma_wait3A_330 = arith.constant 0 : i32
      %dma_wait3A_331 = tpu.memref_slice %arg5[%add3A_324, %dma_wait3A_330] : memref<80x125xi32, #tpu.memory_space<vmem>> -> memref<1x125xi32, #tpu.memory_space<vmem>>
      %dma_wait3A_332 = tpu.memref_squeeze %dma_wait3A_331 : memref<1x125xi32, #tpu.memory_space<vmem>> -> memref<125xi32, #tpu.memory_space<vmem>>
      %dma_wait3A_333 = arith.constant 0 : i32
      %dma_wait3A_334 = arith.constant 0 : i32
      %dma_wait3A_335 = tpu.memref_slice %arg10[%dma_wait3A_333, %dma_wait3A_334] : memref<10112x16xf32, #tpu.memory_space<vmem_shared>> -> memref<10112x16xf32, #tpu.memory_space<vmem_shared>>
      tpu.wait_indirect_dma semaphore(%arg18 : memref<!tpu.dma_semaphore, #tpu.memory_space<semaphore_mem>>) src(%dma_wait3A_335 : memref<10112x16xf32, #tpu.memory_space<vmem_shared>>) dst(%dma_wait3A_329 : memref<125x16xf32, #tpu.memory_space<vmem>>)
      %dma_start3A_336 = arith.constant 7 : i32
      %dma_start3A_337 = arith.constant 0 : i32
      %dma_start3A_338 = arith.constant 0 : i32
      %dma_start3A_339 = tpu.memref_slice %arg7[%dma_start3A_336, %dma_start3A_337, %dma_start3A_338] : memref<8x125x16xf32, #tpu.memory_space<vmem>> -> memref<1x125x16xf32, #tpu.memory_space<vmem>>
      %dma_start3A_340 = tpu.memref_squeeze %dma_start3A_339 : memref<1x125x16xf32, #tpu.memory_space<vmem>> -> memref<125x16xf32, #tpu.memory_space<vmem>>
      %dma_start3A_341 = arith.constant 0 : i32
      %dma_start3A_342 = tpu.memref_slice %arg6[%add3A_324, %dma_start3A_341] : memref<80x125xi32, #tpu.memory_space<vmem>> -> memref<1x125xi32, #tpu.memory_space<vmem>>
      %dma_start3A_343 = tpu.memref_squeeze %dma_start3A_342 : memref<1x125xi32, #tpu.memory_space<vmem>> -> memref<125xi32, #tpu.memory_space<vmem>>
      %dma_start3A_344 = arith.constant 0 : i32
      %dma_start3A_345 = arith.constant 0 : i32
      %dma_start3A_346 = tpu.memref_slice %arg9[%dma_start3A_344, %dma_start3A_345] : memref<10112x16xf32, #tpu.memory_space<vmem_shared>> -> memref<10112x16xf32, #tpu.memory_space<vmem_shared>>
      tpu.enqueue_indirect_dma source(%dma_start3A_340 : memref<125x16xf32, #tpu.memory_space<vmem>>) target(%dma_start3A_346 : memref<10112x16xf32, #tpu.memory_space<vmem_shared>>) offsets(%dma_start3A_343 : memref<125xi32, #tpu.memory_space<vmem>>) semaphore(%arg26 : memref<!tpu.dma_semaphore, #tpu.memory_space<semaphore_mem>>) {add = true}
      %add3A_347 = arith.constant 0 : i32
      %add3A_348 = arith.addi %mul3A_154, %add3A_347 : i32
      %dma_wait3A_349 = arith.constant 0 : i32
      %dma_wait3A_350 = arith.constant 0 : i32
      %dma_wait3A_351 = arith.constant 0 : i32
      %dma_wait3A_352 = tpu.memref_slice %arg7[%dma_wait3A_349, %dma_wait3A_350, %dma_wait3A_351] : memref<8x125x16xf32, #tpu.memory_space<vmem>> -> memref<1x125x16xf32, #tpu.memory_space<vmem>>
      %dma_wait3A_353 = tpu.memref_squeeze %dma_wait3A_352 : memref<1x125x16xf32, #tpu.memory_space<vmem>> -> memref<125x16xf32, #tpu.memory_space<vmem>>
      %dma_wait3A_354 = arith.constant 0 : i32
      %dma_wait3A_355 = tpu.memref_slice %arg6[%add3A_348, %dma_wait3A_354] : memref<80x125xi32, #tpu.memory_space<vmem>> -> memref<1x125xi32, #tpu.memory_space<vmem>>
      %dma_wait3A_356 = tpu.memref_squeeze %dma_wait3A_355 : memref<1x125xi32, #tpu.memory_space<vmem>> -> memref<125xi32, #tpu.memory_space<vmem>>
      %dma_wait3A_357 = arith.constant 0 : i32
      %dma_wait3A_358 = arith.constant 0 : i32
      %dma_wait3A_359 = tpu.memref_slice %arg9[%dma_wait3A_357, %dma_wait3A_358] : memref<10112x16xf32, #tpu.memory_space<vmem_shared>> -> memref<10112x16xf32, #tpu.memory_space<vmem_shared>>
      tpu.wait_indirect_dma semaphore(%arg19 : memref<!tpu.dma_semaphore, #tpu.memory_space<semaphore_mem>>) src(%dma_wait3A_353 : memref<125x16xf32, #tpu.memory_space<vmem>>) dst(%dma_wait3A_359 : memref<10112x16xf32, #tpu.memory_space<vmem_shared>>)
      %lt3A = arith.constant 9 : i32
      %lt3A_360 = arith.cmpi slt, %scan3A_152, %lt3A : i32
      %convert_element_type3A = arith.extui %lt3A_360 : i1 to i32
      %cond3A = arith.constant 0 : i32
      %cond3A_361 = arith.cmpi ne, %convert_element_type3A, %cond3A : i32
      scf.if %cond3A_361 {
        %add3A_488 = arith.constant 8 : i32
        %add3A_489 = arith.addi %add3A_348, %add3A_488 : i32
        %dma_start3A_490 = arith.constant 0 : i32
        %dma_start3A_491 = arith.constant 0 : i32
        %dma_start3A_492 = arith.constant 0 : i32
        %dma_start3A_493 = tpu.memref_slice %arg7[%dma_start3A_490, %dma_start3A_491, %dma_start3A_492] : memref<8x125x16xf32, #tpu.memory_space<vmem>> -> memref<1x125x16xf32, #tpu.memory_space<vmem>>
        %dma_start3A_494 = tpu.memref_squeeze %dma_start3A_493 : memref<1x125x16xf32, #tpu.memory_space<vmem>> -> memref<125x16xf32, #tpu.memory_space<vmem>>
        %dma_start3A_495 = arith.constant 0 : i32
        %dma_start3A_496 = tpu.memref_slice %arg5[%add3A_489, %dma_start3A_495] : memref<80x125xi32, #tpu.memory_space<vmem>> -> memref<1x125xi32, #tpu.memory_space<vmem>>
        %dma_start3A_497 = tpu.memref_squeeze %dma_start3A_496 : memref<1x125xi32, #tpu.memory_space<vmem>> -> memref<125xi32, #tpu.memory_space<vmem>>
        %dma_start3A_498 = arith.constant 0 : i32
        %dma_start3A_499 = arith.constant 0 : i32
        %dma_start3A_500 = tpu.memref_slice %arg10[%dma_start3A_498, %dma_start3A_499] : memref<10112x16xf32, #tpu.memory_space<vmem_shared>> -> memref<10112x16xf32, #tpu.memory_space<vmem_shared>>
        tpu.enqueue_indirect_dma source(%dma_start3A_500 : memref<10112x16xf32, #tpu.memory_space<vmem_shared>>) target(%dma_start3A_494 : memref<125x16xf32, #tpu.memory_space<vmem>>) offsets(%dma_start3A_497 : memref<125xi32, #tpu.memory_space<vmem>>) semaphore(%arg11 : memref<!tpu.dma_semaphore, #tpu.memory_space<semaphore_mem>>)
      } else {
      }
      %add3A_362 = arith.constant 1 : i32
      %add3A_363 = arith.addi %mul3A_154, %add3A_362 : i32
      %dma_wait3A_364 = arith.constant 1 : i32
      %dma_wait3A_365 = arith.constant 0 : i32
      %dma_wait3A_366 = arith.constant 0 : i32
      %dma_wait3A_367 = tpu.memref_slice %arg7[%dma_wait3A_364, %dma_wait3A_365, %dma_wait3A_366] : memref<8x125x16xf32, #tpu.memory_space<vmem>> -> memref<1x125x16xf32, #tpu.memory_space<vmem>>
      %dma_wait3A_368 = tpu.memref_squeeze %dma_wait3A_367 : memref<1x125x16xf32, #tpu.memory_space<vmem>> -> memref<125x16xf32, #tpu.memory_space<vmem>>
      %dma_wait3A_369 = arith.constant 0 : i32
      %dma_wait3A_370 = tpu.memref_slice %arg6[%add3A_363, %dma_wait3A_369] : memref<80x125xi32, #tpu.memory_space<vmem>> -> memref<1x125xi32, #tpu.memory_space<vmem>>
      %dma_wait3A_371 = tpu.memref_squeeze %dma_wait3A_370 : memref<1x125xi32, #tpu.memory_space<vmem>> -> memref<125xi32, #tpu.memory_space<vmem>>
      %dma_wait3A_372 = arith.constant 0 : i32
      %dma_wait3A_373 = arith.constant 0 : i32
      %dma_wait3A_374 = tpu.memref_slice %arg9[%dma_wait3A_372, %dma_wait3A_373] : memref<10112x16xf32, #tpu.memory_space<vmem_shared>> -> memref<10112x16xf32, #tpu.memory_space<vmem_shared>>
      tpu.wait_indirect_dma semaphore(%arg20 : memref<!tpu.dma_semaphore, #tpu.memory_space<semaphore_mem>>) src(%dma_wait3A_368 : memref<125x16xf32, #tpu.memory_space<vmem>>) dst(%dma_wait3A_374 : memref<10112x16xf32, #tpu.memory_space<vmem_shared>>)
      %lt3A_375 = arith.constant 9 : i32
      %lt3A_376 = arith.cmpi slt, %scan3A_152, %lt3A_375 : i32
      %convert_element_type3A_377 = arith.extui %lt3A_376 : i1 to i32
      %cond3A_378 = arith.constant 0 : i32
      %cond3A_379 = arith.cmpi ne, %convert_element_type3A_377, %cond3A_378 : i32
      scf.if %cond3A_379 {
        %add3A_488 = arith.constant 8 : i32
        %add3A_489 = arith.addi %add3A_363, %add3A_488 : i32
        %dma_start3A_490 = arith.constant 1 : i32
        %dma_start3A_491 = arith.constant 0 : i32
        %dma_start3A_492 = arith.constant 0 : i32
        %dma_start3A_493 = tpu.memref_slice %arg7[%dma_start3A_490, %dma_start3A_491, %dma_start3A_492] : memref<8x125x16xf32, #tpu.memory_space<vmem>> -> memref<1x125x16xf32, #tpu.memory_space<vmem>>
        %dma_start3A_494 = tpu.memref_squeeze %dma_start3A_493 : memref<1x125x16xf32, #tpu.memory_space<vmem>> -> memref<125x16xf32, #tpu.memory_space<vmem>>
        %dma_start3A_495 = arith.constant 0 : i32
        %dma_start3A_496 = tpu.memref_slice %arg5[%add3A_489, %dma_start3A_495] : memref<80x125xi32, #tpu.memory_space<vmem>> -> memref<1x125xi32, #tpu.memory_space<vmem>>
        %dma_start3A_497 = tpu.memref_squeeze %dma_start3A_496 : memref<1x125xi32, #tpu.memory_space<vmem>> -> memref<125xi32, #tpu.memory_space<vmem>>
        %dma_start3A_498 = arith.constant 0 : i32
        %dma_start3A_499 = arith.constant 0 : i32
        %dma_start3A_500 = tpu.memref_slice %arg10[%dma_start3A_498, %dma_start3A_499] : memref<10112x16xf32, #tpu.memory_space<vmem_shared>> -> memref<10112x16xf32, #tpu.memory_space<vmem_shared>>
        tpu.enqueue_indirect_dma source(%dma_start3A_500 : memref<10112x16xf32, #tpu.memory_space<vmem_shared>>) target(%dma_start3A_494 : memref<125x16xf32, #tpu.memory_space<vmem>>) offsets(%dma_start3A_497 : memref<125xi32, #tpu.memory_space<vmem>>) semaphore(%arg12 : memref<!tpu.dma_semaphore, #tpu.memory_space<semaphore_mem>>)
      } else {
      }
      %add3A_380 = arith.constant 2 : i32
      %add3A_381 = arith.addi %mul3A_154, %add3A_380 : i32
      %dma_wait3A_382 = arith.constant 2 : i32
      %dma_wait3A_383 = arith.constant 0 : i32
      %dma_wait3A_384 = arith.constant 0 : i32
      %dma_wait3A_385 = tpu.memref_slice %arg7[%dma_wait3A_382, %dma_wait3A_383, %dma_wait3A_384] : memref<8x125x16xf32, #tpu.memory_space<vmem>> -> memref<1x125x16xf32, #tpu.memory_space<vmem>>
      %dma_wait3A_386 = tpu.memref_squeeze %dma_wait3A_385 : memref<1x125x16xf32, #tpu.memory_space<vmem>> -> memref<125x16xf32, #tpu.memory_space<vmem>>
      %dma_wait3A_387 = arith.constant 0 : i32
      %dma_wait3A_388 = tpu.memref_slice %arg6[%add3A_381, %dma_wait3A_387] : memref<80x125xi32, #tpu.memory_space<vmem>> -> memref<1x125xi32, #tpu.memory_space<vmem>>
      %dma_wait3A_389 = tpu.memref_squeeze %dma_wait3A_388 : memref<1x125xi32, #tpu.memory_space<vmem>> -> memref<125xi32, #tpu.memory_space<vmem>>
      %dma_wait3A_390 = arith.constant 0 : i32
      %dma_wait3A_391 = arith.constant 0 : i32
      %dma_wait3A_392 = tpu.memref_slice %arg9[%dma_wait3A_390, %dma_wait3A_391] : memref<10112x16xf32, #tpu.memory_space<vmem_shared>> -> memref<10112x16xf32, #tpu.memory_space<vmem_shared>>
      tpu.wait_indirect_dma semaphore(%arg21 : memref<!tpu.dma_semaphore, #tpu.memory_space<semaphore_mem>>) src(%dma_wait3A_386 : memref<125x16xf32, #tpu.memory_space<vmem>>) dst(%dma_wait3A_392 : memref<10112x16xf32, #tpu.memory_space<vmem_shared>>)
      %lt3A_393 = arith.constant 9 : i32
      %lt3A_394 = arith.cmpi slt, %scan3A_152, %lt3A_393 : i32
      %convert_element_type3A_395 = arith.extui %lt3A_394 : i1 to i32
      %cond3A_396 = arith.constant 0 : i32
      %cond3A_397 = arith.cmpi ne, %convert_element_type3A_395, %cond3A_396 : i32
      scf.if %cond3A_397 {
        %add3A_488 = arith.constant 8 : i32
        %add3A_489 = arith.addi %add3A_381, %add3A_488 : i32
        %dma_start3A_490 = arith.constant 2 : i32
        %dma_start3A_491 = arith.constant 0 : i32
        %dma_start3A_492 = arith.constant 0 : i32
        %dma_start3A_493 = tpu.memref_slice %arg7[%dma_start3A_490, %dma_start3A_491, %dma_start3A_492] : memref<8x125x16xf32, #tpu.memory_space<vmem>> -> memref<1x125x16xf32, #tpu.memory_space<vmem>>
        %dma_start3A_494 = tpu.memref_squeeze %dma_start3A_493 : memref<1x125x16xf32, #tpu.memory_space<vmem>> -> memref<125x16xf32, #tpu.memory_space<vmem>>
        %dma_start3A_495 = arith.constant 0 : i32
        %dma_start3A_496 = tpu.memref_slice %arg5[%add3A_489, %dma_start3A_495] : memref<80x125xi32, #tpu.memory_space<vmem>> -> memref<1x125xi32, #tpu.memory_space<vmem>>
        %dma_start3A_497 = tpu.memref_squeeze %dma_start3A_496 : memref<1x125xi32, #tpu.memory_space<vmem>> -> memref<125xi32, #tpu.memory_space<vmem>>
        %dma_start3A_498 = arith.constant 0 : i32
        %dma_start3A_499 = arith.constant 0 : i32
        %dma_start3A_500 = tpu.memref_slice %arg10[%dma_start3A_498, %dma_start3A_499] : memref<10112x16xf32, #tpu.memory_space<vmem_shared>> -> memref<10112x16xf32, #tpu.memory_space<vmem_shared>>
        tpu.enqueue_indirect_dma source(%dma_start3A_500 : memref<10112x16xf32, #tpu.memory_space<vmem_shared>>) target(%dma_start3A_494 : memref<125x16xf32, #tpu.memory_space<vmem>>) offsets(%dma_start3A_497 : memref<125xi32, #tpu.memory_space<vmem>>) semaphore(%arg13 : memref<!tpu.dma_semaphore, #tpu.memory_space<semaphore_mem>>)
      } else {
      }
      %add3A_398 = arith.constant 3 : i32
      %add3A_399 = arith.addi %mul3A_154, %add3A_398 : i32
      %dma_wait3A_400 = arith.constant 3 : i32
      %dma_wait3A_401 = arith.constant 0 : i32
      %dma_wait3A_402 = arith.constant 0 : i32
      %dma_wait3A_403 = tpu.memref_slice %arg7[%dma_wait3A_400, %dma_wait3A_401, %dma_wait3A_402] : memref<8x125x16xf32, #tpu.memory_space<vmem>> -> memref<1x125x16xf32, #tpu.memory_space<vmem>>
      %dma_wait3A_404 = tpu.memref_squeeze %dma_wait3A_403 : memref<1x125x16xf32, #tpu.memory_space<vmem>> -> memref<125x16xf32, #tpu.memory_space<vmem>>
      %dma_wait3A_405 = arith.constant 0 : i32
      %dma_wait3A_406 = tpu.memref_slice %arg6[%add3A_399, %dma_wait3A_405] : memref<80x125xi32, #tpu.memory_space<vmem>> -> memref<1x125xi32, #tpu.memory_space<vmem>>
      %dma_wait3A_407 = tpu.memref_squeeze %dma_wait3A_406 : memref<1x125xi32, #tpu.memory_space<vmem>> -> memref<125xi32, #tpu.memory_space<vmem>>
      %dma_wait3A_408 = arith.constant 0 : i32
      %dma_wait3A_409 = arith.constant 0 : i32
      %dma_wait3A_410 = tpu.memref_slice %arg9[%dma_wait3A_408, %dma_wait3A_409] : memref<10112x16xf32, #tpu.memory_space<vmem_shared>> -> memref<10112x16xf32, #tpu.memory_space<vmem_shared>>
      tpu.wait_indirect_dma semaphore(%arg22 : memref<!tpu.dma_semaphore, #tpu.memory_space<semaphore_mem>>) src(%dma_wait3A_404 : memref<125x16xf32, #tpu.memory_space<vmem>>) dst(%dma_wait3A_410 : memref<10112x16xf32, #tpu.memory_space<vmem_shared>>)
      %lt3A_411 = arith.constant 9 : i32
      %lt3A_412 = arith.cmpi slt, %scan3A_152, %lt3A_411 : i32
      %convert_element_type3A_413 = arith.extui %lt3A_412 : i1 to i32
      %cond3A_414 = arith.constant 0 : i32
      %cond3A_415 = arith.cmpi ne, %convert_element_type3A_413, %cond3A_414 : i32
      scf.if %cond3A_415 {
        %add3A_488 = arith.constant 8 : i32
        %add3A_489 = arith.addi %add3A_399, %add3A_488 : i32
        %dma_start3A_490 = arith.constant 3 : i32
        %dma_start3A_491 = arith.constant 0 : i32
        %dma_start3A_492 = arith.constant 0 : i32
        %dma_start3A_493 = tpu.memref_slice %arg7[%dma_start3A_490, %dma_start3A_491, %dma_start3A_492] : memref<8x125x16xf32, #tpu.memory_space<vmem>> -> memref<1x125x16xf32, #tpu.memory_space<vmem>>
        %dma_start3A_494 = tpu.memref_squeeze %dma_start3A_493 : memref<1x125x16xf32, #tpu.memory_space<vmem>> -> memref<125x16xf32, #tpu.memory_space<vmem>>
        %dma_start3A_495 = arith.constant 0 : i32
        %dma_start3A_496 = tpu.memref_slice %arg5[%add3A_489, %dma_start3A_495] : memref<80x125xi32, #tpu.memory_space<vmem>> -> memref<1x125xi32, #tpu.memory_space<vmem>>
        %dma_start3A_497 = tpu.memref_squeeze %dma_start3A_496 : memref<1x125xi32, #tpu.memory_space<vmem>> -> memref<125xi32, #tpu.memory_space<vmem>>
        %dma_start3A_498 = arith.constant 0 : i32
        %dma_start3A_499 = arith.constant 0 : i32
        %dma_start3A_500 = tpu.memref_slice %arg10[%dma_start3A_498, %dma_start3A_499] : memref<10112x16xf32, #tpu.memory_space<vmem_shared>> -> memref<10112x16xf32, #tpu.memory_space<vmem_shared>>
        tpu.enqueue_indirect_dma source(%dma_start3A_500 : memref<10112x16xf32, #tpu.memory_space<vmem_shared>>) target(%dma_start3A_494 : memref<125x16xf32, #tpu.memory_space<vmem>>) offsets(%dma_start3A_497 : memref<125xi32, #tpu.memory_space<vmem>>) semaphore(%arg14 : memref<!tpu.dma_semaphore, #tpu.memory_space<semaphore_mem>>)
      } else {
      }
      %add3A_416 = arith.constant 4 : i32
      %add3A_417 = arith.addi %mul3A_154, %add3A_416 : i32
      %dma_wait3A_418 = arith.constant 4 : i32
      %dma_wait3A_419 = arith.constant 0 : i32
      %dma_wait3A_420 = arith.constant 0 : i32
      %dma_wait3A_421 = tpu.memref_slice %arg7[%dma_wait3A_418, %dma_wait3A_419, %dma_wait3A_420] : memref<8x125x16xf32, #tpu.memory_space<vmem>> -> memref<1x125x16xf32, #tpu.memory_space<vmem>>
      %dma_wait3A_422 = tpu.memref_squeeze %dma_wait3A_421 : memref<1x125x16xf32, #tpu.memory_space<vmem>> -> memref<125x16xf32, #tpu.memory_space<vmem>>
      %dma_wait3A_423 = arith.constant 0 : i32
      %dma_wait3A_424 = tpu.memref_slice %arg6[%add3A_417, %dma_wait3A_423] : memref<80x125xi32, #tpu.memory_space<vmem>> -> memref<1x125xi32, #tpu.memory_space<vmem>>
      %dma_wait3A_425 = tpu.memref_squeeze %dma_wait3A_424 : memref<1x125xi32, #tpu.memory_space<vmem>> -> memref<125xi32, #tpu.memory_space<vmem>>
      %dma_wait3A_426 = arith.constant 0 : i32
      %dma_wait3A_427 = arith.constant 0 : i32
      %dma_wait3A_428 = tpu.memref_slice %arg9[%dma_wait3A_426, %dma_wait3A_427] : memref<10112x16xf32, #tpu.memory_space<vmem_shared>> -> memref<10112x16xf32, #tpu.memory_space<vmem_shared>>
      tpu.wait_indirect_dma semaphore(%arg23 : memref<!tpu.dma_semaphore, #tpu.memory_space<semaphore_mem>>) src(%dma_wait3A_422 : memref<125x16xf32, #tpu.memory_space<vmem>>) dst(%dma_wait3A_428 : memref<10112x16xf32, #tpu.memory_space<vmem_shared>>)
      %lt3A_429 = arith.constant 9 : i32
      %lt3A_430 = arith.cmpi slt, %scan3A_152, %lt3A_429 : i32
      %convert_element_type3A_431 = arith.extui %lt3A_430 : i1 to i32
      %cond3A_432 = arith.constant 0 : i32
      %cond3A_433 = arith.cmpi ne, %convert_element_type3A_431, %cond3A_432 : i32
      scf.if %cond3A_433 {
        %add3A_488 = arith.constant 8 : i32
        %add3A_489 = arith.addi %add3A_417, %add3A_488 : i32
        %dma_start3A_490 = arith.constant 4 : i32
        %dma_start3A_491 = arith.constant 0 : i32
        %dma_start3A_492 = arith.constant 0 : i32
        %dma_start3A_493 = tpu.memref_slice %arg7[%dma_start3A_490, %dma_start3A_491, %dma_start3A_492] : memref<8x125x16xf32, #tpu.memory_space<vmem>> -> memref<1x125x16xf32, #tpu.memory_space<vmem>>
        %dma_start3A_494 = tpu.memref_squeeze %dma_start3A_493 : memref<1x125x16xf32, #tpu.memory_space<vmem>> -> memref<125x16xf32, #tpu.memory_space<vmem>>
        %dma_start3A_495 = arith.constant 0 : i32
        %dma_start3A_496 = tpu.memref_slice %arg5[%add3A_489, %dma_start3A_495] : memref<80x125xi32, #tpu.memory_space<vmem>> -> memref<1x125xi32, #tpu.memory_space<vmem>>
        %dma_start3A_497 = tpu.memref_squeeze %dma_start3A_496 : memref<1x125xi32, #tpu.memory_space<vmem>> -> memref<125xi32, #tpu.memory_space<vmem>>
        %dma_start3A_498 = arith.constant 0 : i32
        %dma_start3A_499 = arith.constant 0 : i32
        %dma_start3A_500 = tpu.memref_slice %arg10[%dma_start3A_498, %dma_start3A_499] : memref<10112x16xf32, #tpu.memory_space<vmem_shared>> -> memref<10112x16xf32, #tpu.memory_space<vmem_shared>>
        tpu.enqueue_indirect_dma source(%dma_start3A_500 : memref<10112x16xf32, #tpu.memory_space<vmem_shared>>) target(%dma_start3A_494 : memref<125x16xf32, #tpu.memory_space<vmem>>) offsets(%dma_start3A_497 : memref<125xi32, #tpu.memory_space<vmem>>) semaphore(%arg15 : memref<!tpu.dma_semaphore, #tpu.memory_space<semaphore_mem>>)
      } else {
      }
      %add3A_434 = arith.constant 5 : i32
      %add3A_435 = arith.addi %mul3A_154, %add3A_434 : i32
      %dma_wait3A_436 = arith.constant 5 : i32
      %dma_wait3A_437 = arith.constant 0 : i32
      %dma_wait3A_438 = arith.constant 0 : i32
      %dma_wait3A_439 = tpu.memref_slice %arg7[%dma_wait3A_436, %dma_wait3A_437, %dma_wait3A_438] : memref<8x125x16xf32, #tpu.memory_space<vmem>> -> memref<1x125x16xf32, #tpu.memory_space<vmem>>
      %dma_wait3A_440 = tpu.memref_squeeze %dma_wait3A_439 : memref<1x125x16xf32, #tpu.memory_space<vmem>> -> memref<125x16xf32, #tpu.memory_space<vmem>>
      %dma_wait3A_441 = arith.constant 0 : i32
      %dma_wait3A_442 = tpu.memref_slice %arg6[%add3A_435, %dma_wait3A_441] : memref<80x125xi32, #tpu.memory_space<vmem>> -> memref<1x125xi32, #tpu.memory_space<vmem>>
      %dma_wait3A_443 = tpu.memref_squeeze %dma_wait3A_442 : memref<1x125xi32, #tpu.memory_space<vmem>> -> memref<125xi32, #tpu.memory_space<vmem>>
      %dma_wait3A_444 = arith.constant 0 : i32
      %dma_wait3A_445 = arith.constant 0 : i32
      %dma_wait3A_446 = tpu.memref_slice %arg9[%dma_wait3A_444, %dma_wait3A_445] : memref<10112x16xf32, #tpu.memory_space<vmem_shared>> -> memref<10112x16xf32, #tpu.memory_space<vmem_shared>>
      tpu.wait_indirect_dma semaphore(%arg24 : memref<!tpu.dma_semaphore, #tpu.memory_space<semaphore_mem>>) src(%dma_wait3A_440 : memref<125x16xf32, #tpu.memory_space<vmem>>) dst(%dma_wait3A_446 : memref<10112x16xf32, #tpu.memory_space<vmem_shared>>)
      %lt3A_447 = arith.constant 9 : i32
      %lt3A_448 = arith.cmpi slt, %scan3A_152, %lt3A_447 : i32
      %convert_element_type3A_449 = arith.extui %lt3A_448 : i1 to i32
      %cond3A_450 = arith.constant 0 : i32
      %cond3A_451 = arith.cmpi ne, %convert_element_type3A_449, %cond3A_450 : i32
      scf.if %cond3A_451 {
        %add3A_488 = arith.constant 8 : i32
        %add3A_489 = arith.addi %add3A_435, %add3A_488 : i32
        %dma_start3A_490 = arith.constant 5 : i32
        %dma_start3A_491 = arith.constant 0 : i32
        %dma_start3A_492 = arith.constant 0 : i32
        %dma_start3A_493 = tpu.memref_slice %arg7[%dma_start3A_490, %dma_start3A_491, %dma_start3A_492] : memref<8x125x16xf32, #tpu.memory_space<vmem>> -> memref<1x125x16xf32, #tpu.memory_space<vmem>>
        %dma_start3A_494 = tpu.memref_squeeze %dma_start3A_493 : memref<1x125x16xf32, #tpu.memory_space<vmem>> -> memref<125x16xf32, #tpu.memory_space<vmem>>
        %dma_start3A_495 = arith.constant 0 : i32
        %dma_start3A_496 = tpu.memref_slice %arg5[%add3A_489, %dma_start3A_495] : memref<80x125xi32, #tpu.memory_space<vmem>> -> memref<1x125xi32, #tpu.memory_space<vmem>>
        %dma_start3A_497 = tpu.memref_squeeze %dma_start3A_496 : memref<1x125xi32, #tpu.memory_space<vmem>> -> memref<125xi32, #tpu.memory_space<vmem>>
        %dma_start3A_498 = arith.constant 0 : i32
        %dma_start3A_499 = arith.constant 0 : i32
        %dma_start3A_500 = tpu.memref_slice %arg10[%dma_start3A_498, %dma_start3A_499] : memref<10112x16xf32, #tpu.memory_space<vmem_shared>> -> memref<10112x16xf32, #tpu.memory_space<vmem_shared>>
        tpu.enqueue_indirect_dma source(%dma_start3A_500 : memref<10112x16xf32, #tpu.memory_space<vmem_shared>>) target(%dma_start3A_494 : memref<125x16xf32, #tpu.memory_space<vmem>>) offsets(%dma_start3A_497 : memref<125xi32, #tpu.memory_space<vmem>>) semaphore(%arg16 : memref<!tpu.dma_semaphore, #tpu.memory_space<semaphore_mem>>)
      } else {
      }
      %add3A_452 = arith.constant 6 : i32
      %add3A_453 = arith.addi %mul3A_154, %add3A_452 : i32
      %dma_wait3A_454 = arith.constant 6 : i32
      %dma_wait3A_455 = arith.constant 0 : i32
      %dma_wait3A_456 = arith.constant 0 : i32
      %dma_wait3A_457 = tpu.memref_slice %arg7[%dma_wait3A_454, %dma_wait3A_455, %dma_wait3A_456] : memref<8x125x16xf32, #tpu.memory_space<vmem>> -> memref<1x125x16xf32, #tpu.memory_space<vmem>>
      %dma_wait3A_458 = tpu.memref_squeeze %dma_wait3A_457 : memref<1x125x16xf32, #tpu.memory_space<vmem>> -> memref<125x16xf32, #tpu.memory_space<vmem>>
      %dma_wait3A_459 = arith.constant 0 : i32
      %dma_wait3A_460 = tpu.memref_slice %arg6[%add3A_453, %dma_wait3A_459] : memref<80x125xi32, #tpu.memory_space<vmem>> -> memref<1x125xi32, #tpu.memory_space<vmem>>
      %dma_wait3A_461 = tpu.memref_squeeze %dma_wait3A_460 : memref<1x125xi32, #tpu.memory_space<vmem>> -> memref<125xi32, #tpu.memory_space<vmem>>
      %dma_wait3A_462 = arith.constant 0 : i32
      %dma_wait3A_463 = arith.constant 0 : i32
      %dma_wait3A_464 = tpu.memref_slice %arg9[%dma_wait3A_462, %dma_wait3A_463] : memref<10112x16xf32, #tpu.memory_space<vmem_shared>> -> memref<10112x16xf32, #tpu.memory_space<vmem_shared>>
      tpu.wait_indirect_dma semaphore(%arg25 : memref<!tpu.dma_semaphore, #tpu.memory_space<semaphore_mem>>) src(%dma_wait3A_458 : memref<125x16xf32, #tpu.memory_space<vmem>>) dst(%dma_wait3A_464 : memref<10112x16xf32, #tpu.memory_space<vmem_shared>>)
      %lt3A_465 = arith.constant 9 : i32
      %lt3A_466 = arith.cmpi slt, %scan3A_152, %lt3A_465 : i32
      %convert_element_type3A_467 = arith.extui %lt3A_466 : i1 to i32
      %cond3A_468 = arith.constant 0 : i32
      %cond3A_469 = arith.cmpi ne, %convert_element_type3A_467, %cond3A_468 : i32
      scf.if %cond3A_469 {
        %add3A_488 = arith.constant 8 : i32
        %add3A_489 = arith.addi %add3A_453, %add3A_488 : i32
        %dma_start3A_490 = arith.constant 6 : i32
        %dma_start3A_491 = arith.constant 0 : i32
        %dma_start3A_492 = arith.constant 0 : i32
        %dma_start3A_493 = tpu.memref_slice %arg7[%dma_start3A_490, %dma_start3A_491, %dma_start3A_492] : memref<8x125x16xf32, #tpu.memory_space<vmem>> -> memref<1x125x16xf32, #tpu.memory_space<vmem>>
        %dma_start3A_494 = tpu.memref_squeeze %dma_start3A_493 : memref<1x125x16xf32, #tpu.memory_space<vmem>> -> memref<125x16xf32, #tpu.memory_space<vmem>>
        %dma_start3A_495 = arith.constant 0 : i32
        %dma_start3A_496 = tpu.memref_slice %arg5[%add3A_489, %dma_start3A_495] : memref<80x125xi32, #tpu.memory_space<vmem>> -> memref<1x125xi32, #tpu.memory_space<vmem>>
        %dma_start3A_497 = tpu.memref_squeeze %dma_start3A_496 : memref<1x125xi32, #tpu.memory_space<vmem>> -> memref<125xi32, #tpu.memory_space<vmem>>
        %dma_start3A_498 = arith.constant 0 : i32
        %dma_start3A_499 = arith.constant 0 : i32
        %dma_start3A_500 = tpu.memref_slice %arg10[%dma_start3A_498, %dma_start3A_499] : memref<10112x16xf32, #tpu.memory_space<vmem_shared>> -> memref<10112x16xf32, #tpu.memory_space<vmem_shared>>
        tpu.enqueue_indirect_dma source(%dma_start3A_500 : memref<10112x16xf32, #tpu.memory_space<vmem_shared>>) target(%dma_start3A_494 : memref<125x16xf32, #tpu.memory_space<vmem>>) offsets(%dma_start3A_497 : memref<125xi32, #tpu.memory_space<vmem>>) semaphore(%arg17 : memref<!tpu.dma_semaphore, #tpu.memory_space<semaphore_mem>>)
      } else {
      }
      %add3A_470 = arith.constant 7 : i32
      %add3A_471 = arith.addi %mul3A_154, %add3A_470 : i32
      %dma_wait3A_472 = arith.constant 7 : i32
      %dma_wait3A_473 = arith.constant 0 : i32
      %dma_wait3A_474 = arith.constant 0 : i32
      %dma_wait3A_475 = tpu.memref_slice %arg7[%dma_wait3A_472, %dma_wait3A_473, %dma_wait3A_474] : memref<8x125x16xf32, #tpu.memory_space<vmem>> -> memref<1x125x16xf32, #tpu.memory_space<vmem>>
      %dma_wait3A_476 = tpu.memref_squeeze %dma_wait3A_475 : memref<1x125x16xf32, #tpu.memory_space<vmem>> -> memref<125x16xf32, #tpu.memory_space<vmem>>
      %dma_wait3A_477 = arith.constant 0 : i32
      %dma_wait3A_478 = tpu.memref_slice %arg6[%add3A_471, %dma_wait3A_477] : memref<80x125xi32, #tpu.memory_space<vmem>> -> memref<1x125xi32, #tpu.memory_space<vmem>>
      %dma_wait3A_479 = tpu.memref_squeeze %dma_wait3A_478 : memref<1x125xi32, #tpu.memory_space<vmem>> -> memref<125xi32, #tpu.memory_space<vmem>>
      %dma_wait3A_480 = arith.constant 0 : i32
      %dma_wait3A_481 = arith.constant 0 : i32
      %dma_wait3A_482 = tpu.memref_slice %arg9[%dma_wait3A_480, %dma_wait3A_481] : memref<10112x16xf32, #tpu.memory_space<vmem_shared>> -> memref<10112x16xf32, #tpu.memory_space<vmem_shared>>
      tpu.wait_indirect_dma semaphore(%arg26 : memref<!tpu.dma_semaphore, #tpu.memory_space<semaphore_mem>>) src(%dma_wait3A_476 : memref<125x16xf32, #tpu.memory_space<vmem>>) dst(%dma_wait3A_482 : memref<10112x16xf32, #tpu.memory_space<vmem_shared>>)
      %lt3A_483 = arith.constant 9 : i32
      %lt3A_484 = arith.cmpi slt, %scan3A_152, %lt3A_483 : i32
      %convert_element_type3A_485 = arith.extui %lt3A_484 : i1 to i32
      %cond3A_486 = arith.constant 0 : i32
      %cond3A_487 = arith.cmpi ne, %convert_element_type3A_485, %cond3A_486 : i32
      scf.if %cond3A_487 {
        %add3A_488 = arith.constant 8 : i32
        %add3A_489 = arith.addi %add3A_471, %add3A_488 : i32
        %dma_start3A_490 = arith.constant 7 : i32
        %dma_start3A_491 = arith.constant 0 : i32
        %dma_start3A_492 = arith.constant 0 : i32
        %dma_start3A_493 = tpu.memref_slice %arg7[%dma_start3A_490, %dma_start3A_491, %dma_start3A_492] : memref<8x125x16xf32, #tpu.memory_space<vmem>> -> memref<1x125x16xf32, #tpu.memory_space<vmem>>
        %dma_start3A_494 = tpu.memref_squeeze %dma_start3A_493 : memref<1x125x16xf32, #tpu.memory_space<vmem>> -> memref<125x16xf32, #tpu.memory_space<vmem>>
        %dma_start3A_495 = arith.constant 0 : i32
        %dma_start3A_496 = tpu.memref_slice %arg5[%add3A_489, %dma_start3A_495] : memref<80x125xi32, #tpu.memory_space<vmem>> -> memref<1x125xi32, #tpu.memory_space<vmem>>
        %dma_start3A_497 = tpu.memref_squeeze %dma_start3A_496 : memref<1x125xi32, #tpu.memory_space<vmem>> -> memref<125xi32, #tpu.memory_space<vmem>>
        %dma_start3A_498 = arith.constant 0 : i32
        %dma_start3A_499 = arith.constant 0 : i32
        %dma_start3A_500 = tpu.memref_slice %arg10[%dma_start3A_498, %dma_start3A_499] : memref<10112x16xf32, #tpu.memory_space<vmem_shared>> -> memref<10112x16xf32, #tpu.memory_space<vmem_shared>>
        tpu.enqueue_indirect_dma source(%dma_start3A_500 : memref<10112x16xf32, #tpu.memory_space<vmem_shared>>) target(%dma_start3A_494 : memref<125x16xf32, #tpu.memory_space<vmem>>) offsets(%dma_start3A_497 : memref<125xi32, #tpu.memory_space<vmem>>) semaphore(%arg18 : memref<!tpu.dma_semaphore, #tpu.memory_space<semaphore_mem>>)
      } else {
      }
    }
    %scan3A_148 = arith.constant 10 : i32
    %barrier3A_149 = arith.constant 0 : index
    tpu.barrier barrier_id(%barrier3A_149)
    %mul3A_150 = arith.constant 632 : i32
    %mul3A_151 = arith.muli %arg1, %mul3A_150 : i32
    "tpu.region"() ({
      %run_scoped3A = tpu.sem_alloc : memref<!tpu.dma_semaphore, #tpu.memory_space<semaphore_mem>>
      %dma_start3A_152 = arith.constant 0 : i32
      %dma_start3A_153 = tpu.memref_slice %arg4[%arg0, %mul3A_151, %dma_start3A_152] : memref<2x10112x16xf32, #tpu.memory_space<hbm>> -> memref<1x632x16xf32, #tpu.memory_space<hbm>>
      %dma_start3A_154 = tpu.memref_squeeze %dma_start3A_153 : memref<1x632x16xf32, #tpu.memory_space<hbm>> -> memref<632x16xf32, #tpu.memory_space<hbm>>
      %dma_start3A_155 = arith.constant 0 : i32
      %dma_start3A_156 = tpu.memref_slice %arg9[%mul3A_151, %dma_start3A_155] : memref<10112x16xf32, #tpu.memory_space<vmem_shared>> -> memref<632x16xf32, #tpu.memory_space<vmem_shared>>
      tpu.enqueue_dma source(%dma_start3A_156 : memref<632x16xf32, #tpu.memory_space<vmem_shared>>) target(%dma_start3A_154 : memref<632x16xf32, #tpu.memory_space<hbm>>) target_semaphore(%run_scoped3A : memref<!tpu.dma_semaphore, #tpu.memory_space<semaphore_mem>>)
      %dma_wait3A_157 = arith.constant 0 : i32
      %dma_wait3A_158 = tpu.memref_slice %arg4[%arg0, %mul3A_151, %dma_wait3A_157] : memref<2x10112x16xf32, #tpu.memory_space<hbm>> -> memref<1x632x16xf32, #tpu.memory_space<hbm>>
      %dma_wait3A_159 = tpu.memref_squeeze %dma_wait3A_158 : memref<1x632x16xf32, #tpu.memory_space<hbm>> -> memref<632x16xf32, #tpu.memory_space<hbm>>
      %dma_wait3A_160 = arith.constant 0 : i32
      %dma_wait3A_161 = tpu.memref_slice %arg9[%mul3A_151, %dma_wait3A_160] : memref<10112x16xf32, #tpu.memory_space<vmem_shared>> -> memref<632x16xf32, #tpu.memory_space<vmem_shared>>
      tpu.wait_dma2 semaphore(%run_scoped3A : memref<!tpu.dma_semaphore, #tpu.memory_space<semaphore_mem>>) src(%dma_wait3A_161 : memref<632x16xf32, #tpu.memory_space<vmem_shared>>) dst(%dma_wait3A_159 : memref<632x16xf32, #tpu.memory_space<hbm>>)
      tpu.yield
    }) : () -> ()
    return
  }
}

module attributes {stable_mosaic.version = 14 : i64} {
  func.func @_projn_body(%arg0: i32, %arg1: memref<1250x8x128xf32, #tpu.memory_space<vmem>>, %arg2: memref<128x16xf32, #tpu.memory_space<vmem>>, %arg3: memref<1250x128xf32, #tpu.memory_space<vmem>>) attributes {dimension_semantics = [#tpu.dimension_semantics<arbitrary>], iteration_bounds = array<i64: 1>, scalar_prefetch = 0 : i64, scratch_operands = 0 : i64, tpu.core_type = #tpu.core_type<tc>, window_params = [{pipeline_mode = #tpu.pipeline_mode<synchronous>, transform_indices = @transform_0, window_bounds = array<i64: 1250, 8, 128>}, {pipeline_mode = #tpu.pipeline_mode<synchronous>, transform_indices = @transform_1, window_bounds = array<i64: 128, 16>}, {pipeline_mode = #tpu.pipeline_mode<synchronous>, transform_indices = @transform_2, window_bounds = array<i64: 1250, 128>}]} {
    %get3A = arith.constant 0 : index
    %get3A_0 = arith.constant 0 : index
    %get3A_1 = vector.load %arg2[%get3A, %get3A_0] : memref<128x16xf32, #tpu.memory_space<vmem>>, vector<128x16xf32>
    %get3A_2 = arith.constant 0 : index
    %get3A_3 = arith.constant 0 : index
    %get3A_4 = arith.constant 0 : index
    %get3A_5 = vector.load %arg1[%get3A_2, %get3A_3, %get3A_4] : memref<1250x8x128xf32, #tpu.memory_space<vmem>>, vector<1250x1x128xf32>
    %get3A_6 = vector.shape_cast %get3A_5 : vector<1250x1x128xf32> to vector<1250x128xf32>
    %dot_general3A = arith.constant dense<0.000000e+00> : vector<1250x16xf32>
    %dot_general3A_7 = tpu.matmul %get3A_6, %get3A_1, %dot_general3A {dimension_numbers = #tpu.dot_dimension_numbers<[1], [0], [0], [1], [0, 0, 1, 1], [], []>, transpose_lhs_hint = false} : vector<1250x128xf32>, vector<128x16xf32>, vector<1250x16xf32> -> vector<1250x16xf32>
    %swap3A = arith.constant 0 : index
    %swap3A_8 = arith.constant 0 : index
    %swap3A_9 = vector.load %arg3[%swap3A, %swap3A_8] : memref<1250x128xf32, #tpu.memory_space<vmem>>, vector<1250x16xf32>
    tpu.vector_store %arg3[%swap3A, %swap3A_8], %dot_general3A_7 {strides = array<i32>} : memref<1250x128xf32, #tpu.memory_space<vmem>>, vector<1250x16xf32>,
    %get3A_10 = arith.constant 0 : index
    %get3A_11 = arith.constant 1 : index
    %get3A_12 = arith.constant 0 : index
    %get3A_13 = vector.load %arg1[%get3A_10, %get3A_11, %get3A_12] : memref<1250x8x128xf32, #tpu.memory_space<vmem>>, vector<1250x1x128xf32>
    %get3A_14 = vector.shape_cast %get3A_13 : vector<1250x1x128xf32> to vector<1250x128xf32>
    %dot_general3A_15 = arith.constant dense<0.000000e+00> : vector<1250x16xf32>
    %dot_general3A_16 = tpu.matmul %get3A_14, %get3A_1, %dot_general3A_15 {dimension_numbers = #tpu.dot_dimension_numbers<[1], [0], [0], [1], [0, 0, 1, 1], [], []>, transpose_lhs_hint = false} : vector<1250x128xf32>, vector<128x16xf32>, vector<1250x16xf32> -> vector<1250x16xf32>
    %swap3A_17 = arith.constant 0 : index
    %swap3A_18 = arith.constant 16 : index
    %swap3A_19 = vector.load %arg3[%swap3A_17, %swap3A_18] : memref<1250x128xf32, #tpu.memory_space<vmem>>, vector<1250x16xf32>
    tpu.vector_store %arg3[%swap3A_17, %swap3A_18], %dot_general3A_16 {strides = array<i32>} : memref<1250x128xf32, #tpu.memory_space<vmem>>, vector<1250x16xf32>,
    %get3A_20 = arith.constant 0 : index
    %get3A_21 = arith.constant 2 : index
    %get3A_22 = arith.constant 0 : index
    %get3A_23 = vector.load %arg1[%get3A_20, %get3A_21, %get3A_22] : memref<1250x8x128xf32, #tpu.memory_space<vmem>>, vector<1250x1x128xf32>
    %get3A_24 = vector.shape_cast %get3A_23 : vector<1250x1x128xf32> to vector<1250x128xf32>
    %dot_general3A_25 = arith.constant dense<0.000000e+00> : vector<1250x16xf32>
    %dot_general3A_26 = tpu.matmul %get3A_24, %get3A_1, %dot_general3A_25 {dimension_numbers = #tpu.dot_dimension_numbers<[1], [0], [0], [1], [0, 0, 1, 1], [], []>, transpose_lhs_hint = false} : vector<1250x128xf32>, vector<128x16xf32>, vector<1250x16xf32> -> vector<1250x16xf32>
    %swap3A_27 = arith.constant 0 : index
    %swap3A_28 = arith.constant 32 : index
    %swap3A_29 = vector.load %arg3[%swap3A_27, %swap3A_28] : memref<1250x128xf32, #tpu.memory_space<vmem>>, vector<1250x16xf32>
    tpu.vector_store %arg3[%swap3A_27, %swap3A_28], %dot_general3A_26 {strides = array<i32>} : memref<1250x128xf32, #tpu.memory_space<vmem>>, vector<1250x16xf32>,
    %get3A_30 = arith.constant 0 : index
    %get3A_31 = arith.constant 3 : index
    %get3A_32 = arith.constant 0 : index
    %get3A_33 = vector.load %arg1[%get3A_30, %get3A_31, %get3A_32] : memref<1250x8x128xf32, #tpu.memory_space<vmem>>, vector<1250x1x128xf32>
    %get3A_34 = vector.shape_cast %get3A_33 : vector<1250x1x128xf32> to vector<1250x128xf32>
    %dot_general3A_35 = arith.constant dense<0.000000e+00> : vector<1250x16xf32>
    %dot_general3A_36 = tpu.matmul %get3A_34, %get3A_1, %dot_general3A_35 {dimension_numbers = #tpu.dot_dimension_numbers<[1], [0], [0], [1], [0, 0, 1, 1], [], []>, transpose_lhs_hint = false} : vector<1250x128xf32>, vector<128x16xf32>, vector<1250x16xf32> -> vector<1250x16xf32>
    %swap3A_37 = arith.constant 0 : index
    %swap3A_38 = arith.constant 48 : index
    %swap3A_39 = vector.load %arg3[%swap3A_37, %swap3A_38] : memref<1250x128xf32, #tpu.memory_space<vmem>>, vector<1250x16xf32>
    tpu.vector_store %arg3[%swap3A_37, %swap3A_38], %dot_general3A_36 {strides = array<i32>} : memref<1250x128xf32, #tpu.memory_space<vmem>>, vector<1250x16xf32>,
    %get3A_40 = arith.constant 0 : index
    %get3A_41 = arith.constant 4 : index
    %get3A_42 = arith.constant 0 : index
    %get3A_43 = vector.load %arg1[%get3A_40, %get3A_41, %get3A_42] : memref<1250x8x128xf32, #tpu.memory_space<vmem>>, vector<1250x1x128xf32>
    %get3A_44 = vector.shape_cast %get3A_43 : vector<1250x1x128xf32> to vector<1250x128xf32>
    %dot_general3A_45 = arith.constant dense<0.000000e+00> : vector<1250x16xf32>
    %dot_general3A_46 = tpu.matmul %get3A_44, %get3A_1, %dot_general3A_45 {dimension_numbers = #tpu.dot_dimension_numbers<[1], [0], [0], [1], [0, 0, 1, 1], [], []>, transpose_lhs_hint = false} : vector<1250x128xf32>, vector<128x16xf32>, vector<1250x16xf32> -> vector<1250x16xf32>
    %swap3A_47 = arith.constant 0 : index
    %swap3A_48 = arith.constant 64 : index
    %swap3A_49 = vector.load %arg3[%swap3A_47, %swap3A_48] : memref<1250x128xf32, #tpu.memory_space<vmem>>, vector<1250x16xf32>
    tpu.vector_store %arg3[%swap3A_47, %swap3A_48], %dot_general3A_46 {strides = array<i32>} : memref<1250x128xf32, #tpu.memory_space<vmem>>, vector<1250x16xf32>,
    %get3A_50 = arith.constant 0 : index
    %get3A_51 = arith.constant 5 : index
    %get3A_52 = arith.constant 0 : index
    %get3A_53 = vector.load %arg1[%get3A_50, %get3A_51, %get3A_52] : memref<1250x8x128xf32, #tpu.memory_space<vmem>>, vector<1250x1x128xf32>
    %get3A_54 = vector.shape_cast %get3A_53 : vector<1250x1x128xf32> to vector<1250x128xf32>
    %dot_general3A_55 = arith.constant dense<0.000000e+00> : vector<1250x16xf32>
    %dot_general3A_56 = tpu.matmul %get3A_54, %get3A_1, %dot_general3A_55 {dimension_numbers = #tpu.dot_dimension_numbers<[1], [0], [0], [1], [0, 0, 1, 1], [], []>, transpose_lhs_hint = false} : vector<1250x128xf32>, vector<128x16xf32>, vector<1250x16xf32> -> vector<1250x16xf32>
    %swap3A_57 = arith.constant 0 : index
    %swap3A_58 = arith.constant 80 : index
    %swap3A_59 = vector.load %arg3[%swap3A_57, %swap3A_58] : memref<1250x128xf32, #tpu.memory_space<vmem>>, vector<1250x16xf32>
    tpu.vector_store %arg3[%swap3A_57, %swap3A_58], %dot_general3A_56 {strides = array<i32>} : memref<1250x128xf32, #tpu.memory_space<vmem>>, vector<1250x16xf32>,
    %get3A_60 = arith.constant 0 : index
    %get3A_61 = arith.constant 6 : index
    %get3A_62 = arith.constant 0 : index
    %get3A_63 = vector.load %arg1[%get3A_60, %get3A_61, %get3A_62] : memref<1250x8x128xf32, #tpu.memory_space<vmem>>, vector<1250x1x128xf32>
    %get3A_64 = vector.shape_cast %get3A_63 : vector<1250x1x128xf32> to vector<1250x128xf32>
    %dot_general3A_65 = arith.constant dense<0.000000e+00> : vector<1250x16xf32>
    %dot_general3A_66 = tpu.matmul %get3A_64, %get3A_1, %dot_general3A_65 {dimension_numbers = #tpu.dot_dimension_numbers<[1], [0], [0], [1], [0, 0, 1, 1], [], []>, transpose_lhs_hint = false} : vector<1250x128xf32>, vector<128x16xf32>, vector<1250x16xf32> -> vector<1250x16xf32>
    %swap3A_67 = arith.constant 0 : index
    %swap3A_68 = arith.constant 96 : index
    %swap3A_69 = vector.load %arg3[%swap3A_67, %swap3A_68] : memref<1250x128xf32, #tpu.memory_space<vmem>>, vector<1250x16xf32>
    tpu.vector_store %arg3[%swap3A_67, %swap3A_68], %dot_general3A_66 {strides = array<i32>} : memref<1250x128xf32, #tpu.memory_space<vmem>>, vector<1250x16xf32>,
    %get3A_70 = arith.constant 0 : index
    %get3A_71 = arith.constant 7 : index
    %get3A_72 = arith.constant 0 : index
    %get3A_73 = vector.load %arg1[%get3A_70, %get3A_71, %get3A_72] : memref<1250x8x128xf32, #tpu.memory_space<vmem>>, vector<1250x1x128xf32>
    %get3A_74 = vector.shape_cast %get3A_73 : vector<1250x1x128xf32> to vector<1250x128xf32>
    %dot_general3A_75 = arith.constant dense<0.000000e+00> : vector<1250x16xf32>
    %dot_general3A_76 = tpu.matmul %get3A_74, %get3A_1, %dot_general3A_75 {dimension_numbers = #tpu.dot_dimension_numbers<[1], [0], [0], [1], [0, 0, 1, 1], [], []>, transpose_lhs_hint = false} : vector<1250x128xf32>, vector<128x16xf32>, vector<1250x16xf32> -> vector<1250x16xf32>
    %swap3A_77 = arith.constant 0 : index
    %swap3A_78 = arith.constant 112 : index
    %swap3A_79 = vector.load %arg3[%swap3A_77, %swap3A_78] : memref<1250x128xf32, #tpu.memory_space<vmem>>, vector<1250x16xf32>
    tpu.vector_store %arg3[%swap3A_77, %swap3A_78], %dot_general3A_76 {strides = array<i32>} : memref<1250x128xf32, #tpu.memory_space<vmem>>, vector<1250x16xf32>,
    return
  }
  func.func @transform_0(%arg0: i32) -> (i32, i32, i32) {
    %c0_i32 = arith.constant 0 : i32
    %c0_i32_0 = arith.constant 0 : i32
    %c0_i32_1 = arith.constant 0 : i32
    %c0_i32_2 = arith.constant 0 : i32
    return %c0_i32, %c0_i32_0, %c0_i32_1 : i32, i32, i32
  }
  func.func @transform_1(%arg0: i32) -> (i32, i32) {
    %c0_i32 = arith.constant 0 : i32
    %c0_i32_0 = arith.constant 0 : i32
    %c0_i32_1 = arith.constant 0 : i32
    return %c0_i32, %c0_i32_0 : i32, i32
  }
  func.func @transform_2(%arg0: i32) -> (i32, i32) {
    %c0_i32 = arith.constant 0 : i32
    %c0_i32_0 = arith.constant 0 : i32
    %c0_i32_1 = arith.constant 0 : i32
    return %c0_i32, %c0_i32_0 : i32, i32
  }
}

module attributes {stable_mosaic.version = 14 : i64} {
  func.func @_projs_body(%arg0: i32, %arg1: memref<1250x8x128xf32, #tpu.memory_space<vmem>>, %arg2: memref<128x16xf32, #tpu.memory_space<vmem>>, %arg3: memref<1x16xf32, #tpu.memory_space<vmem>>, %arg4: memref<1250x128xf32, #tpu.memory_space<vmem>>) attributes {dimension_semantics = [#tpu.dimension_semantics<arbitrary>], iteration_bounds = array<i64: 1>, scalar_prefetch = 0 : i64, scratch_operands = 0 : i64, tpu.core_type = #tpu.core_type<tc>, window_params = [{pipeline_mode = #tpu.pipeline_mode<synchronous>, transform_indices = @transform_0, window_bounds = array<i64: 1250, 8, 128>}, {pipeline_mode = #tpu.pipeline_mode<synchronous>, transform_indices = @transform_1, window_bounds = array<i64: 128, 16>}, {pipeline_mode = #tpu.pipeline_mode<synchronous>, transform_indices = @transform_2, window_bounds = array<i64: 1, 16>}, {pipeline_mode = #tpu.pipeline_mode<synchronous>, transform_indices = @transform_3, window_bounds = array<i64: 1250, 128>}]} {
    %get3A = arith.constant 0 : index
    %get3A_0 = arith.constant 0 : index
    %get3A_1 = vector.load %arg2[%get3A, %get3A_0] : memref<128x16xf32, #tpu.memory_space<vmem>>, vector<128x16xf32>
    %get3A_2 = arith.constant 0 : index
    %get3A_3 = arith.constant 0 : index
    %get3A_4 = vector.load %arg3[%get3A_2, %get3A_3] : memref<1x16xf32, #tpu.memory_space<vmem>>, vector<1x16xf32>
    %concatenate3A = tpu.concatenate %get3A_4, %get3A_4, %get3A_4, %get3A_4, %get3A_4, %get3A_4, %get3A_4, %get3A_4 in 1 : vector<1x16xf32>, vector<1x16xf32>, vector<1x16xf32>, vector<1x16xf32>, vector<1x16xf32>, vector<1x16xf32>, vector<1x16xf32>, vector<1x16xf32> -> vector<1x128xf32>
    %get3A_5 = arith.constant 0 : index
    %get3A_6 = arith.constant 0 : index
    %get3A_7 = arith.constant 0 : index
    %get3A_8 = vector.load %arg1[%get3A_5, %get3A_6, %get3A_7] : memref<1250x8x128xf32, #tpu.memory_space<vmem>>, vector<1250x1x128xf32>
    %get3A_9 = vector.shape_cast %get3A_8 : vector<1250x1x128xf32> to vector<1250x128xf32>
    %dot_general3A = arith.constant dense<0.000000e+00> : vector<1250x16xf32>
    %dot_general3A_10 = tpu.matmul %get3A_9, %get3A_1, %dot_general3A {dimension_numbers = #tpu.dot_dimension_numbers<[1], [0], [0], [1], [0, 0, 1, 1], [], []>, transpose_lhs_hint = false} : vector<1250x128xf32>, vector<128x16xf32>, vector<1250x16xf32> -> vector<1250x16xf32>
    %swap3A = arith.constant 0 : index
    %swap3A_11 = arith.constant 0 : index
    %swap3A_12 = vector.load %arg4[%swap3A, %swap3A_11] : memref<1250x128xf32, #tpu.memory_space<vmem>>, vector<1250x16xf32>
    tpu.vector_store %arg4[%swap3A, %swap3A_11], %dot_general3A_10 {strides = array<i32>} : memref<1250x128xf32, #tpu.memory_space<vmem>>, vector<1250x16xf32>,
    %get3A_13 = arith.constant 0 : index
    %get3A_14 = arith.constant 1 : index
    %get3A_15 = arith.constant 0 : index
    %get3A_16 = vector.load %arg1[%get3A_13, %get3A_14, %get3A_15] : memref<1250x8x128xf32, #tpu.memory_space<vmem>>, vector<1250x1x128xf32>
    %get3A_17 = vector.shape_cast %get3A_16 : vector<1250x1x128xf32> to vector<1250x128xf32>
    %dot_general3A_18 = arith.constant dense<0.000000e+00> : vector<1250x16xf32>
    %dot_general3A_19 = tpu.matmul %get3A_17, %get3A_1, %dot_general3A_18 {dimension_numbers = #tpu.dot_dimension_numbers<[1], [0], [0], [1], [0, 0, 1, 1], [], []>, transpose_lhs_hint = false} : vector<1250x128xf32>, vector<128x16xf32>, vector<1250x16xf32> -> vector<1250x16xf32>
    %swap3A_20 = arith.constant 0 : index
    %swap3A_21 = arith.constant 16 : index
    %swap3A_22 = vector.load %arg4[%swap3A_20, %swap3A_21] : memref<1250x128xf32, #tpu.memory_space<vmem>>, vector<1250x16xf32>
    tpu.vector_store %arg4[%swap3A_20, %swap3A_21], %dot_general3A_19 {strides = array<i32>} : memref<1250x128xf32, #tpu.memory_space<vmem>>, vector<1250x16xf32>,
    %get3A_23 = arith.constant 0 : index
    %get3A_24 = arith.constant 2 : index
    %get3A_25 = arith.constant 0 : index
    %get3A_26 = vector.load %arg1[%get3A_23, %get3A_24, %get3A_25] : memref<1250x8x128xf32, #tpu.memory_space<vmem>>, vector<1250x1x128xf32>
    %get3A_27 = vector.shape_cast %get3A_26 : vector<1250x1x128xf32> to vector<1250x128xf32>
    %dot_general3A_28 = arith.constant dense<0.000000e+00> : vector<1250x16xf32>
    %dot_general3A_29 = tpu.matmul %get3A_27, %get3A_1, %dot_general3A_28 {dimension_numbers = #tpu.dot_dimension_numbers<[1], [0], [0], [1], [0, 0, 1, 1], [], []>, transpose_lhs_hint = false} : vector<1250x128xf32>, vector<128x16xf32>, vector<1250x16xf32> -> vector<1250x16xf32>
    %swap3A_30 = arith.constant 0 : index
    %swap3A_31 = arith.constant 32 : index
    %swap3A_32 = vector.load %arg4[%swap3A_30, %swap3A_31] : memref<1250x128xf32, #tpu.memory_space<vmem>>, vector<1250x16xf32>
    tpu.vector_store %arg4[%swap3A_30, %swap3A_31], %dot_general3A_29 {strides = array<i32>} : memref<1250x128xf32, #tpu.memory_space<vmem>>, vector<1250x16xf32>,
    %get3A_33 = arith.constant 0 : index
    %get3A_34 = arith.constant 3 : index
    %get3A_35 = arith.constant 0 : index
    %get3A_36 = vector.load %arg1[%get3A_33, %get3A_34, %get3A_35] : memref<1250x8x128xf32, #tpu.memory_space<vmem>>, vector<1250x1x128xf32>
    %get3A_37 = vector.shape_cast %get3A_36 : vector<1250x1x128xf32> to vector<1250x128xf32>
    %dot_general3A_38 = arith.constant dense<0.000000e+00> : vector<1250x16xf32>
    %dot_general3A_39 = tpu.matmul %get3A_37, %get3A_1, %dot_general3A_38 {dimension_numbers = #tpu.dot_dimension_numbers<[1], [0], [0], [1], [0, 0, 1, 1], [], []>, transpose_lhs_hint = false} : vector<1250x128xf32>, vector<128x16xf32>, vector<1250x16xf32> -> vector<1250x16xf32>
    %swap3A_40 = arith.constant 0 : index
    %swap3A_41 = arith.constant 48 : index
    %swap3A_42 = vector.load %arg4[%swap3A_40, %swap3A_41] : memref<1250x128xf32, #tpu.memory_space<vmem>>, vector<1250x16xf32>
    tpu.vector_store %arg4[%swap3A_40, %swap3A_41], %dot_general3A_39 {strides = array<i32>} : memref<1250x128xf32, #tpu.memory_space<vmem>>, vector<1250x16xf32>,
    %get3A_43 = arith.constant 0 : index
    %get3A_44 = arith.constant 4 : index
    %get3A_45 = arith.constant 0 : index
    %get3A_46 = vector.load %arg1[%get3A_43, %get3A_44, %get3A_45] : memref<1250x8x128xf32, #tpu.memory_space<vmem>>, vector<1250x1x128xf32>
    %get3A_47 = vector.shape_cast %get3A_46 : vector<1250x1x128xf32> to vector<1250x128xf32>
    %dot_general3A_48 = arith.constant dense<0.000000e+00> : vector<1250x16xf32>
    %dot_general3A_49 = tpu.matmul %get3A_47, %get3A_1, %dot_general3A_48 {dimension_numbers = #tpu.dot_dimension_numbers<[1], [0], [0], [1], [0, 0, 1, 1], [], []>, transpose_lhs_hint = false} : vector<1250x128xf32>, vector<128x16xf32>, vector<1250x16xf32> -> vector<1250x16xf32>
    %swap3A_50 = arith.constant 0 : index
    %swap3A_51 = arith.constant 64 : index
    %swap3A_52 = vector.load %arg4[%swap3A_50, %swap3A_51] : memref<1250x128xf32, #tpu.memory_space<vmem>>, vector<1250x16xf32>
    tpu.vector_store %arg4[%swap3A_50, %swap3A_51], %dot_general3A_49 {strides = array<i32>} : memref<1250x128xf32, #tpu.memory_space<vmem>>, vector<1250x16xf32>,
    %get3A_53 = arith.constant 0 : index
    %get3A_54 = arith.constant 5 : index
    %get3A_55 = arith.constant 0 : index
    %get3A_56 = vector.load %arg1[%get3A_53, %get3A_54, %get3A_55] : memref<1250x8x128xf32, #tpu.memory_space<vmem>>, vector<1250x1x128xf32>
    %get3A_57 = vector.shape_cast %get3A_56 : vector<1250x1x128xf32> to vector<1250x128xf32>
    %dot_general3A_58 = arith.constant dense<0.000000e+00> : vector<1250x16xf32>
    %dot_general3A_59 = tpu.matmul %get3A_57, %get3A_1, %dot_general3A_58 {dimension_numbers = #tpu.dot_dimension_numbers<[1], [0], [0], [1], [0, 0, 1, 1], [], []>, transpose_lhs_hint = false} : vector<1250x128xf32>, vector<128x16xf32>, vector<1250x16xf32> -> vector<1250x16xf32>
    %swap3A_60 = arith.constant 0 : index
    %swap3A_61 = arith.constant 80 : index
    %swap3A_62 = vector.load %arg4[%swap3A_60, %swap3A_61] : memref<1250x128xf32, #tpu.memory_space<vmem>>, vector<1250x16xf32>
    tpu.vector_store %arg4[%swap3A_60, %swap3A_61], %dot_general3A_59 {strides = array<i32>} : memref<1250x128xf32, #tpu.memory_space<vmem>>, vector<1250x16xf32>,
    %get3A_63 = arith.constant 0 : index
    %get3A_64 = arith.constant 6 : index
    %get3A_65 = arith.constant 0 : index
    %get3A_66 = vector.load %arg1[%get3A_63, %get3A_64, %get3A_65] : memref<1250x8x128xf32, #tpu.memory_space<vmem>>, vector<1250x1x128xf32>
    %get3A_67 = vector.shape_cast %get3A_66 : vector<1250x1x128xf32> to vector<1250x128xf32>
    %dot_general3A_68 = arith.constant dense<0.000000e+00> : vector<1250x16xf32>
    %dot_general3A_69 = tpu.matmul %get3A_67, %get3A_1, %dot_general3A_68 {dimension_numbers = #tpu.dot_dimension_numbers<[1], [0], [0], [1], [0, 0, 1, 1], [], []>, transpose_lhs_hint = false} : vector<1250x128xf32>, vector<128x16xf32>, vector<1250x16xf32> -> vector<1250x16xf32>
    %swap3A_70 = arith.constant 0 : index
    %swap3A_71 = arith.constant 96 : index
    %swap3A_72 = vector.load %arg4[%swap3A_70, %swap3A_71] : memref<1250x128xf32, #tpu.memory_space<vmem>>, vector<1250x16xf32>
    tpu.vector_store %arg4[%swap3A_70, %swap3A_71], %dot_general3A_69 {strides = array<i32>} : memref<1250x128xf32, #tpu.memory_space<vmem>>, vector<1250x16xf32>,
    %get3A_73 = arith.constant 0 : index
    %get3A_74 = arith.constant 7 : index
    %get3A_75 = arith.constant 0 : index
    %get3A_76 = vector.load %arg1[%get3A_73, %get3A_74, %get3A_75] : memref<1250x8x128xf32, #tpu.memory_space<vmem>>, vector<1250x1x128xf32>
    %get3A_77 = vector.shape_cast %get3A_76 : vector<1250x1x128xf32> to vector<1250x128xf32>
    %dot_general3A_78 = arith.constant dense<0.000000e+00> : vector<1250x16xf32>
    %dot_general3A_79 = tpu.matmul %get3A_77, %get3A_1, %dot_general3A_78 {dimension_numbers = #tpu.dot_dimension_numbers<[1], [0], [0], [1], [0, 0, 1, 1], [], []>, transpose_lhs_hint = false} : vector<1250x128xf32>, vector<128x16xf32>, vector<1250x16xf32> -> vector<1250x16xf32>
    %swap3A_80 = arith.constant 0 : index
    %swap3A_81 = arith.constant 112 : index
    %swap3A_82 = vector.load %arg4[%swap3A_80, %swap3A_81] : memref<1250x128xf32, #tpu.memory_space<vmem>>, vector<1250x16xf32>
    tpu.vector_store %arg4[%swap3A_80, %swap3A_81], %dot_general3A_79 {strides = array<i32>} : memref<1250x128xf32, #tpu.memory_space<vmem>>, vector<1250x16xf32>,
    %get3A_83 = arith.constant 0 : index
    %get3A_84 = arith.constant 0 : index
    %get3A_85 = vector.load %arg4[%get3A_83, %get3A_84] : memref<1250x128xf32, #tpu.memory_space<vmem>>, vector<1250x128xf32>
    %add3A = vector.broadcast %concatenate3A : vector<1x128xf32> to vector<1250x128xf32>
    %add3A_86 = arith.addf %get3A_85, %add3A : vector<1250x128xf32>
    %swap3A_87 = arith.constant 0 : index
    %swap3A_88 = arith.constant 0 : index
    %swap3A_89 = vector.load %arg4[%swap3A_87, %swap3A_88] : memref<1250x128xf32, #tpu.memory_space<vmem>>, vector<1250x128xf32>
    tpu.vector_store %arg4[%swap3A_87, %swap3A_88], %add3A_86 {strides = array<i32>} : memref<1250x128xf32, #tpu.memory_space<vmem>>, vector<1250x128xf32>,
    return
  }
  func.func @transform_0(%arg0: i32) -> (i32, i32, i32) {
    %c0_i32 = arith.constant 0 : i32
    %c0_i32_0 = arith.constant 0 : i32
    %c0_i32_1 = arith.constant 0 : i32
    %c0_i32_2 = arith.constant 0 : i32
    return %c0_i32, %c0_i32_0, %c0_i32_1 : i32, i32, i32
  }
  func.func @transform_1(%arg0: i32) -> (i32, i32) {
    %c0_i32 = arith.constant 0 : i32
    %c0_i32_0 = arith.constant 0 : i32
    %c0_i32_1 = arith.constant 0 : i32
    return %c0_i32, %c0_i32_0 : i32, i32
  }
  func.func @transform_2(%arg0: i32) -> (i32, i32) {
    %c0_i32 = arith.constant 0 : i32
    %c0_i32_0 = arith.constant 0 : i32
    %c0_i32_1 = arith.constant 0 : i32
    return %c0_i32, %c0_i32_0 : i32, i32
  }
  func.func @transform_3(%arg0: i32) -> (i32, i32) {
    %c0_i32 = arith.constant 0 : i32
    %c0_i32_0 = arith.constant 0 : i32
    %c0_i32_1 = arith.constant 0 : i32
    return %c0_i32, %c0_i32_0 : i32, i32
  }
}

module attributes {stable_mosaic.version = 14 : i64} {
  func.func @_h_body(%arg0: i32, %arg1: memref<1250x128xf32, #tpu.memory_space<vmem>>, %arg2: memref<2x1264x128xf32, #tpu.memory_space<vmem>>, %arg3: memref<2x1280x8xf32, #tpu.memory_space<vmem>>, %arg4: memref<8x128xf32, #tpu.memory_space<vmem>>, %arg5: memref<1250x128xf32, #tpu.memory_space<vmem>>) attributes {dimension_semantics = [#tpu.dimension_semantics<arbitrary>], iteration_bounds = array<i64: 1>, scalar_prefetch = 0 : i64, scratch_operands = 0 : i64, tpu.core_type = #tpu.core_type<tc>, window_params = [{pipeline_mode = #tpu.pipeline_mode<synchronous>, transform_indices = @transform_0, window_bounds = array<i64: 1250, 128>}, {pipeline_mode = #tpu.pipeline_mode<synchronous>, transform_indices = @transform_1, window_bounds = array<i64: 2, 1264, 128>}, {pipeline_mode = #tpu.pipeline_mode<synchronous>, transform_indices = @transform_2, window_bounds = array<i64: 2, 1280, 8>}, {pipeline_mode = #tpu.pipeline_mode<synchronous>, transform_indices = @transform_3, window_bounds = array<i64: 8, 128>}, {pipeline_mode = #tpu.pipeline_mode<synchronous>, transform_indices = @transform_4, window_bounds = array<i64: 1250, 128>}]} {
    %get3A = arith.constant 0 : index
    %get3A_0 = arith.constant 0 : index
    %get3A_1 = arith.constant 0 : index
    %get3A_2 = vector.load %arg3[%get3A, %get3A_0, %get3A_1] : memref<2x1280x8xf32, #tpu.memory_space<vmem>>, vector<1x1250x8xf32>
    %get3A_3 = vector.shape_cast %get3A_2 : vector<1x1250x8xf32> to vector<1250x8xf32>
    %get3A_4 = arith.constant 1 : index
    %get3A_5 = arith.constant 0 : index
    %get3A_6 = arith.constant 0 : index
    %get3A_7 = vector.load %arg3[%get3A_4, %get3A_5, %get3A_6] : memref<2x1280x8xf32, #tpu.memory_space<vmem>>, vector<1x1250x8xf32>
    %get3A_8 = vector.shape_cast %get3A_7 : vector<1x1250x8xf32> to vector<1250x8xf32>
    %add3A = arith.addf %get3A_3, %get3A_8 : vector<1250x8xf32>
    %get3A_9 = arith.constant 0 : index
    %get3A_10 = arith.constant 0 : index
    %get3A_11 = vector.load %arg4[%get3A_9, %get3A_10] : memref<8x128xf32, #tpu.memory_space<vmem>>, vector<8x128xf32>
    %dot_general3A = arith.constant dense<0.000000e+00> : vector<1250x128xf32>
    %dot_general3A_12 = tpu.matmul %add3A, %get3A_11, %dot_general3A {dimension_numbers = #tpu.dot_dimension_numbers<[1], [0], [0], [1], [0, 0, 1, 1], [], []>, transpose_lhs_hint = false} : vector<1250x8xf32>, vector<8x128xf32>, vector<1250x128xf32> -> vector<1250x128xf32>
    %max3A = arith.constant 1.000000e+00 : f32
    %max3A_13 = vector.broadcast %max3A : f32 to vector<1250x128xf32>
    %max3A_14 = arith.maximumf %dot_general3A_12, %max3A_13 : vector<1250x128xf32>
    %get3A_15 = arith.constant 0 : index
    %get3A_16 = arith.constant 0 : index
    %get3A_17 = vector.load %arg1[%get3A_15, %get3A_16] : memref<1250x128xf32, #tpu.memory_space<vmem>>, vector<1250x128xf32>
    %get3A_18 = arith.constant 0 : index
    %get3A_19 = arith.constant 0 : index
    %get3A_20 = arith.constant 0 : index
    %get3A_21 = vector.load %arg2[%get3A_18, %get3A_19, %get3A_20] : memref<2x1264x128xf32, #tpu.memory_space<vmem>>, vector<1x1250x128xf32>
    %get3A_22 = vector.shape_cast %get3A_21 : vector<1x1250x128xf32> to vector<1250x128xf32>
    %get3A_23 = arith.constant 1 : index
    %get3A_24 = arith.constant 0 : index
    %get3A_25 = arith.constant 0 : index
    %get3A_26 = vector.load %arg2[%get3A_23, %get3A_24, %get3A_25] : memref<2x1264x128xf32, #tpu.memory_space<vmem>>, vector<1x1250x128xf32>
    %get3A_27 = vector.shape_cast %get3A_26 : vector<1x1250x128xf32> to vector<1250x128xf32>
    %add3A_28 = arith.addf %get3A_22, %get3A_27 : vector<1250x128xf32>
    %div3A = arith.divf %add3A_28, %max3A_14 : vector<1250x128xf32>
    %add3A_29 = arith.addf %get3A_17, %div3A : vector<1250x128xf32>
    %max3A_30 = arith.constant 0.000000e+00 : f32
    %max3A_31 = vector.broadcast %max3A_30 : f32 to vector<1250x128xf32>
    %max3A_32 = arith.maximumf %add3A_29, %max3A_31 : vector<1250x128xf32>
    %swap3A = arith.constant 0 : index
    %swap3A_33 = arith.constant 0 : index
    %swap3A_34 = vector.load %arg5[%swap3A, %swap3A_33] : memref<1250x128xf32, #tpu.memory_space<vmem>>, vector<1250x128xf32>
    tpu.vector_store %arg5[%swap3A, %swap3A_33], %max3A_32 {strides = array<i32>} : memref<1250x128xf32, #tpu.memory_space<vmem>>, vector<1250x128xf32>,
    return
  }
  func.func @transform_0(%arg0: i32) -> (i32, i32) {
    %c0_i32 = arith.constant 0 : i32
    %c0_i32_0 = arith.constant 0 : i32
    %c0_i32_1 = arith.constant 0 : i32
    return %c0_i32, %c0_i32_0 : i32, i32
  }
  func.func @transform_1(%arg0: i32) -> (i32, i32, i32) {
    %c0_i32 = arith.constant 0 : i32
    %c0_i32_0 = arith.constant 0 : i32
    %c0_i32_1 = arith.constant 0 : i32
    %c0_i32_2 = arith.constant 0 : i32
    return %c0_i32, %c0_i32_0, %c0_i32_1 : i32, i32, i32
  }
  func.func @transform_2(%arg0: i32) -> (i32, i32, i32) {
    %c0_i32 = arith.constant 0 : i32
    %c0_i32_0 = arith.constant 0 : i32
    %c0_i32_1 = arith.constant 0 : i32
    %c0_i32_2 = arith.constant 0 : i32
    return %c0_i32, %c0_i32_0, %c0_i32_1 : i32, i32, i32
  }
  func.func @transform_3(%arg0: i32) -> (i32, i32) {
    %c0_i32 = arith.constant 0 : i32
    %c0_i32_0 = arith.constant 0 : i32
    %c0_i32_1 = arith.constant 0 : i32
    return %c0_i32, %c0_i32_0 : i32, i32
  }
  func.func @transform_4(%arg0: i32) -> (i32, i32) {
    %c0_i32 = arith.constant 0 : i32
    %c0_i32_0 = arith.constant 0 : i32
    %c0_i32_1 = arith.constant 0 : i32
    return %c0_i32, %c0_i32_0 : i32, i32
  }
}

module attributes {stable_mosaic.version = 14 : i64} {
  func.func @_hself_body(%arg0: i32, %arg1: memref<1250x128xf32, #tpu.memory_space<vmem>>, %arg2: memref<128x256xf32, #tpu.memory_space<vmem>>, %arg3: memref<1x32xf32, #tpu.memory_space<vmem>>, %arg4: memref<1250x256xf32, #tpu.memory_space<vmem>>) attributes {dimension_semantics = [#tpu.dimension_semantics<arbitrary>], iteration_bounds = array<i64: 1>, scalar_prefetch = 0 : i64, scratch_operands = 0 : i64, tpu.core_type = #tpu.core_type<tc>, window_params = [{pipeline_mode = #tpu.pipeline_mode<synchronous>, transform_indices = @transform_0, window_bounds = array<i64: 1250, 128>}, {pipeline_mode = #tpu.pipeline_mode<synchronous>, transform_indices = @transform_1, window_bounds = array<i64: 128, 256>}, {pipeline_mode = #tpu.pipeline_mode<synchronous>, transform_indices = @transform_2, window_bounds = array<i64: 1, 32>}, {pipeline_mode = #tpu.pipeline_mode<synchronous>, transform_indices = @transform_3, window_bounds = array<i64: 1250, 256>}]} {
    %get3A = arith.constant 0 : index
    %get3A_0 = arith.constant 0 : index
    %get3A_1 = vector.load %arg3[%get3A, %get3A_0] : memref<1x32xf32, #tpu.memory_space<vmem>>, vector<1x32xf32>
    %concatenate3A = tpu.concatenate %get3A_1, %get3A_1, %get3A_1, %get3A_1, %get3A_1, %get3A_1, %get3A_1, %get3A_1 in 1 : vector<1x32xf32>, vector<1x32xf32>, vector<1x32xf32>, vector<1x32xf32>, vector<1x32xf32>, vector<1x32xf32>, vector<1x32xf32>, vector<1x32xf32> -> vector<1x256xf32>
    %get3A_2 = arith.constant 0 : index
    %get3A_3 = arith.constant 0 : index
    %get3A_4 = vector.load %arg1[%get3A_2, %get3A_3] : memref<1250x128xf32, #tpu.memory_space<vmem>>, vector<1250x128xf32>
    %get3A_5 = arith.constant 0 : index
    %get3A_6 = arith.constant 0 : index
    %get3A_7 = vector.load %arg2[%get3A_5, %get3A_6] : memref<128x256xf32, #tpu.memory_space<vmem>>, vector<128x256xf32>
    %dot_general3A = arith.constant dense<0.000000e+00> : vector<1250x256xf32>
    %dot_general3A_8 = tpu.matmul %get3A_4, %get3A_7, %dot_general3A {dimension_numbers = #tpu.dot_dimension_numbers<[1], [0], [0], [1], [0, 0, 1, 1], [], []>, transpose_lhs_hint = false} : vector<1250x128xf32>, vector<128x256xf32>, vector<1250x256xf32> -> vector<1250x256xf32>
    %add3A = vector.broadcast %concatenate3A : vector<1x256xf32> to vector<1250x256xf32>
    %add3A_9 = arith.addf %dot_general3A_8, %add3A : vector<1250x256xf32>
    %swap3A = arith.constant 0 : index
    %swap3A_10 = arith.constant 0 : index
    %swap3A_11 = vector.load %arg4[%swap3A, %swap3A_10] : memref<1250x256xf32, #tpu.memory_space<vmem>>, vector<1250x256xf32>
    tpu.vector_store %arg4[%swap3A, %swap3A_10], %add3A_9 {strides = array<i32>} : memref<1250x256xf32, #tpu.memory_space<vmem>>, vector<1250x256xf32>,
    return
  }
  func.func @transform_0(%arg0: i32) -> (i32, i32) {
    %c0_i32 = arith.constant 0 : i32
    %c0_i32_0 = arith.constant 0 : i32
    %c0_i32_1 = arith.constant 0 : i32
    return %c0_i32, %c0_i32_0 : i32, i32
  }
  func.func @transform_1(%arg0: i32) -> (i32, i32) {
    %c0_i32 = arith.constant 0 : i32
    %c0_i32_0 = arith.constant 0 : i32
    %c0_i32_1 = arith.constant 0 : i32
    return %c0_i32, %c0_i32_0 : i32, i32
  }
  func.func @transform_2(%arg0: i32) -> (i32, i32) {
    %c0_i32 = arith.constant 0 : i32
    %c0_i32_0 = arith.constant 0 : i32
    %c0_i32_1 = arith.constant 0 : i32
    return %c0_i32, %c0_i32_0 : i32, i32
  }
  func.func @transform_3(%arg0: i32) -> (i32, i32) {
    %c0_i32 = arith.constant 0 : i32
    %c0_i32_0 = arith.constant 0 : i32
    %c0_i32_1 = arith.constant 0 : i32
    return %c0_i32, %c0_i32_0 : i32, i32
  }
}

module attributes {stable_mosaic.version = 14 : i64} {
  func.func @_out_body(%arg0: i32, %arg1: memref<1250x256xf32, #tpu.memory_space<vmem>>, %arg2: memref<2x1264x128xf32, #tpu.memory_space<vmem>>, %arg3: memref<2x1280x8xf32, #tpu.memory_space<vmem>>, %arg4: memref<8x128xf32, #tpu.memory_space<vmem>>, %arg5: memref<128x256xf32, #tpu.memory_space<vmem>>, %arg6: memref<256x8xf32, #tpu.memory_space<vmem>>, %arg7: memref<8x256xf32, #tpu.memory_space<vmem>>, %arg8: memref<1250x256xf32, #tpu.memory_space<vmem>>) attributes {dimension_semantics = [#tpu.dimension_semantics<arbitrary>], iteration_bounds = array<i64: 1>, scalar_prefetch = 0 : i64, scratch_operands = 0 : i64, tpu.core_type = #tpu.core_type<tc>, window_params = [{pipeline_mode = #tpu.pipeline_mode<synchronous>, transform_indices = @transform_0, window_bounds = array<i64: 1250, 256>}, {pipeline_mode = #tpu.pipeline_mode<synchronous>, transform_indices = @transform_1, window_bounds = array<i64: 2, 1264, 128>}, {pipeline_mode = #tpu.pipeline_mode<synchronous>, transform_indices = @transform_2, window_bounds = array<i64: 2, 1280, 8>}, {pipeline_mode = #tpu.pipeline_mode<synchronous>, transform_indices = @transform_3, window_bounds = array<i64: 8, 128>}, {pipeline_mode = #tpu.pipeline_mode<synchronous>, transform_indices = @transform_4, window_bounds = array<i64: 128, 256>}, {pipeline_mode = #tpu.pipeline_mode<synchronous>, transform_indices = @transform_5, window_bounds = array<i64: 256, 8>}, {pipeline_mode = #tpu.pipeline_mode<synchronous>, transform_indices = @transform_6, window_bounds = array<i64: 8, 256>}, {pipeline_mode = #tpu.pipeline_mode<synchronous>, transform_indices = @transform_7, window_bounds = array<i64: 1250, 256>}]} {
    %get3A = arith.constant 0 : index
    %get3A_0 = arith.constant 0 : index
    %get3A_1 = arith.constant 0 : index
    %get3A_2 = vector.load %arg3[%get3A, %get3A_0, %get3A_1] : memref<2x1280x8xf32, #tpu.memory_space<vmem>>, vector<1x1250x8xf32>
    %get3A_3 = vector.shape_cast %get3A_2 : vector<1x1250x8xf32> to vector<1250x8xf32>
    %get3A_4 = arith.constant 1 : index
    %get3A_5 = arith.constant 0 : index
    %get3A_6 = arith.constant 0 : index
    %get3A_7 = vector.load %arg3[%get3A_4, %get3A_5, %get3A_6] : memref<2x1280x8xf32, #tpu.memory_space<vmem>>, vector<1x1250x8xf32>
    %get3A_8 = vector.shape_cast %get3A_7 : vector<1x1250x8xf32> to vector<1250x8xf32>
    %add3A = arith.addf %get3A_3, %get3A_8 : vector<1250x8xf32>
    %get3A_9 = arith.constant 0 : index
    %get3A_10 = arith.constant 0 : index
    %get3A_11 = vector.load %arg4[%get3A_9, %get3A_10] : memref<8x128xf32, #tpu.memory_space<vmem>>, vector<8x128xf32>
    %dot_general3A = arith.constant dense<0.000000e+00> : vector<1250x128xf32>
    %dot_general3A_12 = tpu.matmul %add3A, %get3A_11, %dot_general3A {dimension_numbers = #tpu.dot_dimension_numbers<[1], [0], [0], [1], [0, 0, 1, 1], [], []>, transpose_lhs_hint = false} : vector<1250x8xf32>, vector<8x128xf32>, vector<1250x128xf32> -> vector<1250x128xf32>
    %max3A = arith.constant 1.000000e+00 : f32
    %max3A_13 = vector.broadcast %max3A : f32 to vector<1250x128xf32>
    %max3A_14 = arith.maximumf %dot_general3A_12, %max3A_13 : vector<1250x128xf32>
    %get3A_15 = arith.constant 0 : index
    %get3A_16 = arith.constant 0 : index
    %get3A_17 = arith.constant 0 : index
    %get3A_18 = vector.load %arg2[%get3A_15, %get3A_16, %get3A_17] : memref<2x1264x128xf32, #tpu.memory_space<vmem>>, vector<1x1250x128xf32>
    %get3A_19 = vector.shape_cast %get3A_18 : vector<1x1250x128xf32> to vector<1250x128xf32>
    %get3A_20 = arith.constant 1 : index
    %get3A_21 = arith.constant 0 : index
    %get3A_22 = arith.constant 0 : index
    %get3A_23 = vector.load %arg2[%get3A_20, %get3A_21, %get3A_22] : memref<2x1264x128xf32, #tpu.memory_space<vmem>>, vector<1x1250x128xf32>
    %get3A_24 = vector.shape_cast %get3A_23 : vector<1x1250x128xf32> to vector<1250x128xf32>
    %add3A_25 = arith.addf %get3A_19, %get3A_24 : vector<1250x128xf32>
    %div3A = arith.divf %add3A_25, %max3A_14 : vector<1250x128xf32>
    %get3A_26 = arith.constant 0 : index
    %get3A_27 = arith.constant 0 : index
    %get3A_28 = vector.load %arg1[%get3A_26, %get3A_27] : memref<1250x256xf32, #tpu.memory_space<vmem>>, vector<1250x256xf32>
    %get3A_29 = arith.constant 0 : index
    %get3A_30 = arith.constant 0 : index
    %get3A_31 = vector.load %arg5[%get3A_29, %get3A_30] : memref<128x256xf32, #tpu.memory_space<vmem>>, vector<128x256xf32>
    %dot_general3A_32 = arith.constant dense<0.000000e+00> : vector<1250x256xf32>
    %dot_general3A_33 = tpu.matmul %div3A, %get3A_31, %dot_general3A_32 {dimension_numbers = #tpu.dot_dimension_numbers<[1], [0], [0], [1], [0, 0, 1, 1], [], []>, transpose_lhs_hint = false} : vector<1250x128xf32>, vector<128x256xf32>, vector<1250x256xf32> -> vector<1250x256xf32>
    %add3A_34 = arith.addf %get3A_28, %dot_general3A_33 : vector<1250x256xf32>
    %exp3A = math.exp %add3A_34 : vector<1250x256xf32>
    %get3A_35 = arith.constant 0 : index
    %get3A_36 = arith.constant 0 : index
    %get3A_37 = vector.load %arg6[%get3A_35, %get3A_36] : memref<256x8xf32, #tpu.memory_space<vmem>>, vector<256x8xf32>
    %dot_general3A_38 = arith.constant dense<0.000000e+00> : vector<1250x8xf32>
    %dot_general3A_39 = tpu.matmul %exp3A, %get3A_37, %dot_general3A_38 {dimension_numbers = #tpu.dot_dimension_numbers<[1], [0], [0], [1], [0, 0, 1, 1], [], []>, transpose_lhs_hint = false} : vector<1250x256xf32>, vector<256x8xf32>, vector<1250x8xf32> -> vector<1250x8xf32>
    %log3A = math.log %dot_general3A_39 : vector<1250x8xf32>
    %get3A_40 = arith.constant 0 : index
    %get3A_41 = arith.constant 0 : index
    %get3A_42 = vector.load %arg7[%get3A_40, %get3A_41] : memref<8x256xf32, #tpu.memory_space<vmem>>, vector<8x256xf32>
    %dot_general3A_43 = arith.constant dense<0.000000e+00> : vector<1250x256xf32>
    %dot_general3A_44 = tpu.matmul %log3A, %get3A_42, %dot_general3A_43 {dimension_numbers = #tpu.dot_dimension_numbers<[1], [0], [0], [1], [0, 0, 1, 1], [], []>, transpose_lhs_hint = false} : vector<1250x8xf32>, vector<8x256xf32>, vector<1250x256xf32> -> vector<1250x256xf32>
    %sub3A = arith.subf %add3A_34, %dot_general3A_44 : vector<1250x256xf32>
    %swap3A = arith.constant 0 : index
    %swap3A_45 = arith.constant 0 : index
    %swap3A_46 = vector.load %arg8[%swap3A, %swap3A_45] : memref<1250x256xf32, #tpu.memory_space<vmem>>, vector<1250x256xf32>
    tpu.vector_store %arg8[%swap3A, %swap3A_45], %sub3A {strides = array<i32>} : memref<1250x256xf32, #tpu.memory_space<vmem>>, vector<1250x256xf32>,
    return
  }
  func.func @transform_0(%arg0: i32) -> (i32, i32) {
    %c0_i32 = arith.constant 0 : i32
    %c0_i32_0 = arith.constant 0 : i32
    %c0_i32_1 = arith.constant 0 : i32
    return %c0_i32, %c0_i32_0 : i32, i32
  }
  func.func @transform_1(%arg0: i32) -> (i32, i32, i32) {
    %c0_i32 = arith.constant 0 : i32
    %c0_i32_0 = arith.constant 0 : i32
    %c0_i32_1 = arith.constant 0 : i32
    %c0_i32_2 = arith.constant 0 : i32
    return %c0_i32, %c0_i32_0, %c0_i32_1 : i32, i32, i32
  }
  func.func @transform_2(%arg0: i32) -> (i32, i32, i32) {
    %c0_i32 = arith.constant 0 : i32
    %c0_i32_0 = arith.constant 0 : i32
    %c0_i32_1 = arith.constant 0 : i32
    %c0_i32_2 = arith.constant 0 : i32
    return %c0_i32, %c0_i32_0, %c0_i32_1 : i32, i32, i32
  }
  func.func @transform_3(%arg0: i32) -> (i32, i32) {
    %c0_i32 = arith.constant 0 : i32
    %c0_i32_0 = arith.constant 0 : i32
    %c0_i32_1 = arith.constant 0 : i32
    return %c0_i32, %c0_i32_0 : i32, i32
  }
  func.func @transform_4(%arg0: i32) -> (i32, i32) {
    %c0_i32 = arith.constant 0 : i32
    %c0_i32_0 = arith.constant 0 : i32
    %c0_i32_1 = arith.constant 0 : i32
    return %c0_i32, %c0_i32_0 : i32, i32
  }
  func.func @transform_5(%arg0: i32) -> (i32, i32) {
    %c0_i32 = arith.constant 0 : i32
    %c0_i32_0 = arith.constant 0 : i32
    %c0_i32_1 = arith.constant 0 : i32
    return %c0_i32, %c0_i32_0 : i32, i32
  }
  func.func @transform_6(%arg0: i32) -> (i32, i32) {
    %c0_i32 = arith.constant 0 : i32
    %c0_i32_0 = arith.constant 0 : i32
    %c0_i32_1 = arith.constant 0 : i32
    return %c0_i32, %c0_i32_0 : i32, i32
  }
  func.func @transform_7(%arg0: i32) -> (i32, i32) {
    %c0_i32 = arith.constant 0 : i32
    %c0_i32_0 = arith.constant 0 : i32
    %c0_i32_1 = arith.constant 0 : i32
    return %c0_i32, %c0_i32_0 : i32, i32
  }
}

</mosaic_0001>

<sc_bundles>
// kernel: kernel.12.cloned.1.call-start
scs
__scs_entry_jumppad:
0x0: {  	(pc) =	sbr.rel $0x88, $3  }
0x1: {  	(tag) =	ssettag $0x0;
	lr =	simm.s32 $0x1  }
0x2: {  	[smem:$0x3F99] =	sst lr;
	_ =	strace $0xD0000000  }
0x3: {  	_ = 	snop  }
0x4: {  	_ = 	snop  }
0x5: {  	_ = 	snop  }
0x6: {  	_ = 	snop  }
0x7: {  	_ = 	snop  }
__scs_overlays_trampoline_lowered:
0x8: {  	[smem:$0x3FA8] =	sst s0  }
0x9: {  	[smem:$0x3FA9] =	sst s1  }
0xa: {  	[smem:$0x3FAA] =	sst s2  }
0xb: {  	[smem:$0x3FAB] =	sst s3  }
0xc: {  	[smem:$0x3FAC] =	sst s4  }
0xd: {  	[smem:$0x3FAD] =	sst s5  }
0xe: {  	[smem:$0x3FAE] =	sst s6  }
0xf: {  	[smem:$0x3FAF] =	sst s7  }
0x10: {  	[smem:$0x3FB0] =	sst s8  }
0x11: {  	[smem:$0x3FB1] =	sst s9;
	s0 =	simm.s32 @!p0 $0x0  }
0x12: {  	s1 =	sld [smem:$0x3F97];
	s0 =	simm.s32 @p0 $0x1  }
0x13: {  	[smem:$0x3FB2] =	sst s0;
	s0 =	simm.s32 @!p1 $0x0  }
0x14: {  	s2 =	sld [smem:$0x3F96];
	s0 =	simm.s32 @p1 $0x1  }
0x15: {  	[smem:$0x3FB3] =	sst s0;
	s0 =	simm.s32 @!p2 $0x0  }
0x16: {  	s3 =	sld [smem:$0x3FDB];
	s0 =	simm.s32 @p2 $0x1  }
0x17: {  	s4 =	simm.s32 $0x1BF5;
	[smem:$0x3FB5] =	sst s0  }
0x18: {  	s0 =	sld [smem:$0x3F98];
	_ =	swait.ge [sflag:s4], $0x0  }
0x19: {  	s7 =	sld [smem:$0x3F99]  }
0x1a: {  	s8 =	sadd.s32 $0xFFFFE003, lr  }
0x1b: {  	s9 =	sadd.s32 $0xFFFFFEF7, lr;
	s5 =	simm.s32 $0xFFFFFFFF;
	p2 =	slt.u32 s8, $0xFFFFF086  }
0x1c: {  	p1 =	slt.u32 s9, $0xF7A;
	s5 =	simm.s32 @!p2 $0x0  }
0x1d: {  	s5 =	simm.s32 @p1 $0x1;
	p0 =	seq.s32 s7, s2  }
0x1e: {  	s7 =	smul.u32 @!p0 $0xF7A, s2;
	p2 =	seq.s32 @!p0 s5, $0x0  }
0x1f: {  	s9 =	smul.u32 $0xF7A, s1;
	s8 =	simm.s32 @!p0 $0x1BF5;
	p2 =	por !p2, p0  }
0x20: {  	[sflag:s8] =	ssyncset.s32 @!p0 $0xFFFFF086;
	s6 =	sadd.s32 @!p0 s3, s7;
	s7 =	simm.s32 @!p0 $0x108  }
0x21: {  	s3 =	sadd.s32 s3, s9;
	s6 =	sadd.s32 @!p0 $0x88, s6;
	s7 =	simm.s32 @p2 $0x1082  }
0x22: {  	[simem:s7], [sflag:s8] =	dma.local @!p0 [hbm:s6], $0xF7A  }
0x23: {  	s9 =	sor.u32 $0xD0000000, s2;
	s6 =	simm.s32 $0x108;
	_ =	swait.ge @!p0 [sflag:s8], $0x0  }
0x24: {  	s3 =	sadd.s32 $0x88, s3;
	s6 =	simm.s32 @!p1 $0x1082;
	[sflag:s4] =	ssyncset.s32 $0xFFFFF086  }
0x25: {  	[simem:s6], [sflag:s4] =	dma.local [hbm:s3], $0xF7A  }
0x26: {  	[smem:$0x3F99] =	sst s1;
	(tag) =	ssettag s2;
	_ =	strace s9  }
0x27: {  	s1 =	sld [smem:$0x3FA9]  }
0x28: {  	s2 =	sld [smem:$0x3FAA]  }
0x29: {  	s4 =	sld [smem:$0x3FAC]  }
0x2a: {  	p0 =	seq.s32 s5, $0x0;
	s5 =	sld [smem:$0x3FAD]  }
0x2b: {  	s6 =	sld [smem:$0x3FAE]  }
0x2c: {  	s7 =	sld [smem:$0x3FAF]  }
0x2d: {  	s3 =	simm.s32 $0x108;
	s8 =	sld [smem:$0x3FB0]  }
0x2e: {  	s3 =	simm.s32 @!p0 $0x1082;
	s9 =	sld [smem:$0x3FB1]  }
0x2f: {  	lr =	sadd.s32 s0, s3;
	s0 =	sld [smem:$0x3FA8]  }
0x30: {  	s3 =	sld [smem:$0x3FAB]  }
0x31: {  	[smem:$0x3FB4] =	sst s10  }
0x32: {  	s10 =	sld [smem:$0x3FB2];
	_ =	sdelay $0x3  }
0x33: {  	p0 =	seq.s32 s10, $0x1;
	s10 =	sld [smem:$0x3FB4];
	_ =	sdelay $0x3  }
0x34: {  	[smem:$0x3FB4] =	sst s10  }
0x35: {  	s10 =	sld [smem:$0x3FB3];
	_ =	sdelay $0x3  }
0x36: {  	p1 =	seq.s32 s10, $0x1;
	s10 =	sld [smem:$0x3FB4];
	_ =	sdelay $0x3  }
0x37: {  	[smem:$0x3FB4] =	sst s10  }
0x38: {  	s10 =	sld [smem:$0x3FB5]  }
0x39: {  	_ = 	snop;
	(pc) =	sbr.ind lr, $3  }
0x3a: {  	_ = 	snop  }
0x3b: {  	_ = 	snop  }
0x3c: {  	p2 =	seq.s32 s10, $0x1;
	s10 =	sld [smem:$0x3FB4]  }
0x3d: {  	_ =	shalt  }
0x3e: {  	_ =	shalt  }
0x3f: {  	_ =	shalt  }
0x40: {  	_ =	shalt  }
0x41: {  	_ =	shalt  }
0x42: {  	_ =	shalt  }
0x43: {  	_ =	shalt  }
0x44: {  	_ =	shalt  }
0x45: {  	_ =	shalt  }
0x46: {  	_ =	shalt  }
0x47: {  	_ =	shalt  }
0x48: {  	_ =	shalt  }
0x49: {  	_ =	shalt  }
0x4a: {  	_ =	shalt  }
0x4b: {  	_ =	shalt  }
0x4c: {  	_ =	shalt  }
0x4d: {  	_ =	shalt  }
0x4e: {  	_ =	shalt  }
0x4f: {  	_ =	shalt  }
0x50: {  	_ =	shalt  }
0x51: {  	_ =	shalt  }
0x52: {  	_ =	shalt  }
0x53: {  	_ =	shalt  }
0x54: {  	_ =	shalt  }
0x55: {  	_ =	shalt  }
0x56: {  	_ =	shalt  }
0x57: {  	_ =	shalt  }
0x58: {  	_ =	shalt  }
0x59: {  	_ =	shalt  }
0x5a: {  	_ =	shalt  }
0x5b: {  	_ =	shalt  }
0x5c: {  	_ =	shalt  }
0x5d: {  	_ =	shalt  }
0x5e: {  	_ =	shalt  }
0x5f: {  	_ =	shalt  }
0x60: {  	_ =	shalt  }
0x61: {  	_ =	shalt  }
0x62: {  	_ =	shalt  }
0x63: {  	_ =	shalt  }
0x64: {  	_ =	shalt  }
0x65: {  	_ =	shalt  }
0x66: {  	_ =	shalt  }
0x67: {  	_ =	shalt  }
0x68: {  	_ =	shalt  }
0x69: {  	_ =	shalt  }
0x6a: {  	_ =	shalt  }
0x6b: {  	_ =	shalt  }
0x6c: {  	_ =	shalt  }
0x6d: {  	_ =	shalt  }
0x6e: {  	_ =	shalt  }
0x6f: {  	_ =	shalt  }
0x70: {  	_ =	shalt  }
0x71: {  	_ =	shalt  }
0x72: {  	_ =	shalt  }
0x73: {  	_ =	shalt  }
0x74: {  	_ =	shalt  }
0x75: {  	_ =	shalt  }
0x76: {  	_ =	shalt  }
0x77: {  	_ =	shalt  }
0x78: {  	_ =	shalt  }
0x79: {  	_ =	shalt  }
0x7a: {  	_ =	shalt  }
0x7b: {  	_ =	shalt  }
0x7c: {  	_ =	shalt  }
0x7d: {  	_ =	shalt  }
0x7e: {  	_ =	shalt  }
0x7f: {  	_ =	shalt  }
0x80: {  	_ =	shalt  }
0x81: {  	_ =	shalt  }
0x82: {  	_ =	shalt  }
0x83: {  	_ =	shalt  }
0x84: {  	_ =	shalt  }
0x85: {  	_ =	shalt  }
0x86: {  	_ =	shalt  }
0x87: {  	_ =	shalt  }
.Lfunc_end0:
.L_simem_size_0:
called_computation.1_lowered:
.L_overlay_start_0:
0x88: {  	s2 =	sld [smem:$0x3FD9]  }
0x89: {  	s3 =	sld [smem:$0x3FFE];
	_ =	sdelay $0x1  }
0x8a: {  	s1 =	srdreg.scid  }
0x8b: {  	s0 =	sand.u32 $0x1, s1  }
0x8c: {  	s17 =	sshll.u32 s0, $0xA;
	s2 =	sadd.s32 s3, s2  }
0x8d: {  	s2 =	sadd.s32 s2, s17  }
0x8e: {  	[smem:$0x3FC0] =	sst s2  }
0x8f: {  	_ = 	snop  }
0x90: {  	s2 =	sld [smem:$0x3FD0];
	(tm) =	ssettm $0x1  }
0x91: {  	s18 =	sld [smem:$0x3FFB];
	_ =	sdelay $0x3  }
0x92: {  	_ =	strace s18  }
0x93: {  	s3 =	sld [smem:$0x3FFC];
	_ =	sdelay $0x3  }
0x94: {  	_ =	strace s3  }
0x95: {  	s3 =	sld [smem:$0x3FFD];
	_ =	sdelay $0x3  }
0x96: {  	_ =	strace s3  }
0x97: {  	_ =	strace $0x8FFFFFFF  }
0x98: {  	s19 =	sld [smem:$0x3FDB];
	_ =	sdelay $0x1  }
0x99: {  	s4 =	simm.s32 $_scs_section_size  }
0x9a: {  	s5 =	simm.s32 $_size__tile_overlayer_lowered;
	s6 =	simm.s32 $_tile_overlayer_lowered  }
0x9b: {  	s22 =	simm.s32 $0x1BFF;
	s21 =	sshll.u32 s6, $0x1;
	s3 =	sadd.s32 s4, s19  }
0x9c: {  	s7 =	simm.s32 $0x0;
	s20 =	sshll.u32 s5, $0x1;
	s5 =	sadd.s32 s21, s3  }
0x9d: {  	[timem:s7], [sflag:s22] =	dma.local [hbm:s5], s20  }
0x9e: {  	_ =	swait.ge [sflag:s22], s20  }
0x9f: {  	s4 =	ssub.s32 $0x0, s20;
	[sflag:s22] =	ssyncset.done $0x0  }
0xa0: {  	[sflag:s22] =	ssyncadd.s32 s4;
	_ =	sdelay $0x1  }
0xa1: {  	s23 =	simm.s32 $0x1B8B  }
0xa2: {  	_ =	swait.ge [sflag:s23], $0x1  }
0xa3: {  	[sflag:s23] =	ssyncset.done $0x0  }
0xa4: {  	s25 =	simm.s32 $0x1B8E;
	s24 =	sld [smem:$0x3FFE];
	[sflag:s23] =	ssyncadd.s32 $0xFFFFFFFF  }
0xa5: {  	s26 =	simm.s32 $execute0_lowered;
	[smem:$0x3FD2] =	sst s25  }
0xa6: {  	s5 =	sshll.u32 s26, $0x1;
	_ =	strace $0x80000049;
	[dreg:$0x1] =	wrdreg $0xFFFFFFFF  }
0xa7: {  	s28 =	simm.s32 $_size_execute0_lowered;
	s3 =	sadd.s32 s3, s5;
	[dreg:$0x0] =	wrdreg $0x0  }
0xa8: {  	s5 =	sshll.u32 s28, $0x1;
	[dreg:$0x2] =	wrdreg s3  }
0xa9: {  	[dreg:$0x3] =	wrdreg s5  }
0xaa: {  	[dreg:$0x4] =	wrdreg $0xC0  }
0xab: {  	_ =	task [dreg:s7], $0x5FFFF  }
0xac: {  	[dreg:$0x1] =	wrdreg $0xFFFFFFFF  }
0xad: {  	[dreg:$0x0] =	wrdreg $0x60  }
0xae: {  	[dreg:$0x2] =	wrdreg s24  }
0xaf: {  	[dreg:$0x3] =	wrdreg s2  }
0xb0: {  	[dreg:$0x4] =	wrdreg $0xB6000  }
0xb1: {  	[dreg:$0x5] =	wrdreg $0xDD800  }
0xb2: {  	[dreg:$0x6] =	wrdreg $0x9  }
0xb3: {  	_ =	task.clear_ibuf [dreg:s7], $0x7FFFF;
	_ =	strace $0x90000049  }
0xb4: {  	s29 =	simm.s32 $0x9;
	_ =	strace $0x8000004B  }
0xb5: {  	_ =	swait.ge [sflag:s29], $0x1  }
0xb6: {  	[sflag:s29] =	ssyncadd.s32 $0xFFFFFFFF  }
0xb7: {  	_ =	strace $0x9000004B  }
0xb8: {  	_ =	sfence  }
0xb9: {  	s30 =	sld [smem:$0x0];
	_ =	sdelay $0x2  }
0xba: {  	s31 =	sshll.u32 s1, $0xD;
	s1 =	sshrl.u32 s1, $0x2  }
0xbb: {  	s3 =	sand.u32 $0x4000, s31;
	s1 =	sadd.s32 s1, s30  }
0xbc: {  	s0 =	sor.u32 s3, s0;
	s1 =	sshll.u32 s1, $0x11  }
0xbd: {  	s0 =	sor.u32 s1, s0  }
0xbe: {  	s0 =	sadd.s32 $0x8F2B, s0  }
0xbf: {  	[sflag:s0] =	ssyncadd.remote.s32 $0x1  }
0xc0: {  	_ =	sfence.sel $0xFFFF  }
0xc1: {  	[dreg:$0x0] =	wrdreg $0xFFFFFFFF;
	(pc) =	sbr.abs _section_cstart, $3  }
0xc2: {  	[dreg:$0x1] =	wrdreg $0xFFFFFFFF  }
0xc3: {  	_ =	task.clear_ibuf [dreg:s7], $0x2FFFF;
	_ =	strace $0x9FFFFFFF  }
0xc4: {  	(tm) =	ssettm $0x7FFFFFFF  }
0xc5: {  	_ =	shalt  }
tec
execute0_lowered:
.L_overlay_start_1:
0x0: {  	(tag) =	ssettag $0x1  }
0x1: {  	s0 =	rddreg [dreg:$0x0]  }
0x2: {  	s1 =	rddreg [dreg:$0x1]  }
0x3: {  	s2 =	rddreg [dreg:$0x2]  }
0x4: {  	s3 =	rddreg [dreg:$0x3]  }
0x5: {  	s11 =	stileid.u32;
	s4 =	srdreg.scid;
	s6 =	simm.s32 $0x0  }
0x6: {  	s16 =	simm.s32 $0x1;
	s28 =	simm.s32 $0x6F40;
	s30 =	simm.s32 $0x7710  }
0x7: {  	s12 =	simm.s32 $0x3;
	s29 =	simm.s32 $0x8;
	s31 =	simm.s32 $0x9  }
0x8: {  	s14 =	simm.s32 $0x0;
	s4 =	sand.u32 $0x1, s4;
	s17 =	smul.u32 $0x2710, s11  }
0x9: {  	s5 =	sshll.u32 s11, $0x1;
	[smem:$0x7FF] =	sst s6;
	s9 =	smul.u32 $0x2780, s11  }
0xa: {  	s25 =	sshll.u32 s11, $0x6;
	s11 =	simm.s32 $0x86B0;
	s6 =	simm.s32 $0xD  }
0xb: {  	s5 =	sor.u32 s4, s5;
	s8 =	ssub.s32 $0x2, s4;
	s4 =	smul.u32 $0x27800, s4  }
0xc: {  	_ =	strace $0x8000004A;
	s5 =	smul.u32 $0x2800, s5;
	s7 =	sshrl.u32 s17, $0x3  }
0xd: {  	s10 =	sshrl.u32 s8, $0x1;
	s21 =	sadd.s32 s9, s2;
	s22 =	sadd.s32 s17, s3  }
0xe: {  	s17 =	simm.s32 $0x2;
	s7 =	sadd.s32 s7, s0;
	s18 =	ssub.s32 s8, s10  }
0xf: {  	s20 =	sadd.s32 s9, s4;
	[dreg:$0x7] =	wrdreg s21;
	s26 =	sshrl.u32 s22, $0x3  }
0x10: {  	s21 =	simm.s32 $0x57D0;
	s22 =	simm.s32 $0x5;
	s4 =	simm.s32 $0xB  }
0x11: {  	s8 =	simm.s32 $0xE;
	s9 =	simm.s32 $0xF;
	s10 =	simm.s32 $0x10  }
0x12: {  	s5 =	sshrl.u32 s5, $0x3;
	s23 =	sadd.s32 $0x2400, s7;
	[dreg:$0xc] =	wrdreg s26  }
0x13: {  	s24 =	smax.u32 s18, $0x1;
	s18 =	simm.s32 $0x7D;
	[dreg:$0x8] =	wrdreg s23  }
0x14: {  	s26 =	simm.s32 $0x7;
	s0 =	sadd.s32 s5, s0;
	[dreg:$0xa] =	wrdreg s24  }
0x15: {  	s23 =	simm.s32 $0x5FA0;
	s24 =	simm.s32 $0x6;
	s19 =	sadd.s32 $0x7400, s0  }
.Ltmp0:
0x16: {  	s0 =	sadd.s32 $0x11400, s0;
	[dreg:$0x5] =	wrdreg s19;
	(pc) =	sbr.rel .LBB2_1-.Ltmp0, $4  }
0x17: {  	s5 =	simm.s32 $0xC;
	[dreg:$0x6] =	wrdreg s0;
	s0 =	sshrl.u32 s20, $0x3  }
0x18: {  	s19 =	simm.s32 $0x5000;
	s20 =	simm.s32 $0x4;
	s0 =	sadd.s32 s1, s0  }
0x19: {  	s1 =	simm.s32 $0xA;
	[dreg:$0x9] =	wrdreg s0;
	s0 =	sor.u32 $0x1C11, s25  }
0x1a: {  	v0 =	vimm.f32 $0.0e+00;
	s25 =	simm.s32 $0x6770;
	[dreg:$0xb] =	wrdreg s0;
	s0 =	simm.s32 $0x7EE0  }
.LBB2_6:
0x1b: {  	_ =	swait.ge [sflag:s1], $0x7D0  }
0x1c: {  	[sflag:s1] =	ssyncset.done $0x0  }
0x1d: {  	[sflag:s1] =	ssyncadd.s32 $0xFFFFF830  }
0x1e: {  	_ =	swait.ge [sflag:s4], $0x7D0  }
0x1f: {  	[sflag:s4] =	ssyncset.done $0x0  }
0x20: {  	[sflag:s4] =	ssyncadd.s32 $0xFFFFF830  }
0x21: {  	_ =	swait.ge [sflag:s5], $0x7D0  }
0x22: {  	[sflag:s5] =	ssyncset.done $0x0  }
0x23: {  	[sflag:s5] =	ssyncadd.s32 $0xFFFFF830  }
0x24: {  	_ =	swait.ge [sflag:s6], $0x7D0  }
0x25: {  	[sflag:s6] =	ssyncset.done $0x0  }
0x26: {  	[sflag:s6] =	ssyncadd.s32 $0xFFFFF830  }
0x27: {  	_ =	swait.ge [sflag:s8], $0x7D0  }
0x28: {  	[sflag:s8] =	ssyncset.done $0x0  }
0x29: {  	[sflag:s8] =	ssyncadd.s32 $0xFFFFF830  }
0x2a: {  	_ =	swait.ge [sflag:s9], $0x7D0  }
0x2b: {  	[sflag:s9] =	ssyncset.done $0x0  }
0x2c: {  	[sflag:s9] =	ssyncadd.s32 $0xFFFFF830  }
0x2d: {  	_ =	swait.ge [sflag:s10], $0x7D0  }
0x2e: {  	[sflag:s10] =	ssyncset.done $0x0  }
0x2f: {  	[sflag:s10] =	ssyncadd.s32 $0xFFFFF830  }
0x30: {  	[bflag:$0x0] =	sbarrier.arrive $0xFFFF  }
0x31: {  	s7 =	rddreg [dreg:$0x7]  }
0x32: {  	s13 =	rddreg [dreg:$0x9]  }
0x33: {  	s14 =	rddreg [dreg:$0xb];
	s7 =	sshrl.u32 s7, $0x3  }
0x34: {  	[hbm:s13], [sflag:s14] =	dma.local [spmem:s7], $0x4F0  }
0x35: {  	s13 =	simm.s32 $0x11  }
0x36: {  	_ =	swait.ge [sflag:s13], $0x4F0  }
0x37: {  	s7 =	rddreg [dreg:$0xd]  }
0x38: {  	s15 =	rddreg [dreg:$0xa];
	s14 =	sadd.s32 $0x1, s7  }
0x39: {  	p0 =	sne.s32 s14, s15  }
.Ltmp1:
0x3a: {  	_ = 	snop;
	(pc) =	sbr.rel @!p0 .LBB2_7-.Ltmp1, $3  }
0x3b: {  	_ =	sdelay $0x1  }
0x3c: {  	[sflag:s13] =	ssyncset.done $0x0  }
0x3d: {  	[sflag:s13] =	ssyncadd.s32 $0xFFFFFB10  }
.LBB2_1:
0x3e: {  	[dreg:$0xd] =	wrdreg s14  }
0x3f: {  	s7 =	simm.s32 $0x0;
	s13 =	rddreg [dreg:$0x5]  }
0x40: {  	[tilespmem:s7], [sflag:$0x1] =	stream.linear.gather [hbm4b:s13+s7], $0x2800, $0x38;
	[tilespmem:$0x10500] =	vst v63  }
0x41: {  	s14 =	rddreg [dreg:$0x6];
	s15 =	simm.s32 $0x2800  }
0x42: {  	[tilespmem:s15], [sflag:$0x2] =	stream.linear.gather [hbm4b:s14+s7], $0x2800, $0x38;
	[tilespmem:$0x10500] =	vst v63  }
0x43: {  	s7 =	simm.s32 $0x0;
	s14 =	simm.s32 $0x200  }
.LBB2_2:
0x44: {  	p0 =	sne.s32 s14, $0x9C00;
	[tilespmem:s7+$0x8EF0] =	vst v0  }
0x45: {  	[tilespmem:s7+$0x8E80] =	vst v0  }
0x46: {  	[tilespmem:s7+$0x8E90] =	vst v0  }
.Ltmp2:
0x47: {  	[tilespmem:s7+$0x8EA0] =	vst v0;
	(pc) =	sbr.rel @p0 .LBB2_2-.Ltmp2, $4  }
0x48: {  	[tilespmem:s7+$0x8EB0] =	vst v0  }
0x49: {  	[tilespmem:s7+$0x8EC0] =	vst v0  }
0x4a: {  	[tilespmem:s7+$0x8ED0] =	vst v0  }
0x4b: {  	[tilespmem:s7+$0x8EE0] =	vst v0;
	s7 =	sshra.s32 s14, $0x2;
	s14 =	sadd.s32 $0x200, s14  }
0x4c: {  	[tilespmem:s7+$0x8EF0] =	vst v0  }
0x4d: {  	[tilespmem:s7+$0x8E80] =	vst v0  }
0x4e: {  	[tilespmem:s7+$0x8E90] =	vst v0  }
0x4f: {  	[tilespmem:s7+$0x8EA0] =	vst v0  }
0x50: {  	[tilespmem:s7+$0x8EB0] =	vst v0  }
0x51: {  	[tilespmem:s7+$0x8EC0] =	vst v0  }
0x52: {  	[tilespmem:s7+$0x8ED0] =	vst v0  }
0x53: {  	[tilespmem:s7+$0x8EE0] =	vst v0;
	s14 =	rddreg [dreg:$0x7];
	s13 =	simm.s32 $0x8E80  }
0x54: {  	[spmem:s14] =	stream.linear.scatter [tilespmem:s13], [sflag:$0x11], $0x2780, $0x38;
	[tilespmem:$0x10500] =	vst v63  }
0x55: {  	s13 =	simm.s32 $0x11  }
0x56: {  	_ =	swait.ge [sflag:s13], $0x2780  }
0x57: {  	s7 =	rddreg [dreg:$0x8]  }
0x58: {  	[sflag:s13] =	ssyncset.done $0x0;
	s14 =	rddreg [dreg:$0xb]  }
0x59: {  	s15 =	rddreg [dreg:$0xc];
	[sflag:s13] =	ssyncadd.s32 $0xFFFFD880  }
0x5a: {  	[spmem:s15], [sflag:s14] =	dma.local [hbm:s7], $0x4E2  }
0x5b: {  	_ =	swait.ge [sflag:s13], $0x4E2  }
0x5c: {  	[sflag:s13] =	ssyncset.done $0x0  }
0x5d: {  	[sflag:s13] =	ssyncadd.s32 $0xFFFFFB1E  }
0x5e: {  	_ =	swait.ge [sflag:s16], $0x2800  }
0x5f: {  	[sflag:s16] =	ssyncset.done $0x0  }
0x60: {  	[sflag:s16] =	ssyncadd.s32 $0xFFFFD800  }
0x61: {  	_ =	swait.ge [sflag:s17], $0x2800  }
0x62: {  	[sflag:s17] =	ssyncset.done $0x0  }
0x63: {  	[sflag:s17] =	ssyncadd.s32 $0xFFFFD800  }
0x64: {  	s7 =	simm.s32 $0x0;
	[bflag:$0x0] =	sbarrier.arrive $0xFFFF  }
0x65: {  	[tilespmem:s19], [sflag:$0x1] =	stream.indirect.gather [spmem:s3], $0x10, s7, s18, $0xb8;
	[tilespmem:$0x10500] =	vst v63  }
0x66: {  	s15 =	simm.s32 $0x80  }
0x67: {  	[tilespmem:s21], [sflag:$0x2] =	stream.indirect.gather [spmem:s3], $0x10, s15, s18, $0xb8;
	[tilespmem:$0x10500] =	vst v63  }
0x68: {  	s14 =	simm.s32 $0x100  }
0x69: {  	[tilespmem:s23], [sflag:$0x3] =	stream.indirect.gather [spmem:s3], $0x10, s14, s18, $0xb8;
	[tilespmem:$0x10500] =	vst v63  }
0x6a: {  	s15 =	simm.s32 $0x180  }
0x6b: {  	[tilespmem:s25], [sflag:$0x4] =	stream.indirect.gather [spmem:s3], $0x10, s15, s18, $0xb8;
	[tilespmem:$0x10500] =	vst v63  }
0x6c: {  	s14 =	simm.s32 $0x200  }
0x6d: {  	[tilespmem:s28], [sflag:$0x5] =	stream.indirect.gather [spmem:s3], $0x10, s14, s18, $0xb8;
	[tilespmem:$0x10500] =	vst v63  }
0x6e: {  	s15 =	simm.s32 $0x280  }
0x6f: {  	[tilespmem:s30], [sflag:$0x6] =	stream.indirect.gather [spmem:s3], $0x10, s15, s18, $0xb8;
	[tilespmem:$0x10500] =	vst v63  }
0x70: {  	s14 =	simm.s32 $0x300  }
0x71: {  	[tilespmem:s0], [sflag:$0x7] =	stream.indirect.gather [spmem:s3], $0x10, s14, s18, $0xb8;
	[tilespmem:$0x10500] =	vst v63  }
0x72: {  	s15 =	simm.s32 $0x380  }
0x73: {  	[tilespmem:s11], [sflag:$0x8] =	stream.indirect.gather [spmem:s3], $0x10, s15, s18, $0xb8;
	[tilespmem:$0x10500] =	vst v63  }
.LBB2_4:
0x74: {  	_ =	swait.ge [sflag:s16], $0x7D0  }
0x75: {  	s14 =	sshra.s32 s7, $0x2;
	[sflag:s16] =	ssyncset.done $0x0  }
0x76: {  	s13 =	sadd.s32 $0x2800, s14;
	[sflag:s16] =	ssyncadd.s32 $0xFFFFF830  }
0x77: {  	[spmem:s2] =	stream.indirect.scatter.add.f32 [tilespmem:s19], [sflag:$0x9], $0x10, s13, s18, $0xb8;
	[tilespmem:$0x10500] =	vst v63  }
0x78: {  	_ =	swait.ge [sflag:s17], $0x7D0  }
0x79: {  	[sflag:s17] =	ssyncset.done $0x0  }
0x7a: {  	s15 =	sadd.s32 $0x2880, s14;
	[sflag:s17] =	ssyncadd.s32 $0xFFFFF830  }
0x7b: {  	[spmem:s2] =	stream.indirect.scatter.add.f32 [tilespmem:s21], [sflag:$0xA], $0x10, s15, s18, $0xb8;
	[tilespmem:$0x10500] =	vst v63  }
0x7c: {  	_ =	swait.ge [sflag:s12], $0x7D0  }
0x7d: {  	[sflag:s12] =	ssyncset.done $0x0  }
0x7e: {  	s15 =	sadd.s32 $0x2900, s14;
	[sflag:s12] =	ssyncadd.s32 $0xFFFFF830  }
0x7f: {  	[spmem:s2] =	stream.indirect.scatter.add.f32 [tilespmem:s23], [sflag:$0xB], $0x10, s15, s18, $0xb8;
	[tilespmem:$0x10500] =	vst v63  }
0x80: {  	_ =	swait.ge [sflag:s20], $0x7D0  }
0x81: {  	[sflag:s20] =	ssyncset.done $0x0  }
0x82: {  	s15 =	sadd.s32 $0x2980, s14;
	[sflag:s20] =	ssyncadd.s32 $0xFFFFF830  }
0x83: {  	[spmem:s2] =	stream.indirect.scatter.add.f32 [tilespmem:s25], [sflag:$0xC], $0x10, s15, s18, $0xb8;
	[tilespmem:$0x10500] =	vst v63  }
0x84: {  	_ =	swait.ge [sflag:s22], $0x7D0  }
0x85: {  	[sflag:s22] =	ssyncset.done $0x0  }
0x86: {  	s15 =	sadd.s32 $0x2A00, s14;
	[sflag:s22] =	ssyncadd.s32 $0xFFFFF830  }
0x87: {  	[spmem:s2] =	stream.indirect.scatter.add.f32 [tilespmem:s28], [sflag:$0xD], $0x10, s15, s18, $0xb8;
	[tilespmem:$0x10500] =	vst v63  }
0x88: {  	_ =	swait.ge [sflag:s24], $0x7D0  }
0x89: {  	[sflag:s24] =	ssyncset.done $0x0  }
0x8a: {  	s15 =	sadd.s32 $0x2A80, s14;
	[sflag:s24] =	ssyncadd.s32 $0xFFFFF830  }
0x8b: {  	[spmem:s2] =	stream.indirect.scatter.add.f32 [tilespmem:s30], [sflag:$0xE], $0x10, s15, s18, $0xb8;
	[tilespmem:$0x10500] =	vst v63  }
0x8c: {  	_ =	swait.ge [sflag:s26], $0x7D0  }
0x8d: {  	[sflag:s26] =	ssyncset.done $0x0  }
0x8e: {  	s15 =	sadd.s32 $0x2B00, s14;
	[sflag:s26] =	ssyncadd.s32 $0xFFFFF830  }
0x8f: {  	[spmem:s2] =	stream.indirect.scatter.add.f32 [tilespmem:s0], [sflag:$0xF], $0x10, s15, s18, $0xb8;
	[tilespmem:$0x10500] =	vst v63  }
0x90: {  	_ =	swait.ge [sflag:s29], $0x7D0  }
0x91: {  	p0 =	seq.s32 s7, $0x9000;
	[sflag:s29] =	ssyncset.done $0x0  }
.Ltmp3:
0x92: {  	s15 =	sadd.s32 $0x2B80, s14;
	[sflag:s29] =	ssyncadd.s32 $0xFFFFF830;
	(pc) =	sbr.rel @p0 .LBB2_6-.Ltmp3, $4  }
0x93: {  	[spmem:s2] =	stream.indirect.scatter.add.f32 [tilespmem:s11], [sflag:$0x10], $0x10, s15, s18, $0xb8;
	[tilespmem:$0x10500] =	vst v63  }
0x94: {  	_ =	swait.ge [sflag:s31], $0x7D0  }
0x95: {  	[sflag:s31] =	ssyncset.done $0x0  }
0x96: {  	[sflag:s31] =	ssyncadd.s32 $0xFFFFF830  }
0x97: {  	s13 =	sadd.s32 $0x400, s14  }
0x98: {  	[tilespmem:s19], [sflag:$0x1] =	stream.indirect.gather [spmem:s3], $0x10, s13, s18, $0xb8;
	[tilespmem:$0x10500] =	vst v63  }
0x99: {  	_ =	swait.ge [sflag:s1], $0x7D0  }
0x9a: {  	[sflag:s1] =	ssyncset.done $0x0  }
0x9b: {  	s15 =	sadd.s32 $0x480, s14;
	[sflag:s1] =	ssyncadd.s32 $0xFFFFF830  }
0x9c: {  	[tilespmem:s21], [sflag:$0x2] =	stream.indirect.gather [spmem:s3], $0x10, s15, s18, $0xb8;
	[tilespmem:$0x10500] =	vst v63  }
0x9d: {  	_ =	swait.ge [sflag:s4], $0x7D0  }
0x9e: {  	[sflag:s4] =	ssyncset.done $0x0  }
0x9f: {  	s15 =	sadd.s32 $0x500, s14;
	[sflag:s4] =	ssyncadd.s32 $0xFFFFF830  }
0xa0: {  	[tilespmem:s23], [sflag:$0x3] =	stream.indirect.gather [spmem:s3], $0x10, s15, s18, $0xb8;
	[tilespmem:$0x10500] =	vst v63  }
0xa1: {  	_ =	swait.ge [sflag:s5], $0x7D0  }
0xa2: {  	[sflag:s5] =	ssyncset.done $0x0  }
0xa3: {  	s15 =	sadd.s32 $0x580, s14;
	[sflag:s5] =	ssyncadd.s32 $0xFFFFF830  }
0xa4: {  	[tilespmem:s25], [sflag:$0x4] =	stream.indirect.gather [spmem:s3], $0x10, s15, s18, $0xb8;
	[tilespmem:$0x10500] =	vst v63  }
0xa5: {  	_ =	swait.ge [sflag:s6], $0x7D0  }
0xa6: {  	[sflag:s6] =	ssyncset.done $0x0  }
0xa7: {  	s15 =	sadd.s32 $0x600, s14;
	[sflag:s6] =	ssyncadd.s32 $0xFFFFF830  }
0xa8: {  	[tilespmem:s28], [sflag:$0x5] =	stream.indirect.gather [spmem:s3], $0x10, s15, s18, $0xb8;
	[tilespmem:$0x10500] =	vst v63  }
0xa9: {  	_ =	swait.ge [sflag:s8], $0x7D0  }
0xaa: {  	[sflag:s8] =	ssyncset.done $0x0  }
0xab: {  	s15 =	sadd.s32 $0x680, s14;
	[sflag:s8] =	ssyncadd.s32 $0xFFFFF830  }
0xac: {  	[tilespmem:s30], [sflag:$0x6] =	stream.indirect.gather [spmem:s3], $0x10, s15, s18, $0xb8;
	[tilespmem:$0x10500] =	vst v63  }
0xad: {  	_ =	swait.ge [sflag:s9], $0x7D0  }
0xae: {  	[sflag:s9] =	ssyncset.done $0x0  }
0xaf: {  	s15 =	sadd.s32 $0x700, s14;
	[sflag:s9] =	ssyncadd.s32 $0xFFFFF830  }
0xb0: {  	[tilespmem:s0], [sflag:$0x7] =	stream.indirect.gather [spmem:s3], $0x10, s15, s18, $0xb8;
	[tilespmem:$0x10500] =	vst v63  }
.Ltmp4:
0xb1: {  	_ = 	snop;
	(pc) =	sbr.rel .LBB2_4-.Ltmp4, $4  }
0xb2: {  	_ =	swait.ge [sflag:s10], $0x7D0  }
0xb3: {  	[sflag:s10] =	ssyncset.done $0x0  }
0xb4: {  	s7 =	sadd.s32 $0x1000, s7;
	s15 =	sadd.s32 $0x780, s14;
	[sflag:s10] =	ssyncadd.s32 $0xFFFFF830  }
0xb5: {  	[tilespmem:s11], [sflag:$0x8] =	stream.indirect.gather [spmem:s3], $0x10, s15, s18, $0xb8;
	[tilespmem:$0x10500] =	vst v63  }
.LBB2_7:
0xb6: {  	_ =	sfence.sel $0x180000  }
0xb7: {  	[bflag:$0x0] =	sbarrier.arrive $0xFFFF  }
0xb8: {  	_ =	strace $0x9000004A  }
0xb9: {  	s0 =	stileid.u32;
	[bflag:$0x2] =	sbarrier.arrive $0xFFFF  }
0xba: {  	p0 =	sne.s32 s0, $0x0;
	s0 =	rddreg [dreg:$0x4]  }
0xbb: {  	s0 =	sadd.s32 @!p0 $0x100000, s0  }
0xbc: {  	[sflag:s0] =	ssyncadd.tile.s32 @!p0 $0x1;
	_ =	shalt  }
.Lfunc_end2:
_tile_overlayer_lowered:
.L_overlay_start_2:
0xbd: {  	(tag) =	ssettag $0x2  }
0xbe: {  	s0 =	rddreg [dreg:$0x0];
	s2 =	stileid.u32  }
0xbf: {  	s1 =	rddreg [dreg:$0x1];
	p0 =	sne.s32 s2, $0x0  }
0xc0: {  	s3 =	rddreg [dreg:$0x2];
	[bflag:$0x3] =	sbarrier.arrive $0xFFFF;
	s2 =	simm.s32 @!p0 $0x1C11  }
0xc1: {  	[timem:s3], [sflag:s2] =	dma.local @!p0 [hbm:s0], s1  }
0xc2: {  	s0 =	simm.s32 @!p0 $0x11  }
0xc3: {  	_ =	swait.ge @!p0 [sflag:s0], s1  }
0xc4: {  	s1 =	ssub.s32 @!p0 $0x0, s1;
	[sflag:s0] =	ssyncset.done @!p0 $0x0  }
0xc5: {  	[sflag:s0] =	ssyncadd.s32 @!p0 s1  }
0xc6: {  	[bflag:$0x3] =	sbarrier.arrive $0xFFFF  }
0xc7: {  	_ =	shalt  }

// kernel: kernel.9.cloned.1.call-start
scs
__scs_entry_jumppad:
0x0: {  	(pc) =	sbr.rel $0x88, $3  }
0x1: {  	(tag) =	ssettag $0x0;
	lr =	simm.s32 $0x1  }
0x2: {  	[smem:$0x3F99] =	sst lr;
	_ =	strace $0xD0000000  }
0x3: {  	_ = 	snop  }
0x4: {  	_ = 	snop  }
0x5: {  	_ = 	snop  }
0x6: {  	_ = 	snop  }
0x7: {  	_ = 	snop  }
__scs_overlays_trampoline_lowered:
0x8: {  	[smem:$0x3FA8] =	sst s0  }
0x9: {  	[smem:$0x3FA9] =	sst s1  }
0xa: {  	[smem:$0x3FAA] =	sst s2  }
0xb: {  	[smem:$0x3FAB] =	sst s3  }
0xc: {  	[smem:$0x3FAC] =	sst s4  }
0xd: {  	[smem:$0x3FAD] =	sst s5  }
0xe: {  	[smem:$0x3FAE] =	sst s6  }
0xf: {  	[smem:$0x3FAF] =	sst s7  }
0x10: {  	[smem:$0x3FB0] =	sst s8  }
0x11: {  	[smem:$0x3FB1] =	sst s9;
	s0 =	simm.s32 @!p0 $0x0  }
0x12: {  	s1 =	sld [smem:$0x3F97];
	s0 =	simm.s32 @p0 $0x1  }
0x13: {  	[smem:$0x3FB2] =	sst s0;
	s0 =	simm.s32 @!p1 $0x0  }
0x14: {  	s2 =	sld [smem:$0x3F96];
	s0 =	simm.s32 @p1 $0x1  }
0x15: {  	[smem:$0x3FB3] =	sst s0;
	s0 =	simm.s32 @!p2 $0x0  }
0x16: {  	s3 =	sld [smem:$0x3FDB];
	s0 =	simm.s32 @p2 $0x1  }
0x17: {  	s4 =	simm.s32 $0x1BF5;
	[smem:$0x3FB5] =	sst s0  }
0x18: {  	s0 =	sld [smem:$0x3F98];
	_ =	swait.ge [sflag:s4], $0x0  }
0x19: {  	s7 =	sld [smem:$0x3F99]  }
0x1a: {  	s8 =	sadd.s32 $0xFFFFE003, lr  }
0x1b: {  	s9 =	sadd.s32 $0xFFFFFEF7, lr;
	s5 =	simm.s32 $0xFFFFFFFF;
	p2 =	slt.u32 s8, $0xFFFFF086  }
0x1c: {  	p1 =	slt.u32 s9, $0xF7A;
	s5 =	simm.s32 @!p2 $0x0  }
0x1d: {  	s5 =	simm.s32 @p1 $0x1;
	p0 =	seq.s32 s7, s2  }
0x1e: {  	s7 =	smul.u32 @!p0 $0xF7A, s2;
	p2 =	seq.s32 @!p0 s5, $0x0  }
0x1f: {  	s9 =	smul.u32 $0xF7A, s1;
	s8 =	simm.s32 @!p0 $0x1BF5;
	p2 =	por !p2, p0  }
0x20: {  	[sflag:s8] =	ssyncset.s32 @!p0 $0xFFFFF086;
	s6 =	sadd.s32 @!p0 s3, s7;
	s7 =	simm.s32 @!p0 $0x108  }
0x21: {  	s3 =	sadd.s32 s3, s9;
	s6 =	sadd.s32 @!p0 $0x88, s6;
	s7 =	simm.s32 @p2 $0x1082  }
0x22: {  	[simem:s7], [sflag:s8] =	dma.local @!p0 [hbm:s6], $0xF7A  }
0x23: {  	s9 =	sor.u32 $0xD0000000, s2;
	s6 =	simm.s32 $0x108;
	_ =	swait.ge @!p0 [sflag:s8], $0x0  }
0x24: {  	s3 =	sadd.s32 $0x88, s3;
	s6 =	simm.s32 @!p1 $0x1082;
	[sflag:s4] =	ssyncset.s32 $0xFFFFF086  }
0x25: {  	[simem:s6], [sflag:s4] =	dma.local [hbm:s3], $0xF7A  }
0x26: {  	[smem:$0x3F99] =	sst s1;
	(tag) =	ssettag s2;
	_ =	strace s9  }
0x27: {  	s1 =	sld [smem:$0x3FA9]  }
0x28: {  	s2 =	sld [smem:$0x3FAA]  }
0x29: {  	s4 =	sld [smem:$0x3FAC]  }
0x2a: {  	p0 =	seq.s32 s5, $0x0;
	s5 =	sld [smem:$0x3FAD]  }
0x2b: {  	s6 =	sld [smem:$0x3FAE]  }
0x2c: {  	s7 =	sld [smem:$0x3FAF]  }
0x2d: {  	s3 =	simm.s32 $0x108;
	s8 =	sld [smem:$0x3FB0]  }
0x2e: {  	s3 =	simm.s32 @!p0 $0x1082;
	s9 =	sld [smem:$0x3FB1]  }
0x2f: {  	lr =	sadd.s32 s0, s3;
	s0 =	sld [smem:$0x3FA8]  }
0x30: {  	s3 =	sld [smem:$0x3FAB]  }
0x31: {  	[smem:$0x3FB4] =	sst s10  }
0x32: {  	s10 =	sld [smem:$0x3FB2];
	_ =	sdelay $0x3  }
0x33: {  	p0 =	seq.s32 s10, $0x1;
	s10 =	sld [smem:$0x3FB4];
	_ =	sdelay $0x3  }
0x34: {  	[smem:$0x3FB4] =	sst s10  }
0x35: {  	s10 =	sld [smem:$0x3FB3];
	_ =	sdelay $0x3  }
0x36: {  	p1 =	seq.s32 s10, $0x1;
	s10 =	sld [smem:$0x3FB4];
	_ =	sdelay $0x3  }
0x37: {  	[smem:$0x3FB4] =	sst s10  }
0x38: {  	s10 =	sld [smem:$0x3FB5]  }
0x39: {  	_ = 	snop;
	(pc) =	sbr.ind lr, $3  }
0x3a: {  	_ = 	snop  }
0x3b: {  	_ = 	snop  }
0x3c: {  	p2 =	seq.s32 s10, $0x1;
	s10 =	sld [smem:$0x3FB4]  }
0x3d: {  	_ =	shalt  }
0x3e: {  	_ =	shalt  }
0x3f: {  	_ =	shalt  }
0x40: {  	_ =	shalt  }
0x41: {  	_ =	shalt  }
0x42: {  	_ =	shalt  }
0x43: {  	_ =	shalt  }
0x44: {  	_ =	shalt  }
0x45: {  	_ =	shalt  }
0x46: {  	_ =	shalt  }
0x47: {  	_ =	shalt  }
0x48: {  	_ =	shalt  }
0x49: {  	_ =	shalt  }
0x4a: {  	_ =	shalt  }
0x4b: {  	_ =	shalt  }
0x4c: {  	_ =	shalt  }
0x4d: {  	_ =	shalt  }
0x4e: {  	_ =	shalt  }
0x4f: {  	_ =	shalt  }
0x50: {  	_ =	shalt  }
0x51: {  	_ =	shalt  }
0x52: {  	_ =	shalt  }
0x53: {  	_ =	shalt  }
0x54: {  	_ =	shalt  }
0x55: {  	_ =	shalt  }
0x56: {  	_ =	shalt  }
0x57: {  	_ =	shalt  }
0x58: {  	_ =	shalt  }
0x59: {  	_ =	shalt  }
0x5a: {  	_ =	shalt  }
0x5b: {  	_ =	shalt  }
0x5c: {  	_ =	shalt  }
0x5d: {  	_ =	shalt  }
0x5e: {  	_ =	shalt  }
0x5f: {  	_ =	shalt  }
0x60: {  	_ =	shalt  }
0x61: {  	_ =	shalt  }
0x62: {  	_ =	shalt  }
0x63: {  	_ =	shalt  }
0x64: {  	_ =	shalt  }
0x65: {  	_ =	shalt  }
0x66: {  	_ =	shalt  }
0x67: {  	_ =	shalt  }
0x68: {  	_ =	shalt  }
0x69: {  	_ =	shalt  }
0x6a: {  	_ =	shalt  }
0x6b: {  	_ =	shalt  }
0x6c: {  	_ =	shalt  }
0x6d: {  	_ =	shalt  }
0x6e: {  	_ =	shalt  }
0x6f: {  	_ =	shalt  }
0x70: {  	_ =	shalt  }
0x71: {  	_ =	shalt  }
0x72: {  	_ =	shalt  }
0x73: {  	_ =	shalt  }
0x74: {  	_ =	shalt  }
0x75: {  	_ =	shalt  }
0x76: {  	_ =	shalt  }
0x77: {  	_ =	shalt  }
0x78: {  	_ =	shalt  }
0x79: {  	_ =	shalt  }
0x7a: {  	_ =	shalt  }
0x7b: {  	_ =	shalt  }
0x7c: {  	_ =	shalt  }
0x7d: {  	_ =	shalt  }
0x7e: {  	_ =	shalt  }
0x7f: {  	_ =	shalt  }
0x80: {  	_ =	shalt  }
0x81: {  	_ =	shalt  }
0x82: {  	_ =	shalt  }
0x83: {  	_ =	shalt  }
0x84: {  	_ =	shalt  }
0x85: {  	_ =	shalt  }
0x86: {  	_ =	shalt  }
0x87: {  	_ =	shalt  }
.Lfunc_end0:
.L_simem_size_0:
called_computation_lowered:
.L_overlay_start_0:
0x88: {  	s2 =	sld [smem:$0x3FD9]  }
0x89: {  	s3 =	sld [smem:$0x3FFE];
	_ =	sdelay $0x1  }
0x8a: {  	s1 =	srdreg.scid  }
0x8b: {  	s0 =	sand.u32 $0x1, s1  }
0x8c: {  	s17 =	sshll.u32 s0, $0xA;
	s2 =	sadd.s32 s3, s2  }
0x8d: {  	s2 =	sadd.s32 s2, s17  }
0x8e: {  	[smem:$0x3FC0] =	sst s2  }
0x8f: {  	_ = 	snop  }
0x90: {  	s2 =	sld [smem:$0x3FD0];
	(tm) =	ssettm $0x1  }
0x91: {  	s18 =	sld [smem:$0x3FFB];
	_ =	sdelay $0x3  }
0x92: {  	_ =	strace s18  }
0x93: {  	s3 =	sld [smem:$0x3FFC];
	_ =	sdelay $0x3  }
0x94: {  	_ =	strace s3  }
0x95: {  	s3 =	sld [smem:$0x3FFD];
	_ =	sdelay $0x3  }
0x96: {  	_ =	strace s3  }
0x97: {  	_ =	strace $0x8FFFFFFF  }
0x98: {  	s19 =	sld [smem:$0x3FDB];
	_ =	sdelay $0x1  }
0x99: {  	s4 =	simm.s32 $_scs_section_size  }
0x9a: {  	s5 =	simm.s32 $_size__tile_overlayer_lowered;
	s6 =	simm.s32 $_tile_overlayer_lowered  }
0x9b: {  	s22 =	simm.s32 $0x1BFF;
	s21 =	sshll.u32 s6, $0x1;
	s3 =	sadd.s32 s4, s19  }
0x9c: {  	s7 =	simm.s32 $0x0;
	s20 =	sshll.u32 s5, $0x1;
	s5 =	sadd.s32 s21, s3  }
0x9d: {  	[timem:s7], [sflag:s22] =	dma.local [hbm:s5], s20  }
0x9e: {  	_ =	swait.ge [sflag:s22], s20  }
0x9f: {  	s4 =	ssub.s32 $0x0, s20;
	[sflag:s22] =	ssyncset.done $0x0  }
0xa0: {  	[sflag:s22] =	ssyncadd.s32 s4;
	_ =	sdelay $0x1  }
0xa1: {  	s23 =	simm.s32 $0x1B8B  }
0xa2: {  	_ =	swait.ge [sflag:s23], $0x1  }
0xa3: {  	[sflag:s23] =	ssyncset.done $0x0  }
0xa4: {  	s25 =	simm.s32 $0x1B8E;
	s24 =	sld [smem:$0x3FFE];
	[sflag:s23] =	ssyncadd.s32 $0xFFFFFFFF  }
0xa5: {  	s26 =	simm.s32 $execute0_lowered;
	[smem:$0x3FD2] =	sst s25  }
0xa6: {  	s5 =	sshll.u32 s26, $0x1;
	_ =	strace $0x80000046;
	[dreg:$0x1] =	wrdreg $0xFFFFFFFF  }
0xa7: {  	s28 =	simm.s32 $_size_execute0_lowered;
	s3 =	sadd.s32 s3, s5;
	[dreg:$0x0] =	wrdreg $0x0  }
0xa8: {  	s5 =	sshll.u32 s28, $0x1;
	[dreg:$0x2] =	wrdreg s3  }
0xa9: {  	[dreg:$0x3] =	wrdreg s5  }
0xaa: {  	[dreg:$0x4] =	wrdreg $0xC0  }
0xab: {  	_ =	task [dreg:s7], $0x5FFFF  }
0xac: {  	[dreg:$0x1] =	wrdreg $0xFFFFFFFF  }
0xad: {  	[dreg:$0x0] =	wrdreg $0x60  }
0xae: {  	[dreg:$0x2] =	wrdreg s24  }
0xaf: {  	[dreg:$0x3] =	wrdreg s2  }
0xb0: {  	[dreg:$0x4] =	wrdreg $0xB6000  }
0xb1: {  	[dreg:$0x5] =	wrdreg $0x12F800  }
0xb2: {  	[dreg:$0x6] =	wrdreg $0xDD800  }
0xb3: {  	[dreg:$0x7] =	wrdreg $0x9  }
0xb4: {  	_ =	task.clear_ibuf [dreg:s7], $0x8FFFF;
	_ =	strace $0x90000046  }
0xb5: {  	s29 =	simm.s32 $0x9;
	_ =	strace $0x80000048  }
0xb6: {  	_ =	swait.ge [sflag:s29], $0x1  }
0xb7: {  	[sflag:s29] =	ssyncadd.s32 $0xFFFFFFFF  }
0xb8: {  	_ =	strace $0x90000048  }
0xb9: {  	_ =	sfence  }
0xba: {  	s30 =	sld [smem:$0x0];
	_ =	sdelay $0x2  }
0xbb: {  	s31 =	sshll.u32 s1, $0xD;
	s1 =	sshrl.u32 s1, $0x2  }
0xbc: {  	s3 =	sand.u32 $0x4000, s31;
	s1 =	sadd.s32 s1, s30  }
0xbd: {  	s0 =	sor.u32 s3, s0;
	s1 =	sshll.u32 s1, $0x11  }
0xbe: {  	s0 =	sor.u32 s1, s0  }
0xbf: {  	s0 =	sadd.s32 $0x8F2B, s0  }
0xc0: {  	[sflag:s0] =	ssyncadd.remote.s32 $0x1  }
0xc1: {  	_ =	sfence.sel $0xFFFF  }
0xc2: {  	[dreg:$0x0] =	wrdreg $0xFFFFFFFF;
	(pc) =	sbr.abs _section_cstart, $3  }
0xc3: {  	[dreg:$0x1] =	wrdreg $0xFFFFFFFF  }
0xc4: {  	_ =	task.clear_ibuf [dreg:s7], $0x2FFFF;
	_ =	strace $0x9FFFFFFF  }
0xc5: {  	(tm) =	ssettm $0x7FFFFFFF  }
tec
execute0_lowered:
.L_overlay_start_1:
0x0: {  	(tag) =	ssettag $0x1  }
0x1: {  	s0 =	rddreg [dreg:$0x0]  }
0x2: {  	s2 =	rddreg [dreg:$0x1];
	s13 =	stileid.u32  }
0x3: {  	s3 =	srdreg.scid;
	s1 =	rddreg [dreg:$0x2]  }
0x4: {  	s14 =	rddreg [dreg:$0x3];
	s8 =	simm.s32 $0x0;
	s29 =	simm.s32 $0x6770  }
0x5: {  	s31 =	simm.s32 $0x6F40;
	s30 =	simm.s32 $0x86B0;
	s28 =	simm.s32 $0x5  }
0x6: {  	s15 =	simm.s32 $0x10500;
	s17 =	simm.s32 $0x0;
	s5 =	smul.u32 $0x2710, s13  }
0x7: {  	s3 =	sand.u32 $0x1, s3;
	s4 =	sshll.u32 s13, $0x1;
	s7 =	smul.u32 $0x280, s13  }
0x8: {  	[smem:$0x7FF] =	sst s8;
	s11 =	smul.u32 $0x2780, s13;
	s25 =	sshll.u32 s13, $0x6  }
0x9: {  	s13 =	simm.s32 $0xC;
	s6 =	sor.u32 s3, s4;
	s9 =	smul.u32 $0x2800, s3  }
0xa: {  	s4 =	rddreg [dreg:$0x4];
	s10 =	ssub.s32 $0x2, s3;
	s3 =	smul.u32 $0x27800, s3  }
0xb: {  	_ =	strace $0x80000047;
	s6 =	smul.u32 $0x2800, s6;
	s18 =	sshrl.u32 s5, $0x3  }
0xc: {  	s12 =	sshrl.u32 s10, $0x1;
	s21 =	sadd.s32 s11, s1;
	s22 =	sadd.s32 s7, s14  }
0xd: {  	s5 =	sadd.s32 s5, s4;
	s14 =	simm.s32 $0x4;
	s8 =	sadd.s32 s18, s0  }
0xe: {  	v0 =	vlaneseq.u32;
	s9 =	sadd.s32 s7, s9;
	s19 =	ssub.s32 s10, s12;
	[dreg:$0x8] =	wrdreg s21  }
0xf: {  	v1 =	vimm.f32 $0.0e+00;
	v41 =	vimm.f32 $1.000000000e+00;
	vm0 =	vcmask $0x3F0C;
	s3 =	sadd.s32 s11, s3;
	[dreg:$0x9] =	wrdreg s22;
	s26 =	sshrl.u32 s5, $0x3  }
0x10: {  	v2 =	vor.u32 $0x10, v0;
	v3 =	vor.u32 $0x20, v0;
	v4 =	vor.u32 $0x30, v0;
	s21 =	simm.s32 $0x7D;
	s5 =	simm.s32 $0x6;
	s7 =	simm.s32 $0x8  }
0x11: {  	v5 =	vor.u32 $0x40, v0;
	v6 =	vor.u32 $0x50, v0;
	v7 =	vor.u32 $0x60, v0;
	s10 =	simm.s32 $0x9;
	s11 =	simm.s32 $0xA;
	s12 =	simm.s32 $0xB  }
0x12: {  	v8 =	vor.u32 $0x70, v0;
	v9 =	vor.u32 $0x80, v0;
	v10 =	vor.u32 $0x90, v0;
	s18 =	simm.s32 $0xD;
	s6 =	sshrl.u32 s6, $0x3;
	s9 =	sshrl.u32 s9, $0x3  }
0x13: {  	v11 =	vor.u32 $0xA0, v0;
	v12 =	vor.u32 $0xB0, v0;
	v13 =	vor.u32 $0xC0, v0;
	s3 =	sshrl.u32 s3, $0x3;
	s23 =	sadd.s32 $0x2400, s8;
	s24 =	smax.u32 s19, $0x1  }
0x14: {  	v14 =	vor.u32 $0xD0, v0;
	v15 =	vor.u32 $0xE0, v0;
	v16 =	vor.u32 $0xF0, v0;
	[dreg:$0xf] =	wrdreg s26;
	s19 =	simm.s32 $0x1;
	s26 =	simm.s32 $0x5FA0  }
0x15: {  	v17 =	vor.u32 $0x100, v0;
	v18 =	vor.u32 $0x110, v0;
	v19 =	vor.u32 $0x120, v0;
	s8 =	simm.s32 $0xE;
	s6 =	sadd.s32 s6, s0;
	[dreg:$0xa] =	wrdreg s23  }
0x16: {  	v20 =	vor.u32 $0x130, v0;
	v21 =	vor.u32 $0x140, v0;
	v22 =	vor.u32 $0x150, v0;
	s0 =	sadd.s32 s9, s0;
	s2 =	sadd.s32 s2, s3;
	[dreg:$0xd] =	wrdreg s24  }
0x17: {  	v23 =	vor.u32 $0x160, v0;
	v24 =	vor.u32 $0x170, v0;
	v25 =	vor.u32 $0x180, v0;
	s24 =	simm.s32 $0x57D0;
	s20 =	sadd.s32 $0x7400, s6;
	[dreg:$0xb] =	wrdreg s2  }
.Ltmp0:
0x18: {  	v26 =	vor.u32 $0x190, v0;
	v27 =	vor.u32 $0x1A0, v0;
	v28 =	vor.u32 $0x1B0, v0;
	s6 =	sadd.s32 $0x11400, s6;
	[dreg:$0x6] =	wrdreg s20;
	(pc) =	sbr.rel .LBB2_1-.Ltmp0, $4  }
0x19: {  	v29 =	vor.u32 $0x1C0, v0;
	v30 =	vor.u32 $0x1D0, v0;
	v31 =	vor.u32 $0x1E0, v0;
	s9 =	simm.s32 $0xF;
	s0 =	sadd.s32 $0x1B400, s0;
	[dreg:$0x7] =	wrdreg s6  }
0x1a: {  	v32 =	vor.u32 $0x1F0, v0;
	v33 =	vor.u32 $0x200, v0;
	v34 =	vor.u32 $0x210, v0;
	s3 =	simm.s32 $0x10;
	s2 =	simm.s32 $0x3;
	[dreg:$0xc] =	wrdreg s0  }
0x1b: {  	v35 =	vor.u32 $0x220, v0;
	v36 =	vor.u32 $0x230, v0;
	v37 =	vor.u32 $0x240, v0;
	s0 =	sor.u32 $0x1C11, s25;
	s20 =	simm.s32 $0x2;
	s25 =	simm.s32 $0x7EE0  }
0x1c: {  	v38 =	vor.u32 $0x250, v0;
	v39 =	vor.u32 $0x260, v0;
	v40 =	vor.u32 $0x270, v0;
	s6 =	simm.s32 $0x7;
	[dreg:$0xe] =	wrdreg s0;
	s0 =	simm.s32 $0x7710  }
.LBB2_8:
0x1d: {  	_ =	swait.ge [sflag:s11], $0x7D0  }
0x1e: {  	[sflag:s11] =	ssyncset.done $0x0  }
0x1f: {  	[sflag:s11] =	ssyncadd.s32 $0xFFFFF830  }
0x20: {  	_ =	swait.ge [sflag:s12], $0x7D0  }
0x21: {  	[sflag:s12] =	ssyncset.done $0x0  }
0x22: {  	[sflag:s12] =	ssyncadd.s32 $0xFFFFF830  }
0x23: {  	_ =	swait.ge [sflag:s13], $0x7D0  }
0x24: {  	[sflag:s13] =	ssyncset.done $0x0  }
0x25: {  	[sflag:s13] =	ssyncadd.s32 $0xFFFFF830  }
0x26: {  	_ =	swait.ge [sflag:s18], $0x7D0  }
0x27: {  	[sflag:s18] =	ssyncset.done $0x0  }
0x28: {  	[sflag:s18] =	ssyncadd.s32 $0xFFFFF830  }
0x29: {  	_ =	swait.ge [sflag:s8], $0x7D0  }
0x2a: {  	[sflag:s8] =	ssyncset.done $0x0  }
0x2b: {  	[sflag:s8] =	ssyncadd.s32 $0xFFFFF830  }
0x2c: {  	_ =	swait.ge [sflag:s9], $0x7D0  }
0x2d: {  	[sflag:s9] =	ssyncset.done $0x0  }
0x2e: {  	[sflag:s9] =	ssyncadd.s32 $0xFFFFF830  }
0x2f: {  	_ =	swait.ge [sflag:s3], $0x7D0  }
0x30: {  	[sflag:s3] =	ssyncset.done $0x0  }
0x31: {  	s17 =	simm.s32 $0x80;
	[sflag:s3] =	ssyncadd.s32 $0xFFFFF830  }
0x32: {  	s22 =	simm.s32 $0x12D00;
	s23 =	simm.s32 $0x11;
	s16 =	rddreg [dreg:$0x3]  }
0x33: {  	[spmem:s16] =	stream.indirect.scatter.add.f32 [tilespmem:s15], [sflag:$0x11], $0x10, s22, s17, $0xb8;
	[tilespmem:$0x13200] =	vst v63  }
0x34: {  	_ =	swait.ge [sflag:s23], $0x800  }
0x35: {  	[sflag:s23] =	ssyncset.done $0x0  }
0x36: {  	s26 =	simm.s32 $0x12D80;
	s24 =	simm.s32 $0x10D00;
	[sflag:s23] =	ssyncadd.s32 $0xFFFFF800  }
0x37: {  	[spmem:s16] =	stream.indirect.scatter.add.f32 [tilespmem:s24], [sflag:$0x11], $0x10, s26, s17, $0xb8;
	[tilespmem:$0x13200] =	vst v63  }
0x38: {  	_ =	swait.ge [sflag:s23], $0x800  }
0x39: {  	[sflag:s23] =	ssyncset.done $0x0  }
0x3a: {  	s22 =	simm.s32 $0x12E00;
	s26 =	simm.s32 $0x11500;
	[sflag:s23] =	ssyncadd.s32 $0xFFFFF800  }
0x3b: {  	[spmem:s16] =	stream.indirect.scatter.add.f32 [tilespmem:s26], [sflag:$0x11], $0x10, s22, s17, $0xb8;
	[tilespmem:$0x13200] =	vst v63  }
0x3c: {  	_ =	swait.ge [sflag:s23], $0x800  }
0x3d: {  	[sflag:s23] =	ssyncset.done $0x0  }
0x3e: {  	s29 =	simm.s32 $0x11D00;
	s22 =	simm.s32 $0x12E80;
	[sflag:s23] =	ssyncadd.s32 $0xFFFFF800  }
0x3f: {  	[spmem:s16] =	stream.indirect.scatter.add.f32 [tilespmem:s29], [sflag:$0x11], $0x10, s22, s17, $0xb8;
	[tilespmem:$0x13200] =	vst v63  }
0x40: {  	_ =	swait.ge [sflag:s23], $0x800  }
0x41: {  	[sflag:s23] =	ssyncset.done $0x0  }
0x42: {  	s31 =	simm.s32 $0x12500;
	s22 =	simm.s32 $0x12F00;
	[sflag:s23] =	ssyncadd.s32 $0xFFFFF800  }
0x43: {  	[spmem:s16] =	stream.indirect.scatter.add.f32 [tilespmem:s31], [sflag:$0x11], $0x10, s22, s17, $0xb8;
	[tilespmem:$0x13200] =	vst v63  }
0x44: {  	_ =	swait.ge [sflag:s23], $0x800  }
0x45: {  	[sflag:s23] =	ssyncset.done $0x0  }
0x46: {  	[sflag:s23] =	ssyncadd.s32 $0xFFFFF800  }
0x47: {  	[bflag:$0x0] =	sbarrier.arrive $0xFFFF  }
0x48: {  	s22 =	rddreg [dreg:$0x8]  }
0x49: {  	s17 =	rddreg [dreg:$0xb]  }
0x4a: {  	s16 =	sshrl.u32 s22, $0x3;
	s22 =	rddreg [dreg:$0xe]  }
0x4b: {  	[hbm:s17], [sflag:s22] =	dma.local [spmem:s16], $0x4F0  }
0x4c: {  	_ =	swait.ge [sflag:s23], $0x4F0  }
0x4d: {  	[sflag:s23] =	ssyncset.done $0x0;
	s17 =	rddreg [dreg:$0x9]  }
0x4e: {  	[sflag:s23] =	ssyncadd.s32 $0xFFFFFB10;
	s16 =	sshrl.u32 s17, $0x3;
	s17 =	rddreg [dreg:$0xc]  }
0x4f: {  	[hbm:s17], [sflag:s22] =	dma.local [spmem:s16], $0x50  }
0x50: {  	_ =	swait.ge [sflag:s23], $0x50  }
0x51: {  	s16 =	rddreg [dreg:$0x10]  }
0x52: {  	s22 =	rddreg [dreg:$0xd];
	s17 =	sadd.s32 $0x1, s16  }
0x53: {  	p0 =	sne.s32 s17, s22  }
.Ltmp1:
0x54: {  	_ = 	snop;
	(pc) =	sbr.rel @!p0 .LBB2_9-.Ltmp1, $3  }
0x55: {  	_ =	sdelay $0x1  }
0x56: {  	s24 =	simm.s32 $0x57D0;
	s26 =	simm.s32 $0x5FA0;
	[sflag:s23] =	ssyncset.done $0x0  }
0x57: {  	s29 =	simm.s32 $0x6770;
	s31 =	simm.s32 $0x6F40;
	[sflag:s23] =	ssyncadd.s32 $0xFFFFFFB0  }
.LBB2_1:
0x58: {  	s16 =	simm.s32 $0x0;
	s23 =	rddreg [dreg:$0x6]  }
0x59: {  	[tilespmem:s16], [sflag:$0x1] =	stream.linear.gather [hbm4b:s23+s16], $0x2800, $0x38;
	[tilespmem:$0x13200] =	vst v63  }
0x5a: {  	s22 =	rddreg [dreg:$0x7];
	s23 =	simm.s32 $0x2800  }
0x5b: {  	[tilespmem:s23], [sflag:$0x2] =	stream.linear.gather [hbm4b:s22+s16], $0x2800, $0x38;
	[tilespmem:$0x13200] =	vst v63  }
0x5c: {  	[dreg:$0x10] =	wrdreg s17;
	s17 =	simm.s32 $0x0;
	s23 =	simm.s32 $0x200  }
.LBB2_2:
0x5d: {  	p0 =	sne.s32 s23, $0x9C00;
	[tilespmem:s17+$0x8EF0] =	vst v1  }
0x5e: {  	[tilespmem:s17+$0x8E80] =	vst v1  }
0x5f: {  	[tilespmem:s17+$0x8E90] =	vst v1  }
.Ltmp2:
0x60: {  	[tilespmem:s17+$0x8EA0] =	vst v1;
	(pc) =	sbr.rel @p0 .LBB2_2-.Ltmp2, $4  }
0x61: {  	[tilespmem:s17+$0x8EB0] =	vst v1  }
0x62: {  	[tilespmem:s17+$0x8EC0] =	vst v1  }
0x63: {  	[tilespmem:s17+$0x8ED0] =	vst v1  }
0x64: {  	[tilespmem:s17+$0x8EE0] =	vst v1;
	s17 =	sshra.s32 s23, $0x2;
	s23 =	sadd.s32 $0x200, s23  }
0x65: {  	[tilespmem:s17+$0x8EF0] =	vst v1  }
0x66: {  	[tilespmem:s17+$0x8E80] =	vst v1  }
0x67: {  	[tilespmem:s17+$0x8E90] =	vst v1  }
0x68: {  	[tilespmem:s17+$0x8EA0] =	vst v1  }
0x69: {  	[tilespmem:s17+$0x8EB0] =	vst v1  }
0x6a: {  	[tilespmem:s17+$0x8EC0] =	vst v1  }
0x6b: {  	[tilespmem:s17+$0x8ED0] =	vst v1  }
0x6c: {  	[tilespmem:s17+$0x8EE0] =	vst v1;
	s16 =	rddreg [dreg:$0x8];
	s22 =	simm.s32 $0x8E80;
	s23 =	simm.s32 $0x11  }
0x6d: {  	[spmem:s16] =	stream.linear.scatter [tilespmem:s22], [sflag:$0x11], $0x2780, $0x38;
	[tilespmem:$0x13200] =	vst v63  }
0x6e: {  	_ =	swait.ge [sflag:s23], $0x2780  }
0x6f: {  	[sflag:s23] =	ssyncset.done $0x0  }
0x70: {  	s17 =	simm.s32 $0x0;
	[sflag:s23] =	ssyncadd.s32 $0xFFFFD880;
	s23 =	simm.s32 $0x200  }
.LBB2_4:
0x71: {  	p0 =	sne.s32 s23, $0x9E00;
	[tilespmem:s17+$0x10570] =	vst v1  }
0x72: {  	[tilespmem:s17+$0x10500] =	vst v1  }
0x73: {  	[tilespmem:s17+$0x10510] =	vst v1  }
.Ltmp3:
0x74: {  	[tilespmem:s17+$0x10520] =	vst v1;
	(pc) =	sbr.rel @p0 .LBB2_4-.Ltmp3, $4  }
0x75: {  	[tilespmem:s17+$0x10530] =	vst v1  }
0x76: {  	[tilespmem:s17+$0x10540] =	vst v1  }
0x77: {  	[tilespmem:s17+$0x10550] =	vst v1  }
0x78: {  	[tilespmem:s17+$0x10560] =	vst v1;
	s17 =	sshra.s32 s23, $0x2;
	s23 =	sadd.s32 $0x200, s23  }
0x79: {  	[tilespmem:s17+$0x10570] =	vst v1  }
0x7a: {  	[tilespmem:s17+$0x10500] =	vst v1  }
0x7b: {  	[tilespmem:s17+$0x10510] =	vst v1  }
0x7c: {  	[tilespmem:s17+$0x10520] =	vst v1  }
0x7d: {  	[tilespmem:s17+$0x10530] =	vst v1  }
0x7e: {  	[tilespmem:s17+$0x10540] =	vst v1  }
0x7f: {  	[tilespmem:s17+$0x10550] =	vst v1  }
0x80: {  	[tilespmem:s17+$0x10560] =	vst v1  }
0x81: {  	[tilespmem:$0x12D00] =	vst v0  }
0x82: {  	[tilespmem:$0x12D10] =	vst v2  }
0x83: {  	[tilespmem:$0x12D20] =	vst v3  }
0x84: {  	[tilespmem:$0x12D30] =	vst v4  }
0x85: {  	[tilespmem:$0x12D40] =	vst v5  }
0x86: {  	[tilespmem:$0x12D50] =	vst v6  }
0x87: {  	[tilespmem:$0x12D60] =	vst v7  }
0x88: {  	[tilespmem:$0x12D70] =	vst v8  }
0x89: {  	[tilespmem:$0x12D80] =	vst v9  }
0x8a: {  	[tilespmem:$0x12D90] =	vst v10  }
0x8b: {  	[tilespmem:$0x12DA0] =	vst v11  }
0x8c: {  	[tilespmem:$0x12DB0] =	vst v12  }
0x8d: {  	[tilespmem:$0x12DC0] =	vst v13  }
0x8e: {  	[tilespmem:$0x12DD0] =	vst v14  }
0x8f: {  	[tilespmem:$0x12DE0] =	vst v15  }
0x90: {  	[tilespmem:$0x12DF0] =	vst v16  }
0x91: {  	[tilespmem:$0x12E00] =	vst v17  }
0x92: {  	[tilespmem:$0x12E10] =	vst v18  }
0x93: {  	[tilespmem:$0x12E20] =	vst v19  }
0x94: {  	[tilespmem:$0x12E30] =	vst v20  }
0x95: {  	[tilespmem:$0x12E40] =	vst v21  }
0x96: {  	[tilespmem:$0x12E50] =	vst v22  }
0x97: {  	[tilespmem:$0x12E60] =	vst v23  }
0x98: {  	[tilespmem:$0x12E70] =	vst v24  }
0x99: {  	[tilespmem:$0x12E80] =	vst v25  }
0x9a: {  	[tilespmem:$0x12E90] =	vst v26  }
0x9b: {  	[tilespmem:$0x12EA0] =	vst v27  }
0x9c: {  	[tilespmem:$0x12EB0] =	vst v28  }
0x9d: {  	[tilespmem:$0x12EC0] =	vst v29  }
0x9e: {  	[tilespmem:$0x12ED0] =	vst v30  }
0x9f: {  	[tilespmem:$0x12EE0] =	vst v31  }
0xa0: {  	[tilespmem:$0x12EF0] =	vst v32  }
0xa1: {  	[tilespmem:$0x12F00] =	vst v33  }
0xa2: {  	[tilespmem:$0x12F10] =	vst v34  }
0xa3: {  	[tilespmem:$0x12F20] =	vst v35  }
0xa4: {  	[tilespmem:$0x12F30] =	vst v36  }
0xa5: {  	[tilespmem:$0x12F40] =	vst v37  }
0xa6: {  	[tilespmem:$0x12F50] =	vst v38  }
0xa7: {  	[tilespmem:$0x12F60] =	vst v39  }
0xa8: {  	s16 =	rddreg [dreg:$0x9];
	s23 =	simm.s32 $0x8E80;
	s17 =	simm.s32 $0x11;
	[tilespmem:$0x12F70] =	vst v40  }
0xa9: {  	[spmem:s16] =	stream.linear.scatter [tilespmem:s23], [sflag:$0x11], $0x280, $0x38;
	[tilespmem:$0x13200] =	vst v63  }
0xaa: {  	_ =	swait.ge [sflag:s17], $0x280  }
0xab: {  	s16 =	rddreg [dreg:$0xa]  }
0xac: {  	[sflag:s17] =	ssyncset.done $0x0;
	s23 =	rddreg [dreg:$0xe]  }
0xad: {  	s22 =	rddreg [dreg:$0xf];
	[sflag:s17] =	ssyncadd.s32 $0xFFFFFD80  }
0xae: {  	[spmem:s22], [sflag:s23] =	dma.local [hbm:s16], $0x4E2  }
0xaf: {  	_ =	swait.ge [sflag:s17], $0x4E2  }
0xb0: {  	[sflag:s17] =	ssyncset.done $0x0  }
0xb1: {  	[sflag:s17] =	ssyncadd.s32 $0xFFFFFB1E  }
0xb2: {  	_ =	swait.ge [sflag:s19], $0x2800  }
0xb3: {  	[sflag:s19] =	ssyncset.done $0x0  }
0xb4: {  	[sflag:s19] =	ssyncadd.s32 $0xFFFFD800  }
0xb5: {  	_ =	swait.ge [sflag:s20], $0x2800  }
0xb6: {  	[sflag:s20] =	ssyncset.done $0x0  }
0xb7: {  	[sflag:s20] =	ssyncadd.s32 $0xFFFFD800  }
0xb8: {  	s23 =	simm.s32 $0x0;
	s22 =	simm.s32 $0x5000;
	[bflag:$0x0] =	sbarrier.arrive $0xFFFF  }
0xb9: {  	[tilespmem:s22], [sflag:$0x1] =	stream.indirect.gather [spmem:s4], $0x10, s23, s21, $0xb8;
	[tilespmem:$0x13200] =	vst v63  }
0xba: {  	s17 =	simm.s32 $0x80  }
0xbb: {  	[tilespmem:s24], [sflag:$0x2] =	stream.indirect.gather [spmem:s4], $0x10, s17, s21, $0xb8;
	[tilespmem:$0x13200] =	vst v63  }
0xbc: {  	s17 =	simm.s32 $0x100  }
0xbd: {  	[tilespmem:s26], [sflag:$0x3] =	stream.indirect.gather [spmem:s4], $0x10, s17, s21, $0xb8;
	[tilespmem:$0x13200] =	vst v63  }
0xbe: {  	s17 =	simm.s32 $0x180  }
0xbf: {  	[tilespmem:s29], [sflag:$0x4] =	stream.indirect.gather [spmem:s4], $0x10, s17, s21, $0xb8;
	[tilespmem:$0x13200] =	vst v63  }
0xc0: {  	s17 =	simm.s32 $0x200  }
0xc1: {  	[tilespmem:s31], [sflag:$0x5] =	stream.indirect.gather [spmem:s4], $0x10, s17, s21, $0xb8;
	[tilespmem:$0x13200] =	vst v63  }
0xc2: {  	s17 =	simm.s32 $0x280  }
0xc3: {  	[tilespmem:s0], [sflag:$0x6] =	stream.indirect.gather [spmem:s4], $0x10, s17, s21, $0xb8;
	[tilespmem:$0x13200] =	vst v63  }
0xc4: {  	s17 =	simm.s32 $0x300  }
0xc5: {  	[tilespmem:s25], [sflag:$0x7] =	stream.indirect.gather [spmem:s4], $0x10, s17, s21, $0xb8;
	[tilespmem:$0x13200] =	vst v63  }
0xc6: {  	s17 =	simm.s32 $0x380  }
0xc7: {  	[tilespmem:s30], [sflag:$0x8] =	stream.indirect.gather [spmem:s4], $0x10, s17, s21, $0xb8;
	[tilespmem:$0x13200] =	vst v63  }
.LBB2_6:
0xc8: {  	_ =	swait.ge [sflag:s19], $0x7D0  }
0xc9: {  	s17 =	sshra.s32 s23, $0x2;
	[sflag:s19] =	ssyncset.done $0x0  }
0xca: {  	s16 =	sadd.s32 $0x2800, s17;
	[sflag:s19] =	ssyncadd.s32 $0xFFFFF830  }
0xcb: {  	[spmem:s1] =	stream.indirect.scatter.add.f32 [tilespmem:s22], [sflag:$0x9], $0x10, s16, s21, $0xb8;
	[tilespmem:$0x13200] =	vst v63  }
0xcc: {  	_ =	swait.ge [sflag:s20], $0x7D0  }
0xcd: {  	[sflag:s20] =	ssyncset.done $0x0  }
0xce: {  	s16 =	sadd.s32 $0x2880, s17;
	[sflag:s20] =	ssyncadd.s32 $0xFFFFF830  }
0xcf: {  	[spmem:s1] =	stream.indirect.scatter.add.f32 [tilespmem:s24], [sflag:$0xA], $0x10, s16, s21, $0xb8;
	[tilespmem:$0x13200] =	vst v63  }
0xd0: {  	_ =	swait.ge [sflag:s2], $0x7D0  }
0xd1: {  	[sflag:s2] =	ssyncset.done $0x0  }
0xd2: {  	s16 =	sadd.s32 $0x2900, s17;
	[sflag:s2] =	ssyncadd.s32 $0xFFFFF830  }
0xd3: {  	[spmem:s1] =	stream.indirect.scatter.add.f32 [tilespmem:s26], [sflag:$0xB], $0x10, s16, s21, $0xb8;
	[tilespmem:$0x13200] =	vst v63  }
0xd4: {  	_ =	swait.ge [sflag:s14], $0x7D0  }
0xd5: {  	[sflag:s14] =	ssyncset.done $0x0  }
0xd6: {  	s16 =	sadd.s32 $0x2980, s17;
	[sflag:s14] =	ssyncadd.s32 $0xFFFFF830  }
0xd7: {  	[spmem:s1] =	stream.indirect.scatter.add.f32 [tilespmem:s29], [sflag:$0xC], $0x10, s16, s21, $0xb8;
	[tilespmem:$0x13200] =	vst v63  }
0xd8: {  	_ =	swait.ge [sflag:s28], $0x7D0  }
0xd9: {  	[sflag:s28] =	ssyncset.done $0x0  }
0xda: {  	s16 =	sadd.s32 $0x2A00, s17;
	[sflag:s28] =	ssyncadd.s32 $0xFFFFF830  }
0xdb: {  	[spmem:s1] =	stream.indirect.scatter.add.f32 [tilespmem:s31], [sflag:$0xD], $0x10, s16, s21, $0xb8;
	[tilespmem:$0x13200] =	vst v63  }
0xdc: {  	_ =	swait.ge [sflag:s5], $0x7D0  }
0xdd: {  	[sflag:s5] =	ssyncset.done $0x0  }
0xde: {  	s16 =	sadd.s32 $0x2A80, s17;
	[sflag:s5] =	ssyncadd.s32 $0xFFFFF830  }
0xdf: {  	[spmem:s1] =	stream.indirect.scatter.add.f32 [tilespmem:s0], [sflag:$0xE], $0x10, s16, s21, $0xb8;
	[tilespmem:$0x13200] =	vst v63  }
0xe0: {  	_ =	swait.ge [sflag:s6], $0x7D0  }
0xe1: {  	[sflag:s6] =	ssyncset.done $0x0  }
0xe2: {  	s16 =	sadd.s32 $0x2B00, s17;
	[sflag:s6] =	ssyncadd.s32 $0xFFFFF830  }
0xe3: {  	[spmem:s1] =	stream.indirect.scatter.add.f32 [tilespmem:s25], [sflag:$0xF], $0x10, s16, s21, $0xb8;
	[tilespmem:$0x13200] =	vst v63  }
0xe4: {  	_ =	swait.ge [sflag:s7], $0x7D0  }
0xe5: {  	[sflag:s7] =	ssyncset.done $0x0  }
0xe6: {  	s16 =	sadd.s32 $0x2B80, s17;
	[sflag:s7] =	ssyncadd.s32 $0xFFFFF830  }
0xe7: {  	[spmem:s1] =	stream.indirect.scatter.add.f32 [tilespmem:s30], [sflag:$0x10], $0x10, s16, s21, $0xb8;
	[tilespmem:$0x13200] =	vst v63  }
0xe8: {  	v42 =	vld [tilespmem:s17+$0x2800];
	_ =	sdelay $0x7  }
0xe9: {  	[tilespmem:v42+s15+$0x0] =	vst.idx.add.f32.msk $0xffff, v41  }
0xea: {  	v42 =	vld [tilespmem:s17+$0x2810];
	_ =	sdelay $0x7  }
0xeb: {  	[tilespmem:v42+s15+$0x0] =	vst.idx.add.f32.msk $0xffff, v41  }
0xec: {  	v42 =	vld [tilespmem:s17+$0x2820];
	_ =	sdelay $0x7  }
0xed: {  	[tilespmem:v42+s15+$0x0] =	vst.idx.add.f32.msk $0xffff, v41  }
0xee: {  	v42 =	vld [tilespmem:s17+$0x2830];
	_ =	sdelay $0x7  }
0xef: {  	[tilespmem:v42+s15+$0x0] =	vst.idx.add.f32.msk $0xffff, v41  }
0xf0: {  	v42 =	vld [tilespmem:s17+$0x2840];
	_ =	sdelay $0x7  }
0xf1: {  	[tilespmem:v42+s15+$0x0] =	vst.idx.add.f32.msk $0xffff, v41  }
0xf2: {  	v42 =	vld [tilespmem:s17+$0x2850];
	_ =	sdelay $0x7  }
0xf3: {  	[tilespmem:v42+s15+$0x0] =	vst.idx.add.f32.msk $0xffff, v41  }
0xf4: {  	v42 =	vld [tilespmem:s17+$0x2860];
	_ =	sdelay $0x7  }
0xf5: {  	[tilespmem:v42+s15+$0x0] =	vst.idx.add.f32.msk $0xffff, v41  }
0xf6: {  	v42 =	vld [tilespmem:s17+$0x286D];
	_ =	sdelay $0x7  }
0xf7: {  	[tilespmem:v42+s15+$0x0] =	vst.idx.add.f32.msk vm0, v41  }
0xf8: {  	v42 =	vld [tilespmem:s17+$0x2880];
	_ =	sdelay $0x7  }
0xf9: {  	[tilespmem:v42+s15+$0x0] =	vst.idx.add.f32.msk $0xffff, v41  }
0xfa: {  	v42 =	vld [tilespmem:s17+$0x2890];
	_ =	sdelay $0x7  }
0xfb: {  	[tilespmem:v42+s15+$0x0] =	vst.idx.add.f32.msk $0xffff, v41  }
0xfc: {  	v42 =	vld [tilespmem:s17+$0x28A0];
	_ =	sdelay $0x7  }
0xfd: {  	[tilespmem:v42+s15+$0x0] =	vst.idx.add.f32.msk $0xffff, v41  }
0xfe: {  	v42 =	vld [tilespmem:s17+$0x28B0];
	_ =	sdelay $0x7  }
0xff: {  	[tilespmem:v42+s15+$0x0] =	vst.idx.add.f32.msk $0xffff, v41  }
0x100: {  	v42 =	vld [tilespmem:s17+$0x28C0];
	_ =	sdelay $0x7  }
0x101: {  	[tilespmem:v42+s15+$0x0] =	vst.idx.add.f32.msk $0xffff, v41  }
0x102: {  	v42 =	vld [tilespmem:s17+$0x28D0];
	_ =	sdelay $0x7  }
0x103: {  	[tilespmem:v42+s15+$0x0] =	vst.idx.add.f32.msk $0xffff, v41  }
0x104: {  	v42 =	vld [tilespmem:s17+$0x28E0];
	_ =	sdelay $0x7  }
0x105: {  	[tilespmem:v42+s15+$0x0] =	vst.idx.add.f32.msk $0xffff, v41  }
0x106: {  	v42 =	vld [tilespmem:s17+$0x28ED];
	_ =	sdelay $0x7  }
0x107: {  	[tilespmem:v42+s15+$0x0] =	vst.idx.add.f32.msk vm0, v41  }
0x108: {  	v42 =	vld [tilespmem:s17+$0x2900];
	_ =	sdelay $0x7  }
0x109: {  	[tilespmem:v42+s15+$0x0] =	vst.idx.add.f32.msk $0xffff, v41  }
0x10a: {  	v42 =	vld [tilespmem:s17+$0x2910];
	_ =	sdelay $0x7  }
0x10b: {  	[tilespmem:v42+s15+$0x0] =	vst.idx.add.f32.msk $0xffff, v41  }
0x10c: {  	v42 =	vld [tilespmem:s17+$0x2920];
	_ =	sdelay $0x7  }
0x10d: {  	[tilespmem:v42+s15+$0x0] =	vst.idx.add.f32.msk $0xffff, v41  }
0x10e: {  	v42 =	vld [tilespmem:s17+$0x2930];
	_ =	sdelay $0x7  }
0x10f: {  	[tilespmem:v42+s15+$0x0] =	vst.idx.add.f32.msk $0xffff, v41  }
0x110: {  	v42 =	vld [tilespmem:s17+$0x2940];
	_ =	sdelay $0x7  }
0x111: {  	[tilespmem:v42+s15+$0x0] =	vst.idx.add.f32.msk $0xffff, v41  }
0x112: {  	v42 =	vld [tilespmem:s17+$0x2950];
	_ =	sdelay $0x7  }
0x113: {  	[tilespmem:v42+s15+$0x0] =	vst.idx.add.f32.msk $0xffff, v41  }
0x114: {  	v42 =	vld [tilespmem:s17+$0x2960];
	_ =	sdelay $0x7  }
0x115: {  	[tilespmem:v42+s15+$0x0] =	vst.idx.add.f32.msk $0xffff, v41  }
0x116: {  	v42 =	vld [tilespmem:s17+$0x296D];
	_ =	sdelay $0x7  }
0x117: {  	[tilespmem:v42+s15+$0x0] =	vst.idx.add.f32.msk vm0, v41  }
0x118: {  	v42 =	vld [tilespmem:s17+$0x2980];
	_ =	sdelay $0x7  }
0x119: {  	[tilespmem:v42+s15+$0x0] =	vst.idx.add.f32.msk $0xffff, v41  }
0x11a: {  	v42 =	vld [tilespmem:s17+$0x2990];
	_ =	sdelay $0x7  }
0x11b: {  	[tilespmem:v42+s15+$0x0] =	vst.idx.add.f32.msk $0xffff, v41  }
0x11c: {  	v42 =	vld [tilespmem:s17+$0x29A0];
	_ =	sdelay $0x7  }
0x11d: {  	[tilespmem:v42+s15+$0x0] =	vst.idx.add.f32.msk $0xffff, v41  }
0x11e: {  	v42 =	vld [tilespmem:s17+$0x29B0];
	_ =	sdelay $0x7  }
0x11f: {  	[tilespmem:v42+s15+$0x0] =	vst.idx.add.f32.msk $0xffff, v41  }
0x120: {  	v42 =	vld [tilespmem:s17+$0x29C0];
	_ =	sdelay $0x7  }
0x121: {  	[tilespmem:v42+s15+$0x0] =	vst.idx.add.f32.msk $0xffff, v41  }
0x122: {  	v42 =	vld [tilespmem:s17+$0x29D0];
	_ =	sdelay $0x7  }
0x123: {  	[tilespmem:v42+s15+$0x0] =	vst.idx.add.f32.msk $0xffff, v41  }
0x124: {  	v42 =	vld [tilespmem:s17+$0x29E0];
	_ =	sdelay $0x7  }
0x125: {  	[tilespmem:v42+s15+$0x0] =	vst.idx.add.f32.msk $0xffff, v41  }
0x126: {  	v42 =	vld [tilespmem:s17+$0x29ED];
	_ =	sdelay $0x7  }
0x127: {  	[tilespmem:v42+s15+$0x0] =	vst.idx.add.f32.msk vm0, v41  }
0x128: {  	v42 =	vld [tilespmem:s17+$0x2A00];
	_ =	sdelay $0x7  }
0x129: {  	[tilespmem:v42+s15+$0x0] =	vst.idx.add.f32.msk $0xffff, v41  }
0x12a: {  	v42 =	vld [tilespmem:s17+$0x2A10];
	_ =	sdelay $0x7  }
0x12b: {  	[tilespmem:v42+s15+$0x0] =	vst.idx.add.f32.msk $0xffff, v41  }
0x12c: {  	v42 =	vld [tilespmem:s17+$0x2A20];
	_ =	sdelay $0x7  }
0x12d: {  	[tilespmem:v42+s15+$0x0] =	vst.idx.add.f32.msk $0xffff, v41  }
0x12e: {  	v42 =	vld [tilespmem:s17+$0x2A30];
	_ =	sdelay $0x7  }
0x12f: {  	[tilespmem:v42+s15+$0x0] =	vst.idx.add.f32.msk $0xffff, v41  }
0x130: {  	v42 =	vld [tilespmem:s17+$0x2A40];
	_ =	sdelay $0x7  }
0x131: {  	[tilespmem:v42+s15+$0x0] =	vst.idx.add.f32.msk $0xffff, v41  }
0x132: {  	v42 =	vld [tilespmem:s17+$0x2A50];
	_ =	sdelay $0x7  }
0x133: {  	[tilespmem:v42+s15+$0x0] =	vst.idx.add.f32.msk $0xffff, v41  }
0x134: {  	v42 =	vld [tilespmem:s17+$0x2A60];
	_ =	sdelay $0x7  }
0x135: {  	[tilespmem:v42+s15+$0x0] =	vst.idx.add.f32.msk $0xffff, v41  }
0x136: {  	v42 =	vld [tilespmem:s17+$0x2A6D];
	_ =	sdelay $0x7  }
0x137: {  	[tilespmem:v42+s15+$0x0] =	vst.idx.add.f32.msk vm0, v41  }
0x138: {  	v42 =	vld [tilespmem:s17+$0x2A80];
	_ =	sdelay $0x7  }
0x139: {  	[tilespmem:v42+s15+$0x0] =	vst.idx.add.f32.msk $0xffff, v41  }
0x13a: {  	v42 =	vld [tilespmem:s17+$0x2A90];
	_ =	sdelay $0x7  }
0x13b: {  	[tilespmem:v42+s15+$0x0] =	vst.idx.add.f32.msk $0xffff, v41  }
0x13c: {  	v42 =	vld [tilespmem:s17+$0x2AA0];
	_ =	sdelay $0x7  }
0x13d: {  	[tilespmem:v42+s15+$0x0] =	vst.idx.add.f32.msk $0xffff, v41  }
0x13e: {  	v42 =	vld [tilespmem:s17+$0x2AB0];
	_ =	sdelay $0x7  }
0x13f: {  	[tilespmem:v42+s15+$0x0] =	vst.idx.add.f32.msk $0xffff, v41  }
0x140: {  	v42 =	vld [tilespmem:s17+$0x2AC0];
	_ =	sdelay $0x7  }
0x141: {  	[tilespmem:v42+s15+$0x0] =	vst.idx.add.f32.msk $0xffff, v41  }
0x142: {  	v42 =	vld [tilespmem:s17+$0x2AD0];
	_ =	sdelay $0x7  }
0x143: {  	[tilespmem:v42+s15+$0x0] =	vst.idx.add.f32.msk $0xffff, v41  }
0x144: {  	v42 =	vld [tilespmem:s17+$0x2AE0];
	_ =	sdelay $0x7  }
0x145: {  	[tilespmem:v42+s15+$0x0] =	vst.idx.add.f32.msk $0xffff, v41  }
0x146: {  	v42 =	vld [tilespmem:s17+$0x2AED];
	_ =	sdelay $0x7  }
0x147: {  	[tilespmem:v42+s15+$0x0] =	vst.idx.add.f32.msk vm0, v41  }
0x148: {  	v42 =	vld [tilespmem:s17+$0x2B00];
	_ =	sdelay $0x7  }
0x149: {  	[tilespmem:v42+s15+$0x0] =	vst.idx.add.f32.msk $0xffff, v41  }
0x14a: {  	v42 =	vld [tilespmem:s17+$0x2B10];
	_ =	sdelay $0x7  }
0x14b: {  	[tilespmem:v42+s15+$0x0] =	vst.idx.add.f32.msk $0xffff, v41  }
0x14c: {  	v42 =	vld [tilespmem:s17+$0x2B20];
	_ =	sdelay $0x7  }
0x14d: {  	[tilespmem:v42+s15+$0x0] =	vst.idx.add.f32.msk $0xffff, v41  }
0x14e: {  	v42 =	vld [tilespmem:s17+$0x2B30];
	_ =	sdelay $0x7  }
0x14f: {  	[tilespmem:v42+s15+$0x0] =	vst.idx.add.f32.msk $0xffff, v41  }
0x150: {  	v42 =	vld [tilespmem:s17+$0x2B40];
	_ =	sdelay $0x7  }
0x151: {  	[tilespmem:v42+s15+$0x0] =	vst.idx.add.f32.msk $0xffff, v41  }
0x152: {  	v42 =	vld [tilespmem:s17+$0x2B50];
	_ =	sdelay $0x7  }
0x153: {  	[tilespmem:v42+s15+$0x0] =	vst.idx.add.f32.msk $0xffff, v41  }
0x154: {  	v42 =	vld [tilespmem:s17+$0x2B60];
	_ =	sdelay $0x7  }
0x155: {  	[tilespmem:v42+s15+$0x0] =	vst.idx.add.f32.msk $0xffff, v41  }
0x156: {  	v42 =	vld [tilespmem:s17+$0x2B6D];
	_ =	sdelay $0x7  }
0x157: {  	[tilespmem:v42+s15+$0x0] =	vst.idx.add.f32.msk vm0, v41  }
0x158: {  	v42 =	vld [tilespmem:s17+$0x2B80];
	_ =	sdelay $0x7  }
0x159: {  	[tilespmem:v42+s15+$0x0] =	vst.idx.add.f32.msk $0xffff, v41  }
0x15a: {  	v42 =	vld [tilespmem:s17+$0x2B90];
	_ =	sdelay $0x7  }
0x15b: {  	[tilespmem:v42+s15+$0x0] =	vst.idx.add.f32.msk $0xffff, v41  }
0x15c: {  	v42 =	vld [tilespmem:s17+$0x2BA0];
	_ =	sdelay $0x7  }
0x15d: {  	[tilespmem:v42+s15+$0x0] =	vst.idx.add.f32.msk $0xffff, v41  }
0x15e: {  	v42 =	vld [tilespmem:s17+$0x2BB0];
	_ =	sdelay $0x7  }
0x15f: {  	[tilespmem:v42+s15+$0x0] =	vst.idx.add.f32.msk $0xffff, v41  }
0x160: {  	v42 =	vld [tilespmem:s17+$0x2BC0];
	_ =	sdelay $0x7  }
0x161: {  	[tilespmem:v42+s15+$0x0] =	vst.idx.add.f32.msk $0xffff, v41  }
0x162: {  	v42 =	vld [tilespmem:s17+$0x2BD0];
	_ =	sdelay $0x7  }
0x163: {  	[tilespmem:v42+s15+$0x0] =	vst.idx.add.f32.msk $0xffff, v41  }
0x164: {  	v42 =	vld [tilespmem:s17+$0x2BE0];
	_ =	sdelay $0x7  }
0x165: {  	[tilespmem:v42+s15+$0x0] =	vst.idx.add.f32.msk $0xffff, v41  }
0x166: {  	v42 =	vld [tilespmem:s17+$0x2BED];
	_ =	sdelay $0x5  }
0x167: {  	p0 =	seq.s32 s23, $0x9000  }
.Ltmp4:
0x168: {  	_ = 	snop;
	(pc) =	sbr.rel @p0 .LBB2_8-.Ltmp4, $4  }
0x169: {  	[tilespmem:v42+s15+$0x0] =	vst.idx.add.f32.msk vm0, v41  }
0x16a: {  	_ =	swait.ge [sflag:s10], $0x7D0  }
0x16b: {  	[sflag:s10] =	ssyncset.done $0x0  }
0x16c: {  	[sflag:s10] =	ssyncadd.s32 $0xFFFFF830  }
0x16d: {  	s16 =	sadd.s32 $0x400, s17  }
0x16e: {  	[tilespmem:s22], [sflag:$0x1] =	stream.indirect.gather [spmem:s4], $0x10, s16, s21, $0xb8;
	[tilespmem:$0x13200] =	vst v63  }
0x16f: {  	_ =	swait.ge [sflag:s11], $0x7D0  }
0x170: {  	[sflag:s11] =	ssyncset.done $0x0  }
0x171: {  	s16 =	sadd.s32 $0x480, s17;
	[sflag:s11] =	ssyncadd.s32 $0xFFFFF830  }
0x172: {  	[tilespmem:s24], [sflag:$0x2] =	stream.indirect.gather [spmem:s4], $0x10, s16, s21, $0xb8;
	[tilespmem:$0x13200] =	vst v63  }
0x173: {  	_ =	swait.ge [sflag:s12], $0x7D0  }
0x174: {  	[sflag:s12] =	ssyncset.done $0x0  }
0x175: {  	s16 =	sadd.s32 $0x500, s17;
	[sflag:s12] =	ssyncadd.s32 $0xFFFFF830  }
0x176: {  	[tilespmem:s26], [sflag:$0x3] =	stream.indirect.gather [spmem:s4], $0x10, s16, s21, $0xb8;
	[tilespmem:$0x13200] =	vst v63  }
0x177: {  	_ =	swait.ge [sflag:s13], $0x7D0  }
0x178: {  	[sflag:s13] =	ssyncset.done $0x0  }
0x179: {  	s16 =	sadd.s32 $0x580, s17;
	[sflag:s13] =	ssyncadd.s32 $0xFFFFF830  }
0x17a: {  	[tilespmem:s29], [sflag:$0x4] =	stream.indirect.gather [spmem:s4], $0x10, s16, s21, $0xb8;
	[tilespmem:$0x13200] =	vst v63  }
0x17b: {  	_ =	swait.ge [sflag:s18], $0x7D0  }
0x17c: {  	[sflag:s18] =	ssyncset.done $0x0  }
0x17d: {  	s16 =	sadd.s32 $0x600, s17;
	[sflag:s18] =	ssyncadd.s32 $0xFFFFF830  }
0x17e: {  	[tilespmem:s31], [sflag:$0x5] =	stream.indirect.gather [spmem:s4], $0x10, s16, s21, $0xb8;
	[tilespmem:$0x13200] =	vst v63  }
0x17f: {  	_ =	swait.ge [sflag:s8], $0x7D0  }
0x180: {  	[sflag:s8] =	ssyncset.done $0x0  }
0x181: {  	s16 =	sadd.s32 $0x680, s17;
	[sflag:s8] =	ssyncadd.s32 $0xFFFFF830  }
0x182: {  	[tilespmem:s0], [sflag:$0x6] =	stream.indirect.gather [spmem:s4], $0x10, s16, s21, $0xb8;
	[tilespmem:$0x13200] =	vst v63  }
0x183: {  	_ =	swait.ge [sflag:s9], $0x7D0  }
0x184: {  	[sflag:s9] =	ssyncset.done $0x0  }
0x185: {  	s16 =	sadd.s32 $0x700, s17;
	[sflag:s9] =	ssyncadd.s32 $0xFFFFF830  }
0x186: {  	[tilespmem:s25], [sflag:$0x7] =	stream.indirect.gather [spmem:s4], $0x10, s16, s21, $0xb8;
	[tilespmem:$0x13200] =	vst v63  }
.Ltmp5:
0x187: {  	_ = 	snop;
	(pc) =	sbr.rel .LBB2_6-.Ltmp5, $4  }
0x188: {  	_ =	swait.ge [sflag:s3], $0x7D0  }
0x189: {  	[sflag:s3] =	ssyncset.done $0x0  }
0x18a: {  	s23 =	sadd.s32 $0x1000, s23;
	s17 =	sadd.s32 $0x780, s17;
	[sflag:s3] =	ssyncadd.s32 $0xFFFFF830  }
0x18b: {  	[tilespmem:s30], [sflag:$0x8] =	stream.indirect.gather [spmem:s4], $0x10, s17, s21, $0xb8;
	[tilespmem:$0x13200] =	vst v63  }
.LBB2_9:
0x18c: {  	_ =	sfence.sel $0x180000  }
0x18d: {  	[bflag:$0x0] =	sbarrier.arrive $0xFFFF  }
0x18e: {  	_ =	strace $0x90000047  }
0x18f: {  	s0 =	stileid.u32;
	[bflag:$0x2] =	sbarrier.arrive $0xFFFF  }
0x190: {  	p0 =	sne.s32 s0, $0x0;
	s0 =	rddreg [dreg:$0x5]  }
0x191: {  	s0 =	sadd.s32 @!p0 $0x100000, s0  }
0x192: {  	[sflag:s0] =	ssyncadd.tile.s32 @!p0 $0x1;
	_ =	shalt  }
.Lfunc_end2:
_tile_overlayer_lowered:
.L_overlay_start_2:
0x193: {  	(tag) =	ssettag $0x2  }
0x194: {  	s0 =	rddreg [dreg:$0x0];
	s2 =	stileid.u32  }
0x195: {  	s1 =	rddreg [dreg:$0x1];
	p0 =	sne.s32 s2, $0x0  }
0x196: {  	s3 =	rddreg [dreg:$0x2];
	[bflag:$0x3] =	sbarrier.arrive $0xFFFF;
	s2 =	simm.s32 @!p0 $0x1C11  }
0x197: {  	[timem:s3], [sflag:s2] =	dma.local @!p0 [hbm:s0], s1  }
0x198: {  	s0 =	simm.s32 @!p0 $0x11  }
0x199: {  	_ =	swait.ge @!p0 [sflag:s0], s1  }
0x19a: {  	s1 =	ssub.s32 @!p0 $0x0, s1;
	[sflag:s0] =	ssyncset.done @!p0 $0x0  }
0x19b: {  	[sflag:s0] =	ssyncadd.s32 @!p0 s1  }
0x19c: {  	[bflag:$0x3] =	sbarrier.arrive $0xFFFF  }
0x19d: {  	_ =	shalt  }

</sc_bundles>
